<compile_context>
chip_gen: v7x
topology: tpu7x:2x2x1
jax: 0.10.2.dev20260603
libtpu: 0.0.44.dev20260713+nightly
codegen_flags: <defaults>
</compile_context>

<pallas_src>
import functools

import jax
import jax.numpy as jnp
from jax import lax
from jax.experimental import pallas as pl
from jax.experimental.pallas import tpu as pltpu
from jax.experimental.pallas import tpu_sc as plsc

K = 32
F = 128
NC = 2
NS = 16
NW = NC * NS
CH = 16
MININT = -2147483648



NB = 8


def _make_sc_agg(n2, ew):
    nchunks = ew // CH
    nrounds = nchunks // NB
    rows_per_tile = n2 // NS
    nzcopy = rows_per_tile // CH

    mesh = plsc.VectorSubcoreMesh(core_axis_name="c", subcore_axis_name="s")

    @functools.partial(
        pl.kernel,
        mesh=mesh,
        compiler_params=pltpu.CompilerParams(needs_layout_passes=False),
        out_type=(
            jax.ShapeDtypeStruct((NC, n2, F), jnp.float32),
            jax.ShapeDtypeStruct((NW, n2), jnp.float32),
        ),
        scratch_types=[
            pltpu.VMEM((nchunks * CH,), jnp.int32),
            pltpu.VMEM((nchunks * CH,), jnp.int32),
            [pltpu.VMEM((CH,), jnp.int32) for _ in range(NB)],
            [pltpu.VMEM((CH, F), jnp.float32) for _ in range(NB)],
            pltpu.VMEM((n2,), jnp.float32),
            pltpu.VMEM_SHARED((n2, F), jnp.float32),
            [pltpu.SemaphoreType.DMA for _ in range(NB)],
            [pltpu.SemaphoreType.DMA for _ in range(NB)],
            pltpu.SemaphoreType.DMA,
        ],
    )
    def agg(h_hbm, src_hbm, dst_hbm, p_hbm, deg_hbm,
            idx_d, idx_s, idx_sb, rows, deg_loc, acc, gsem, ssem, zsem):
        c = lax.axis_index("c")
        s = lax.axis_index("s")
        wid = s * NC + c
        row0 = s * rows_per_tile

        pltpu.async_copy(dst_hbm.at[pl.ds(wid * nchunks * CH, nchunks * CH)],
                         idx_d, zsem)
        pltpu.async_copy(src_hbm.at[pl.ds(wid * nchunks * CH, nchunks * CH)],
                         idx_s, zsem)

        zero16 = jnp.zeros((16,), jnp.float32)

        def zb_body(t, _):
            rows[0][t // 8, pl.ds((t % 8) * 16, 16)] = zero16
            return _
        lax.fori_loop(0, CH * 8, zb_body, 0)

        def zc_body(t, _):
            pltpu.async_copy(rows[0], acc.at[pl.ds(row0 + t * CH, CH)],
                             gsem[0])
            return _
        lax.fori_loop(0, nzcopy, zc_body, 0)

        def zd_body(t, _):
            deg_loc[pl.ds(t * 16, 16)] = zero16
            return _
        lax.fori_loop(0, n2 // 16, zd_body, 0)

        def zc_drain(t, _):
            pltpu.make_async_copy(rows[0], acc.at[pl.ds(row0, CH)],
                                  gsem[0]).wait()
            return _
        lax.fori_loop(0, nzcopy, zc_drain, 0)
        pltpu.make_async_copy(dst_hbm.at[pl.ds(0, nchunks * CH)], idx_d,
                              zsem).wait()
        pltpu.make_async_copy(src_hbm.at[pl.ds(0, nchunks * CH)], idx_s,
                              zsem).wait()
        plsc.subcore_barrier()

        def gather(b, j):
            pltpu.async_copy(h_hbm.at[idx_d.at[pl.ds(j * CH, CH)]], rows[b],
                             gsem[b])

        def wait_gather(b, j):
            pltpu.make_async_copy(h_hbm.at[idx_d.at[pl.ds(j * CH, CH)]],
                                  rows[b], gsem[b]).wait()

        def scatter(b, j):
            for g in range(CH // 16):
                idx_sb[b][pl.ds(g * 16, 16)] = idx_s[pl.ds(j * CH + g * 16, 16)]
            pltpu.async_copy(rows[b], acc.at[idx_sb[b]], ssem[b], add=True)

        def wait_scatter(b, j):
            pltpu.make_async_copy(rows[b], acc.at[idx_sb[b]],
                                  ssem[b]).wait()

        ones16 = jnp.ones((16,), jnp.float32)

        def deg_update(j):
            for g in range(CH // 16):
                iv = idx_s[pl.ds(j * CH + g * 16, 16)]
                plsc.addupdate_scatter(deg_loc, [iv], ones16)

        def round_body(r, carry):
            for b in range(NB):
                @pl.when(r > 0)
                def _drain(b=b, r=r):
                    wait_scatter(b, r * NB + b - NB)
                gather(b, r * NB + b)
            for b in range(NB):
                j = r * NB + b
                wait_gather(b, j)
                scatter(b, j)
                deg_update(j)
            return carry
        lax.fori_loop(0, nrounds, round_body, 0)
        for b in range(NB):
            wait_scatter(b, (nrounds - 1) * NB + b)
        plsc.subcore_barrier()

        pltpu.sync_copy(acc.at[pl.ds(row0, rows_per_tile)],
                        p_hbm.at[c, pl.ds(row0, rows_per_tile)])
        pltpu.sync_copy(deg_loc, deg_hbm.at[wid])

    return agg



def _maxk_tc(h):
    b = lax.bitcast_convert_type(h, jnp.int32)
    ki = jnp.where(b >= 0, b, ~(b ^ jnp.int32(MININT)))
    ones_col = jnp.ones((F, 1), jnp.float32)
    kf = jnp.float32(K)

    def cnt_ge(cand):
        m = jnp.where(ki >= cand, jnp.float32(1.0), jnp.float32(0.0))
        return lax.dot_general(m, ones_col, (((1,), (0,)), ((), ())),
                               preferred_element_type=jnp.float32)

    t = jnp.where(cnt_ge(jnp.int32(0)) >= kf, jnp.int32(0),
                  jnp.int32(MININT))
    for bit in range(30, -1, -1):
        cand = t + jnp.int32(1 << bit)
        t = jnp.where(cnt_ge(cand) >= kf, cand, t)
    return jnp.where(ki >= t, h, jnp.float32(0.0))


def _dotT(a, w):
    return lax.dot_general(a, w, (((1,), (1,)), ((), ())),
                           preferred_element_type=jnp.float32)


def _in_body(x_ref, w_ref, b_ref, o_ref):
    h = _dotT(x_ref[...], w_ref[...]) + b_ref[...]
    o_ref[...] = _maxk_tc(h)


def _neigh_block(p_ref, degp, wn, bn):
    deg = jnp.sum(degp, axis=0, keepdims=True)
    eye = (lax.broadcasted_iota(jnp.int32, (F, F), 0)
           == lax.broadcasted_iota(jnp.int32, (F, F), 1)).astype(jnp.float32)
    ones_ff = jnp.ones((F, F), jnp.float32)
    p = p_ref[0] + p_ref[1]
    groups = []
    for u in range(bn // F):
        degrow = deg[:, u * F:(u + 1) * F]
        degcol = lax.dot_general(eye * degrow, ones_ff,
                                 (((1,), (0,)), ((), ())),
                                 preferred_element_type=jnp.float32)
        groups.append(p[u * F:(u + 1) * F, :] / (degcol + 1e-6))
    aggn = jnp.concatenate(groups, axis=0) if len(groups) > 1 else groups[0]
    return _dotT(aggn, wn)


def _layer_body(hm_ref, p_ref, degp_ref, ws_ref, wn_ref, o_ref, *, bn):
    h = _dotT(hm_ref[...], ws_ref[...]) + _neigh_block(
        p_ref, degp_ref[...], wn_ref[...], bn)
    o_ref[...] = _maxk_tc(h)


def _final_body(hm_ref, p_ref, degp_ref, ws_ref, wn_ref,
                wo_ref, bo_ref, o_ref, *, bn):
    h = _dotT(hm_ref[...], ws_ref[...]) + _neigh_block(
        p_ref, degp_ref[...], wn_ref[...], bn)
    o_ref[...] = _dotT(h, wo_ref[...]) + bo_ref[...]


def _full(shape):
    return pl.BlockSpec(shape, lambda i: tuple(0 for _ in shape))


def _mm_in(x, w, b, n2, bn):
    return pl.pallas_call(
        _in_body,
        grid=(n2 // bn,),
        in_specs=[
            pl.BlockSpec((bn, F), lambda i: (i, 0)),
            _full((F, F)),
            _full((1, F)),
        ],
        out_specs=pl.BlockSpec((bn, F), lambda i: (i, 0)),
        out_shape=jax.ShapeDtypeStruct((n2, F), jnp.float32),
    )(x, w, b)


def _mm_layer(hm, p, degp, ws, wn, n2, bn):
    return pl.pallas_call(
        functools.partial(_layer_body, bn=bn),
        grid=(n2 // bn,),
        in_specs=[
            pl.BlockSpec((bn, F), lambda i: (i, 0)),
            pl.BlockSpec((2, bn, F), lambda i: (0, i, 0)),
            pl.BlockSpec((NW, bn), lambda i: (0, i)),
            _full((F, F)),
            _full((F, F)),
        ],
        out_specs=pl.BlockSpec((bn, F), lambda i: (i, 0)),
        out_shape=jax.ShapeDtypeStruct((n2, F), jnp.float32),
    )(hm, p, degp, ws, wn)


def _mm_final(hm, p, degp, ws, wn, wo, bo, n2, bn):
    return pl.pallas_call(
        functools.partial(_final_body, bn=bn),
        grid=(n2 // bn,),
        in_specs=[
            pl.BlockSpec((bn, F), lambda i: (i, 0)),
            pl.BlockSpec((2, bn, F), lambda i: (0, i, 0)),
            pl.BlockSpec((NW, bn), lambda i: (0, i)),
            _full((F, F)),
            _full((F, F)),
            _full((F, F)),
            _full((1, F)),
        ],
        out_specs=pl.BlockSpec((bn, F), lambda i: (i, 0)),
        out_shape=jax.ShapeDtypeStruct((n2, F), jnp.float32),
    )(hm, p, degp, ws, wn, wo, bo)



def kernel(x, edge_index, W_in, b_in, W_self_0, W_neigh_0,
           W_self_1, W_neigh_1, W_self_2, W_neigh_2, W_out, b_out):
    n = x.shape[0]
    e = edge_index.shape[1]
    n2 = ((n + 1023) // 1024) * 1024
    assert e % NW == 0 and n2 % (NS * CH) == 0

    ew = e // NW
    ew2 = -(-ew // (CH * NB)) * (CH * NB)
    nchunks = ew2 // CH
    src = edge_index[0].astype(jnp.int32).reshape(NW, ew)
    dst = edge_index[1].astype(jnp.int32).reshape(NW, ew)
    src = jnp.pad(src, ((0, 0), (0, ew2 - ew)), constant_values=n2 - 1)
    dst = jnp.pad(dst, ((0, 0), (0, ew2 - ew)))
    src = src.reshape(NW * ew2)
    dst = dst.reshape(NW * ew2)
    x2 = jnp.pad(x, ((0, n2 - n), (0, 0)))

    sc_agg = _make_sc_agg(n2, ew2)

    hm = _mm_in(x2, W_in, b_in.reshape(1, F), n2, 1024)
    for i, (ws, wn) in enumerate([(W_self_0, W_neigh_0),
                                  (W_self_1, W_neigh_1),
                                  (W_self_2, W_neigh_2)]):
        p, degp = sc_agg(hm, src, dst)
        if i < 2:
            hm = _mm_layer(hm, p, degp, ws, wn, n2, 1024)
        else:
            out = _mm_final(hm, p, degp, ws, wn,
                            W_out, b_out.reshape(1, F), n2, 1024)
    return out[:n]

# --- scband reference (transcript-rebuilt; emitter-appended) ---
"""Pipeline reference for scband-sage-90134183674598 (READ-ONLY COPY).

The authoritative reference and input builder live on the scoring server;
editing this copy changes nothing except your own understanding.
"""

import jax, jax.numpy as jnp
import numpy as np

N = 10000
E = 320000
IN = 128
HID = 128
OUT = 128
K = 32
L = 3

def _xavier(key, fan_out, fan_in):
    limit = float(np.sqrt(6.0 / (fan_in + fan_out)))
    return jax.random.uniform(key, (fan_out, fan_in), jnp.float32, -limit, limit)

def setup_inputs(seed: int = 0):
    key = jax.random.key(seed)
    ks = jax.random.split(key, 16)
    x = jax.random.normal(ks[0], (N, IN), jnp.float32)
    edge_index = jax.random.randint(ks[1], (2, E), 0, N).astype(jnp.int64)
    inp = {
        'x': x,
        'edge_index': edge_index,
        'W_in': _xavier(ks[2], HID, IN),
        'b_in': jnp.zeros((HID,), jnp.float32),
        'W_self_0': _xavier(ks[3], HID, HID),
        'W_neigh_0': _xavier(ks[4], HID, HID),
        'W_self_1': _xavier(ks[5], HID, HID),
        'W_neigh_1': _xavier(ks[6], HID, HID),
        'W_self_2': _xavier(ks[7], HID, HID),
        'W_neigh_2': _xavier(ks[8], HID, HID),
        'W_out': _xavier(ks[9], OUT, HID),
        'b_out': jnp.zeros((OUT,), jnp.float32),
    }
    return inp

def _maxk(h, k):
    # MaxK nonlinearity: keep top-k activations per row, zero the rest
    vals = jax.lax.top_k(h, k)[0]
    thresh = vals[:, -1:]
    return jnp.where(h >= thresh, h, jnp.zeros_like(h))

def reference(x, edge_index, W_in, b_in, W_self_0, W_neigh_0, W_self_1, W_neigh_1, W_self_2, W_neigh_2, W_out, b_out):
    src = edge_index[0]
    dst = edge_index[1]
    ones = jnp.ones((E,), jnp.float32)
    deg = jax.ops.segment_sum(ones, src, num_segments=N)[:, None]
    W_selfs = [W_self_0, W_self_1, W_self_2]
    W_neighs = [W_neigh_0, W_neigh_1, W_neigh_2]
    h = x @ W_in.T + b_in
    for i in range(L):
        h = _maxk(h, K)
        # adj (src->dst) spmm: out[i] = sum over edges with src=i of h[dst], mean-normalized
        agg = jax.ops.segment_sum(h[dst], src, num_segments=N)
        h_agg = agg / (deg + 1e-6)
        h_self = h @ W_selfs[i].T
        h_neigh = h_agg @ W_neighs[i].T
        h = h_self + h_neigh
        # dropout: eval mode -> identity; norm=False -> Identity
    out = h @ W_out.T + b_out
    return out

if __name__ == "__main__":
    import jax
    _d = setup_inputs()
    print(jax.jit(kernel)(*tuple(_d.values())))

</pallas_src>

<mosaic_0001>
#map = affine_map<(d0, d1) -> (0, 0)>
#map1 = affine_map<(d0, d1) -> (0)>
#map2 = affine_map<(d0, d1) -> (0, 0, 0)>
module attributes {stable_mosaic.version = 14 : i64} {
  func.func @agg(%arg0: i32, %arg1: i32, %arg2: memref<10240x128xf32, #tpu.memory_space<hbm>>, %arg3: memref<323584xi32, #tpu.memory_space<hbm>>, %arg4: memref<323584xi32, #tpu.memory_space<hbm>>, %arg5: memref<2x10240x128xf32, #tpu.memory_space<hbm>>, %arg6: memref<32x10240xf32, #tpu.memory_space<hbm>>, %arg7: memref<10112xi32, #tpu.memory_space<vmem>>, %arg8: memref<10112xi32, #tpu.memory_space<vmem>>, %arg9: memref<16xi32, #tpu.memory_space<vmem>>, %arg10: memref<16xi32, #tpu.memory_space<vmem>>, %arg11: memref<16xi32, #tpu.memory_space<vmem>>, %arg12: memref<16xi32, #tpu.memory_space<vmem>>, %arg13: memref<16xi32, #tpu.memory_space<vmem>>, %arg14: memref<16xi32, #tpu.memory_space<vmem>>, %arg15: memref<16xi32, #tpu.memory_space<vmem>>, %arg16: memref<16xi32, #tpu.memory_space<vmem>>, %arg17: memref<16x128xf32, #tpu.memory_space<vmem>>, %arg18: memref<16x128xf32, #tpu.memory_space<vmem>>, %arg19: memref<16x128xf32, #tpu.memory_space<vmem>>, %arg20: memref<16x128xf32, #tpu.memory_space<vmem>>, %arg21: memref<16x128xf32, #tpu.memory_space<vmem>>, %arg22: memref<16x128xf32, #tpu.memory_space<vmem>>, %arg23: memref<16x128xf32, #tpu.memory_space<vmem>>, %arg24: memref<16x128xf32, #tpu.memory_space<vmem>>, %arg25: memref<10240xf32, #tpu.memory_space<vmem>>, %arg26: memref<10240x128xf32, #tpu.memory_space<vmem_shared>>, %arg27: memref<!tpu.dma_semaphore, #tpu.memory_space<semaphore_mem>>, %arg28: memref<!tpu.dma_semaphore, #tpu.memory_space<semaphore_mem>>, %arg29: memref<!tpu.dma_semaphore, #tpu.memory_space<semaphore_mem>>, %arg30: memref<!tpu.dma_semaphore, #tpu.memory_space<semaphore_mem>>, %arg31: memref<!tpu.dma_semaphore, #tpu.memory_space<semaphore_mem>>, %arg32: memref<!tpu.dma_semaphore, #tpu.memory_space<semaphore_mem>>, %arg33: memref<!tpu.dma_semaphore, #tpu.memory_space<semaphore_mem>>, %arg34: memref<!tpu.dma_semaphore, #tpu.memory_space<semaphore_mem>>, %arg35: memref<!tpu.dma_semaphore, #tpu.memory_space<semaphore_mem>>, %arg36: memref<!tpu.dma_semaphore, #tpu.memory_space<semaphore_mem>>, %arg37: memref<!tpu.dma_semaphore, #tpu.memory_space<semaphore_mem>>, %arg38: memref<!tpu.dma_semaphore, #tpu.memory_space<semaphore_mem>>, %arg39: memref<!tpu.dma_semaphore, #tpu.memory_space<semaphore_mem>>, %arg40: memref<!tpu.dma_semaphore, #tpu.memory_space<semaphore_mem>>, %arg41: memref<!tpu.dma_semaphore, #tpu.memory_space<semaphore_mem>>, %arg42: memref<!tpu.dma_semaphore, #tpu.memory_space<semaphore_mem>>, %arg43: memref<!tpu.dma_semaphore, #tpu.memory_space<semaphore_mem>>) attributes {dimension_semantics = [#tpu.dimension_semantics<core_parallel>, #tpu.dimension_semantics<subcore_parallel>], iteration_bounds = array<i64: 2, 16>, scalar_prefetch = 0 : i64, scratch_operands = 37 : i64, tpu.core_type = #tpu.core_type<sc_vector_subcore>, window_params = [{transform_indices = #map}, {transform_indices = #map1}, {transform_indices = #map1}, {transform_indices = #map2}, {transform_indices = #map}]} {
    %mul3A = arith.constant 2 : i32
    %mul3A_0 = arith.muli %arg1, %mul3A : i32
    %add3A = arith.addi %mul3A_0, %arg0 : i32
    %mul3A_1 = arith.constant 640 : i32
    %mul3A_2 = arith.muli %arg1, %mul3A_1 : i32
    %mul3A_3 = arith.constant 632 : i32
    %mul3A_4 = arith.muli %add3A, %mul3A_3 : i32
    %mul3A_5 = arith.constant 16 : i32
    %mul3A_6 = arith.muli %mul3A_4, %mul3A_5 : i32
    %dma_start3A = tpu.memref_slice %arg4[%mul3A_6] : memref<323584xi32, #tpu.memory_space<hbm>> -> memref<10112xi32, #tpu.memory_space<hbm>>
    %dma_start3A_7 = tpu.memref_slice %arg4[%mul3A_6] : memref<323584xi32, #tpu.memory_space<hbm>> -> memref<10112xi32, #tpu.memory_space<hbm>>
    tpu.enqueue_dma source(%dma_start3A_7 : memref<10112xi32, #tpu.memory_space<hbm>>) target(%arg7 : memref<10112xi32, #tpu.memory_space<vmem>>) target_semaphore(%arg43 : memref<!tpu.dma_semaphore, #tpu.memory_space<semaphore_mem>>)
    %mul3A_8 = arith.constant 632 : i32
    %mul3A_9 = arith.muli %add3A, %mul3A_8 : i32
    %mul3A_10 = arith.constant 16 : i32
    %mul3A_11 = arith.muli %mul3A_9, %mul3A_10 : i32
    %dma_start3A_12 = tpu.memref_slice %arg3[%mul3A_11] : memref<323584xi32, #tpu.memory_space<hbm>> -> memref<10112xi32, #tpu.memory_space<hbm>>
    %dma_start3A_13 = tpu.memref_slice %arg3[%mul3A_11] : memref<323584xi32, #tpu.memory_space<hbm>> -> memref<10112xi32, #tpu.memory_space<hbm>>
    tpu.enqueue_dma source(%dma_start3A_13 : memref<10112xi32, #tpu.memory_space<hbm>>) target(%arg8 : memref<10112xi32, #tpu.memory_space<vmem>>) target_semaphore(%arg43 : memref<!tpu.dma_semaphore, #tpu.memory_space<semaphore_mem>>)
    %broadcast_in_dim3A = arith.constant 0.000000e+00 : f32
    %broadcast_in_dim3A_14 = vector.broadcast %broadcast_in_dim3A : f32 to vector<16xf32>
    %scan3A = arith.constant 0 : i32
    %scan3A_15 = arith.constant 0 : i32
    %scan3A_16 = arith.constant 128 : i32
    %scan3A_17 = arith.addi %scan3A_15, %scan3A_16 : i32
    %scan3A_18 = arith.constant 1 : i32
    scf.for %scan3A_78 = %scan3A_15 to %scan3A_17 step %scan3A_18  : i32 {
      %jit3A = arith.constant 8 : i32
      %div3A = arith.divsi %scan3A_78, %jit3A : i32
      %sign3A = arith.constant 0 : i32
      %sign3A_79 = arith.cmpi sgt, %scan3A_78, %sign3A : i32
      %sign3A_80 = arith.extui %sign3A_79 : i1 to i32
      %sign3A_81 = arith.constant 0 : i32
      %sign3A_82 = arith.cmpi slt, %scan3A_78, %sign3A_81 : i32
      %sign3A_83 = arith.extui %sign3A_82 : i1 to i32
      %sign3A_84 = arith.subi %sign3A_80, %sign3A_83 : i32
      %sign3A_85 = arith.constant 0 : i32
      %sign3A_86 = arith.cmpi sgt, %jit3A, %sign3A_85 : i32
      %sign3A_87 = arith.extui %sign3A_86 : i1 to i32
      %sign3A_88 = arith.constant 0 : i32
      %sign3A_89 = arith.cmpi slt, %jit3A, %sign3A_88 : i32
      %sign3A_90 = arith.extui %sign3A_89 : i1 to i32
      %sign3A_91 = arith.subi %sign3A_87, %sign3A_90 : i32
      %ne3A = arith.cmpi ne, %sign3A_84, %sign3A_91 : i32
      %rem3A = arith.remsi %scan3A_78, %jit3A : i32
      %ne3A_92 = arith.constant 0 : i32
      %ne3A_93 = arith.cmpi ne, %rem3A, %ne3A_92 : i32
      %and3A = arith.andi %ne3A, %ne3A_93 : i1
      %sub3A = arith.constant 1 : i32
      %sub3A_94 = arith.subi %div3A, %sub3A : i32
      %select_n3A = arith.select %and3A, %sub3A_94, %div3A : i32
      %jit3A_95 = arith.constant 8 : i32
      %eq3A = arith.constant 0 : i32
      %eq3A_96 = arith.cmpi eq, %jit3A_95, %eq3A : i32
      %jit3A_97 = arith.constant 1 : i32
      %select_n3A_98 = arith.select %eq3A_96, %jit3A_97, %jit3A_95 : i32
      %rem3A_99 = arith.remsi %scan3A_78, %select_n3A_98 : i32
      %ne3A_100 = arith.constant 0 : i32
      %ne3A_101 = arith.cmpi ne, %rem3A_99, %ne3A_100 : i32
      %lt3A = arith.constant 0 : i32
      %lt3A_102 = arith.cmpi slt, %rem3A_99, %lt3A : i32
      %lt3A_103 = arith.constant 0 : i32
      %lt3A_104 = arith.cmpi slt, %select_n3A_98, %lt3A_103 : i32
      %ne3A_105 = arith.xori %lt3A_102, %lt3A_104 : i1
      %and3A_106 = arith.andi %ne3A_105, %ne3A_101 : i1
      %add3A_107 = arith.addi %rem3A_99, %select_n3A_98 : i32
      %select_n3A_108 = arith.select %and3A_106, %add3A_107, %rem3A_99 : i32
      %mul3A_109 = arith.constant 16 : i32
      %mul3A_110 = arith.muli %select_n3A_108, %mul3A_109 : i32
      %swap3A = arith.index_cast %select_n3A : i32 to index
      %swap3A_111 = arith.index_cast %mul3A_110 : i32 to index
      %swap3A_112 = tpu.vector_load %arg17[%swap3A, %swap3A_111] {strides = array<i32>} : memref<16x128xf32, #tpu.memory_space<vmem>>, vector<16xf32>,
      tpu.vector_store %arg17[%swap3A, %swap3A_111], %broadcast_in_dim3A_14 {strides = array<i32>} : memref<16x128xf32, #tpu.memory_space<vmem>>, vector<16xf32>,
    }
    %scan3A_19 = arith.constant 128 : i32
    %scan3A_20 = arith.constant 0 : i32
    %scan3A_21 = arith.constant 0 : i32
    %scan3A_22 = arith.constant 40 : i32
    %scan3A_23 = arith.addi %scan3A_21, %scan3A_22 : i32
    %scan3A_24 = arith.constant 1 : i32
    scf.for %scan3A_78 = %scan3A_21 to %scan3A_23 step %scan3A_24  : i32 {
      %mul3A_79 = arith.constant 16 : i32
      %mul3A_80 = arith.muli %scan3A_78, %mul3A_79 : i32
      %add3A_81 = arith.addi %mul3A_2, %mul3A_80 : i32
      %dma_start3A_82 = arith.constant 0 : i32
      %dma_start3A_83 = tpu.memref_slice %arg26[%add3A_81, %dma_start3A_82] : memref<10240x128xf32, #tpu.memory_space<vmem_shared>> -> memref<16x128xf32, #tpu.memory_space<vmem_shared>>
      %dma_start3A_84 = arith.constant 0 : i32
      %dma_start3A_85 = tpu.memref_slice %arg26[%add3A_81, %dma_start3A_84] : memref<10240x128xf32, #tpu.memory_space<vmem_shared>> -> memref<16x128xf32, #tpu.memory_space<vmem_shared>>
      tpu.enqueue_dma source(%arg17 : memref<16x128xf32, #tpu.memory_space<vmem>>) target(%dma_start3A_85 : memref<16x128xf32, #tpu.memory_space<vmem_shared>>) target_semaphore(%arg27 : memref<!tpu.dma_semaphore, #tpu.memory_space<semaphore_mem>>)
    }
    %scan3A_25 = arith.constant 40 : i32
    %scan3A_26 = arith.constant 0 : i32
    %scan3A_27 = arith.constant 0 : i32
    %scan3A_28 = arith.constant 640 : i32
    %scan3A_29 = arith.addi %scan3A_27, %scan3A_28 : i32
    %scan3A_30 = arith.constant 1 : i32
    scf.for %scan3A_78 = %scan3A_27 to %scan3A_29 step %scan3A_30  : i32 {
      %mul3A_79 = arith.constant 16 : i32
      %mul3A_80 = arith.muli %scan3A_78, %mul3A_79 : i32
      %swap3A = arith.index_cast %mul3A_80 : i32 to index
      %swap3A_81 = tpu.vector_load %arg25[%swap3A] {strides = array<i32>} : memref<10240xf32, #tpu.memory_space<vmem>>, vector<16xf32>,
      tpu.vector_store %arg25[%swap3A], %broadcast_in_dim3A_14 {strides = array<i32>} : memref<10240xf32, #tpu.memory_space<vmem>>, vector<16xf32>,
    }
    %scan3A_31 = arith.constant 640 : i32
    %scan3A_32 = arith.constant 0 : i32
    %scan3A_33 = arith.constant 0 : i32
    %scan3A_34 = arith.constant 40 : i32
    %scan3A_35 = arith.addi %scan3A_33, %scan3A_34 : i32
    %scan3A_36 = arith.constant 1 : i32
    scf.for %scan3A_78 = %scan3A_33 to %scan3A_35 step %scan3A_36  : i32 {
      %dma_wait3A_79 = arith.constant 0 : i32
      %dma_wait3A_80 = tpu.memref_slice %arg26[%mul3A_2, %dma_wait3A_79] : memref<10240x128xf32, #tpu.memory_space<vmem_shared>> -> memref<16x128xf32, #tpu.memory_space<vmem_shared>>
      %dma_wait3A_81 = arith.constant 0 : i32
      %dma_wait3A_82 = tpu.memref_slice %arg26[%mul3A_2, %dma_wait3A_81] : memref<10240x128xf32, #tpu.memory_space<vmem_shared>> -> memref<16x128xf32, #tpu.memory_space<vmem_shared>>
      tpu.wait_dma2 semaphore(%arg27 : memref<!tpu.dma_semaphore, #tpu.memory_space<semaphore_mem>>) src(%arg17 : memref<16x128xf32, #tpu.memory_space<vmem>>) dst(%dma_wait3A_82 : memref<16x128xf32, #tpu.memory_space<vmem_shared>>)
    }
    %scan3A_37 = arith.constant 40 : i32
    %dma_wait3A = arith.constant 0 : i32
    %dma_wait3A_38 = tpu.memref_slice %arg4[%dma_wait3A] : memref<323584xi32, #tpu.memory_space<hbm>> -> memref<10112xi32, #tpu.memory_space<hbm>>
    %dma_wait3A_39 = arith.constant 0 : i32
    %dma_wait3A_40 = tpu.memref_slice %arg4[%dma_wait3A_39] : memref<323584xi32, #tpu.memory_space<hbm>> -> memref<10112xi32, #tpu.memory_space<hbm>>
    tpu.wait_dma2 semaphore(%arg43 : memref<!tpu.dma_semaphore, #tpu.memory_space<semaphore_mem>>) src(%dma_wait3A_40 : memref<10112xi32, #tpu.memory_space<hbm>>) dst(%arg7 : memref<10112xi32, #tpu.memory_space<vmem>>)
    %dma_wait3A_41 = arith.constant 0 : i32
    %dma_wait3A_42 = tpu.memref_slice %arg3[%dma_wait3A_41] : memref<323584xi32, #tpu.memory_space<hbm>> -> memref<10112xi32, #tpu.memory_space<hbm>>
    %dma_wait3A_43 = arith.constant 0 : i32
    %dma_wait3A_44 = tpu.memref_slice %arg3[%dma_wait3A_43] : memref<323584xi32, #tpu.memory_space<hbm>> -> memref<10112xi32, #tpu.memory_space<hbm>>
    tpu.wait_dma2 semaphore(%arg43 : memref<!tpu.dma_semaphore, #tpu.memory_space<semaphore_mem>>) src(%dma_wait3A_44 : memref<10112xi32, #tpu.memory_space<hbm>>) dst(%arg8 : memref<10112xi32, #tpu.memory_space<vmem>>)
    %barrier3A = arith.constant 0 : index
    tpu.barrier barrier_id(%barrier3A)
    %broadcast_in_dim3A_45 = arith.constant 1.000000e+00 : f32
    %broadcast_in_dim3A_46 = vector.broadcast %broadcast_in_dim3A_45 : f32 to vector<16xf32>
    %scan3A_47 = arith.constant 0 : i32
    %scan3A_48 = arith.constant 0 : i32
    %scan3A_49 = arith.constant 79 : i32
    %scan3A_50 = arith.addi %scan3A_48, %scan3A_49 : i32
    %scan3A_51 = arith.constant 1 : i32
    scf.for %scan3A_78 = %scan3A_48 to %scan3A_50 step %scan3A_51  : i32 {
      %gt3A = arith.constant 0 : i32
      %gt3A_79 = arith.cmpi sgt, %scan3A_78, %gt3A : i32
      %convert_element_type3A = arith.extui %gt3A_79 : i1 to i32
      %cond3A = arith.constant 0 : i32
      %cond3A_80 = arith.cmpi ne, %convert_element_type3A, %cond3A : i32
      scf.if %cond3A_80 {
        %mul3A_410 = arith.constant 8 : i32
        %mul3A_411 = arith.muli %scan3A_78, %mul3A_410 : i32
        %add3A_412 = arith.constant 0 : i32
        %add3A_413 = arith.addi %mul3A_411, %add3A_412 : i32
        %sub3A = arith.constant 8 : i32
        %sub3A_414 = arith.subi %add3A_413, %sub3A : i32
        %dma_wait3A_415 = arith.constant 0 : i32
        %dma_wait3A_416 = arith.constant 0 : i32
        %dma_wait3A_417 = tpu.memref_slice %arg26[%dma_wait3A_415, %dma_wait3A_416] : memref<10240x128xf32, #tpu.memory_space<vmem_shared>> -> memref<10240x128xf32, #tpu.memory_space<vmem_shared>>
        tpu.wait_indirect_dma semaphore(%arg35 : memref<!tpu.dma_semaphore, #tpu.memory_space<semaphore_mem>>) src(%arg17 : memref<16x128xf32, #tpu.memory_space<vmem>>) dst(%dma_wait3A_417 : memref<10240x128xf32, #tpu.memory_space<vmem_shared>>)
      } else {
      }
      %mul3A_81 = arith.constant 8 : i32
      %mul3A_82 = arith.muli %scan3A_78, %mul3A_81 : i32
      %add3A_83 = arith.constant 0 : i32
      %add3A_84 = arith.addi %mul3A_82, %add3A_83 : i32
      %mul3A_85 = arith.constant 16 : i32
      %mul3A_86 = arith.muli %add3A_84, %mul3A_85 : i32
      %dma_start3A_87 = tpu.memref_slice %arg7[%mul3A_86] : memref<10112xi32, #tpu.memory_space<vmem>> -> memref<16xi32, #tpu.memory_space<vmem>>
      %dma_start3A_88 = arith.constant 0 : i32
      %dma_start3A_89 = arith.constant 0 : i32
      %dma_start3A_90 = tpu.memref_slice %arg2[%dma_start3A_88, %dma_start3A_89] : memref<10240x128xf32, #tpu.memory_space<hbm>> -> memref<10240x128xf32, #tpu.memory_space<hbm>>
      tpu.enqueue_indirect_dma source(%dma_start3A_90 : memref<10240x128xf32, #tpu.memory_space<hbm>>) target(%arg17 : memref<16x128xf32, #tpu.memory_space<vmem>>) offsets(%dma_start3A_87 : memref<16xi32, #tpu.memory_space<vmem>>) semaphore(%arg27 : memref<!tpu.dma_semaphore, #tpu.memory_space<semaphore_mem>>)
      %gt3A_91 = arith.constant 0 : i32
      %gt3A_92 = arith.cmpi sgt, %scan3A_78, %gt3A_91 : i32
      %convert_element_type3A_93 = arith.extui %gt3A_92 : i1 to i32
      %cond3A_94 = arith.constant 0 : i32
      %cond3A_95 = arith.cmpi ne, %convert_element_type3A_93, %cond3A_94 : i32
      scf.if %cond3A_95 {
        %mul3A_410 = arith.constant 8 : i32
        %mul3A_411 = arith.muli %scan3A_78, %mul3A_410 : i32
        %add3A_412 = arith.constant 1 : i32
        %add3A_413 = arith.addi %mul3A_411, %add3A_412 : i32
        %sub3A = arith.constant 8 : i32
        %sub3A_414 = arith.subi %add3A_413, %sub3A : i32
        %dma_wait3A_415 = arith.constant 0 : i32
        %dma_wait3A_416 = arith.constant 0 : i32
        %dma_wait3A_417 = tpu.memref_slice %arg26[%dma_wait3A_415, %dma_wait3A_416] : memref<10240x128xf32, #tpu.memory_space<vmem_shared>> -> memref<10240x128xf32, #tpu.memory_space<vmem_shared>>
        tpu.wait_indirect_dma semaphore(%arg36 : memref<!tpu.dma_semaphore, #tpu.memory_space<semaphore_mem>>) src(%arg18 : memref<16x128xf32, #tpu.memory_space<vmem>>) dst(%dma_wait3A_417 : memref<10240x128xf32, #tpu.memory_space<vmem_shared>>)
      } else {
      }
      %mul3A_96 = arith.constant 8 : i32
      %mul3A_97 = arith.muli %scan3A_78, %mul3A_96 : i32
      %add3A_98 = arith.constant 1 : i32
      %add3A_99 = arith.addi %mul3A_97, %add3A_98 : i32
      %mul3A_100 = arith.constant 16 : i32
      %mul3A_101 = arith.muli %add3A_99, %mul3A_100 : i32
      %dma_start3A_102 = tpu.memref_slice %arg7[%mul3A_101] : memref<10112xi32, #tpu.memory_space<vmem>> -> memref<16xi32, #tpu.memory_space<vmem>>
      %dma_start3A_103 = arith.constant 0 : i32
      %dma_start3A_104 = arith.constant 0 : i32
      %dma_start3A_105 = tpu.memref_slice %arg2[%dma_start3A_103, %dma_start3A_104] : memref<10240x128xf32, #tpu.memory_space<hbm>> -> memref<10240x128xf32, #tpu.memory_space<hbm>>
      tpu.enqueue_indirect_dma source(%dma_start3A_105 : memref<10240x128xf32, #tpu.memory_space<hbm>>) target(%arg18 : memref<16x128xf32, #tpu.memory_space<vmem>>) offsets(%dma_start3A_102 : memref<16xi32, #tpu.memory_space<vmem>>) semaphore(%arg28 : memref<!tpu.dma_semaphore, #tpu.memory_space<semaphore_mem>>)
      %gt3A_106 = arith.constant 0 : i32
      %gt3A_107 = arith.cmpi sgt, %scan3A_78, %gt3A_106 : i32
      %convert_element_type3A_108 = arith.extui %gt3A_107 : i1 to i32
      %cond3A_109 = arith.constant 0 : i32
      %cond3A_110 = arith.cmpi ne, %convert_element_type3A_108, %cond3A_109 : i32
      scf.if %cond3A_110 {
        %mul3A_410 = arith.constant 8 : i32
        %mul3A_411 = arith.muli %scan3A_78, %mul3A_410 : i32
        %add3A_412 = arith.constant 2 : i32
        %add3A_413 = arith.addi %mul3A_411, %add3A_412 : i32
        %sub3A = arith.constant 8 : i32
        %sub3A_414 = arith.subi %add3A_413, %sub3A : i32
        %dma_wait3A_415 = arith.constant 0 : i32
        %dma_wait3A_416 = arith.constant 0 : i32
        %dma_wait3A_417 = tpu.memref_slice %arg26[%dma_wait3A_415, %dma_wait3A_416] : memref<10240x128xf32, #tpu.memory_space<vmem_shared>> -> memref<10240x128xf32, #tpu.memory_space<vmem_shared>>
        tpu.wait_indirect_dma semaphore(%arg37 : memref<!tpu.dma_semaphore, #tpu.memory_space<semaphore_mem>>) src(%arg19 : memref<16x128xf32, #tpu.memory_space<vmem>>) dst(%dma_wait3A_417 : memref<10240x128xf32, #tpu.memory_space<vmem_shared>>)
      } else {
      }
      %mul3A_111 = arith.constant 8 : i32
      %mul3A_112 = arith.muli %scan3A_78, %mul3A_111 : i32
      %add3A_113 = arith.constant 2 : i32
      %add3A_114 = arith.addi %mul3A_112, %add3A_113 : i32
      %mul3A_115 = arith.constant 16 : i32
      %mul3A_116 = arith.muli %add3A_114, %mul3A_115 : i32
      %dma_start3A_117 = tpu.memref_slice %arg7[%mul3A_116] : memref<10112xi32, #tpu.memory_space<vmem>> -> memref<16xi32, #tpu.memory_space<vmem>>
      %dma_start3A_118 = arith.constant 0 : i32
      %dma_start3A_119 = arith.constant 0 : i32
      %dma_start3A_120 = tpu.memref_slice %arg2[%dma_start3A_118, %dma_start3A_119] : memref<10240x128xf32, #tpu.memory_space<hbm>> -> memref<10240x128xf32, #tpu.memory_space<hbm>>
      tpu.enqueue_indirect_dma source(%dma_start3A_120 : memref<10240x128xf32, #tpu.memory_space<hbm>>) target(%arg19 : memref<16x128xf32, #tpu.memory_space<vmem>>) offsets(%dma_start3A_117 : memref<16xi32, #tpu.memory_space<vmem>>) semaphore(%arg29 : memref<!tpu.dma_semaphore, #tpu.memory_space<semaphore_mem>>)
      %gt3A_121 = arith.constant 0 : i32
      %gt3A_122 = arith.cmpi sgt, %scan3A_78, %gt3A_121 : i32
      %convert_element_type3A_123 = arith.extui %gt3A_122 : i1 to i32
      %cond3A_124 = arith.constant 0 : i32
      %cond3A_125 = arith.cmpi ne, %convert_element_type3A_123, %cond3A_124 : i32
      scf.if %cond3A_125 {
        %mul3A_410 = arith.constant 8 : i32
        %mul3A_411 = arith.muli %scan3A_78, %mul3A_410 : i32
        %add3A_412 = arith.constant 3 : i32
        %add3A_413 = arith.addi %mul3A_411, %add3A_412 : i32
        %sub3A = arith.constant 8 : i32
        %sub3A_414 = arith.subi %add3A_413, %sub3A : i32
        %dma_wait3A_415 = arith.constant 0 : i32
        %dma_wait3A_416 = arith.constant 0 : i32
        %dma_wait3A_417 = tpu.memref_slice %arg26[%dma_wait3A_415, %dma_wait3A_416] : memref<10240x128xf32, #tpu.memory_space<vmem_shared>> -> memref<10240x128xf32, #tpu.memory_space<vmem_shared>>
        tpu.wait_indirect_dma semaphore(%arg38 : memref<!tpu.dma_semaphore, #tpu.memory_space<semaphore_mem>>) src(%arg20 : memref<16x128xf32, #tpu.memory_space<vmem>>) dst(%dma_wait3A_417 : memref<10240x128xf32, #tpu.memory_space<vmem_shared>>)
      } else {
      }
      %mul3A_126 = arith.constant 8 : i32
      %mul3A_127 = arith.muli %scan3A_78, %mul3A_126 : i32
      %add3A_128 = arith.constant 3 : i32
      %add3A_129 = arith.addi %mul3A_127, %add3A_128 : i32
      %mul3A_130 = arith.constant 16 : i32
      %mul3A_131 = arith.muli %add3A_129, %mul3A_130 : i32
      %dma_start3A_132 = tpu.memref_slice %arg7[%mul3A_131] : memref<10112xi32, #tpu.memory_space<vmem>> -> memref<16xi32, #tpu.memory_space<vmem>>
      %dma_start3A_133 = arith.constant 0 : i32
      %dma_start3A_134 = arith.constant 0 : i32
      %dma_start3A_135 = tpu.memref_slice %arg2[%dma_start3A_133, %dma_start3A_134] : memref<10240x128xf32, #tpu.memory_space<hbm>> -> memref<10240x128xf32, #tpu.memory_space<hbm>>
      tpu.enqueue_indirect_dma source(%dma_start3A_135 : memref<10240x128xf32, #tpu.memory_space<hbm>>) target(%arg20 : memref<16x128xf32, #tpu.memory_space<vmem>>) offsets(%dma_start3A_132 : memref<16xi32, #tpu.memory_space<vmem>>) semaphore(%arg30 : memref<!tpu.dma_semaphore, #tpu.memory_space<semaphore_mem>>)
      %gt3A_136 = arith.constant 0 : i32
      %gt3A_137 = arith.cmpi sgt, %scan3A_78, %gt3A_136 : i32
      %convert_element_type3A_138 = arith.extui %gt3A_137 : i1 to i32
      %cond3A_139 = arith.constant 0 : i32
      %cond3A_140 = arith.cmpi ne, %convert_element_type3A_138, %cond3A_139 : i32
      scf.if %cond3A_140 {
        %mul3A_410 = arith.constant 8 : i32
        %mul3A_411 = arith.muli %scan3A_78, %mul3A_410 : i32
        %add3A_412 = arith.constant 4 : i32
        %add3A_413 = arith.addi %mul3A_411, %add3A_412 : i32
        %sub3A = arith.constant 8 : i32
        %sub3A_414 = arith.subi %add3A_413, %sub3A : i32
        %dma_wait3A_415 = arith.constant 0 : i32
        %dma_wait3A_416 = arith.constant 0 : i32
        %dma_wait3A_417 = tpu.memref_slice %arg26[%dma_wait3A_415, %dma_wait3A_416] : memref<10240x128xf32, #tpu.memory_space<vmem_shared>> -> memref<10240x128xf32, #tpu.memory_space<vmem_shared>>
        tpu.wait_indirect_dma semaphore(%arg39 : memref<!tpu.dma_semaphore, #tpu.memory_space<semaphore_mem>>) src(%arg21 : memref<16x128xf32, #tpu.memory_space<vmem>>) dst(%dma_wait3A_417 : memref<10240x128xf32, #tpu.memory_space<vmem_shared>>)
      } else {
      }
      %mul3A_141 = arith.constant 8 : i32
      %mul3A_142 = arith.muli %scan3A_78, %mul3A_141 : i32
      %add3A_143 = arith.constant 4 : i32
      %add3A_144 = arith.addi %mul3A_142, %add3A_143 : i32
      %mul3A_145 = arith.constant 16 : i32
      %mul3A_146 = arith.muli %add3A_144, %mul3A_145 : i32
      %dma_start3A_147 = tpu.memref_slice %arg7[%mul3A_146] : memref<10112xi32, #tpu.memory_space<vmem>> -> memref<16xi32, #tpu.memory_space<vmem>>
      %dma_start3A_148 = arith.constant 0 : i32
      %dma_start3A_149 = arith.constant 0 : i32
      %dma_start3A_150 = tpu.memref_slice %arg2[%dma_start3A_148, %dma_start3A_149] : memref<10240x128xf32, #tpu.memory_space<hbm>> -> memref<10240x128xf32, #tpu.memory_space<hbm>>
      tpu.enqueue_indirect_dma source(%dma_start3A_150 : memref<10240x128xf32, #tpu.memory_space<hbm>>) target(%arg21 : memref<16x128xf32, #tpu.memory_space<vmem>>) offsets(%dma_start3A_147 : memref<16xi32, #tpu.memory_space<vmem>>) semaphore(%arg31 : memref<!tpu.dma_semaphore, #tpu.memory_space<semaphore_mem>>)
      %gt3A_151 = arith.constant 0 : i32
      %gt3A_152 = arith.cmpi sgt, %scan3A_78, %gt3A_151 : i32
      %convert_element_type3A_153 = arith.extui %gt3A_152 : i1 to i32
      %cond3A_154 = arith.constant 0 : i32
      %cond3A_155 = arith.cmpi ne, %convert_element_type3A_153, %cond3A_154 : i32
      scf.if %cond3A_155 {
        %mul3A_410 = arith.constant 8 : i32
        %mul3A_411 = arith.muli %scan3A_78, %mul3A_410 : i32
        %add3A_412 = arith.constant 5 : i32
        %add3A_413 = arith.addi %mul3A_411, %add3A_412 : i32
        %sub3A = arith.constant 8 : i32
        %sub3A_414 = arith.subi %add3A_413, %sub3A : i32
        %dma_wait3A_415 = arith.constant 0 : i32
        %dma_wait3A_416 = arith.constant 0 : i32
        %dma_wait3A_417 = tpu.memref_slice %arg26[%dma_wait3A_415, %dma_wait3A_416] : memref<10240x128xf32, #tpu.memory_space<vmem_shared>> -> memref<10240x128xf32, #tpu.memory_space<vmem_shared>>
        tpu.wait_indirect_dma semaphore(%arg40 : memref<!tpu.dma_semaphore, #tpu.memory_space<semaphore_mem>>) src(%arg22 : memref<16x128xf32, #tpu.memory_space<vmem>>) dst(%dma_wait3A_417 : memref<10240x128xf32, #tpu.memory_space<vmem_shared>>)
      } else {
      }
      %mul3A_156 = arith.constant 8 : i32
      %mul3A_157 = arith.muli %scan3A_78, %mul3A_156 : i32
      %add3A_158 = arith.constant 5 : i32
      %add3A_159 = arith.addi %mul3A_157, %add3A_158 : i32
      %mul3A_160 = arith.constant 16 : i32
      %mul3A_161 = arith.muli %add3A_159, %mul3A_160 : i32
      %dma_start3A_162 = tpu.memref_slice %arg7[%mul3A_161] : memref<10112xi32, #tpu.memory_space<vmem>> -> memref<16xi32, #tpu.memory_space<vmem>>
      %dma_start3A_163 = arith.constant 0 : i32
      %dma_start3A_164 = arith.constant 0 : i32
      %dma_start3A_165 = tpu.memref_slice %arg2[%dma_start3A_163, %dma_start3A_164] : memref<10240x128xf32, #tpu.memory_space<hbm>> -> memref<10240x128xf32, #tpu.memory_space<hbm>>
      tpu.enqueue_indirect_dma source(%dma_start3A_165 : memref<10240x128xf32, #tpu.memory_space<hbm>>) target(%arg22 : memref<16x128xf32, #tpu.memory_space<vmem>>) offsets(%dma_start3A_162 : memref<16xi32, #tpu.memory_space<vmem>>) semaphore(%arg32 : memref<!tpu.dma_semaphore, #tpu.memory_space<semaphore_mem>>)
      %gt3A_166 = arith.constant 0 : i32
      %gt3A_167 = arith.cmpi sgt, %scan3A_78, %gt3A_166 : i32
      %convert_element_type3A_168 = arith.extui %gt3A_167 : i1 to i32
      %cond3A_169 = arith.constant 0 : i32
      %cond3A_170 = arith.cmpi ne, %convert_element_type3A_168, %cond3A_169 : i32
      scf.if %cond3A_170 {
        %mul3A_410 = arith.constant 8 : i32
        %mul3A_411 = arith.muli %scan3A_78, %mul3A_410 : i32
        %add3A_412 = arith.constant 6 : i32
        %add3A_413 = arith.addi %mul3A_411, %add3A_412 : i32
        %sub3A = arith.constant 8 : i32
        %sub3A_414 = arith.subi %add3A_413, %sub3A : i32
        %dma_wait3A_415 = arith.constant 0 : i32
        %dma_wait3A_416 = arith.constant 0 : i32
        %dma_wait3A_417 = tpu.memref_slice %arg26[%dma_wait3A_415, %dma_wait3A_416] : memref<10240x128xf32, #tpu.memory_space<vmem_shared>> -> memref<10240x128xf32, #tpu.memory_space<vmem_shared>>
        tpu.wait_indirect_dma semaphore(%arg41 : memref<!tpu.dma_semaphore, #tpu.memory_space<semaphore_mem>>) src(%arg23 : memref<16x128xf32, #tpu.memory_space<vmem>>) dst(%dma_wait3A_417 : memref<10240x128xf32, #tpu.memory_space<vmem_shared>>)
      } else {
      }
      %mul3A_171 = arith.constant 8 : i32
      %mul3A_172 = arith.muli %scan3A_78, %mul3A_171 : i32
      %add3A_173 = arith.constant 6 : i32
      %add3A_174 = arith.addi %mul3A_172, %add3A_173 : i32
      %mul3A_175 = arith.constant 16 : i32
      %mul3A_176 = arith.muli %add3A_174, %mul3A_175 : i32
      %dma_start3A_177 = tpu.memref_slice %arg7[%mul3A_176] : memref<10112xi32, #tpu.memory_space<vmem>> -> memref<16xi32, #tpu.memory_space<vmem>>
      %dma_start3A_178 = arith.constant 0 : i32
      %dma_start3A_179 = arith.constant 0 : i32
      %dma_start3A_180 = tpu.memref_slice %arg2[%dma_start3A_178, %dma_start3A_179] : memref<10240x128xf32, #tpu.memory_space<hbm>> -> memref<10240x128xf32, #tpu.memory_space<hbm>>
      tpu.enqueue_indirect_dma source(%dma_start3A_180 : memref<10240x128xf32, #tpu.memory_space<hbm>>) target(%arg23 : memref<16x128xf32, #tpu.memory_space<vmem>>) offsets(%dma_start3A_177 : memref<16xi32, #tpu.memory_space<vmem>>) semaphore(%arg33 : memref<!tpu.dma_semaphore, #tpu.memory_space<semaphore_mem>>)
      %gt3A_181 = arith.constant 0 : i32
      %gt3A_182 = arith.cmpi sgt, %scan3A_78, %gt3A_181 : i32
      %convert_element_type3A_183 = arith.extui %gt3A_182 : i1 to i32
      %cond3A_184 = arith.constant 0 : i32
      %cond3A_185 = arith.cmpi ne, %convert_element_type3A_183, %cond3A_184 : i32
      scf.if %cond3A_185 {
        %mul3A_410 = arith.constant 8 : i32
        %mul3A_411 = arith.muli %scan3A_78, %mul3A_410 : i32
        %add3A_412 = arith.constant 7 : i32
        %add3A_413 = arith.addi %mul3A_411, %add3A_412 : i32
        %sub3A = arith.constant 8 : i32
        %sub3A_414 = arith.subi %add3A_413, %sub3A : i32
        %dma_wait3A_415 = arith.constant 0 : i32
        %dma_wait3A_416 = arith.constant 0 : i32
        %dma_wait3A_417 = tpu.memref_slice %arg26[%dma_wait3A_415, %dma_wait3A_416] : memref<10240x128xf32, #tpu.memory_space<vmem_shared>> -> memref<10240x128xf32, #tpu.memory_space<vmem_shared>>
        tpu.wait_indirect_dma semaphore(%arg42 : memref<!tpu.dma_semaphore, #tpu.memory_space<semaphore_mem>>) src(%arg24 : memref<16x128xf32, #tpu.memory_space<vmem>>) dst(%dma_wait3A_417 : memref<10240x128xf32, #tpu.memory_space<vmem_shared>>)
      } else {
      }
      %mul3A_186 = arith.constant 8 : i32
      %mul3A_187 = arith.muli %scan3A_78, %mul3A_186 : i32
      %add3A_188 = arith.constant 7 : i32
      %add3A_189 = arith.addi %mul3A_187, %add3A_188 : i32
      %mul3A_190 = arith.constant 16 : i32
      %mul3A_191 = arith.muli %add3A_189, %mul3A_190 : i32
      %dma_start3A_192 = tpu.memref_slice %arg7[%mul3A_191] : memref<10112xi32, #tpu.memory_space<vmem>> -> memref<16xi32, #tpu.memory_space<vmem>>
      %dma_start3A_193 = arith.constant 0 : i32
      %dma_start3A_194 = arith.constant 0 : i32
      %dma_start3A_195 = tpu.memref_slice %arg2[%dma_start3A_193, %dma_start3A_194] : memref<10240x128xf32, #tpu.memory_space<hbm>> -> memref<10240x128xf32, #tpu.memory_space<hbm>>
      tpu.enqueue_indirect_dma source(%dma_start3A_195 : memref<10240x128xf32, #tpu.memory_space<hbm>>) target(%arg24 : memref<16x128xf32, #tpu.memory_space<vmem>>) offsets(%dma_start3A_192 : memref<16xi32, #tpu.memory_space<vmem>>) semaphore(%arg34 : memref<!tpu.dma_semaphore, #tpu.memory_space<semaphore_mem>>)
      %mul3A_196 = arith.constant 8 : i32
      %mul3A_197 = arith.muli %scan3A_78, %mul3A_196 : i32
      %add3A_198 = arith.constant 0 : i32
      %add3A_199 = arith.addi %mul3A_197, %add3A_198 : i32
      %mul3A_200 = arith.constant 16 : i32
      %mul3A_201 = arith.muli %add3A_199, %mul3A_200 : i32
      %dma_wait3A_202 = tpu.memref_slice %arg7[%mul3A_201] : memref<10112xi32, #tpu.memory_space<vmem>> -> memref<16xi32, #tpu.memory_space<vmem>>
      %dma_wait3A_203 = arith.constant 0 : i32
      %dma_wait3A_204 = arith.constant 0 : i32
      %dma_wait3A_205 = tpu.memref_slice %arg2[%dma_wait3A_203, %dma_wait3A_204] : memref<10240x128xf32, #tpu.memory_space<hbm>> -> memref<10240x128xf32, #tpu.memory_space<hbm>>
      tpu.wait_indirect_dma semaphore(%arg27 : memref<!tpu.dma_semaphore, #tpu.memory_space<semaphore_mem>>) src(%dma_wait3A_205 : memref<10240x128xf32, #tpu.memory_space<hbm>>) dst(%arg17 : memref<16x128xf32, #tpu.memory_space<vmem>>)
      %mul3A_206 = arith.constant 16 : i32
      %mul3A_207 = arith.muli %add3A_199, %mul3A_206 : i32
      %add3A_208 = arith.constant 0 : i32
      %add3A_209 = arith.addi %mul3A_207, %add3A_208 : i32
      %get3A = arith.index_cast %add3A_209 : i32 to index
      %get3A_210 = tpu.vector_load %arg8[%get3A] {strides = array<i32>} : memref<10112xi32, #tpu.memory_space<vmem>>, vector<16xi32>,
      %swap3A = arith.constant 0 : index
      %swap3A_211 = tpu.vector_load %arg9[%swap3A] {strides = array<i32>} : memref<16xi32, #tpu.memory_space<vmem>>, vector<16xi32>,
      tpu.vector_store %arg9[%swap3A], %get3A_210 {strides = array<i32>} : memref<16xi32, #tpu.memory_space<vmem>>, vector<16xi32>,
      %dma_start3A_212 = arith.constant 0 : i32
      %dma_start3A_213 = arith.constant 0 : i32
      %dma_start3A_214 = tpu.memref_slice %arg26[%dma_start3A_212, %dma_start3A_213] : memref<10240x128xf32, #tpu.memory_space<vmem_shared>> -> memref<10240x128xf32, #tpu.memory_space<vmem_shared>>
      tpu.enqueue_indirect_dma source(%arg17 : memref<16x128xf32, #tpu.memory_space<vmem>>) target(%dma_start3A_214 : memref<10240x128xf32, #tpu.memory_space<vmem_shared>>) offsets(%arg9 : memref<16xi32, #tpu.memory_space<vmem>>) semaphore(%arg35 : memref<!tpu.dma_semaphore, #tpu.memory_space<semaphore_mem>>) {add = true}
      %mul3A_215 = arith.constant 16 : i32
      %mul3A_216 = arith.muli %add3A_199, %mul3A_215 : i32
      %add3A_217 = arith.constant 0 : i32
      %add3A_218 = arith.addi %mul3A_216, %add3A_217 : i32
      %get3A_219 = arith.index_cast %add3A_218 : i32 to index
      %get3A_220 = tpu.vector_load %arg8[%get3A_219] {strides = array<i32>} : memref<10112xi32, #tpu.memory_space<vmem>>, vector<16xi32>,
      tpu.vector_store_idx %arg25[%get3A_220], %broadcast_in_dim3A_46 {add = true} : memref<10240xf32, #tpu.memory_space<vmem>>[vector<16xi32>], vector<16xf32>,
      %mul3A_221 = arith.constant 8 : i32
      %mul3A_222 = arith.muli %scan3A_78, %mul3A_221 : i32
      %add3A_223 = arith.constant 1 : i32
      %add3A_224 = arith.addi %mul3A_222, %add3A_223 : i32
      %mul3A_225 = arith.constant 16 : i32
      %mul3A_226 = arith.muli %add3A_224, %mul3A_225 : i32
      %dma_wait3A_227 = tpu.memref_slice %arg7[%mul3A_226] : memref<10112xi32, #tpu.memory_space<vmem>> -> memref<16xi32, #tpu.memory_space<vmem>>
      %dma_wait3A_228 = arith.constant 0 : i32
      %dma_wait3A_229 = arith.constant 0 : i32
      %dma_wait3A_230 = tpu.memref_slice %arg2[%dma_wait3A_228, %dma_wait3A_229] : memref<10240x128xf32, #tpu.memory_space<hbm>> -> memref<10240x128xf32, #tpu.memory_space<hbm>>
      tpu.wait_indirect_dma semaphore(%arg28 : memref<!tpu.dma_semaphore, #tpu.memory_space<semaphore_mem>>) src(%dma_wait3A_230 : memref<10240x128xf32, #tpu.memory_space<hbm>>) dst(%arg18 : memref<16x128xf32, #tpu.memory_space<vmem>>)
      %mul3A_231 = arith.constant 16 : i32
      %mul3A_232 = arith.muli %add3A_224, %mul3A_231 : i32
      %add3A_233 = arith.constant 0 : i32
      %add3A_234 = arith.addi %mul3A_232, %add3A_233 : i32
      %get3A_235 = arith.index_cast %add3A_234 : i32 to index
      %get3A_236 = tpu.vector_load %arg8[%get3A_235] {strides = array<i32>} : memref<10112xi32, #tpu.memory_space<vmem>>, vector<16xi32>,
      %swap3A_237 = arith.constant 0 : index
      %swap3A_238 = tpu.vector_load %arg10[%swap3A_237] {strides = array<i32>} : memref<16xi32, #tpu.memory_space<vmem>>, vector<16xi32>,
      tpu.vector_store %arg10[%swap3A_237], %get3A_236 {strides = array<i32>} : memref<16xi32, #tpu.memory_space<vmem>>, vector<16xi32>,
      %dma_start3A_239 = arith.constant 0 : i32
      %dma_start3A_240 = arith.constant 0 : i32
      %dma_start3A_241 = tpu.memref_slice %arg26[%dma_start3A_239, %dma_start3A_240] : memref<10240x128xf32, #tpu.memory_space<vmem_shared>> -> memref<10240x128xf32, #tpu.memory_space<vmem_shared>>
      tpu.enqueue_indirect_dma source(%arg18 : memref<16x128xf32, #tpu.memory_space<vmem>>) target(%dma_start3A_241 : memref<10240x128xf32, #tpu.memory_space<vmem_shared>>) offsets(%arg10 : memref<16xi32, #tpu.memory_space<vmem>>) semaphore(%arg36 : memref<!tpu.dma_semaphore, #tpu.memory_space<semaphore_mem>>) {add = true}
      %mul3A_242 = arith.constant 16 : i32
      %mul3A_243 = arith.muli %add3A_224, %mul3A_242 : i32
      %add3A_244 = arith.constant 0 : i32
      %add3A_245 = arith.addi %mul3A_243, %add3A_244 : i32
      %get3A_246 = arith.index_cast %add3A_245 : i32 to index
      %get3A_247 = tpu.vector_load %arg8[%get3A_246] {strides = array<i32>} : memref<10112xi32, #tpu.memory_space<vmem>>, vector<16xi32>,
      tpu.vector_store_idx %arg25[%get3A_247], %broadcast_in_dim3A_46 {add = true} : memref<10240xf32, #tpu.memory_space<vmem>>[vector<16xi32>], vector<16xf32>,
      %mul3A_248 = arith.constant 8 : i32
      %mul3A_249 = arith.muli %scan3A_78, %mul3A_248 : i32
      %add3A_250 = arith.constant 2 : i32
      %add3A_251 = arith.addi %mul3A_249, %add3A_250 : i32
      %mul3A_252 = arith.constant 16 : i32
      %mul3A_253 = arith.muli %add3A_251, %mul3A_252 : i32
      %dma_wait3A_254 = tpu.memref_slice %arg7[%mul3A_253] : memref<10112xi32, #tpu.memory_space<vmem>> -> memref<16xi32, #tpu.memory_space<vmem>>
      %dma_wait3A_255 = arith.constant 0 : i32
      %dma_wait3A_256 = arith.constant 0 : i32
      %dma_wait3A_257 = tpu.memref_slice %arg2[%dma_wait3A_255, %dma_wait3A_256] : memref<10240x128xf32, #tpu.memory_space<hbm>> -> memref<10240x128xf32, #tpu.memory_space<hbm>>
      tpu.wait_indirect_dma semaphore(%arg29 : memref<!tpu.dma_semaphore, #tpu.memory_space<semaphore_mem>>) src(%dma_wait3A_257 : memref<10240x128xf32, #tpu.memory_space<hbm>>) dst(%arg19 : memref<16x128xf32, #tpu.memory_space<vmem>>)
      %mul3A_258 = arith.constant 16 : i32
      %mul3A_259 = arith.muli %add3A_251, %mul3A_258 : i32
      %add3A_260 = arith.constant 0 : i32
      %add3A_261 = arith.addi %mul3A_259, %add3A_260 : i32
      %get3A_262 = arith.index_cast %add3A_261 : i32 to index
      %get3A_263 = tpu.vector_load %arg8[%get3A_262] {strides = array<i32>} : memref<10112xi32, #tpu.memory_space<vmem>>, vector<16xi32>,
      %swap3A_264 = arith.constant 0 : index
      %swap3A_265 = tpu.vector_load %arg11[%swap3A_264] {strides = array<i32>} : memref<16xi32, #tpu.memory_space<vmem>>, vector<16xi32>,
      tpu.vector_store %arg11[%swap3A_264], %get3A_263 {strides = array<i32>} : memref<16xi32, #tpu.memory_space<vmem>>, vector<16xi32>,
      %dma_start3A_266 = arith.constant 0 : i32
      %dma_start3A_267 = arith.constant 0 : i32
      %dma_start3A_268 = tpu.memref_slice %arg26[%dma_start3A_266, %dma_start3A_267] : memref<10240x128xf32, #tpu.memory_space<vmem_shared>> -> memref<10240x128xf32, #tpu.memory_space<vmem_shared>>
      tpu.enqueue_indirect_dma source(%arg19 : memref<16x128xf32, #tpu.memory_space<vmem>>) target(%dma_start3A_268 : memref<10240x128xf32, #tpu.memory_space<vmem_shared>>) offsets(%arg11 : memref<16xi32, #tpu.memory_space<vmem>>) semaphore(%arg37 : memref<!tpu.dma_semaphore, #tpu.memory_space<semaphore_mem>>) {add = true}
      %mul3A_269 = arith.constant 16 : i32
      %mul3A_270 = arith.muli %add3A_251, %mul3A_269 : i32
      %add3A_271 = arith.constant 0 : i32
      %add3A_272 = arith.addi %mul3A_270, %add3A_271 : i32
      %get3A_273 = arith.index_cast %add3A_272 : i32 to index
      %get3A_274 = tpu.vector_load %arg8[%get3A_273] {strides = array<i32>} : memref<10112xi32, #tpu.memory_space<vmem>>, vector<16xi32>,
      tpu.vector_store_idx %arg25[%get3A_274], %broadcast_in_dim3A_46 {add = true} : memref<10240xf32, #tpu.memory_space<vmem>>[vector<16xi32>], vector<16xf32>,
      %mul3A_275 = arith.constant 8 : i32
      %mul3A_276 = arith.muli %scan3A_78, %mul3A_275 : i32
      %add3A_277 = arith.constant 3 : i32
      %add3A_278 = arith.addi %mul3A_276, %add3A_277 : i32
      %mul3A_279 = arith.constant 16 : i32
      %mul3A_280 = arith.muli %add3A_278, %mul3A_279 : i32
      %dma_wait3A_281 = tpu.memref_slice %arg7[%mul3A_280] : memref<10112xi32, #tpu.memory_space<vmem>> -> memref<16xi32, #tpu.memory_space<vmem>>
      %dma_wait3A_282 = arith.constant 0 : i32
      %dma_wait3A_283 = arith.constant 0 : i32
      %dma_wait3A_284 = tpu.memref_slice %arg2[%dma_wait3A_282, %dma_wait3A_283] : memref<10240x128xf32, #tpu.memory_space<hbm>> -> memref<10240x128xf32, #tpu.memory_space<hbm>>
      tpu.wait_indirect_dma semaphore(%arg30 : memref<!tpu.dma_semaphore, #tpu.memory_space<semaphore_mem>>) src(%dma_wait3A_284 : memref<10240x128xf32, #tpu.memory_space<hbm>>) dst(%arg20 : memref<16x128xf32, #tpu.memory_space<vmem>>)
      %mul3A_285 = arith.constant 16 : i32
      %mul3A_286 = arith.muli %add3A_278, %mul3A_285 : i32
      %add3A_287 = arith.constant 0 : i32
      %add3A_288 = arith.addi %mul3A_286, %add3A_287 : i32
      %get3A_289 = arith.index_cast %add3A_288 : i32 to index
      %get3A_290 = tpu.vector_load %arg8[%get3A_289] {strides = array<i32>} : memref<10112xi32, #tpu.memory_space<vmem>>, vector<16xi32>,
      %swap3A_291 = arith.constant 0 : index
      %swap3A_292 = tpu.vector_load %arg12[%swap3A_291] {strides = array<i32>} : memref<16xi32, #tpu.memory_space<vmem>>, vector<16xi32>,
      tpu.vector_store %arg12[%swap3A_291], %get3A_290 {strides = array<i32>} : memref<16xi32, #tpu.memory_space<vmem>>, vector<16xi32>,
      %dma_start3A_293 = arith.constant 0 : i32
      %dma_start3A_294 = arith.constant 0 : i32
      %dma_start3A_295 = tpu.memref_slice %arg26[%dma_start3A_293, %dma_start3A_294] : memref<10240x128xf32, #tpu.memory_space<vmem_shared>> -> memref<10240x128xf32, #tpu.memory_space<vmem_shared>>
      tpu.enqueue_indirect_dma source(%arg20 : memref<16x128xf32, #tpu.memory_space<vmem>>) target(%dma_start3A_295 : memref<10240x128xf32, #tpu.memory_space<vmem_shared>>) offsets(%arg12 : memref<16xi32, #tpu.memory_space<vmem>>) semaphore(%arg38 : memref<!tpu.dma_semaphore, #tpu.memory_space<semaphore_mem>>) {add = true}
      %mul3A_296 = arith.constant 16 : i32
      %mul3A_297 = arith.muli %add3A_278, %mul3A_296 : i32
      %add3A_298 = arith.constant 0 : i32
      %add3A_299 = arith.addi %mul3A_297, %add3A_298 : i32
      %get3A_300 = arith.index_cast %add3A_299 : i32 to index
      %get3A_301 = tpu.vector_load %arg8[%get3A_300] {strides = array<i32>} : memref<10112xi32, #tpu.memory_space<vmem>>, vector<16xi32>,
      tpu.vector_store_idx %arg25[%get3A_301], %broadcast_in_dim3A_46 {add = true} : memref<10240xf32, #tpu.memory_space<vmem>>[vector<16xi32>], vector<16xf32>,
      %mul3A_302 = arith.constant 8 : i32
      %mul3A_303 = arith.muli %scan3A_78, %mul3A_302 : i32
      %add3A_304 = arith.constant 4 : i32
      %add3A_305 = arith.addi %mul3A_303, %add3A_304 : i32
      %mul3A_306 = arith.constant 16 : i32
      %mul3A_307 = arith.muli %add3A_305, %mul3A_306 : i32
      %dma_wait3A_308 = tpu.memref_slice %arg7[%mul3A_307] : memref<10112xi32, #tpu.memory_space<vmem>> -> memref<16xi32, #tpu.memory_space<vmem>>
      %dma_wait3A_309 = arith.constant 0 : i32
      %dma_wait3A_310 = arith.constant 0 : i32
      %dma_wait3A_311 = tpu.memref_slice %arg2[%dma_wait3A_309, %dma_wait3A_310] : memref<10240x128xf32, #tpu.memory_space<hbm>> -> memref<10240x128xf32, #tpu.memory_space<hbm>>
      tpu.wait_indirect_dma semaphore(%arg31 : memref<!tpu.dma_semaphore, #tpu.memory_space<semaphore_mem>>) src(%dma_wait3A_311 : memref<10240x128xf32, #tpu.memory_space<hbm>>) dst(%arg21 : memref<16x128xf32, #tpu.memory_space<vmem>>)
      %mul3A_312 = arith.constant 16 : i32
      %mul3A_313 = arith.muli %add3A_305, %mul3A_312 : i32
      %add3A_314 = arith.constant 0 : i32
      %add3A_315 = arith.addi %mul3A_313, %add3A_314 : i32
      %get3A_316 = arith.index_cast %add3A_315 : i32 to index
      %get3A_317 = tpu.vector_load %arg8[%get3A_316] {strides = array<i32>} : memref<10112xi32, #tpu.memory_space<vmem>>, vector<16xi32>,
      %swap3A_318 = arith.constant 0 : index
      %swap3A_319 = tpu.vector_load %arg13[%swap3A_318] {strides = array<i32>} : memref<16xi32, #tpu.memory_space<vmem>>, vector<16xi32>,
      tpu.vector_store %arg13[%swap3A_318], %get3A_317 {strides = array<i32>} : memref<16xi32, #tpu.memory_space<vmem>>, vector<16xi32>,
      %dma_start3A_320 = arith.constant 0 : i32
      %dma_start3A_321 = arith.constant 0 : i32
      %dma_start3A_322 = tpu.memref_slice %arg26[%dma_start3A_320, %dma_start3A_321] : memref<10240x128xf32, #tpu.memory_space<vmem_shared>> -> memref<10240x128xf32, #tpu.memory_space<vmem_shared>>
      tpu.enqueue_indirect_dma source(%arg21 : memref<16x128xf32, #tpu.memory_space<vmem>>) target(%dma_start3A_322 : memref<10240x128xf32, #tpu.memory_space<vmem_shared>>) offsets(%arg13 : memref<16xi32, #tpu.memory_space<vmem>>) semaphore(%arg39 : memref<!tpu.dma_semaphore, #tpu.memory_space<semaphore_mem>>) {add = true}
      %mul3A_323 = arith.constant 16 : i32
      %mul3A_324 = arith.muli %add3A_305, %mul3A_323 : i32
      %add3A_325 = arith.constant 0 : i32
      %add3A_326 = arith.addi %mul3A_324, %add3A_325 : i32
      %get3A_327 = arith.index_cast %add3A_326 : i32 to index
      %get3A_328 = tpu.vector_load %arg8[%get3A_327] {strides = array<i32>} : memref<10112xi32, #tpu.memory_space<vmem>>, vector<16xi32>,
      tpu.vector_store_idx %arg25[%get3A_328], %broadcast_in_dim3A_46 {add = true} : memref<10240xf32, #tpu.memory_space<vmem>>[vector<16xi32>], vector<16xf32>,
      %mul3A_329 = arith.constant 8 : i32
      %mul3A_330 = arith.muli %scan3A_78, %mul3A_329 : i32
      %add3A_331 = arith.constant 5 : i32
      %add3A_332 = arith.addi %mul3A_330, %add3A_331 : i32
      %mul3A_333 = arith.constant 16 : i32
      %mul3A_334 = arith.muli %add3A_332, %mul3A_333 : i32
      %dma_wait3A_335 = tpu.memref_slice %arg7[%mul3A_334] : memref<10112xi32, #tpu.memory_space<vmem>> -> memref<16xi32, #tpu.memory_space<vmem>>
      %dma_wait3A_336 = arith.constant 0 : i32
      %dma_wait3A_337 = arith.constant 0 : i32
      %dma_wait3A_338 = tpu.memref_slice %arg2[%dma_wait3A_336, %dma_wait3A_337] : memref<10240x128xf32, #tpu.memory_space<hbm>> -> memref<10240x128xf32, #tpu.memory_space<hbm>>
      tpu.wait_indirect_dma semaphore(%arg32 : memref<!tpu.dma_semaphore, #tpu.memory_space<semaphore_mem>>) src(%dma_wait3A_338 : memref<10240x128xf32, #tpu.memory_space<hbm>>) dst(%arg22 : memref<16x128xf32, #tpu.memory_space<vmem>>)
      %mul3A_339 = arith.constant 16 : i32
      %mul3A_340 = arith.muli %add3A_332, %mul3A_339 : i32
      %add3A_341 = arith.constant 0 : i32
      %add3A_342 = arith.addi %mul3A_340, %add3A_341 : i32
      %get3A_343 = arith.index_cast %add3A_342 : i32 to index
      %get3A_344 = tpu.vector_load %arg8[%get3A_343] {strides = array<i32>} : memref<10112xi32, #tpu.memory_space<vmem>>, vector<16xi32>,
      %swap3A_345 = arith.constant 0 : index
      %swap3A_346 = tpu.vector_load %arg14[%swap3A_345] {strides = array<i32>} : memref<16xi32, #tpu.memory_space<vmem>>, vector<16xi32>,
      tpu.vector_store %arg14[%swap3A_345], %get3A_344 {strides = array<i32>} : memref<16xi32, #tpu.memory_space<vmem>>, vector<16xi32>,
      %dma_start3A_347 = arith.constant 0 : i32
      %dma_start3A_348 = arith.constant 0 : i32
      %dma_start3A_349 = tpu.memref_slice %arg26[%dma_start3A_347, %dma_start3A_348] : memref<10240x128xf32, #tpu.memory_space<vmem_shared>> -> memref<10240x128xf32, #tpu.memory_space<vmem_shared>>
      tpu.enqueue_indirect_dma source(%arg22 : memref<16x128xf32, #tpu.memory_space<vmem>>) target(%dma_start3A_349 : memref<10240x128xf32, #tpu.memory_space<vmem_shared>>) offsets(%arg14 : memref<16xi32, #tpu.memory_space<vmem>>) semaphore(%arg40 : memref<!tpu.dma_semaphore, #tpu.memory_space<semaphore_mem>>) {add = true}
      %mul3A_350 = arith.constant 16 : i32
      %mul3A_351 = arith.muli %add3A_332, %mul3A_350 : i32
      %add3A_352 = arith.constant 0 : i32
      %add3A_353 = arith.addi %mul3A_351, %add3A_352 : i32
      %get3A_354 = arith.index_cast %add3A_353 : i32 to index
      %get3A_355 = tpu.vector_load %arg8[%get3A_354] {strides = array<i32>} : memref<10112xi32, #tpu.memory_space<vmem>>, vector<16xi32>,
      tpu.vector_store_idx %arg25[%get3A_355], %broadcast_in_dim3A_46 {add = true} : memref<10240xf32, #tpu.memory_space<vmem>>[vector<16xi32>], vector<16xf32>,
      %mul3A_356 = arith.constant 8 : i32
      %mul3A_357 = arith.muli %scan3A_78, %mul3A_356 : i32
      %add3A_358 = arith.constant 6 : i32
      %add3A_359 = arith.addi %mul3A_357, %add3A_358 : i32
      %mul3A_360 = arith.constant 16 : i32
      %mul3A_361 = arith.muli %add3A_359, %mul3A_360 : i32
      %dma_wait3A_362 = tpu.memref_slice %arg7[%mul3A_361] : memref<10112xi32, #tpu.memory_space<vmem>> -> memref<16xi32, #tpu.memory_space<vmem>>
      %dma_wait3A_363 = arith.constant 0 : i32
      %dma_wait3A_364 = arith.constant 0 : i32
      %dma_wait3A_365 = tpu.memref_slice %arg2[%dma_wait3A_363, %dma_wait3A_364] : memref<10240x128xf32, #tpu.memory_space<hbm>> -> memref<10240x128xf32, #tpu.memory_space<hbm>>
      tpu.wait_indirect_dma semaphore(%arg33 : memref<!tpu.dma_semaphore, #tpu.memory_space<semaphore_mem>>) src(%dma_wait3A_365 : memref<10240x128xf32, #tpu.memory_space<hbm>>) dst(%arg23 : memref<16x128xf32, #tpu.memory_space<vmem>>)
      %mul3A_366 = arith.constant 16 : i32
      %mul3A_367 = arith.muli %add3A_359, %mul3A_366 : i32
      %add3A_368 = arith.constant 0 : i32
      %add3A_369 = arith.addi %mul3A_367, %add3A_368 : i32
      %get3A_370 = arith.index_cast %add3A_369 : i32 to index
      %get3A_371 = tpu.vector_load %arg8[%get3A_370] {strides = array<i32>} : memref<10112xi32, #tpu.memory_space<vmem>>, vector<16xi32>,
      %swap3A_372 = arith.constant 0 : index
      %swap3A_373 = tpu.vector_load %arg15[%swap3A_372] {strides = array<i32>} : memref<16xi32, #tpu.memory_space<vmem>>, vector<16xi32>,
      tpu.vector_store %arg15[%swap3A_372], %get3A_371 {strides = array<i32>} : memref<16xi32, #tpu.memory_space<vmem>>, vector<16xi32>,
      %dma_start3A_374 = arith.constant 0 : i32
      %dma_start3A_375 = arith.constant 0 : i32
      %dma_start3A_376 = tpu.memref_slice %arg26[%dma_start3A_374, %dma_start3A_375] : memref<10240x128xf32, #tpu.memory_space<vmem_shared>> -> memref<10240x128xf32, #tpu.memory_space<vmem_shared>>
      tpu.enqueue_indirect_dma source(%arg23 : memref<16x128xf32, #tpu.memory_space<vmem>>) target(%dma_start3A_376 : memref<10240x128xf32, #tpu.memory_space<vmem_shared>>) offsets(%arg15 : memref<16xi32, #tpu.memory_space<vmem>>) semaphore(%arg41 : memref<!tpu.dma_semaphore, #tpu.memory_space<semaphore_mem>>) {add = true}
      %mul3A_377 = arith.constant 16 : i32
      %mul3A_378 = arith.muli %add3A_359, %mul3A_377 : i32
      %add3A_379 = arith.constant 0 : i32
      %add3A_380 = arith.addi %mul3A_378, %add3A_379 : i32
      %get3A_381 = arith.index_cast %add3A_380 : i32 to index
      %get3A_382 = tpu.vector_load %arg8[%get3A_381] {strides = array<i32>} : memref<10112xi32, #tpu.memory_space<vmem>>, vector<16xi32>,
      tpu.vector_store_idx %arg25[%get3A_382], %broadcast_in_dim3A_46 {add = true} : memref<10240xf32, #tpu.memory_space<vmem>>[vector<16xi32>], vector<16xf32>,
      %mul3A_383 = arith.constant 8 : i32
      %mul3A_384 = arith.muli %scan3A_78, %mul3A_383 : i32
      %add3A_385 = arith.constant 7 : i32
      %add3A_386 = arith.addi %mul3A_384, %add3A_385 : i32
      %mul3A_387 = arith.constant 16 : i32
      %mul3A_388 = arith.muli %add3A_386, %mul3A_387 : i32
      %dma_wait3A_389 = tpu.memref_slice %arg7[%mul3A_388] : memref<10112xi32, #tpu.memory_space<vmem>> -> memref<16xi32, #tpu.memory_space<vmem>>
      %dma_wait3A_390 = arith.constant 0 : i32
      %dma_wait3A_391 = arith.constant 0 : i32
      %dma_wait3A_392 = tpu.memref_slice %arg2[%dma_wait3A_390, %dma_wait3A_391] : memref<10240x128xf32, #tpu.memory_space<hbm>> -> memref<10240x128xf32, #tpu.memory_space<hbm>>
      tpu.wait_indirect_dma semaphore(%arg34 : memref<!tpu.dma_semaphore, #tpu.memory_space<semaphore_mem>>) src(%dma_wait3A_392 : memref<10240x128xf32, #tpu.memory_space<hbm>>) dst(%arg24 : memref<16x128xf32, #tpu.memory_space<vmem>>)
      %mul3A_393 = arith.constant 16 : i32
      %mul3A_394 = arith.muli %add3A_386, %mul3A_393 : i32
      %add3A_395 = arith.constant 0 : i32
      %add3A_396 = arith.addi %mul3A_394, %add3A_395 : i32
      %get3A_397 = arith.index_cast %add3A_396 : i32 to index
      %get3A_398 = tpu.vector_load %arg8[%get3A_397] {strides = array<i32>} : memref<10112xi32, #tpu.memory_space<vmem>>, vector<16xi32>,
      %swap3A_399 = arith.constant 0 : index
      %swap3A_400 = tpu.vector_load %arg16[%swap3A_399] {strides = array<i32>} : memref<16xi32, #tpu.memory_space<vmem>>, vector<16xi32>,
      tpu.vector_store %arg16[%swap3A_399], %get3A_398 {strides = array<i32>} : memref<16xi32, #tpu.memory_space<vmem>>, vector<16xi32>,
      %dma_start3A_401 = arith.constant 0 : i32
      %dma_start3A_402 = arith.constant 0 : i32
      %dma_start3A_403 = tpu.memref_slice %arg26[%dma_start3A_401, %dma_start3A_402] : memref<10240x128xf32, #tpu.memory_space<vmem_shared>> -> memref<10240x128xf32, #tpu.memory_space<vmem_shared>>
      tpu.enqueue_indirect_dma source(%arg24 : memref<16x128xf32, #tpu.memory_space<vmem>>) target(%dma_start3A_403 : memref<10240x128xf32, #tpu.memory_space<vmem_shared>>) offsets(%arg16 : memref<16xi32, #tpu.memory_space<vmem>>) semaphore(%arg42 : memref<!tpu.dma_semaphore, #tpu.memory_space<semaphore_mem>>) {add = true}
      %mul3A_404 = arith.constant 16 : i32
      %mul3A_405 = arith.muli %add3A_386, %mul3A_404 : i32
      %add3A_406 = arith.constant 0 : i32
      %add3A_407 = arith.addi %mul3A_405, %add3A_406 : i32
      %get3A_408 = arith.index_cast %add3A_407 : i32 to index
      %get3A_409 = tpu.vector_load %arg8[%get3A_408] {strides = array<i32>} : memref<10112xi32, #tpu.memory_space<vmem>>, vector<16xi32>,
      tpu.vector_store_idx %arg25[%get3A_409], %broadcast_in_dim3A_46 {add = true} : memref<10240xf32, #tpu.memory_space<vmem>>[vector<16xi32>], vector<16xf32>,
    }
    %scan3A_52 = arith.constant 79 : i32
    %dma_wait3A_53 = arith.constant 0 : i32
    %dma_wait3A_54 = arith.constant 0 : i32
    %dma_wait3A_55 = tpu.memref_slice %arg26[%dma_wait3A_53, %dma_wait3A_54] : memref<10240x128xf32, #tpu.memory_space<vmem_shared>> -> memref<10240x128xf32, #tpu.memory_space<vmem_shared>>
    tpu.wait_indirect_dma semaphore(%arg35 : memref<!tpu.dma_semaphore, #tpu.memory_space<semaphore_mem>>) src(%arg17 : memref<16x128xf32, #tpu.memory_space<vmem>>) dst(%dma_wait3A_55 : memref<10240x128xf32, #tpu.memory_space<vmem_shared>>)
    %dma_wait3A_56 = arith.constant 0 : i32
    %dma_wait3A_57 = arith.constant 0 : i32
    %dma_wait3A_58 = tpu.memref_slice %arg26[%dma_wait3A_56, %dma_wait3A_57] : memref<10240x128xf32, #tpu.memory_space<vmem_shared>> -> memref<10240x128xf32, #tpu.memory_space<vmem_shared>>
    tpu.wait_indirect_dma semaphore(%arg36 : memref<!tpu.dma_semaphore, #tpu.memory_space<semaphore_mem>>) src(%arg18 : memref<16x128xf32, #tpu.memory_space<vmem>>) dst(%dma_wait3A_58 : memref<10240x128xf32, #tpu.memory_space<vmem_shared>>)
    %dma_wait3A_59 = arith.constant 0 : i32
    %dma_wait3A_60 = arith.constant 0 : i32
    %dma_wait3A_61 = tpu.memref_slice %arg26[%dma_wait3A_59, %dma_wait3A_60] : memref<10240x128xf32, #tpu.memory_space<vmem_shared>> -> memref<10240x128xf32, #tpu.memory_space<vmem_shared>>
    tpu.wait_indirect_dma semaphore(%arg37 : memref<!tpu.dma_semaphore, #tpu.memory_space<semaphore_mem>>) src(%arg19 : memref<16x128xf32, #tpu.memory_space<vmem>>) dst(%dma_wait3A_61 : memref<10240x128xf32, #tpu.memory_space<vmem_shared>>)
    %dma_wait3A_62 = arith.constant 0 : i32
    %dma_wait3A_63 = arith.constant 0 : i32
    %dma_wait3A_64 = tpu.memref_slice %arg26[%dma_wait3A_62, %dma_wait3A_63] : memref<10240x128xf32, #tpu.memory_space<vmem_shared>> -> memref<10240x128xf32, #tpu.memory_space<vmem_shared>>
    tpu.wait_indirect_dma semaphore(%arg38 : memref<!tpu.dma_semaphore, #tpu.memory_space<semaphore_mem>>) src(%arg20 : memref<16x128xf32, #tpu.memory_space<vmem>>) dst(%dma_wait3A_64 : memref<10240x128xf32, #tpu.memory_space<vmem_shared>>)
    %dma_wait3A_65 = arith.constant 0 : i32
    %dma_wait3A_66 = arith.constant 0 : i32
    %dma_wait3A_67 = tpu.memref_slice %arg26[%dma_wait3A_65, %dma_wait3A_66] : memref<10240x128xf32, #tpu.memory_space<vmem_shared>> -> memref<10240x128xf32, #tpu.memory_space<vmem_shared>>
    tpu.wait_indirect_dma semaphore(%arg39 : memref<!tpu.dma_semaphore, #tpu.memory_space<semaphore_mem>>) src(%arg21 : memref<16x128xf32, #tpu.memory_space<vmem>>) dst(%dma_wait3A_67 : memref<10240x128xf32, #tpu.memory_space<vmem_shared>>)
    %dma_wait3A_68 = arith.constant 0 : i32
    %dma_wait3A_69 = arith.constant 0 : i32
    %dma_wait3A_70 = tpu.memref_slice %arg26[%dma_wait3A_68, %dma_wait3A_69] : memref<10240x128xf32, #tpu.memory_space<vmem_shared>> -> memref<10240x128xf32, #tpu.memory_space<vmem_shared>>
    tpu.wait_indirect_dma semaphore(%arg40 : memref<!tpu.dma_semaphore, #tpu.memory_space<semaphore_mem>>) src(%arg22 : memref<16x128xf32, #tpu.memory_space<vmem>>) dst(%dma_wait3A_70 : memref<10240x128xf32, #tpu.memory_space<vmem_shared>>)
    %dma_wait3A_71 = arith.constant 0 : i32
    %dma_wait3A_72 = arith.constant 0 : i32
    %dma_wait3A_73 = tpu.memref_slice %arg26[%dma_wait3A_71, %dma_wait3A_72] : memref<10240x128xf32, #tpu.memory_space<vmem_shared>> -> memref<10240x128xf32, #tpu.memory_space<vmem_shared>>
    tpu.wait_indirect_dma semaphore(%arg41 : memref<!tpu.dma_semaphore, #tpu.memory_space<semaphore_mem>>) src(%arg23 : memref<16x128xf32, #tpu.memory_space<vmem>>) dst(%dma_wait3A_73 : memref<10240x128xf32, #tpu.memory_space<vmem_shared>>)
    %dma_wait3A_74 = arith.constant 0 : i32
    %dma_wait3A_75 = arith.constant 0 : i32
    %dma_wait3A_76 = tpu.memref_slice %arg26[%dma_wait3A_74, %dma_wait3A_75] : memref<10240x128xf32, #tpu.memory_space<vmem_shared>> -> memref<10240x128xf32, #tpu.memory_space<vmem_shared>>
    tpu.wait_indirect_dma semaphore(%arg42 : memref<!tpu.dma_semaphore, #tpu.memory_space<semaphore_mem>>) src(%arg24 : memref<16x128xf32, #tpu.memory_space<vmem>>) dst(%dma_wait3A_76 : memref<10240x128xf32, #tpu.memory_space<vmem_shared>>)
    %barrier3A_77 = arith.constant 0 : index
    tpu.barrier barrier_id(%barrier3A_77)
    "tpu.region"() ({
      %run_scoped3A = tpu.sem_alloc : memref<!tpu.dma_semaphore, #tpu.memory_space<semaphore_mem>>
      %dma_start3A_78 = arith.constant 0 : i32
      %dma_start3A_79 = tpu.memref_slice %arg5[%arg0, %mul3A_2, %dma_start3A_78] : memref<2x10240x128xf32, #tpu.memory_space<hbm>> -> memref<1x640x128xf32, #tpu.memory_space<hbm>>
      %dma_start3A_80 = tpu.memref_squeeze %dma_start3A_79 : memref<1x640x128xf32, #tpu.memory_space<hbm>> -> memref<640x128xf32, #tpu.memory_space<hbm>>
      %dma_start3A_81 = arith.constant 0 : i32
      %dma_start3A_82 = tpu.memref_slice %arg26[%mul3A_2, %dma_start3A_81] : memref<10240x128xf32, #tpu.memory_space<vmem_shared>> -> memref<640x128xf32, #tpu.memory_space<vmem_shared>>
      tpu.enqueue_dma source(%dma_start3A_82 : memref<640x128xf32, #tpu.memory_space<vmem_shared>>) target(%dma_start3A_80 : memref<640x128xf32, #tpu.memory_space<hbm>>) target_semaphore(%run_scoped3A : memref<!tpu.dma_semaphore, #tpu.memory_space<semaphore_mem>>)
      %dma_wait3A_83 = arith.constant 0 : i32
      %dma_wait3A_84 = tpu.memref_slice %arg5[%arg0, %mul3A_2, %dma_wait3A_83] : memref<2x10240x128xf32, #tpu.memory_space<hbm>> -> memref<1x640x128xf32, #tpu.memory_space<hbm>>
      %dma_wait3A_85 = tpu.memref_squeeze %dma_wait3A_84 : memref<1x640x128xf32, #tpu.memory_space<hbm>> -> memref<640x128xf32, #tpu.memory_space<hbm>>
      %dma_wait3A_86 = arith.constant 0 : i32
      %dma_wait3A_87 = tpu.memref_slice %arg26[%mul3A_2, %dma_wait3A_86] : memref<10240x128xf32, #tpu.memory_space<vmem_shared>> -> memref<640x128xf32, #tpu.memory_space<vmem_shared>>
      tpu.wait_dma2 semaphore(%run_scoped3A : memref<!tpu.dma_semaphore, #tpu.memory_space<semaphore_mem>>) src(%dma_wait3A_87 : memref<640x128xf32, #tpu.memory_space<vmem_shared>>) dst(%dma_wait3A_85 : memref<640x128xf32, #tpu.memory_space<hbm>>)
      tpu.yield
    }) : () -> ()
    "tpu.region"() ({
      %run_scoped3A = tpu.sem_alloc : memref<!tpu.dma_semaphore, #tpu.memory_space<semaphore_mem>>
      %dma_start3A_78 = arith.constant 0 : i32
      %dma_start3A_79 = tpu.memref_slice %arg6[%add3A, %dma_start3A_78] : memref<32x10240xf32, #tpu.memory_space<hbm>> -> memref<1x10240xf32, #tpu.memory_space<hbm>>
      %dma_start3A_80 = tpu.memref_squeeze %dma_start3A_79 : memref<1x10240xf32, #tpu.memory_space<hbm>> -> memref<10240xf32, #tpu.memory_space<hbm>>
      %dma_start3A_81 = arith.constant 0 : i32
      %dma_start3A_82 = tpu.memref_slice %arg6[%add3A, %dma_start3A_81] : memref<32x10240xf32, #tpu.memory_space<hbm>> -> memref<1x10240xf32, #tpu.memory_space<hbm>>
      %dma_start3A_83 = tpu.memref_squeeze %dma_start3A_82 : memref<1x10240xf32, #tpu.memory_space<hbm>> -> memref<10240xf32, #tpu.memory_space<hbm>>
      tpu.enqueue_dma source(%arg25 : memref<10240xf32, #tpu.memory_space<vmem>>) target(%dma_start3A_83 : memref<10240xf32, #tpu.memory_space<hbm>>) target_semaphore(%run_scoped3A : memref<!tpu.dma_semaphore, #tpu.memory_space<semaphore_mem>>)
      %dma_wait3A_84 = arith.constant 0 : i32
      %dma_wait3A_85 = tpu.memref_slice %arg6[%add3A, %dma_wait3A_84] : memref<32x10240xf32, #tpu.memory_space<hbm>> -> memref<1x10240xf32, #tpu.memory_space<hbm>>
      %dma_wait3A_86 = tpu.memref_squeeze %dma_wait3A_85 : memref<1x10240xf32, #tpu.memory_space<hbm>> -> memref<10240xf32, #tpu.memory_space<hbm>>
      %dma_wait3A_87 = arith.constant 0 : i32
      %dma_wait3A_88 = tpu.memref_slice %arg6[%add3A, %dma_wait3A_87] : memref<32x10240xf32, #tpu.memory_space<hbm>> -> memref<1x10240xf32, #tpu.memory_space<hbm>>
      %dma_wait3A_89 = tpu.memref_squeeze %dma_wait3A_88 : memref<1x10240xf32, #tpu.memory_space<hbm>> -> memref<10240xf32, #tpu.memory_space<hbm>>
      tpu.wait_dma2 semaphore(%run_scoped3A : memref<!tpu.dma_semaphore, #tpu.memory_space<semaphore_mem>>) src(%arg25 : memref<10240xf32, #tpu.memory_space<vmem>>) dst(%dma_wait3A_89 : memref<10240xf32, #tpu.memory_space<hbm>>)
      tpu.yield
    }) : () -> ()
    return
  }
}

#map = affine_map<(d0, d1) -> (0, 0)>
#map1 = affine_map<(d0, d1) -> (0)>
#map2 = affine_map<(d0, d1) -> (0, 0, 0)>
module attributes {stable_mosaic.version = 14 : i64} {
  func.func @agg(%arg0: i32, %arg1: i32, %arg2: memref<10240x128xf32, #tpu.memory_space<hbm>>, %arg3: memref<323584xi32, #tpu.memory_space<hbm>>, %arg4: memref<323584xi32, #tpu.memory_space<hbm>>, %arg5: memref<2x10240x128xf32, #tpu.memory_space<hbm>>, %arg6: memref<32x10240xf32, #tpu.memory_space<hbm>>, %arg7: memref<10112xi32, #tpu.memory_space<vmem>>, %arg8: memref<10112xi32, #tpu.memory_space<vmem>>, %arg9: memref<16xi32, #tpu.memory_space<vmem>>, %arg10: memref<16xi32, #tpu.memory_space<vmem>>, %arg11: memref<16xi32, #tpu.memory_space<vmem>>, %arg12: memref<16xi32, #tpu.memory_space<vmem>>, %arg13: memref<16xi32, #tpu.memory_space<vmem>>, %arg14: memref<16xi32, #tpu.memory_space<vmem>>, %arg15: memref<16xi32, #tpu.memory_space<vmem>>, %arg16: memref<16xi32, #tpu.memory_space<vmem>>, %arg17: memref<16x128xf32, #tpu.memory_space<vmem>>, %arg18: memref<16x128xf32, #tpu.memory_space<vmem>>, %arg19: memref<16x128xf32, #tpu.memory_space<vmem>>, %arg20: memref<16x128xf32, #tpu.memory_space<vmem>>, %arg21: memref<16x128xf32, #tpu.memory_space<vmem>>, %arg22: memref<16x128xf32, #tpu.memory_space<vmem>>, %arg23: memref<16x128xf32, #tpu.memory_space<vmem>>, %arg24: memref<16x128xf32, #tpu.memory_space<vmem>>, %arg25: memref<10240xf32, #tpu.memory_space<vmem>>, %arg26: memref<10240x128xf32, #tpu.memory_space<vmem_shared>>, %arg27: memref<!tpu.dma_semaphore, #tpu.memory_space<semaphore_mem>>, %arg28: memref<!tpu.dma_semaphore, #tpu.memory_space<semaphore_mem>>, %arg29: memref<!tpu.dma_semaphore, #tpu.memory_space<semaphore_mem>>, %arg30: memref<!tpu.dma_semaphore, #tpu.memory_space<semaphore_mem>>, %arg31: memref<!tpu.dma_semaphore, #tpu.memory_space<semaphore_mem>>, %arg32: memref<!tpu.dma_semaphore, #tpu.memory_space<semaphore_mem>>, %arg33: memref<!tpu.dma_semaphore, #tpu.memory_space<semaphore_mem>>, %arg34: memref<!tpu.dma_semaphore, #tpu.memory_space<semaphore_mem>>, %arg35: memref<!tpu.dma_semaphore, #tpu.memory_space<semaphore_mem>>, %arg36: memref<!tpu.dma_semaphore, #tpu.memory_space<semaphore_mem>>, %arg37: memref<!tpu.dma_semaphore, #tpu.memory_space<semaphore_mem>>, %arg38: memref<!tpu.dma_semaphore, #tpu.memory_space<semaphore_mem>>, %arg39: memref<!tpu.dma_semaphore, #tpu.memory_space<semaphore_mem>>, %arg40: memref<!tpu.dma_semaphore, #tpu.memory_space<semaphore_mem>>, %arg41: memref<!tpu.dma_semaphore, #tpu.memory_space<semaphore_mem>>, %arg42: memref<!tpu.dma_semaphore, #tpu.memory_space<semaphore_mem>>, %arg43: memref<!tpu.dma_semaphore, #tpu.memory_space<semaphore_mem>>) attributes {dimension_semantics = [#tpu.dimension_semantics<core_parallel>, #tpu.dimension_semantics<subcore_parallel>], iteration_bounds = array<i64: 2, 16>, scalar_prefetch = 0 : i64, scratch_operands = 37 : i64, tpu.core_type = #tpu.core_type<sc_vector_subcore>, window_params = [{transform_indices = #map}, {transform_indices = #map1}, {transform_indices = #map1}, {transform_indices = #map2}, {transform_indices = #map}]} {
    %mul3A = arith.constant 2 : i32
    %mul3A_0 = arith.muli %arg1, %mul3A : i32
    %add3A = arith.addi %mul3A_0, %arg0 : i32
    %mul3A_1 = arith.constant 640 : i32
    %mul3A_2 = arith.muli %arg1, %mul3A_1 : i32
    %mul3A_3 = arith.constant 632 : i32
    %mul3A_4 = arith.muli %add3A, %mul3A_3 : i32
    %mul3A_5 = arith.constant 16 : i32
    %mul3A_6 = arith.muli %mul3A_4, %mul3A_5 : i32
    %dma_start3A = tpu.memref_slice %arg4[%mul3A_6] : memref<323584xi32, #tpu.memory_space<hbm>> -> memref<10112xi32, #tpu.memory_space<hbm>>
    %dma_start3A_7 = tpu.memref_slice %arg4[%mul3A_6] : memref<323584xi32, #tpu.memory_space<hbm>> -> memref<10112xi32, #tpu.memory_space<hbm>>
    tpu.enqueue_dma source(%dma_start3A_7 : memref<10112xi32, #tpu.memory_space<hbm>>) target(%arg7 : memref<10112xi32, #tpu.memory_space<vmem>>) target_semaphore(%arg43 : memref<!tpu.dma_semaphore, #tpu.memory_space<semaphore_mem>>)
    %mul3A_8 = arith.constant 632 : i32
    %mul3A_9 = arith.muli %add3A, %mul3A_8 : i32
    %mul3A_10 = arith.constant 16 : i32
    %mul3A_11 = arith.muli %mul3A_9, %mul3A_10 : i32
    %dma_start3A_12 = tpu.memref_slice %arg3[%mul3A_11] : memref<323584xi32, #tpu.memory_space<hbm>> -> memref<10112xi32, #tpu.memory_space<hbm>>
    %dma_start3A_13 = tpu.memref_slice %arg3[%mul3A_11] : memref<323584xi32, #tpu.memory_space<hbm>> -> memref<10112xi32, #tpu.memory_space<hbm>>
    tpu.enqueue_dma source(%dma_start3A_13 : memref<10112xi32, #tpu.memory_space<hbm>>) target(%arg8 : memref<10112xi32, #tpu.memory_space<vmem>>) target_semaphore(%arg43 : memref<!tpu.dma_semaphore, #tpu.memory_space<semaphore_mem>>)
    %broadcast_in_dim3A = arith.constant 0.000000e+00 : f32
    %broadcast_in_dim3A_14 = vector.broadcast %broadcast_in_dim3A : f32 to vector<16xf32>
    %scan3A = arith.constant 0 : i32
    %scan3A_15 = arith.constant 0 : i32
    %scan3A_16 = arith.constant 128 : i32
    %scan3A_17 = arith.addi %scan3A_15, %scan3A_16 : i32
    %scan3A_18 = arith.constant 1 : i32
    scf.for %scan3A_78 = %scan3A_15 to %scan3A_17 step %scan3A_18  : i32 {
      %jit3A = arith.constant 8 : i32
      %div3A = arith.divsi %scan3A_78, %jit3A : i32
      %sign3A = arith.constant 0 : i32
      %sign3A_79 = arith.cmpi sgt, %scan3A_78, %sign3A : i32
      %sign3A_80 = arith.extui %sign3A_79 : i1 to i32
      %sign3A_81 = arith.constant 0 : i32
      %sign3A_82 = arith.cmpi slt, %scan3A_78, %sign3A_81 : i32
      %sign3A_83 = arith.extui %sign3A_82 : i1 to i32
      %sign3A_84 = arith.subi %sign3A_80, %sign3A_83 : i32
      %sign3A_85 = arith.constant 0 : i32
      %sign3A_86 = arith.cmpi sgt, %jit3A, %sign3A_85 : i32
      %sign3A_87 = arith.extui %sign3A_86 : i1 to i32
      %sign3A_88 = arith.constant 0 : i32
      %sign3A_89 = arith.cmpi slt, %jit3A, %sign3A_88 : i32
      %sign3A_90 = arith.extui %sign3A_89 : i1 to i32
      %sign3A_91 = arith.subi %sign3A_87, %sign3A_90 : i32
      %ne3A = arith.cmpi ne, %sign3A_84, %sign3A_91 : i32
      %rem3A = arith.remsi %scan3A_78, %jit3A : i32
      %ne3A_92 = arith.constant 0 : i32
      %ne3A_93 = arith.cmpi ne, %rem3A, %ne3A_92 : i32
      %and3A = arith.andi %ne3A, %ne3A_93 : i1
      %sub3A = arith.constant 1 : i32
      %sub3A_94 = arith.subi %div3A, %sub3A : i32
      %select_n3A = arith.select %and3A, %sub3A_94, %div3A : i32
      %jit3A_95 = arith.constant 8 : i32
      %eq3A = arith.constant 0 : i32
      %eq3A_96 = arith.cmpi eq, %jit3A_95, %eq3A : i32
      %jit3A_97 = arith.constant 1 : i32
      %select_n3A_98 = arith.select %eq3A_96, %jit3A_97, %jit3A_95 : i32
      %rem3A_99 = arith.remsi %scan3A_78, %select_n3A_98 : i32
      %ne3A_100 = arith.constant 0 : i32
      %ne3A_101 = arith.cmpi ne, %rem3A_99, %ne3A_100 : i32
      %lt3A = arith.constant 0 : i32
      %lt3A_102 = arith.cmpi slt, %rem3A_99, %lt3A : i32
      %lt3A_103 = arith.constant 0 : i32
      %lt3A_104 = arith.cmpi slt, %select_n3A_98, %lt3A_103 : i32
      %ne3A_105 = arith.xori %lt3A_102, %lt3A_104 : i1
      %and3A_106 = arith.andi %ne3A_105, %ne3A_101 : i1
      %add3A_107 = arith.addi %rem3A_99, %select_n3A_98 : i32
      %select_n3A_108 = arith.select %and3A_106, %add3A_107, %rem3A_99 : i32
      %mul3A_109 = arith.constant 16 : i32
      %mul3A_110 = arith.muli %select_n3A_108, %mul3A_109 : i32
      %swap3A = arith.index_cast %select_n3A : i32 to index
      %swap3A_111 = arith.index_cast %mul3A_110 : i32 to index
      %swap3A_112 = tpu.vector_load %arg17[%swap3A, %swap3A_111] {strides = array<i32>} : memref<16x128xf32, #tpu.memory_space<vmem>>, vector<16xf32>,
      tpu.vector_store %arg17[%swap3A, %swap3A_111], %broadcast_in_dim3A_14 {strides = array<i32>} : memref<16x128xf32, #tpu.memory_space<vmem>>, vector<16xf32>,
    }
    %scan3A_19 = arith.constant 128 : i32
    %scan3A_20 = arith.constant 0 : i32
    %scan3A_21 = arith.constant 0 : i32
    %scan3A_22 = arith.constant 40 : i32
    %scan3A_23 = arith.addi %scan3A_21, %scan3A_22 : i32
    %scan3A_24 = arith.constant 1 : i32
    scf.for %scan3A_78 = %scan3A_21 to %scan3A_23 step %scan3A_24  : i32 {
      %mul3A_79 = arith.constant 16 : i32
      %mul3A_80 = arith.muli %scan3A_78, %mul3A_79 : i32
      %add3A_81 = arith.addi %mul3A_2, %mul3A_80 : i32
      %dma_start3A_82 = arith.constant 0 : i32
      %dma_start3A_83 = tpu.memref_slice %arg26[%add3A_81, %dma_start3A_82] : memref<10240x128xf32, #tpu.memory_space<vmem_shared>> -> memref<16x128xf32, #tpu.memory_space<vmem_shared>>
      %dma_start3A_84 = arith.constant 0 : i32
      %dma_start3A_85 = tpu.memref_slice %arg26[%add3A_81, %dma_start3A_84] : memref<10240x128xf32, #tpu.memory_space<vmem_shared>> -> memref<16x128xf32, #tpu.memory_space<vmem_shared>>
      tpu.enqueue_dma source(%arg17 : memref<16x128xf32, #tpu.memory_space<vmem>>) target(%dma_start3A_85 : memref<16x128xf32, #tpu.memory_space<vmem_shared>>) target_semaphore(%arg27 : memref<!tpu.dma_semaphore, #tpu.memory_space<semaphore_mem>>)
    }
    %scan3A_25 = arith.constant 40 : i32
    %scan3A_26 = arith.constant 0 : i32
    %scan3A_27 = arith.constant 0 : i32
    %scan3A_28 = arith.constant 640 : i32
    %scan3A_29 = arith.addi %scan3A_27, %scan3A_28 : i32
    %scan3A_30 = arith.constant 1 : i32
    scf.for %scan3A_78 = %scan3A_27 to %scan3A_29 step %scan3A_30  : i32 {
      %mul3A_79 = arith.constant 16 : i32
      %mul3A_80 = arith.muli %scan3A_78, %mul3A_79 : i32
      %swap3A = arith.index_cast %mul3A_80 : i32 to index
      %swap3A_81 = tpu.vector_load %arg25[%swap3A] {strides = array<i32>} : memref<10240xf32, #tpu.memory_space<vmem>>, vector<16xf32>,
      tpu.vector_store %arg25[%swap3A], %broadcast_in_dim3A_14 {strides = array<i32>} : memref<10240xf32, #tpu.memory_space<vmem>>, vector<16xf32>,
    }
    %scan3A_31 = arith.constant 640 : i32
    %scan3A_32 = arith.constant 0 : i32
    %scan3A_33 = arith.constant 0 : i32
    %scan3A_34 = arith.constant 40 : i32
    %scan3A_35 = arith.addi %scan3A_33, %scan3A_34 : i32
    %scan3A_36 = arith.constant 1 : i32
    scf.for %scan3A_78 = %scan3A_33 to %scan3A_35 step %scan3A_36  : i32 {
      %dma_wait3A_79 = arith.constant 0 : i32
      %dma_wait3A_80 = tpu.memref_slice %arg26[%mul3A_2, %dma_wait3A_79] : memref<10240x128xf32, #tpu.memory_space<vmem_shared>> -> memref<16x128xf32, #tpu.memory_space<vmem_shared>>
      %dma_wait3A_81 = arith.constant 0 : i32
      %dma_wait3A_82 = tpu.memref_slice %arg26[%mul3A_2, %dma_wait3A_81] : memref<10240x128xf32, #tpu.memory_space<vmem_shared>> -> memref<16x128xf32, #tpu.memory_space<vmem_shared>>
      tpu.wait_dma2 semaphore(%arg27 : memref<!tpu.dma_semaphore, #tpu.memory_space<semaphore_mem>>) src(%arg17 : memref<16x128xf32, #tpu.memory_space<vmem>>) dst(%dma_wait3A_82 : memref<16x128xf32, #tpu.memory_space<vmem_shared>>)
    }
    %scan3A_37 = arith.constant 40 : i32
    %dma_wait3A = arith.constant 0 : i32
    %dma_wait3A_38 = tpu.memref_slice %arg4[%dma_wait3A] : memref<323584xi32, #tpu.memory_space<hbm>> -> memref<10112xi32, #tpu.memory_space<hbm>>
    %dma_wait3A_39 = arith.constant 0 : i32
    %dma_wait3A_40 = tpu.memref_slice %arg4[%dma_wait3A_39] : memref<323584xi32, #tpu.memory_space<hbm>> -> memref<10112xi32, #tpu.memory_space<hbm>>
    tpu.wait_dma2 semaphore(%arg43 : memref<!tpu.dma_semaphore, #tpu.memory_space<semaphore_mem>>) src(%dma_wait3A_40 : memref<10112xi32, #tpu.memory_space<hbm>>) dst(%arg7 : memref<10112xi32, #tpu.memory_space<vmem>>)
    %dma_wait3A_41 = arith.constant 0 : i32
    %dma_wait3A_42 = tpu.memref_slice %arg3[%dma_wait3A_41] : memref<323584xi32, #tpu.memory_space<hbm>> -> memref<10112xi32, #tpu.memory_space<hbm>>
    %dma_wait3A_43 = arith.constant 0 : i32
    %dma_wait3A_44 = tpu.memref_slice %arg3[%dma_wait3A_43] : memref<323584xi32, #tpu.memory_space<hbm>> -> memref<10112xi32, #tpu.memory_space<hbm>>
    tpu.wait_dma2 semaphore(%arg43 : memref<!tpu.dma_semaphore, #tpu.memory_space<semaphore_mem>>) src(%dma_wait3A_44 : memref<10112xi32, #tpu.memory_space<hbm>>) dst(%arg8 : memref<10112xi32, #tpu.memory_space<vmem>>)
    %barrier3A = arith.constant 0 : index
    tpu.barrier barrier_id(%barrier3A)
    %broadcast_in_dim3A_45 = arith.constant 1.000000e+00 : f32
    %broadcast_in_dim3A_46 = vector.broadcast %broadcast_in_dim3A_45 : f32 to vector<16xf32>
    %scan3A_47 = arith.constant 0 : i32
    %scan3A_48 = arith.constant 0 : i32
    %scan3A_49 = arith.constant 79 : i32
    %scan3A_50 = arith.addi %scan3A_48, %scan3A_49 : i32
    %scan3A_51 = arith.constant 1 : i32
    scf.for %scan3A_78 = %scan3A_48 to %scan3A_50 step %scan3A_51  : i32 {
      %gt3A = arith.constant 0 : i32
      %gt3A_79 = arith.cmpi sgt, %scan3A_78, %gt3A : i32
      %convert_element_type3A = arith.extui %gt3A_79 : i1 to i32
      %cond3A = arith.constant 0 : i32
      %cond3A_80 = arith.cmpi ne, %convert_element_type3A, %cond3A : i32
      scf.if %cond3A_80 {
        %mul3A_410 = arith.constant 8 : i32
        %mul3A_411 = arith.muli %scan3A_78, %mul3A_410 : i32
        %add3A_412 = arith.constant 0 : i32
        %add3A_413 = arith.addi %mul3A_411, %add3A_412 : i32
        %sub3A = arith.constant 8 : i32
        %sub3A_414 = arith.subi %add3A_413, %sub3A : i32
        %dma_wait3A_415 = arith.constant 0 : i32
        %dma_wait3A_416 = arith.constant 0 : i32
        %dma_wait3A_417 = tpu.memref_slice %arg26[%dma_wait3A_415, %dma_wait3A_416] : memref<10240x128xf32, #tpu.memory_space<vmem_shared>> -> memref<10240x128xf32, #tpu.memory_space<vmem_shared>>
        tpu.wait_indirect_dma semaphore(%arg35 : memref<!tpu.dma_semaphore, #tpu.memory_space<semaphore_mem>>) src(%arg17 : memref<16x128xf32, #tpu.memory_space<vmem>>) dst(%dma_wait3A_417 : memref<10240x128xf32, #tpu.memory_space<vmem_shared>>)
      } else {
      }
      %mul3A_81 = arith.constant 8 : i32
      %mul3A_82 = arith.muli %scan3A_78, %mul3A_81 : i32
      %add3A_83 = arith.constant 0 : i32
      %add3A_84 = arith.addi %mul3A_82, %add3A_83 : i32
      %mul3A_85 = arith.constant 16 : i32
      %mul3A_86 = arith.muli %add3A_84, %mul3A_85 : i32
      %dma_start3A_87 = tpu.memref_slice %arg7[%mul3A_86] : memref<10112xi32, #tpu.memory_space<vmem>> -> memref<16xi32, #tpu.memory_space<vmem>>
      %dma_start3A_88 = arith.constant 0 : i32
      %dma_start3A_89 = arith.constant 0 : i32
      %dma_start3A_90 = tpu.memref_slice %arg2[%dma_start3A_88, %dma_start3A_89] : memref<10240x128xf32, #tpu.memory_space<hbm>> -> memref<10240x128xf32, #tpu.memory_space<hbm>>
      tpu.enqueue_indirect_dma source(%dma_start3A_90 : memref<10240x128xf32, #tpu.memory_space<hbm>>) target(%arg17 : memref<16x128xf32, #tpu.memory_space<vmem>>) offsets(%dma_start3A_87 : memref<16xi32, #tpu.memory_space<vmem>>) semaphore(%arg27 : memref<!tpu.dma_semaphore, #tpu.memory_space<semaphore_mem>>)
      %gt3A_91 = arith.constant 0 : i32
      %gt3A_92 = arith.cmpi sgt, %scan3A_78, %gt3A_91 : i32
      %convert_element_type3A_93 = arith.extui %gt3A_92 : i1 to i32
      %cond3A_94 = arith.constant 0 : i32
      %cond3A_95 = arith.cmpi ne, %convert_element_type3A_93, %cond3A_94 : i32
      scf.if %cond3A_95 {
        %mul3A_410 = arith.constant 8 : i32
        %mul3A_411 = arith.muli %scan3A_78, %mul3A_410 : i32
        %add3A_412 = arith.constant 1 : i32
        %add3A_413 = arith.addi %mul3A_411, %add3A_412 : i32
        %sub3A = arith.constant 8 : i32
        %sub3A_414 = arith.subi %add3A_413, %sub3A : i32
        %dma_wait3A_415 = arith.constant 0 : i32
        %dma_wait3A_416 = arith.constant 0 : i32
        %dma_wait3A_417 = tpu.memref_slice %arg26[%dma_wait3A_415, %dma_wait3A_416] : memref<10240x128xf32, #tpu.memory_space<vmem_shared>> -> memref<10240x128xf32, #tpu.memory_space<vmem_shared>>
        tpu.wait_indirect_dma semaphore(%arg36 : memref<!tpu.dma_semaphore, #tpu.memory_space<semaphore_mem>>) src(%arg18 : memref<16x128xf32, #tpu.memory_space<vmem>>) dst(%dma_wait3A_417 : memref<10240x128xf32, #tpu.memory_space<vmem_shared>>)
      } else {
      }
      %mul3A_96 = arith.constant 8 : i32
      %mul3A_97 = arith.muli %scan3A_78, %mul3A_96 : i32
      %add3A_98 = arith.constant 1 : i32
      %add3A_99 = arith.addi %mul3A_97, %add3A_98 : i32
      %mul3A_100 = arith.constant 16 : i32
      %mul3A_101 = arith.muli %add3A_99, %mul3A_100 : i32
      %dma_start3A_102 = tpu.memref_slice %arg7[%mul3A_101] : memref<10112xi32, #tpu.memory_space<vmem>> -> memref<16xi32, #tpu.memory_space<vmem>>
      %dma_start3A_103 = arith.constant 0 : i32
      %dma_start3A_104 = arith.constant 0 : i32
      %dma_start3A_105 = tpu.memref_slice %arg2[%dma_start3A_103, %dma_start3A_104] : memref<10240x128xf32, #tpu.memory_space<hbm>> -> memref<10240x128xf32, #tpu.memory_space<hbm>>
      tpu.enqueue_indirect_dma source(%dma_start3A_105 : memref<10240x128xf32, #tpu.memory_space<hbm>>) target(%arg18 : memref<16x128xf32, #tpu.memory_space<vmem>>) offsets(%dma_start3A_102 : memref<16xi32, #tpu.memory_space<vmem>>) semaphore(%arg28 : memref<!tpu.dma_semaphore, #tpu.memory_space<semaphore_mem>>)
      %gt3A_106 = arith.constant 0 : i32
      %gt3A_107 = arith.cmpi sgt, %scan3A_78, %gt3A_106 : i32
      %convert_element_type3A_108 = arith.extui %gt3A_107 : i1 to i32
      %cond3A_109 = arith.constant 0 : i32
      %cond3A_110 = arith.cmpi ne, %convert_element_type3A_108, %cond3A_109 : i32
      scf.if %cond3A_110 {
        %mul3A_410 = arith.constant 8 : i32
        %mul3A_411 = arith.muli %scan3A_78, %mul3A_410 : i32
        %add3A_412 = arith.constant 2 : i32
        %add3A_413 = arith.addi %mul3A_411, %add3A_412 : i32
        %sub3A = arith.constant 8 : i32
        %sub3A_414 = arith.subi %add3A_413, %sub3A : i32
        %dma_wait3A_415 = arith.constant 0 : i32
        %dma_wait3A_416 = arith.constant 0 : i32
        %dma_wait3A_417 = tpu.memref_slice %arg26[%dma_wait3A_415, %dma_wait3A_416] : memref<10240x128xf32, #tpu.memory_space<vmem_shared>> -> memref<10240x128xf32, #tpu.memory_space<vmem_shared>>
        tpu.wait_indirect_dma semaphore(%arg37 : memref<!tpu.dma_semaphore, #tpu.memory_space<semaphore_mem>>) src(%arg19 : memref<16x128xf32, #tpu.memory_space<vmem>>) dst(%dma_wait3A_417 : memref<10240x128xf32, #tpu.memory_space<vmem_shared>>)
      } else {
      }
      %mul3A_111 = arith.constant 8 : i32
      %mul3A_112 = arith.muli %scan3A_78, %mul3A_111 : i32
      %add3A_113 = arith.constant 2 : i32
      %add3A_114 = arith.addi %mul3A_112, %add3A_113 : i32
      %mul3A_115 = arith.constant 16 : i32
      %mul3A_116 = arith.muli %add3A_114, %mul3A_115 : i32
      %dma_start3A_117 = tpu.memref_slice %arg7[%mul3A_116] : memref<10112xi32, #tpu.memory_space<vmem>> -> memref<16xi32, #tpu.memory_space<vmem>>
      %dma_start3A_118 = arith.constant 0 : i32
      %dma_start3A_119 = arith.constant 0 : i32
      %dma_start3A_120 = tpu.memref_slice %arg2[%dma_start3A_118, %dma_start3A_119] : memref<10240x128xf32, #tpu.memory_space<hbm>> -> memref<10240x128xf32, #tpu.memory_space<hbm>>
      tpu.enqueue_indirect_dma source(%dma_start3A_120 : memref<10240x128xf32, #tpu.memory_space<hbm>>) target(%arg19 : memref<16x128xf32, #tpu.memory_space<vmem>>) offsets(%dma_start3A_117 : memref<16xi32, #tpu.memory_space<vmem>>) semaphore(%arg29 : memref<!tpu.dma_semaphore, #tpu.memory_space<semaphore_mem>>)
      %gt3A_121 = arith.constant 0 : i32
      %gt3A_122 = arith.cmpi sgt, %scan3A_78, %gt3A_121 : i32
      %convert_element_type3A_123 = arith.extui %gt3A_122 : i1 to i32
      %cond3A_124 = arith.constant 0 : i32
      %cond3A_125 = arith.cmpi ne, %convert_element_type3A_123, %cond3A_124 : i32
      scf.if %cond3A_125 {
        %mul3A_410 = arith.constant 8 : i32
        %mul3A_411 = arith.muli %scan3A_78, %mul3A_410 : i32
        %add3A_412 = arith.constant 3 : i32
        %add3A_413 = arith.addi %mul3A_411, %add3A_412 : i32
        %sub3A = arith.constant 8 : i32
        %sub3A_414 = arith.subi %add3A_413, %sub3A : i32
        %dma_wait3A_415 = arith.constant 0 : i32
        %dma_wait3A_416 = arith.constant 0 : i32
        %dma_wait3A_417 = tpu.memref_slice %arg26[%dma_wait3A_415, %dma_wait3A_416] : memref<10240x128xf32, #tpu.memory_space<vmem_shared>> -> memref<10240x128xf32, #tpu.memory_space<vmem_shared>>
        tpu.wait_indirect_dma semaphore(%arg38 : memref<!tpu.dma_semaphore, #tpu.memory_space<semaphore_mem>>) src(%arg20 : memref<16x128xf32, #tpu.memory_space<vmem>>) dst(%dma_wait3A_417 : memref<10240x128xf32, #tpu.memory_space<vmem_shared>>)
      } else {
      }
      %mul3A_126 = arith.constant 8 : i32
      %mul3A_127 = arith.muli %scan3A_78, %mul3A_126 : i32
      %add3A_128 = arith.constant 3 : i32
      %add3A_129 = arith.addi %mul3A_127, %add3A_128 : i32
      %mul3A_130 = arith.constant 16 : i32
      %mul3A_131 = arith.muli %add3A_129, %mul3A_130 : i32
      %dma_start3A_132 = tpu.memref_slice %arg7[%mul3A_131] : memref<10112xi32, #tpu.memory_space<vmem>> -> memref<16xi32, #tpu.memory_space<vmem>>
      %dma_start3A_133 = arith.constant 0 : i32
      %dma_start3A_134 = arith.constant 0 : i32
      %dma_start3A_135 = tpu.memref_slice %arg2[%dma_start3A_133, %dma_start3A_134] : memref<10240x128xf32, #tpu.memory_space<hbm>> -> memref<10240x128xf32, #tpu.memory_space<hbm>>
      tpu.enqueue_indirect_dma source(%dma_start3A_135 : memref<10240x128xf32, #tpu.memory_space<hbm>>) target(%arg20 : memref<16x128xf32, #tpu.memory_space<vmem>>) offsets(%dma_start3A_132 : memref<16xi32, #tpu.memory_space<vmem>>) semaphore(%arg30 : memref<!tpu.dma_semaphore, #tpu.memory_space<semaphore_mem>>)
      %gt3A_136 = arith.constant 0 : i32
      %gt3A_137 = arith.cmpi sgt, %scan3A_78, %gt3A_136 : i32
      %convert_element_type3A_138 = arith.extui %gt3A_137 : i1 to i32
      %cond3A_139 = arith.constant 0 : i32
      %cond3A_140 = arith.cmpi ne, %convert_element_type3A_138, %cond3A_139 : i32
      scf.if %cond3A_140 {
        %mul3A_410 = arith.constant 8 : i32
        %mul3A_411 = arith.muli %scan3A_78, %mul3A_410 : i32
        %add3A_412 = arith.constant 4 : i32
        %add3A_413 = arith.addi %mul3A_411, %add3A_412 : i32
        %sub3A = arith.constant 8 : i32
        %sub3A_414 = arith.subi %add3A_413, %sub3A : i32
        %dma_wait3A_415 = arith.constant 0 : i32
        %dma_wait3A_416 = arith.constant 0 : i32
        %dma_wait3A_417 = tpu.memref_slice %arg26[%dma_wait3A_415, %dma_wait3A_416] : memref<10240x128xf32, #tpu.memory_space<vmem_shared>> -> memref<10240x128xf32, #tpu.memory_space<vmem_shared>>
        tpu.wait_indirect_dma semaphore(%arg39 : memref<!tpu.dma_semaphore, #tpu.memory_space<semaphore_mem>>) src(%arg21 : memref<16x128xf32, #tpu.memory_space<vmem>>) dst(%dma_wait3A_417 : memref<10240x128xf32, #tpu.memory_space<vmem_shared>>)
      } else {
      }
      %mul3A_141 = arith.constant 8 : i32
      %mul3A_142 = arith.muli %scan3A_78, %mul3A_141 : i32
      %add3A_143 = arith.constant 4 : i32
      %add3A_144 = arith.addi %mul3A_142, %add3A_143 : i32
      %mul3A_145 = arith.constant 16 : i32
      %mul3A_146 = arith.muli %add3A_144, %mul3A_145 : i32
      %dma_start3A_147 = tpu.memref_slice %arg7[%mul3A_146] : memref<10112xi32, #tpu.memory_space<vmem>> -> memref<16xi32, #tpu.memory_space<vmem>>
      %dma_start3A_148 = arith.constant 0 : i32
      %dma_start3A_149 = arith.constant 0 : i32
      %dma_start3A_150 = tpu.memref_slice %arg2[%dma_start3A_148, %dma_start3A_149] : memref<10240x128xf32, #tpu.memory_space<hbm>> -> memref<10240x128xf32, #tpu.memory_space<hbm>>
      tpu.enqueue_indirect_dma source(%dma_start3A_150 : memref<10240x128xf32, #tpu.memory_space<hbm>>) target(%arg21 : memref<16x128xf32, #tpu.memory_space<vmem>>) offsets(%dma_start3A_147 : memref<16xi32, #tpu.memory_space<vmem>>) semaphore(%arg31 : memref<!tpu.dma_semaphore, #tpu.memory_space<semaphore_mem>>)
      %gt3A_151 = arith.constant 0 : i32
      %gt3A_152 = arith.cmpi sgt, %scan3A_78, %gt3A_151 : i32
      %convert_element_type3A_153 = arith.extui %gt3A_152 : i1 to i32
      %cond3A_154 = arith.constant 0 : i32
      %cond3A_155 = arith.cmpi ne, %convert_element_type3A_153, %cond3A_154 : i32
      scf.if %cond3A_155 {
        %mul3A_410 = arith.constant 8 : i32
        %mul3A_411 = arith.muli %scan3A_78, %mul3A_410 : i32
        %add3A_412 = arith.constant 5 : i32
        %add3A_413 = arith.addi %mul3A_411, %add3A_412 : i32
        %sub3A = arith.constant 8 : i32
        %sub3A_414 = arith.subi %add3A_413, %sub3A : i32
        %dma_wait3A_415 = arith.constant 0 : i32
        %dma_wait3A_416 = arith.constant 0 : i32
        %dma_wait3A_417 = tpu.memref_slice %arg26[%dma_wait3A_415, %dma_wait3A_416] : memref<10240x128xf32, #tpu.memory_space<vmem_shared>> -> memref<10240x128xf32, #tpu.memory_space<vmem_shared>>
        tpu.wait_indirect_dma semaphore(%arg40 : memref<!tpu.dma_semaphore, #tpu.memory_space<semaphore_mem>>) src(%arg22 : memref<16x128xf32, #tpu.memory_space<vmem>>) dst(%dma_wait3A_417 : memref<10240x128xf32, #tpu.memory_space<vmem_shared>>)
      } else {
      }
      %mul3A_156 = arith.constant 8 : i32
      %mul3A_157 = arith.muli %scan3A_78, %mul3A_156 : i32
      %add3A_158 = arith.constant 5 : i32
      %add3A_159 = arith.addi %mul3A_157, %add3A_158 : i32
      %mul3A_160 = arith.constant 16 : i32
      %mul3A_161 = arith.muli %add3A_159, %mul3A_160 : i32
      %dma_start3A_162 = tpu.memref_slice %arg7[%mul3A_161] : memref<10112xi32, #tpu.memory_space<vmem>> -> memref<16xi32, #tpu.memory_space<vmem>>
      %dma_start3A_163 = arith.constant 0 : i32
      %dma_start3A_164 = arith.constant 0 : i32
      %dma_start3A_165 = tpu.memref_slice %arg2[%dma_start3A_163, %dma_start3A_164] : memref<10240x128xf32, #tpu.memory_space<hbm>> -> memref<10240x128xf32, #tpu.memory_space<hbm>>
      tpu.enqueue_indirect_dma source(%dma_start3A_165 : memref<10240x128xf32, #tpu.memory_space<hbm>>) target(%arg22 : memref<16x128xf32, #tpu.memory_space<vmem>>) offsets(%dma_start3A_162 : memref<16xi32, #tpu.memory_space<vmem>>) semaphore(%arg32 : memref<!tpu.dma_semaphore, #tpu.memory_space<semaphore_mem>>)
      %gt3A_166 = arith.constant 0 : i32
      %gt3A_167 = arith.cmpi sgt, %scan3A_78, %gt3A_166 : i32
      %convert_element_type3A_168 = arith.extui %gt3A_167 : i1 to i32
      %cond3A_169 = arith.constant 0 : i32
      %cond3A_170 = arith.cmpi ne, %convert_element_type3A_168, %cond3A_169 : i32
      scf.if %cond3A_170 {
        %mul3A_410 = arith.constant 8 : i32
        %mul3A_411 = arith.muli %scan3A_78, %mul3A_410 : i32
        %add3A_412 = arith.constant 6 : i32
        %add3A_413 = arith.addi %mul3A_411, %add3A_412 : i32
        %sub3A = arith.constant 8 : i32
        %sub3A_414 = arith.subi %add3A_413, %sub3A : i32
        %dma_wait3A_415 = arith.constant 0 : i32
        %dma_wait3A_416 = arith.constant 0 : i32
        %dma_wait3A_417 = tpu.memref_slice %arg26[%dma_wait3A_415, %dma_wait3A_416] : memref<10240x128xf32, #tpu.memory_space<vmem_shared>> -> memref<10240x128xf32, #tpu.memory_space<vmem_shared>>
        tpu.wait_indirect_dma semaphore(%arg41 : memref<!tpu.dma_semaphore, #tpu.memory_space<semaphore_mem>>) src(%arg23 : memref<16x128xf32, #tpu.memory_space<vmem>>) dst(%dma_wait3A_417 : memref<10240x128xf32, #tpu.memory_space<vmem_shared>>)
      } else {
      }
      %mul3A_171 = arith.constant 8 : i32
      %mul3A_172 = arith.muli %scan3A_78, %mul3A_171 : i32
      %add3A_173 = arith.constant 6 : i32
      %add3A_174 = arith.addi %mul3A_172, %add3A_173 : i32
      %mul3A_175 = arith.constant 16 : i32
      %mul3A_176 = arith.muli %add3A_174, %mul3A_175 : i32
      %dma_start3A_177 = tpu.memref_slice %arg7[%mul3A_176] : memref<10112xi32, #tpu.memory_space<vmem>> -> memref<16xi32, #tpu.memory_space<vmem>>
      %dma_start3A_178 = arith.constant 0 : i32
      %dma_start3A_179 = arith.constant 0 : i32
      %dma_start3A_180 = tpu.memref_slice %arg2[%dma_start3A_178, %dma_start3A_179] : memref<10240x128xf32, #tpu.memory_space<hbm>> -> memref<10240x128xf32, #tpu.memory_space<hbm>>
      tpu.enqueue_indirect_dma source(%dma_start3A_180 : memref<10240x128xf32, #tpu.memory_space<hbm>>) target(%arg23 : memref<16x128xf32, #tpu.memory_space<vmem>>) offsets(%dma_start3A_177 : memref<16xi32, #tpu.memory_space<vmem>>) semaphore(%arg33 : memref<!tpu.dma_semaphore, #tpu.memory_space<semaphore_mem>>)
      %gt3A_181 = arith.constant 0 : i32
      %gt3A_182 = arith.cmpi sgt, %scan3A_78, %gt3A_181 : i32
      %convert_element_type3A_183 = arith.extui %gt3A_182 : i1 to i32
      %cond3A_184 = arith.constant 0 : i32
      %cond3A_185 = arith.cmpi ne, %convert_element_type3A_183, %cond3A_184 : i32
      scf.if %cond3A_185 {
        %mul3A_410 = arith.constant 8 : i32
        %mul3A_411 = arith.muli %scan3A_78, %mul3A_410 : i32
        %add3A_412 = arith.constant 7 : i32
        %add3A_413 = arith.addi %mul3A_411, %add3A_412 : i32
        %sub3A = arith.constant 8 : i32
        %sub3A_414 = arith.subi %add3A_413, %sub3A : i32
        %dma_wait3A_415 = arith.constant 0 : i32
        %dma_wait3A_416 = arith.constant 0 : i32
        %dma_wait3A_417 = tpu.memref_slice %arg26[%dma_wait3A_415, %dma_wait3A_416] : memref<10240x128xf32, #tpu.memory_space<vmem_shared>> -> memref<10240x128xf32, #tpu.memory_space<vmem_shared>>
        tpu.wait_indirect_dma semaphore(%arg42 : memref<!tpu.dma_semaphore, #tpu.memory_space<semaphore_mem>>) src(%arg24 : memref<16x128xf32, #tpu.memory_space<vmem>>) dst(%dma_wait3A_417 : memref<10240x128xf32, #tpu.memory_space<vmem_shared>>)
      } else {
      }
      %mul3A_186 = arith.constant 8 : i32
      %mul3A_187 = arith.muli %scan3A_78, %mul3A_186 : i32
      %add3A_188 = arith.constant 7 : i32
      %add3A_189 = arith.addi %mul3A_187, %add3A_188 : i32
      %mul3A_190 = arith.constant 16 : i32
      %mul3A_191 = arith.muli %add3A_189, %mul3A_190 : i32
      %dma_start3A_192 = tpu.memref_slice %arg7[%mul3A_191] : memref<10112xi32, #tpu.memory_space<vmem>> -> memref<16xi32, #tpu.memory_space<vmem>>
      %dma_start3A_193 = arith.constant 0 : i32
      %dma_start3A_194 = arith.constant 0 : i32
      %dma_start3A_195 = tpu.memref_slice %arg2[%dma_start3A_193, %dma_start3A_194] : memref<10240x128xf32, #tpu.memory_space<hbm>> -> memref<10240x128xf32, #tpu.memory_space<hbm>>
      tpu.enqueue_indirect_dma source(%dma_start3A_195 : memref<10240x128xf32, #tpu.memory_space<hbm>>) target(%arg24 : memref<16x128xf32, #tpu.memory_space<vmem>>) offsets(%dma_start3A_192 : memref<16xi32, #tpu.memory_space<vmem>>) semaphore(%arg34 : memref<!tpu.dma_semaphore, #tpu.memory_space<semaphore_mem>>)
      %mul3A_196 = arith.constant 8 : i32
      %mul3A_197 = arith.muli %scan3A_78, %mul3A_196 : i32
      %add3A_198 = arith.constant 0 : i32
      %add3A_199 = arith.addi %mul3A_197, %add3A_198 : i32
      %mul3A_200 = arith.constant 16 : i32
      %mul3A_201 = arith.muli %add3A_199, %mul3A_200 : i32
      %dma_wait3A_202 = tpu.memref_slice %arg7[%mul3A_201] : memref<10112xi32, #tpu.memory_space<vmem>> -> memref<16xi32, #tpu.memory_space<vmem>>
      %dma_wait3A_203 = arith.constant 0 : i32
      %dma_wait3A_204 = arith.constant 0 : i32
      %dma_wait3A_205 = tpu.memref_slice %arg2[%dma_wait3A_203, %dma_wait3A_204] : memref<10240x128xf32, #tpu.memory_space<hbm>> -> memref<10240x128xf32, #tpu.memory_space<hbm>>
      tpu.wait_indirect_dma semaphore(%arg27 : memref<!tpu.dma_semaphore, #tpu.memory_space<semaphore_mem>>) src(%dma_wait3A_205 : memref<10240x128xf32, #tpu.memory_space<hbm>>) dst(%arg17 : memref<16x128xf32, #tpu.memory_space<vmem>>)
      %mul3A_206 = arith.constant 16 : i32
      %mul3A_207 = arith.muli %add3A_199, %mul3A_206 : i32
      %add3A_208 = arith.constant 0 : i32
      %add3A_209 = arith.addi %mul3A_207, %add3A_208 : i32
      %get3A = arith.index_cast %add3A_209 : i32 to index
      %get3A_210 = tpu.vector_load %arg8[%get3A] {strides = array<i32>} : memref<10112xi32, #tpu.memory_space<vmem>>, vector<16xi32>,
      %swap3A = arith.constant 0 : index
      %swap3A_211 = tpu.vector_load %arg9[%swap3A] {strides = array<i32>} : memref<16xi32, #tpu.memory_space<vmem>>, vector<16xi32>,
      tpu.vector_store %arg9[%swap3A], %get3A_210 {strides = array<i32>} : memref<16xi32, #tpu.memory_space<vmem>>, vector<16xi32>,
      %dma_start3A_212 = arith.constant 0 : i32
      %dma_start3A_213 = arith.constant 0 : i32
      %dma_start3A_214 = tpu.memref_slice %arg26[%dma_start3A_212, %dma_start3A_213] : memref<10240x128xf32, #tpu.memory_space<vmem_shared>> -> memref<10240x128xf32, #tpu.memory_space<vmem_shared>>
      tpu.enqueue_indirect_dma source(%arg17 : memref<16x128xf32, #tpu.memory_space<vmem>>) target(%dma_start3A_214 : memref<10240x128xf32, #tpu.memory_space<vmem_shared>>) offsets(%arg9 : memref<16xi32, #tpu.memory_space<vmem>>) semaphore(%arg35 : memref<!tpu.dma_semaphore, #tpu.memory_space<semaphore_mem>>) {add = true}
      %mul3A_215 = arith.constant 16 : i32
      %mul3A_216 = arith.muli %add3A_199, %mul3A_215 : i32
      %add3A_217 = arith.constant 0 : i32
      %add3A_218 = arith.addi %mul3A_216, %add3A_217 : i32
      %get3A_219 = arith.index_cast %add3A_218 : i32 to index
      %get3A_220 = tpu.vector_load %arg8[%get3A_219] {strides = array<i32>} : memref<10112xi32, #tpu.memory_space<vmem>>, vector<16xi32>,
      tpu.vector_store_idx %arg25[%get3A_220], %broadcast_in_dim3A_46 {add = true} : memref<10240xf32, #tpu.memory_space<vmem>>[vector<16xi32>], vector<16xf32>,
      %mul3A_221 = arith.constant 8 : i32
      %mul3A_222 = arith.muli %scan3A_78, %mul3A_221 : i32
      %add3A_223 = arith.constant 1 : i32
      %add3A_224 = arith.addi %mul3A_222, %add3A_223 : i32
      %mul3A_225 = arith.constant 16 : i32
      %mul3A_226 = arith.muli %add3A_224, %mul3A_225 : i32
      %dma_wait3A_227 = tpu.memref_slice %arg7[%mul3A_226] : memref<10112xi32, #tpu.memory_space<vmem>> -> memref<16xi32, #tpu.memory_space<vmem>>
      %dma_wait3A_228 = arith.constant 0 : i32
      %dma_wait3A_229 = arith.constant 0 : i32
      %dma_wait3A_230 = tpu.memref_slice %arg2[%dma_wait3A_228, %dma_wait3A_229] : memref<10240x128xf32, #tpu.memory_space<hbm>> -> memref<10240x128xf32, #tpu.memory_space<hbm>>
      tpu.wait_indirect_dma semaphore(%arg28 : memref<!tpu.dma_semaphore, #tpu.memory_space<semaphore_mem>>) src(%dma_wait3A_230 : memref<10240x128xf32, #tpu.memory_space<hbm>>) dst(%arg18 : memref<16x128xf32, #tpu.memory_space<vmem>>)
      %mul3A_231 = arith.constant 16 : i32
      %mul3A_232 = arith.muli %add3A_224, %mul3A_231 : i32
      %add3A_233 = arith.constant 0 : i32
      %add3A_234 = arith.addi %mul3A_232, %add3A_233 : i32
      %get3A_235 = arith.index_cast %add3A_234 : i32 to index
      %get3A_236 = tpu.vector_load %arg8[%get3A_235] {strides = array<i32>} : memref<10112xi32, #tpu.memory_space<vmem>>, vector<16xi32>,
      %swap3A_237 = arith.constant 0 : index
      %swap3A_238 = tpu.vector_load %arg10[%swap3A_237] {strides = array<i32>} : memref<16xi32, #tpu.memory_space<vmem>>, vector<16xi32>,
      tpu.vector_store %arg10[%swap3A_237], %get3A_236 {strides = array<i32>} : memref<16xi32, #tpu.memory_space<vmem>>, vector<16xi32>,
      %dma_start3A_239 = arith.constant 0 : i32
      %dma_start3A_240 = arith.constant 0 : i32
      %dma_start3A_241 = tpu.memref_slice %arg26[%dma_start3A_239, %dma_start3A_240] : memref<10240x128xf32, #tpu.memory_space<vmem_shared>> -> memref<10240x128xf32, #tpu.memory_space<vmem_shared>>
      tpu.enqueue_indirect_dma source(%arg18 : memref<16x128xf32, #tpu.memory_space<vmem>>) target(%dma_start3A_241 : memref<10240x128xf32, #tpu.memory_space<vmem_shared>>) offsets(%arg10 : memref<16xi32, #tpu.memory_space<vmem>>) semaphore(%arg36 : memref<!tpu.dma_semaphore, #tpu.memory_space<semaphore_mem>>) {add = true}
      %mul3A_242 = arith.constant 16 : i32
      %mul3A_243 = arith.muli %add3A_224, %mul3A_242 : i32
      %add3A_244 = arith.constant 0 : i32
      %add3A_245 = arith.addi %mul3A_243, %add3A_244 : i32
      %get3A_246 = arith.index_cast %add3A_245 : i32 to index
      %get3A_247 = tpu.vector_load %arg8[%get3A_246] {strides = array<i32>} : memref<10112xi32, #tpu.memory_space<vmem>>, vector<16xi32>,
      tpu.vector_store_idx %arg25[%get3A_247], %broadcast_in_dim3A_46 {add = true} : memref<10240xf32, #tpu.memory_space<vmem>>[vector<16xi32>], vector<16xf32>,
      %mul3A_248 = arith.constant 8 : i32
      %mul3A_249 = arith.muli %scan3A_78, %mul3A_248 : i32
      %add3A_250 = arith.constant 2 : i32
      %add3A_251 = arith.addi %mul3A_249, %add3A_250 : i32
      %mul3A_252 = arith.constant 16 : i32
      %mul3A_253 = arith.muli %add3A_251, %mul3A_252 : i32
      %dma_wait3A_254 = tpu.memref_slice %arg7[%mul3A_253] : memref<10112xi32, #tpu.memory_space<vmem>> -> memref<16xi32, #tpu.memory_space<vmem>>
      %dma_wait3A_255 = arith.constant 0 : i32
      %dma_wait3A_256 = arith.constant 0 : i32
      %dma_wait3A_257 = tpu.memref_slice %arg2[%dma_wait3A_255, %dma_wait3A_256] : memref<10240x128xf32, #tpu.memory_space<hbm>> -> memref<10240x128xf32, #tpu.memory_space<hbm>>
      tpu.wait_indirect_dma semaphore(%arg29 : memref<!tpu.dma_semaphore, #tpu.memory_space<semaphore_mem>>) src(%dma_wait3A_257 : memref<10240x128xf32, #tpu.memory_space<hbm>>) dst(%arg19 : memref<16x128xf32, #tpu.memory_space<vmem>>)
      %mul3A_258 = arith.constant 16 : i32
      %mul3A_259 = arith.muli %add3A_251, %mul3A_258 : i32
      %add3A_260 = arith.constant 0 : i32
      %add3A_261 = arith.addi %mul3A_259, %add3A_260 : i32
      %get3A_262 = arith.index_cast %add3A_261 : i32 to index
      %get3A_263 = tpu.vector_load %arg8[%get3A_262] {strides = array<i32>} : memref<10112xi32, #tpu.memory_space<vmem>>, vector<16xi32>,
      %swap3A_264 = arith.constant 0 : index
      %swap3A_265 = tpu.vector_load %arg11[%swap3A_264] {strides = array<i32>} : memref<16xi32, #tpu.memory_space<vmem>>, vector<16xi32>,
      tpu.vector_store %arg11[%swap3A_264], %get3A_263 {strides = array<i32>} : memref<16xi32, #tpu.memory_space<vmem>>, vector<16xi32>,
      %dma_start3A_266 = arith.constant 0 : i32
      %dma_start3A_267 = arith.constant 0 : i32
      %dma_start3A_268 = tpu.memref_slice %arg26[%dma_start3A_266, %dma_start3A_267] : memref<10240x128xf32, #tpu.memory_space<vmem_shared>> -> memref<10240x128xf32, #tpu.memory_space<vmem_shared>>
      tpu.enqueue_indirect_dma source(%arg19 : memref<16x128xf32, #tpu.memory_space<vmem>>) target(%dma_start3A_268 : memref<10240x128xf32, #tpu.memory_space<vmem_shared>>) offsets(%arg11 : memref<16xi32, #tpu.memory_space<vmem>>) semaphore(%arg37 : memref<!tpu.dma_semaphore, #tpu.memory_space<semaphore_mem>>) {add = true}
      %mul3A_269 = arith.constant 16 : i32
      %mul3A_270 = arith.muli %add3A_251, %mul3A_269 : i32
      %add3A_271 = arith.constant 0 : i32
      %add3A_272 = arith.addi %mul3A_270, %add3A_271 : i32
      %get3A_273 = arith.index_cast %add3A_272 : i32 to index
      %get3A_274 = tpu.vector_load %arg8[%get3A_273] {strides = array<i32>} : memref<10112xi32, #tpu.memory_space<vmem>>, vector<16xi32>,
      tpu.vector_store_idx %arg25[%get3A_274], %broadcast_in_dim3A_46 {add = true} : memref<10240xf32, #tpu.memory_space<vmem>>[vector<16xi32>], vector<16xf32>,
      %mul3A_275 = arith.constant 8 : i32
      %mul3A_276 = arith.muli %scan3A_78, %mul3A_275 : i32
      %add3A_277 = arith.constant 3 : i32
      %add3A_278 = arith.addi %mul3A_276, %add3A_277 : i32
      %mul3A_279 = arith.constant 16 : i32
      %mul3A_280 = arith.muli %add3A_278, %mul3A_279 : i32
      %dma_wait3A_281 = tpu.memref_slice %arg7[%mul3A_280] : memref<10112xi32, #tpu.memory_space<vmem>> -> memref<16xi32, #tpu.memory_space<vmem>>
      %dma_wait3A_282 = arith.constant 0 : i32
      %dma_wait3A_283 = arith.constant 0 : i32
      %dma_wait3A_284 = tpu.memref_slice %arg2[%dma_wait3A_282, %dma_wait3A_283] : memref<10240x128xf32, #tpu.memory_space<hbm>> -> memref<10240x128xf32, #tpu.memory_space<hbm>>
      tpu.wait_indirect_dma semaphore(%arg30 : memref<!tpu.dma_semaphore, #tpu.memory_space<semaphore_mem>>) src(%dma_wait3A_284 : memref<10240x128xf32, #tpu.memory_space<hbm>>) dst(%arg20 : memref<16x128xf32, #tpu.memory_space<vmem>>)
      %mul3A_285 = arith.constant 16 : i32
      %mul3A_286 = arith.muli %add3A_278, %mul3A_285 : i32
      %add3A_287 = arith.constant 0 : i32
      %add3A_288 = arith.addi %mul3A_286, %add3A_287 : i32
      %get3A_289 = arith.index_cast %add3A_288 : i32 to index
      %get3A_290 = tpu.vector_load %arg8[%get3A_289] {strides = array<i32>} : memref<10112xi32, #tpu.memory_space<vmem>>, vector<16xi32>,
      %swap3A_291 = arith.constant 0 : index
      %swap3A_292 = tpu.vector_load %arg12[%swap3A_291] {strides = array<i32>} : memref<16xi32, #tpu.memory_space<vmem>>, vector<16xi32>,
      tpu.vector_store %arg12[%swap3A_291], %get3A_290 {strides = array<i32>} : memref<16xi32, #tpu.memory_space<vmem>>, vector<16xi32>,
      %dma_start3A_293 = arith.constant 0 : i32
      %dma_start3A_294 = arith.constant 0 : i32
      %dma_start3A_295 = tpu.memref_slice %arg26[%dma_start3A_293, %dma_start3A_294] : memref<10240x128xf32, #tpu.memory_space<vmem_shared>> -> memref<10240x128xf32, #tpu.memory_space<vmem_shared>>
      tpu.enqueue_indirect_dma source(%arg20 : memref<16x128xf32, #tpu.memory_space<vmem>>) target(%dma_start3A_295 : memref<10240x128xf32, #tpu.memory_space<vmem_shared>>) offsets(%arg12 : memref<16xi32, #tpu.memory_space<vmem>>) semaphore(%arg38 : memref<!tpu.dma_semaphore, #tpu.memory_space<semaphore_mem>>) {add = true}
      %mul3A_296 = arith.constant 16 : i32
      %mul3A_297 = arith.muli %add3A_278, %mul3A_296 : i32
      %add3A_298 = arith.constant 0 : i32
      %add3A_299 = arith.addi %mul3A_297, %add3A_298 : i32
      %get3A_300 = arith.index_cast %add3A_299 : i32 to index
      %get3A_301 = tpu.vector_load %arg8[%get3A_300] {strides = array<i32>} : memref<10112xi32, #tpu.memory_space<vmem>>, vector<16xi32>,
      tpu.vector_store_idx %arg25[%get3A_301], %broadcast_in_dim3A_46 {add = true} : memref<10240xf32, #tpu.memory_space<vmem>>[vector<16xi32>], vector<16xf32>,
      %mul3A_302 = arith.constant 8 : i32
      %mul3A_303 = arith.muli %scan3A_78, %mul3A_302 : i32
      %add3A_304 = arith.constant 4 : i32
      %add3A_305 = arith.addi %mul3A_303, %add3A_304 : i32
      %mul3A_306 = arith.constant 16 : i32
      %mul3A_307 = arith.muli %add3A_305, %mul3A_306 : i32
      %dma_wait3A_308 = tpu.memref_slice %arg7[%mul3A_307] : memref<10112xi32, #tpu.memory_space<vmem>> -> memref<16xi32, #tpu.memory_space<vmem>>
      %dma_wait3A_309 = arith.constant 0 : i32
      %dma_wait3A_310 = arith.constant 0 : i32
      %dma_wait3A_311 = tpu.memref_slice %arg2[%dma_wait3A_309, %dma_wait3A_310] : memref<10240x128xf32, #tpu.memory_space<hbm>> -> memref<10240x128xf32, #tpu.memory_space<hbm>>
      tpu.wait_indirect_dma semaphore(%arg31 : memref<!tpu.dma_semaphore, #tpu.memory_space<semaphore_mem>>) src(%dma_wait3A_311 : memref<10240x128xf32, #tpu.memory_space<hbm>>) dst(%arg21 : memref<16x128xf32, #tpu.memory_space<vmem>>)
      %mul3A_312 = arith.constant 16 : i32
      %mul3A_313 = arith.muli %add3A_305, %mul3A_312 : i32
      %add3A_314 = arith.constant 0 : i32
      %add3A_315 = arith.addi %mul3A_313, %add3A_314 : i32
      %get3A_316 = arith.index_cast %add3A_315 : i32 to index
      %get3A_317 = tpu.vector_load %arg8[%get3A_316] {strides = array<i32>} : memref<10112xi32, #tpu.memory_space<vmem>>, vector<16xi32>,
      %swap3A_318 = arith.constant 0 : index
      %swap3A_319 = tpu.vector_load %arg13[%swap3A_318] {strides = array<i32>} : memref<16xi32, #tpu.memory_space<vmem>>, vector<16xi32>,
      tpu.vector_store %arg13[%swap3A_318], %get3A_317 {strides = array<i32>} : memref<16xi32, #tpu.memory_space<vmem>>, vector<16xi32>,
      %dma_start3A_320 = arith.constant 0 : i32
      %dma_start3A_321 = arith.constant 0 : i32
      %dma_start3A_322 = tpu.memref_slice %arg26[%dma_start3A_320, %dma_start3A_321] : memref<10240x128xf32, #tpu.memory_space<vmem_shared>> -> memref<10240x128xf32, #tpu.memory_space<vmem_shared>>
      tpu.enqueue_indirect_dma source(%arg21 : memref<16x128xf32, #tpu.memory_space<vmem>>) target(%dma_start3A_322 : memref<10240x128xf32, #tpu.memory_space<vmem_shared>>) offsets(%arg13 : memref<16xi32, #tpu.memory_space<vmem>>) semaphore(%arg39 : memref<!tpu.dma_semaphore, #tpu.memory_space<semaphore_mem>>) {add = true}
      %mul3A_323 = arith.constant 16 : i32
      %mul3A_324 = arith.muli %add3A_305, %mul3A_323 : i32
      %add3A_325 = arith.constant 0 : i32
      %add3A_326 = arith.addi %mul3A_324, %add3A_325 : i32
      %get3A_327 = arith.index_cast %add3A_326 : i32 to index
      %get3A_328 = tpu.vector_load %arg8[%get3A_327] {strides = array<i32>} : memref<10112xi32, #tpu.memory_space<vmem>>, vector<16xi32>,
      tpu.vector_store_idx %arg25[%get3A_328], %broadcast_in_dim3A_46 {add = true} : memref<10240xf32, #tpu.memory_space<vmem>>[vector<16xi32>], vector<16xf32>,
      %mul3A_329 = arith.constant 8 : i32
      %mul3A_330 = arith.muli %scan3A_78, %mul3A_329 : i32
      %add3A_331 = arith.constant 5 : i32
      %add3A_332 = arith.addi %mul3A_330, %add3A_331 : i32
      %mul3A_333 = arith.constant 16 : i32
      %mul3A_334 = arith.muli %add3A_332, %mul3A_333 : i32
      %dma_wait3A_335 = tpu.memref_slice %arg7[%mul3A_334] : memref<10112xi32, #tpu.memory_space<vmem>> -> memref<16xi32, #tpu.memory_space<vmem>>
      %dma_wait3A_336 = arith.constant 0 : i32
      %dma_wait3A_337 = arith.constant 0 : i32
      %dma_wait3A_338 = tpu.memref_slice %arg2[%dma_wait3A_336, %dma_wait3A_337] : memref<10240x128xf32, #tpu.memory_space<hbm>> -> memref<10240x128xf32, #tpu.memory_space<hbm>>
      tpu.wait_indirect_dma semaphore(%arg32 : memref<!tpu.dma_semaphore, #tpu.memory_space<semaphore_mem>>) src(%dma_wait3A_338 : memref<10240x128xf32, #tpu.memory_space<hbm>>) dst(%arg22 : memref<16x128xf32, #tpu.memory_space<vmem>>)
      %mul3A_339 = arith.constant 16 : i32
      %mul3A_340 = arith.muli %add3A_332, %mul3A_339 : i32
      %add3A_341 = arith.constant 0 : i32
      %add3A_342 = arith.addi %mul3A_340, %add3A_341 : i32
      %get3A_343 = arith.index_cast %add3A_342 : i32 to index
      %get3A_344 = tpu.vector_load %arg8[%get3A_343] {strides = array<i32>} : memref<10112xi32, #tpu.memory_space<vmem>>, vector<16xi32>,
      %swap3A_345 = arith.constant 0 : index
      %swap3A_346 = tpu.vector_load %arg14[%swap3A_345] {strides = array<i32>} : memref<16xi32, #tpu.memory_space<vmem>>, vector<16xi32>,
      tpu.vector_store %arg14[%swap3A_345], %get3A_344 {strides = array<i32>} : memref<16xi32, #tpu.memory_space<vmem>>, vector<16xi32>,
      %dma_start3A_347 = arith.constant 0 : i32
      %dma_start3A_348 = arith.constant 0 : i32
      %dma_start3A_349 = tpu.memref_slice %arg26[%dma_start3A_347, %dma_start3A_348] : memref<10240x128xf32, #tpu.memory_space<vmem_shared>> -> memref<10240x128xf32, #tpu.memory_space<vmem_shared>>
      tpu.enqueue_indirect_dma source(%arg22 : memref<16x128xf32, #tpu.memory_space<vmem>>) target(%dma_start3A_349 : memref<10240x128xf32, #tpu.memory_space<vmem_shared>>) offsets(%arg14 : memref<16xi32, #tpu.memory_space<vmem>>) semaphore(%arg40 : memref<!tpu.dma_semaphore, #tpu.memory_space<semaphore_mem>>) {add = true}
      %mul3A_350 = arith.constant 16 : i32
      %mul3A_351 = arith.muli %add3A_332, %mul3A_350 : i32
      %add3A_352 = arith.constant 0 : i32
      %add3A_353 = arith.addi %mul3A_351, %add3A_352 : i32
      %get3A_354 = arith.index_cast %add3A_353 : i32 to index
      %get3A_355 = tpu.vector_load %arg8[%get3A_354] {strides = array<i32>} : memref<10112xi32, #tpu.memory_space<vmem>>, vector<16xi32>,
      tpu.vector_store_idx %arg25[%get3A_355], %broadcast_in_dim3A_46 {add = true} : memref<10240xf32, #tpu.memory_space<vmem>>[vector<16xi32>], vector<16xf32>,
      %mul3A_356 = arith.constant 8 : i32
      %mul3A_357 = arith.muli %scan3A_78, %mul3A_356 : i32
      %add3A_358 = arith.constant 6 : i32
      %add3A_359 = arith.addi %mul3A_357, %add3A_358 : i32
      %mul3A_360 = arith.constant 16 : i32
      %mul3A_361 = arith.muli %add3A_359, %mul3A_360 : i32
      %dma_wait3A_362 = tpu.memref_slice %arg7[%mul3A_361] : memref<10112xi32, #tpu.memory_space<vmem>> -> memref<16xi32, #tpu.memory_space<vmem>>
      %dma_wait3A_363 = arith.constant 0 : i32
      %dma_wait3A_364 = arith.constant 0 : i32
      %dma_wait3A_365 = tpu.memref_slice %arg2[%dma_wait3A_363, %dma_wait3A_364] : memref<10240x128xf32, #tpu.memory_space<hbm>> -> memref<10240x128xf32, #tpu.memory_space<hbm>>
      tpu.wait_indirect_dma semaphore(%arg33 : memref<!tpu.dma_semaphore, #tpu.memory_space<semaphore_mem>>) src(%dma_wait3A_365 : memref<10240x128xf32, #tpu.memory_space<hbm>>) dst(%arg23 : memref<16x128xf32, #tpu.memory_space<vmem>>)
      %mul3A_366 = arith.constant 16 : i32
      %mul3A_367 = arith.muli %add3A_359, %mul3A_366 : i32
      %add3A_368 = arith.constant 0 : i32
      %add3A_369 = arith.addi %mul3A_367, %add3A_368 : i32
      %get3A_370 = arith.index_cast %add3A_369 : i32 to index
      %get3A_371 = tpu.vector_load %arg8[%get3A_370] {strides = array<i32>} : memref<10112xi32, #tpu.memory_space<vmem>>, vector<16xi32>,
      %swap3A_372 = arith.constant 0 : index
      %swap3A_373 = tpu.vector_load %arg15[%swap3A_372] {strides = array<i32>} : memref<16xi32, #tpu.memory_space<vmem>>, vector<16xi32>,
      tpu.vector_store %arg15[%swap3A_372], %get3A_371 {strides = array<i32>} : memref<16xi32, #tpu.memory_space<vmem>>, vector<16xi32>,
      %dma_start3A_374 = arith.constant 0 : i32
      %dma_start3A_375 = arith.constant 0 : i32
      %dma_start3A_376 = tpu.memref_slice %arg26[%dma_start3A_374, %dma_start3A_375] : memref<10240x128xf32, #tpu.memory_space<vmem_shared>> -> memref<10240x128xf32, #tpu.memory_space<vmem_shared>>
      tpu.enqueue_indirect_dma source(%arg23 : memref<16x128xf32, #tpu.memory_space<vmem>>) target(%dma_start3A_376 : memref<10240x128xf32, #tpu.memory_space<vmem_shared>>) offsets(%arg15 : memref<16xi32, #tpu.memory_space<vmem>>) semaphore(%arg41 : memref<!tpu.dma_semaphore, #tpu.memory_space<semaphore_mem>>) {add = true}
      %mul3A_377 = arith.constant 16 : i32
      %mul3A_378 = arith.muli %add3A_359, %mul3A_377 : i32
      %add3A_379 = arith.constant 0 : i32
      %add3A_380 = arith.addi %mul3A_378, %add3A_379 : i32
      %get3A_381 = arith.index_cast %add3A_380 : i32 to index
      %get3A_382 = tpu.vector_load %arg8[%get3A_381] {strides = array<i32>} : memref<10112xi32, #tpu.memory_space<vmem>>, vector<16xi32>,
      tpu.vector_store_idx %arg25[%get3A_382], %broadcast_in_dim3A_46 {add = true} : memref<10240xf32, #tpu.memory_space<vmem>>[vector<16xi32>], vector<16xf32>,
      %mul3A_383 = arith.constant 8 : i32
      %mul3A_384 = arith.muli %scan3A_78, %mul3A_383 : i32
      %add3A_385 = arith.constant 7 : i32
      %add3A_386 = arith.addi %mul3A_384, %add3A_385 : i32
      %mul3A_387 = arith.constant 16 : i32
      %mul3A_388 = arith.muli %add3A_386, %mul3A_387 : i32
      %dma_wait3A_389 = tpu.memref_slice %arg7[%mul3A_388] : memref<10112xi32, #tpu.memory_space<vmem>> -> memref<16xi32, #tpu.memory_space<vmem>>
      %dma_wait3A_390 = arith.constant 0 : i32
      %dma_wait3A_391 = arith.constant 0 : i32
      %dma_wait3A_392 = tpu.memref_slice %arg2[%dma_wait3A_390, %dma_wait3A_391] : memref<10240x128xf32, #tpu.memory_space<hbm>> -> memref<10240x128xf32, #tpu.memory_space<hbm>>
      tpu.wait_indirect_dma semaphore(%arg34 : memref<!tpu.dma_semaphore, #tpu.memory_space<semaphore_mem>>) src(%dma_wait3A_392 : memref<10240x128xf32, #tpu.memory_space<hbm>>) dst(%arg24 : memref<16x128xf32, #tpu.memory_space<vmem>>)
      %mul3A_393 = arith.constant 16 : i32
      %mul3A_394 = arith.muli %add3A_386, %mul3A_393 : i32
      %add3A_395 = arith.constant 0 : i32
      %add3A_396 = arith.addi %mul3A_394, %add3A_395 : i32
      %get3A_397 = arith.index_cast %add3A_396 : i32 to index
      %get3A_398 = tpu.vector_load %arg8[%get3A_397] {strides = array<i32>} : memref<10112xi32, #tpu.memory_space<vmem>>, vector<16xi32>,
      %swap3A_399 = arith.constant 0 : index
      %swap3A_400 = tpu.vector_load %arg16[%swap3A_399] {strides = array<i32>} : memref<16xi32, #tpu.memory_space<vmem>>, vector<16xi32>,
      tpu.vector_store %arg16[%swap3A_399], %get3A_398 {strides = array<i32>} : memref<16xi32, #tpu.memory_space<vmem>>, vector<16xi32>,
      %dma_start3A_401 = arith.constant 0 : i32
      %dma_start3A_402 = arith.constant 0 : i32
      %dma_start3A_403 = tpu.memref_slice %arg26[%dma_start3A_401, %dma_start3A_402] : memref<10240x128xf32, #tpu.memory_space<vmem_shared>> -> memref<10240x128xf32, #tpu.memory_space<vmem_shared>>
      tpu.enqueue_indirect_dma source(%arg24 : memref<16x128xf32, #tpu.memory_space<vmem>>) target(%dma_start3A_403 : memref<10240x128xf32, #tpu.memory_space<vmem_shared>>) offsets(%arg16 : memref<16xi32, #tpu.memory_space<vmem>>) semaphore(%arg42 : memref<!tpu.dma_semaphore, #tpu.memory_space<semaphore_mem>>) {add = true}
      %mul3A_404 = arith.constant 16 : i32
      %mul3A_405 = arith.muli %add3A_386, %mul3A_404 : i32
      %add3A_406 = arith.constant 0 : i32
      %add3A_407 = arith.addi %mul3A_405, %add3A_406 : i32
      %get3A_408 = arith.index_cast %add3A_407 : i32 to index
      %get3A_409 = tpu.vector_load %arg8[%get3A_408] {strides = array<i32>} : memref<10112xi32, #tpu.memory_space<vmem>>, vector<16xi32>,
      tpu.vector_store_idx %arg25[%get3A_409], %broadcast_in_dim3A_46 {add = true} : memref<10240xf32, #tpu.memory_space<vmem>>[vector<16xi32>], vector<16xf32>,
    }
    %scan3A_52 = arith.constant 79 : i32
    %dma_wait3A_53 = arith.constant 0 : i32
    %dma_wait3A_54 = arith.constant 0 : i32
    %dma_wait3A_55 = tpu.memref_slice %arg26[%dma_wait3A_53, %dma_wait3A_54] : memref<10240x128xf32, #tpu.memory_space<vmem_shared>> -> memref<10240x128xf32, #tpu.memory_space<vmem_shared>>
    tpu.wait_indirect_dma semaphore(%arg35 : memref<!tpu.dma_semaphore, #tpu.memory_space<semaphore_mem>>) src(%arg17 : memref<16x128xf32, #tpu.memory_space<vmem>>) dst(%dma_wait3A_55 : memref<10240x128xf32, #tpu.memory_space<vmem_shared>>)
    %dma_wait3A_56 = arith.constant 0 : i32
    %dma_wait3A_57 = arith.constant 0 : i32
    %dma_wait3A_58 = tpu.memref_slice %arg26[%dma_wait3A_56, %dma_wait3A_57] : memref<10240x128xf32, #tpu.memory_space<vmem_shared>> -> memref<10240x128xf32, #tpu.memory_space<vmem_shared>>
    tpu.wait_indirect_dma semaphore(%arg36 : memref<!tpu.dma_semaphore, #tpu.memory_space<semaphore_mem>>) src(%arg18 : memref<16x128xf32, #tpu.memory_space<vmem>>) dst(%dma_wait3A_58 : memref<10240x128xf32, #tpu.memory_space<vmem_shared>>)
    %dma_wait3A_59 = arith.constant 0 : i32
    %dma_wait3A_60 = arith.constant 0 : i32
    %dma_wait3A_61 = tpu.memref_slice %arg26[%dma_wait3A_59, %dma_wait3A_60] : memref<10240x128xf32, #tpu.memory_space<vmem_shared>> -> memref<10240x128xf32, #tpu.memory_space<vmem_shared>>
    tpu.wait_indirect_dma semaphore(%arg37 : memref<!tpu.dma_semaphore, #tpu.memory_space<semaphore_mem>>) src(%arg19 : memref<16x128xf32, #tpu.memory_space<vmem>>) dst(%dma_wait3A_61 : memref<10240x128xf32, #tpu.memory_space<vmem_shared>>)
    %dma_wait3A_62 = arith.constant 0 : i32
    %dma_wait3A_63 = arith.constant 0 : i32
    %dma_wait3A_64 = tpu.memref_slice %arg26[%dma_wait3A_62, %dma_wait3A_63] : memref<10240x128xf32, #tpu.memory_space<vmem_shared>> -> memref<10240x128xf32, #tpu.memory_space<vmem_shared>>
    tpu.wait_indirect_dma semaphore(%arg38 : memref<!tpu.dma_semaphore, #tpu.memory_space<semaphore_mem>>) src(%arg20 : memref<16x128xf32, #tpu.memory_space<vmem>>) dst(%dma_wait3A_64 : memref<10240x128xf32, #tpu.memory_space<vmem_shared>>)
    %dma_wait3A_65 = arith.constant 0 : i32
    %dma_wait3A_66 = arith.constant 0 : i32
    %dma_wait3A_67 = tpu.memref_slice %arg26[%dma_wait3A_65, %dma_wait3A_66] : memref<10240x128xf32, #tpu.memory_space<vmem_shared>> -> memref<10240x128xf32, #tpu.memory_space<vmem_shared>>
    tpu.wait_indirect_dma semaphore(%arg39 : memref<!tpu.dma_semaphore, #tpu.memory_space<semaphore_mem>>) src(%arg21 : memref<16x128xf32, #tpu.memory_space<vmem>>) dst(%dma_wait3A_67 : memref<10240x128xf32, #tpu.memory_space<vmem_shared>>)
    %dma_wait3A_68 = arith.constant 0 : i32
    %dma_wait3A_69 = arith.constant 0 : i32
    %dma_wait3A_70 = tpu.memref_slice %arg26[%dma_wait3A_68, %dma_wait3A_69] : memref<10240x128xf32, #tpu.memory_space<vmem_shared>> -> memref<10240x128xf32, #tpu.memory_space<vmem_shared>>
    tpu.wait_indirect_dma semaphore(%arg40 : memref<!tpu.dma_semaphore, #tpu.memory_space<semaphore_mem>>) src(%arg22 : memref<16x128xf32, #tpu.memory_space<vmem>>) dst(%dma_wait3A_70 : memref<10240x128xf32, #tpu.memory_space<vmem_shared>>)
    %dma_wait3A_71 = arith.constant 0 : i32
    %dma_wait3A_72 = arith.constant 0 : i32
    %dma_wait3A_73 = tpu.memref_slice %arg26[%dma_wait3A_71, %dma_wait3A_72] : memref<10240x128xf32, #tpu.memory_space<vmem_shared>> -> memref<10240x128xf32, #tpu.memory_space<vmem_shared>>
    tpu.wait_indirect_dma semaphore(%arg41 : memref<!tpu.dma_semaphore, #tpu.memory_space<semaphore_mem>>) src(%arg23 : memref<16x128xf32, #tpu.memory_space<vmem>>) dst(%dma_wait3A_73 : memref<10240x128xf32, #tpu.memory_space<vmem_shared>>)
    %dma_wait3A_74 = arith.constant 0 : i32
    %dma_wait3A_75 = arith.constant 0 : i32
    %dma_wait3A_76 = tpu.memref_slice %arg26[%dma_wait3A_74, %dma_wait3A_75] : memref<10240x128xf32, #tpu.memory_space<vmem_shared>> -> memref<10240x128xf32, #tpu.memory_space<vmem_shared>>
    tpu.wait_indirect_dma semaphore(%arg42 : memref<!tpu.dma_semaphore, #tpu.memory_space<semaphore_mem>>) src(%arg24 : memref<16x128xf32, #tpu.memory_space<vmem>>) dst(%dma_wait3A_76 : memref<10240x128xf32, #tpu.memory_space<vmem_shared>>)
    %barrier3A_77 = arith.constant 0 : index
    tpu.barrier barrier_id(%barrier3A_77)
    "tpu.region"() ({
      %run_scoped3A = tpu.sem_alloc : memref<!tpu.dma_semaphore, #tpu.memory_space<semaphore_mem>>
      %dma_start3A_78 = arith.constant 0 : i32
      %dma_start3A_79 = tpu.memref_slice %arg5[%arg0, %mul3A_2, %dma_start3A_78] : memref<2x10240x128xf32, #tpu.memory_space<hbm>> -> memref<1x640x128xf32, #tpu.memory_space<hbm>>
      %dma_start3A_80 = tpu.memref_squeeze %dma_start3A_79 : memref<1x640x128xf32, #tpu.memory_space<hbm>> -> memref<640x128xf32, #tpu.memory_space<hbm>>
      %dma_start3A_81 = arith.constant 0 : i32
      %dma_start3A_82 = tpu.memref_slice %arg26[%mul3A_2, %dma_start3A_81] : memref<10240x128xf32, #tpu.memory_space<vmem_shared>> -> memref<640x128xf32, #tpu.memory_space<vmem_shared>>
      tpu.enqueue_dma source(%dma_start3A_82 : memref<640x128xf32, #tpu.memory_space<vmem_shared>>) target(%dma_start3A_80 : memref<640x128xf32, #tpu.memory_space<hbm>>) target_semaphore(%run_scoped3A : memref<!tpu.dma_semaphore, #tpu.memory_space<semaphore_mem>>)
      %dma_wait3A_83 = arith.constant 0 : i32
      %dma_wait3A_84 = tpu.memref_slice %arg5[%arg0, %mul3A_2, %dma_wait3A_83] : memref<2x10240x128xf32, #tpu.memory_space<hbm>> -> memref<1x640x128xf32, #tpu.memory_space<hbm>>
      %dma_wait3A_85 = tpu.memref_squeeze %dma_wait3A_84 : memref<1x640x128xf32, #tpu.memory_space<hbm>> -> memref<640x128xf32, #tpu.memory_space<hbm>>
      %dma_wait3A_86 = arith.constant 0 : i32
      %dma_wait3A_87 = tpu.memref_slice %arg26[%mul3A_2, %dma_wait3A_86] : memref<10240x128xf32, #tpu.memory_space<vmem_shared>> -> memref<640x128xf32, #tpu.memory_space<vmem_shared>>
      tpu.wait_dma2 semaphore(%run_scoped3A : memref<!tpu.dma_semaphore, #tpu.memory_space<semaphore_mem>>) src(%dma_wait3A_87 : memref<640x128xf32, #tpu.memory_space<vmem_shared>>) dst(%dma_wait3A_85 : memref<640x128xf32, #tpu.memory_space<hbm>>)
      tpu.yield
    }) : () -> ()
    "tpu.region"() ({
      %run_scoped3A = tpu.sem_alloc : memref<!tpu.dma_semaphore, #tpu.memory_space<semaphore_mem>>
      %dma_start3A_78 = arith.constant 0 : i32
      %dma_start3A_79 = tpu.memref_slice %arg6[%add3A, %dma_start3A_78] : memref<32x10240xf32, #tpu.memory_space<hbm>> -> memref<1x10240xf32, #tpu.memory_space<hbm>>
      %dma_start3A_80 = tpu.memref_squeeze %dma_start3A_79 : memref<1x10240xf32, #tpu.memory_space<hbm>> -> memref<10240xf32, #tpu.memory_space<hbm>>
      %dma_start3A_81 = arith.constant 0 : i32
      %dma_start3A_82 = tpu.memref_slice %arg6[%add3A, %dma_start3A_81] : memref<32x10240xf32, #tpu.memory_space<hbm>> -> memref<1x10240xf32, #tpu.memory_space<hbm>>
      %dma_start3A_83 = tpu.memref_squeeze %dma_start3A_82 : memref<1x10240xf32, #tpu.memory_space<hbm>> -> memref<10240xf32, #tpu.memory_space<hbm>>
      tpu.enqueue_dma source(%arg25 : memref<10240xf32, #tpu.memory_space<vmem>>) target(%dma_start3A_83 : memref<10240xf32, #tpu.memory_space<hbm>>) target_semaphore(%run_scoped3A : memref<!tpu.dma_semaphore, #tpu.memory_space<semaphore_mem>>)
      %dma_wait3A_84 = arith.constant 0 : i32
      %dma_wait3A_85 = tpu.memref_slice %arg6[%add3A, %dma_wait3A_84] : memref<32x10240xf32, #tpu.memory_space<hbm>> -> memref<1x10240xf32, #tpu.memory_space<hbm>>
      %dma_wait3A_86 = tpu.memref_squeeze %dma_wait3A_85 : memref<1x10240xf32, #tpu.memory_space<hbm>> -> memref<10240xf32, #tpu.memory_space<hbm>>
      %dma_wait3A_87 = arith.constant 0 : i32
      %dma_wait3A_88 = tpu.memref_slice %arg6[%add3A, %dma_wait3A_87] : memref<32x10240xf32, #tpu.memory_space<hbm>> -> memref<1x10240xf32, #tpu.memory_space<hbm>>
      %dma_wait3A_89 = tpu.memref_squeeze %dma_wait3A_88 : memref<1x10240xf32, #tpu.memory_space<hbm>> -> memref<10240xf32, #tpu.memory_space<hbm>>
      tpu.wait_dma2 semaphore(%run_scoped3A : memref<!tpu.dma_semaphore, #tpu.memory_space<semaphore_mem>>) src(%arg25 : memref<10240xf32, #tpu.memory_space<vmem>>) dst(%dma_wait3A_89 : memref<10240xf32, #tpu.memory_space<hbm>>)
      tpu.yield
    }) : () -> ()
    return
  }
}

#map = affine_map<(d0, d1) -> (0, 0)>
#map1 = affine_map<(d0, d1) -> (0)>
#map2 = affine_map<(d0, d1) -> (0, 0, 0)>
module attributes {stable_mosaic.version = 14 : i64} {
  func.func @agg(%arg0: i32, %arg1: i32, %arg2: memref<10240x128xf32, #tpu.memory_space<hbm>>, %arg3: memref<323584xi32, #tpu.memory_space<hbm>>, %arg4: memref<323584xi32, #tpu.memory_space<hbm>>, %arg5: memref<2x10240x128xf32, #tpu.memory_space<hbm>>, %arg6: memref<32x10240xf32, #tpu.memory_space<hbm>>, %arg7: memref<10112xi32, #tpu.memory_space<vmem>>, %arg8: memref<10112xi32, #tpu.memory_space<vmem>>, %arg9: memref<16xi32, #tpu.memory_space<vmem>>, %arg10: memref<16xi32, #tpu.memory_space<vmem>>, %arg11: memref<16xi32, #tpu.memory_space<vmem>>, %arg12: memref<16xi32, #tpu.memory_space<vmem>>, %arg13: memref<16xi32, #tpu.memory_space<vmem>>, %arg14: memref<16xi32, #tpu.memory_space<vmem>>, %arg15: memref<16xi32, #tpu.memory_space<vmem>>, %arg16: memref<16xi32, #tpu.memory_space<vmem>>, %arg17: memref<16x128xf32, #tpu.memory_space<vmem>>, %arg18: memref<16x128xf32, #tpu.memory_space<vmem>>, %arg19: memref<16x128xf32, #tpu.memory_space<vmem>>, %arg20: memref<16x128xf32, #tpu.memory_space<vmem>>, %arg21: memref<16x128xf32, #tpu.memory_space<vmem>>, %arg22: memref<16x128xf32, #tpu.memory_space<vmem>>, %arg23: memref<16x128xf32, #tpu.memory_space<vmem>>, %arg24: memref<16x128xf32, #tpu.memory_space<vmem>>, %arg25: memref<10240xf32, #tpu.memory_space<vmem>>, %arg26: memref<10240x128xf32, #tpu.memory_space<vmem_shared>>, %arg27: memref<!tpu.dma_semaphore, #tpu.memory_space<semaphore_mem>>, %arg28: memref<!tpu.dma_semaphore, #tpu.memory_space<semaphore_mem>>, %arg29: memref<!tpu.dma_semaphore, #tpu.memory_space<semaphore_mem>>, %arg30: memref<!tpu.dma_semaphore, #tpu.memory_space<semaphore_mem>>, %arg31: memref<!tpu.dma_semaphore, #tpu.memory_space<semaphore_mem>>, %arg32: memref<!tpu.dma_semaphore, #tpu.memory_space<semaphore_mem>>, %arg33: memref<!tpu.dma_semaphore, #tpu.memory_space<semaphore_mem>>, %arg34: memref<!tpu.dma_semaphore, #tpu.memory_space<semaphore_mem>>, %arg35: memref<!tpu.dma_semaphore, #tpu.memory_space<semaphore_mem>>, %arg36: memref<!tpu.dma_semaphore, #tpu.memory_space<semaphore_mem>>, %arg37: memref<!tpu.dma_semaphore, #tpu.memory_space<semaphore_mem>>, %arg38: memref<!tpu.dma_semaphore, #tpu.memory_space<semaphore_mem>>, %arg39: memref<!tpu.dma_semaphore, #tpu.memory_space<semaphore_mem>>, %arg40: memref<!tpu.dma_semaphore, #tpu.memory_space<semaphore_mem>>, %arg41: memref<!tpu.dma_semaphore, #tpu.memory_space<semaphore_mem>>, %arg42: memref<!tpu.dma_semaphore, #tpu.memory_space<semaphore_mem>>, %arg43: memref<!tpu.dma_semaphore, #tpu.memory_space<semaphore_mem>>) attributes {dimension_semantics = [#tpu.dimension_semantics<core_parallel>, #tpu.dimension_semantics<subcore_parallel>], iteration_bounds = array<i64: 2, 16>, scalar_prefetch = 0 : i64, scratch_operands = 37 : i64, tpu.core_type = #tpu.core_type<sc_vector_subcore>, window_params = [{transform_indices = #map}, {transform_indices = #map1}, {transform_indices = #map1}, {transform_indices = #map2}, {transform_indices = #map}]} {
    %mul3A = arith.constant 2 : i32
    %mul3A_0 = arith.muli %arg1, %mul3A : i32
    %add3A = arith.addi %mul3A_0, %arg0 : i32
    %mul3A_1 = arith.constant 640 : i32
    %mul3A_2 = arith.muli %arg1, %mul3A_1 : i32
    %mul3A_3 = arith.constant 632 : i32
    %mul3A_4 = arith.muli %add3A, %mul3A_3 : i32
    %mul3A_5 = arith.constant 16 : i32
    %mul3A_6 = arith.muli %mul3A_4, %mul3A_5 : i32
    %dma_start3A = tpu.memref_slice %arg4[%mul3A_6] : memref<323584xi32, #tpu.memory_space<hbm>> -> memref<10112xi32, #tpu.memory_space<hbm>>
    %dma_start3A_7 = tpu.memref_slice %arg4[%mul3A_6] : memref<323584xi32, #tpu.memory_space<hbm>> -> memref<10112xi32, #tpu.memory_space<hbm>>
    tpu.enqueue_dma source(%dma_start3A_7 : memref<10112xi32, #tpu.memory_space<hbm>>) target(%arg7 : memref<10112xi32, #tpu.memory_space<vmem>>) target_semaphore(%arg43 : memref<!tpu.dma_semaphore, #tpu.memory_space<semaphore_mem>>)
    %mul3A_8 = arith.constant 632 : i32
    %mul3A_9 = arith.muli %add3A, %mul3A_8 : i32
    %mul3A_10 = arith.constant 16 : i32
    %mul3A_11 = arith.muli %mul3A_9, %mul3A_10 : i32
    %dma_start3A_12 = tpu.memref_slice %arg3[%mul3A_11] : memref<323584xi32, #tpu.memory_space<hbm>> -> memref<10112xi32, #tpu.memory_space<hbm>>
    %dma_start3A_13 = tpu.memref_slice %arg3[%mul3A_11] : memref<323584xi32, #tpu.memory_space<hbm>> -> memref<10112xi32, #tpu.memory_space<hbm>>
    tpu.enqueue_dma source(%dma_start3A_13 : memref<10112xi32, #tpu.memory_space<hbm>>) target(%arg8 : memref<10112xi32, #tpu.memory_space<vmem>>) target_semaphore(%arg43 : memref<!tpu.dma_semaphore, #tpu.memory_space<semaphore_mem>>)
    %broadcast_in_dim3A = arith.constant 0.000000e+00 : f32
    %broadcast_in_dim3A_14 = vector.broadcast %broadcast_in_dim3A : f32 to vector<16xf32>
    %scan3A = arith.constant 0 : i32
    %scan3A_15 = arith.constant 0 : i32
    %scan3A_16 = arith.constant 128 : i32
    %scan3A_17 = arith.addi %scan3A_15, %scan3A_16 : i32
    %scan3A_18 = arith.constant 1 : i32
    scf.for %scan3A_78 = %scan3A_15 to %scan3A_17 step %scan3A_18  : i32 {
      %jit3A = arith.constant 8 : i32
      %div3A = arith.divsi %scan3A_78, %jit3A : i32
      %sign3A = arith.constant 0 : i32
      %sign3A_79 = arith.cmpi sgt, %scan3A_78, %sign3A : i32
      %sign3A_80 = arith.extui %sign3A_79 : i1 to i32
      %sign3A_81 = arith.constant 0 : i32
      %sign3A_82 = arith.cmpi slt, %scan3A_78, %sign3A_81 : i32
      %sign3A_83 = arith.extui %sign3A_82 : i1 to i32
      %sign3A_84 = arith.subi %sign3A_80, %sign3A_83 : i32
      %sign3A_85 = arith.constant 0 : i32
      %sign3A_86 = arith.cmpi sgt, %jit3A, %sign3A_85 : i32
      %sign3A_87 = arith.extui %sign3A_86 : i1 to i32
      %sign3A_88 = arith.constant 0 : i32
      %sign3A_89 = arith.cmpi slt, %jit3A, %sign3A_88 : i32
      %sign3A_90 = arith.extui %sign3A_89 : i1 to i32
      %sign3A_91 = arith.subi %sign3A_87, %sign3A_90 : i32
      %ne3A = arith.cmpi ne, %sign3A_84, %sign3A_91 : i32
      %rem3A = arith.remsi %scan3A_78, %jit3A : i32
      %ne3A_92 = arith.constant 0 : i32
      %ne3A_93 = arith.cmpi ne, %rem3A, %ne3A_92 : i32
      %and3A = arith.andi %ne3A, %ne3A_93 : i1
      %sub3A = arith.constant 1 : i32
      %sub3A_94 = arith.subi %div3A, %sub3A : i32
      %select_n3A = arith.select %and3A, %sub3A_94, %div3A : i32
      %jit3A_95 = arith.constant 8 : i32
      %eq3A = arith.constant 0 : i32
      %eq3A_96 = arith.cmpi eq, %jit3A_95, %eq3A : i32
      %jit3A_97 = arith.constant 1 : i32
      %select_n3A_98 = arith.select %eq3A_96, %jit3A_97, %jit3A_95 : i32
      %rem3A_99 = arith.remsi %scan3A_78, %select_n3A_98 : i32
      %ne3A_100 = arith.constant 0 : i32
      %ne3A_101 = arith.cmpi ne, %rem3A_99, %ne3A_100 : i32
      %lt3A = arith.constant 0 : i32
      %lt3A_102 = arith.cmpi slt, %rem3A_99, %lt3A : i32
      %lt3A_103 = arith.constant 0 : i32
      %lt3A_104 = arith.cmpi slt, %select_n3A_98, %lt3A_103 : i32
      %ne3A_105 = arith.xori %lt3A_102, %lt3A_104 : i1
      %and3A_106 = arith.andi %ne3A_105, %ne3A_101 : i1
      %add3A_107 = arith.addi %rem3A_99, %select_n3A_98 : i32
      %select_n3A_108 = arith.select %and3A_106, %add3A_107, %rem3A_99 : i32
      %mul3A_109 = arith.constant 16 : i32
      %mul3A_110 = arith.muli %select_n3A_108, %mul3A_109 : i32
      %swap3A = arith.index_cast %select_n3A : i32 to index
      %swap3A_111 = arith.index_cast %mul3A_110 : i32 to index
      %swap3A_112 = tpu.vector_load %arg17[%swap3A, %swap3A_111] {strides = array<i32>} : memref<16x128xf32, #tpu.memory_space<vmem>>, vector<16xf32>,
      tpu.vector_store %arg17[%swap3A, %swap3A_111], %broadcast_in_dim3A_14 {strides = array<i32>} : memref<16x128xf32, #tpu.memory_space<vmem>>, vector<16xf32>,
    }
    %scan3A_19 = arith.constant 128 : i32
    %scan3A_20 = arith.constant 0 : i32
    %scan3A_21 = arith.constant 0 : i32
    %scan3A_22 = arith.constant 40 : i32
    %scan3A_23 = arith.addi %scan3A_21, %scan3A_22 : i32
    %scan3A_24 = arith.constant 1 : i32
    scf.for %scan3A_78 = %scan3A_21 to %scan3A_23 step %scan3A_24  : i32 {
      %mul3A_79 = arith.constant 16 : i32
      %mul3A_80 = arith.muli %scan3A_78, %mul3A_79 : i32
      %add3A_81 = arith.addi %mul3A_2, %mul3A_80 : i32
      %dma_start3A_82 = arith.constant 0 : i32
      %dma_start3A_83 = tpu.memref_slice %arg26[%add3A_81, %dma_start3A_82] : memref<10240x128xf32, #tpu.memory_space<vmem_shared>> -> memref<16x128xf32, #tpu.memory_space<vmem_shared>>
      %dma_start3A_84 = arith.constant 0 : i32
      %dma_start3A_85 = tpu.memref_slice %arg26[%add3A_81, %dma_start3A_84] : memref<10240x128xf32, #tpu.memory_space<vmem_shared>> -> memref<16x128xf32, #tpu.memory_space<vmem_shared>>
      tpu.enqueue_dma source(%arg17 : memref<16x128xf32, #tpu.memory_space<vmem>>) target(%dma_start3A_85 : memref<16x128xf32, #tpu.memory_space<vmem_shared>>) target_semaphore(%arg27 : memref<!tpu.dma_semaphore, #tpu.memory_space<semaphore_mem>>)
    }
    %scan3A_25 = arith.constant 40 : i32
    %scan3A_26 = arith.constant 0 : i32
    %scan3A_27 = arith.constant 0 : i32
    %scan3A_28 = arith.constant 640 : i32
    %scan3A_29 = arith.addi %scan3A_27, %scan3A_28 : i32
    %scan3A_30 = arith.constant 1 : i32
    scf.for %scan3A_78 = %scan3A_27 to %scan3A_29 step %scan3A_30  : i32 {
      %mul3A_79 = arith.constant 16 : i32
      %mul3A_80 = arith.muli %scan3A_78, %mul3A_79 : i32
      %swap3A = arith.index_cast %mul3A_80 : i32 to index
      %swap3A_81 = tpu.vector_load %arg25[%swap3A] {strides = array<i32>} : memref<10240xf32, #tpu.memory_space<vmem>>, vector<16xf32>,
      tpu.vector_store %arg25[%swap3A], %broadcast_in_dim3A_14 {strides = array<i32>} : memref<10240xf32, #tpu.memory_space<vmem>>, vector<16xf32>,
    }
    %scan3A_31 = arith.constant 640 : i32
    %scan3A_32 = arith.constant 0 : i32
    %scan3A_33 = arith.constant 0 : i32
    %scan3A_34 = arith.constant 40 : i32
    %scan3A_35 = arith.addi %scan3A_33, %scan3A_34 : i32
    %scan3A_36 = arith.constant 1 : i32
    scf.for %scan3A_78 = %scan3A_33 to %scan3A_35 step %scan3A_36  : i32 {
      %dma_wait3A_79 = arith.constant 0 : i32
      %dma_wait3A_80 = tpu.memref_slice %arg26[%mul3A_2, %dma_wait3A_79] : memref<10240x128xf32, #tpu.memory_space<vmem_shared>> -> memref<16x128xf32, #tpu.memory_space<vmem_shared>>
      %dma_wait3A_81 = arith.constant 0 : i32
      %dma_wait3A_82 = tpu.memref_slice %arg26[%mul3A_2, %dma_wait3A_81] : memref<10240x128xf32, #tpu.memory_space<vmem_shared>> -> memref<16x128xf32, #tpu.memory_space<vmem_shared>>
      tpu.wait_dma2 semaphore(%arg27 : memref<!tpu.dma_semaphore, #tpu.memory_space<semaphore_mem>>) src(%arg17 : memref<16x128xf32, #tpu.memory_space<vmem>>) dst(%dma_wait3A_82 : memref<16x128xf32, #tpu.memory_space<vmem_shared>>)
    }
    %scan3A_37 = arith.constant 40 : i32
    %dma_wait3A = arith.constant 0 : i32
    %dma_wait3A_38 = tpu.memref_slice %arg4[%dma_wait3A] : memref<323584xi32, #tpu.memory_space<hbm>> -> memref<10112xi32, #tpu.memory_space<hbm>>
    %dma_wait3A_39 = arith.constant 0 : i32
    %dma_wait3A_40 = tpu.memref_slice %arg4[%dma_wait3A_39] : memref<323584xi32, #tpu.memory_space<hbm>> -> memref<10112xi32, #tpu.memory_space<hbm>>
    tpu.wait_dma2 semaphore(%arg43 : memref<!tpu.dma_semaphore, #tpu.memory_space<semaphore_mem>>) src(%dma_wait3A_40 : memref<10112xi32, #tpu.memory_space<hbm>>) dst(%arg7 : memref<10112xi32, #tpu.memory_space<vmem>>)
    %dma_wait3A_41 = arith.constant 0 : i32
    %dma_wait3A_42 = tpu.memref_slice %arg3[%dma_wait3A_41] : memref<323584xi32, #tpu.memory_space<hbm>> -> memref<10112xi32, #tpu.memory_space<hbm>>
    %dma_wait3A_43 = arith.constant 0 : i32
    %dma_wait3A_44 = tpu.memref_slice %arg3[%dma_wait3A_43] : memref<323584xi32, #tpu.memory_space<hbm>> -> memref<10112xi32, #tpu.memory_space<hbm>>
    tpu.wait_dma2 semaphore(%arg43 : memref<!tpu.dma_semaphore, #tpu.memory_space<semaphore_mem>>) src(%dma_wait3A_44 : memref<10112xi32, #tpu.memory_space<hbm>>) dst(%arg8 : memref<10112xi32, #tpu.memory_space<vmem>>)
    %barrier3A = arith.constant 0 : index
    tpu.barrier barrier_id(%barrier3A)
    %broadcast_in_dim3A_45 = arith.constant 1.000000e+00 : f32
    %broadcast_in_dim3A_46 = vector.broadcast %broadcast_in_dim3A_45 : f32 to vector<16xf32>
    %scan3A_47 = arith.constant 0 : i32
    %scan3A_48 = arith.constant 0 : i32
    %scan3A_49 = arith.constant 79 : i32
    %scan3A_50 = arith.addi %scan3A_48, %scan3A_49 : i32
    %scan3A_51 = arith.constant 1 : i32
    scf.for %scan3A_78 = %scan3A_48 to %scan3A_50 step %scan3A_51  : i32 {
      %gt3A = arith.constant 0 : i32
      %gt3A_79 = arith.cmpi sgt, %scan3A_78, %gt3A : i32
      %convert_element_type3A = arith.extui %gt3A_79 : i1 to i32
      %cond3A = arith.constant 0 : i32
      %cond3A_80 = arith.cmpi ne, %convert_element_type3A, %cond3A : i32
      scf.if %cond3A_80 {
        %mul3A_410 = arith.constant 8 : i32
        %mul3A_411 = arith.muli %scan3A_78, %mul3A_410 : i32
        %add3A_412 = arith.constant 0 : i32
        %add3A_413 = arith.addi %mul3A_411, %add3A_412 : i32
        %sub3A = arith.constant 8 : i32
        %sub3A_414 = arith.subi %add3A_413, %sub3A : i32
        %dma_wait3A_415 = arith.constant 0 : i32
        %dma_wait3A_416 = arith.constant 0 : i32
        %dma_wait3A_417 = tpu.memref_slice %arg26[%dma_wait3A_415, %dma_wait3A_416] : memref<10240x128xf32, #tpu.memory_space<vmem_shared>> -> memref<10240x128xf32, #tpu.memory_space<vmem_shared>>
        tpu.wait_indirect_dma semaphore(%arg35 : memref<!tpu.dma_semaphore, #tpu.memory_space<semaphore_mem>>) src(%arg17 : memref<16x128xf32, #tpu.memory_space<vmem>>) dst(%dma_wait3A_417 : memref<10240x128xf32, #tpu.memory_space<vmem_shared>>)
      } else {
      }
      %mul3A_81 = arith.constant 8 : i32
      %mul3A_82 = arith.muli %scan3A_78, %mul3A_81 : i32
      %add3A_83 = arith.constant 0 : i32
      %add3A_84 = arith.addi %mul3A_82, %add3A_83 : i32
      %mul3A_85 = arith.constant 16 : i32
      %mul3A_86 = arith.muli %add3A_84, %mul3A_85 : i32
      %dma_start3A_87 = tpu.memref_slice %arg7[%mul3A_86] : memref<10112xi32, #tpu.memory_space<vmem>> -> memref<16xi32, #tpu.memory_space<vmem>>
      %dma_start3A_88 = arith.constant 0 : i32
      %dma_start3A_89 = arith.constant 0 : i32
      %dma_start3A_90 = tpu.memref_slice %arg2[%dma_start3A_88, %dma_start3A_89] : memref<10240x128xf32, #tpu.memory_space<hbm>> -> memref<10240x128xf32, #tpu.memory_space<hbm>>
      tpu.enqueue_indirect_dma source(%dma_start3A_90 : memref<10240x128xf32, #tpu.memory_space<hbm>>) target(%arg17 : memref<16x128xf32, #tpu.memory_space<vmem>>) offsets(%dma_start3A_87 : memref<16xi32, #tpu.memory_space<vmem>>) semaphore(%arg27 : memref<!tpu.dma_semaphore, #tpu.memory_space<semaphore_mem>>)
      %gt3A_91 = arith.constant 0 : i32
      %gt3A_92 = arith.cmpi sgt, %scan3A_78, %gt3A_91 : i32
      %convert_element_type3A_93 = arith.extui %gt3A_92 : i1 to i32
      %cond3A_94 = arith.constant 0 : i32
      %cond3A_95 = arith.cmpi ne, %convert_element_type3A_93, %cond3A_94 : i32
      scf.if %cond3A_95 {
        %mul3A_410 = arith.constant 8 : i32
        %mul3A_411 = arith.muli %scan3A_78, %mul3A_410 : i32
        %add3A_412 = arith.constant 1 : i32
        %add3A_413 = arith.addi %mul3A_411, %add3A_412 : i32
        %sub3A = arith.constant 8 : i32
        %sub3A_414 = arith.subi %add3A_413, %sub3A : i32
        %dma_wait3A_415 = arith.constant 0 : i32
        %dma_wait3A_416 = arith.constant 0 : i32
        %dma_wait3A_417 = tpu.memref_slice %arg26[%dma_wait3A_415, %dma_wait3A_416] : memref<10240x128xf32, #tpu.memory_space<vmem_shared>> -> memref<10240x128xf32, #tpu.memory_space<vmem_shared>>
        tpu.wait_indirect_dma semaphore(%arg36 : memref<!tpu.dma_semaphore, #tpu.memory_space<semaphore_mem>>) src(%arg18 : memref<16x128xf32, #tpu.memory_space<vmem>>) dst(%dma_wait3A_417 : memref<10240x128xf32, #tpu.memory_space<vmem_shared>>)
      } else {
      }
      %mul3A_96 = arith.constant 8 : i32
      %mul3A_97 = arith.muli %scan3A_78, %mul3A_96 : i32
      %add3A_98 = arith.constant 1 : i32
      %add3A_99 = arith.addi %mul3A_97, %add3A_98 : i32
      %mul3A_100 = arith.constant 16 : i32
      %mul3A_101 = arith.muli %add3A_99, %mul3A_100 : i32
      %dma_start3A_102 = tpu.memref_slice %arg7[%mul3A_101] : memref<10112xi32, #tpu.memory_space<vmem>> -> memref<16xi32, #tpu.memory_space<vmem>>
      %dma_start3A_103 = arith.constant 0 : i32
      %dma_start3A_104 = arith.constant 0 : i32
      %dma_start3A_105 = tpu.memref_slice %arg2[%dma_start3A_103, %dma_start3A_104] : memref<10240x128xf32, #tpu.memory_space<hbm>> -> memref<10240x128xf32, #tpu.memory_space<hbm>>
      tpu.enqueue_indirect_dma source(%dma_start3A_105 : memref<10240x128xf32, #tpu.memory_space<hbm>>) target(%arg18 : memref<16x128xf32, #tpu.memory_space<vmem>>) offsets(%dma_start3A_102 : memref<16xi32, #tpu.memory_space<vmem>>) semaphore(%arg28 : memref<!tpu.dma_semaphore, #tpu.memory_space<semaphore_mem>>)
      %gt3A_106 = arith.constant 0 : i32
      %gt3A_107 = arith.cmpi sgt, %scan3A_78, %gt3A_106 : i32
      %convert_element_type3A_108 = arith.extui %gt3A_107 : i1 to i32
      %cond3A_109 = arith.constant 0 : i32
      %cond3A_110 = arith.cmpi ne, %convert_element_type3A_108, %cond3A_109 : i32
      scf.if %cond3A_110 {
        %mul3A_410 = arith.constant 8 : i32
        %mul3A_411 = arith.muli %scan3A_78, %mul3A_410 : i32
        %add3A_412 = arith.constant 2 : i32
        %add3A_413 = arith.addi %mul3A_411, %add3A_412 : i32
        %sub3A = arith.constant 8 : i32
        %sub3A_414 = arith.subi %add3A_413, %sub3A : i32
        %dma_wait3A_415 = arith.constant 0 : i32
        %dma_wait3A_416 = arith.constant 0 : i32
        %dma_wait3A_417 = tpu.memref_slice %arg26[%dma_wait3A_415, %dma_wait3A_416] : memref<10240x128xf32, #tpu.memory_space<vmem_shared>> -> memref<10240x128xf32, #tpu.memory_space<vmem_shared>>
        tpu.wait_indirect_dma semaphore(%arg37 : memref<!tpu.dma_semaphore, #tpu.memory_space<semaphore_mem>>) src(%arg19 : memref<16x128xf32, #tpu.memory_space<vmem>>) dst(%dma_wait3A_417 : memref<10240x128xf32, #tpu.memory_space<vmem_shared>>)
      } else {
      }
      %mul3A_111 = arith.constant 8 : i32
      %mul3A_112 = arith.muli %scan3A_78, %mul3A_111 : i32
      %add3A_113 = arith.constant 2 : i32
      %add3A_114 = arith.addi %mul3A_112, %add3A_113 : i32
      %mul3A_115 = arith.constant 16 : i32
      %mul3A_116 = arith.muli %add3A_114, %mul3A_115 : i32
      %dma_start3A_117 = tpu.memref_slice %arg7[%mul3A_116] : memref<10112xi32, #tpu.memory_space<vmem>> -> memref<16xi32, #tpu.memory_space<vmem>>
      %dma_start3A_118 = arith.constant 0 : i32
      %dma_start3A_119 = arith.constant 0 : i32
      %dma_start3A_120 = tpu.memref_slice %arg2[%dma_start3A_118, %dma_start3A_119] : memref<10240x128xf32, #tpu.memory_space<hbm>> -> memref<10240x128xf32, #tpu.memory_space<hbm>>
      tpu.enqueue_indirect_dma source(%dma_start3A_120 : memref<10240x128xf32, #tpu.memory_space<hbm>>) target(%arg19 : memref<16x128xf32, #tpu.memory_space<vmem>>) offsets(%dma_start3A_117 : memref<16xi32, #tpu.memory_space<vmem>>) semaphore(%arg29 : memref<!tpu.dma_semaphore, #tpu.memory_space<semaphore_mem>>)
      %gt3A_121 = arith.constant 0 : i32
      %gt3A_122 = arith.cmpi sgt, %scan3A_78, %gt3A_121 : i32
      %convert_element_type3A_123 = arith.extui %gt3A_122 : i1 to i32
      %cond3A_124 = arith.constant 0 : i32
      %cond3A_125 = arith.cmpi ne, %convert_element_type3A_123, %cond3A_124 : i32
      scf.if %cond3A_125 {
        %mul3A_410 = arith.constant 8 : i32
        %mul3A_411 = arith.muli %scan3A_78, %mul3A_410 : i32
        %add3A_412 = arith.constant 3 : i32
        %add3A_413 = arith.addi %mul3A_411, %add3A_412 : i32
        %sub3A = arith.constant 8 : i32
        %sub3A_414 = arith.subi %add3A_413, %sub3A : i32
        %dma_wait3A_415 = arith.constant 0 : i32
        %dma_wait3A_416 = arith.constant 0 : i32
        %dma_wait3A_417 = tpu.memref_slice %arg26[%dma_wait3A_415, %dma_wait3A_416] : memref<10240x128xf32, #tpu.memory_space<vmem_shared>> -> memref<10240x128xf32, #tpu.memory_space<vmem_shared>>
        tpu.wait_indirect_dma semaphore(%arg38 : memref<!tpu.dma_semaphore, #tpu.memory_space<semaphore_mem>>) src(%arg20 : memref<16x128xf32, #tpu.memory_space<vmem>>) dst(%dma_wait3A_417 : memref<10240x128xf32, #tpu.memory_space<vmem_shared>>)
      } else {
      }
      %mul3A_126 = arith.constant 8 : i32
      %mul3A_127 = arith.muli %scan3A_78, %mul3A_126 : i32
      %add3A_128 = arith.constant 3 : i32
      %add3A_129 = arith.addi %mul3A_127, %add3A_128 : i32
      %mul3A_130 = arith.constant 16 : i32
      %mul3A_131 = arith.muli %add3A_129, %mul3A_130 : i32
      %dma_start3A_132 = tpu.memref_slice %arg7[%mul3A_131] : memref<10112xi32, #tpu.memory_space<vmem>> -> memref<16xi32, #tpu.memory_space<vmem>>
      %dma_start3A_133 = arith.constant 0 : i32
      %dma_start3A_134 = arith.constant 0 : i32
      %dma_start3A_135 = tpu.memref_slice %arg2[%dma_start3A_133, %dma_start3A_134] : memref<10240x128xf32, #tpu.memory_space<hbm>> -> memref<10240x128xf32, #tpu.memory_space<hbm>>
      tpu.enqueue_indirect_dma source(%dma_start3A_135 : memref<10240x128xf32, #tpu.memory_space<hbm>>) target(%arg20 : memref<16x128xf32, #tpu.memory_space<vmem>>) offsets(%dma_start3A_132 : memref<16xi32, #tpu.memory_space<vmem>>) semaphore(%arg30 : memref<!tpu.dma_semaphore, #tpu.memory_space<semaphore_mem>>)
      %gt3A_136 = arith.constant 0 : i32
      %gt3A_137 = arith.cmpi sgt, %scan3A_78, %gt3A_136 : i32
      %convert_element_type3A_138 = arith.extui %gt3A_137 : i1 to i32
      %cond3A_139 = arith.constant 0 : i32
      %cond3A_140 = arith.cmpi ne, %convert_element_type3A_138, %cond3A_139 : i32
      scf.if %cond3A_140 {
        %mul3A_410 = arith.constant 8 : i32
        %mul3A_411 = arith.muli %scan3A_78, %mul3A_410 : i32
        %add3A_412 = arith.constant 4 : i32
        %add3A_413 = arith.addi %mul3A_411, %add3A_412 : i32
        %sub3A = arith.constant 8 : i32
        %sub3A_414 = arith.subi %add3A_413, %sub3A : i32
        %dma_wait3A_415 = arith.constant 0 : i32
        %dma_wait3A_416 = arith.constant 0 : i32
        %dma_wait3A_417 = tpu.memref_slice %arg26[%dma_wait3A_415, %dma_wait3A_416] : memref<10240x128xf32, #tpu.memory_space<vmem_shared>> -> memref<10240x128xf32, #tpu.memory_space<vmem_shared>>
        tpu.wait_indirect_dma semaphore(%arg39 : memref<!tpu.dma_semaphore, #tpu.memory_space<semaphore_mem>>) src(%arg21 : memref<16x128xf32, #tpu.memory_space<vmem>>) dst(%dma_wait3A_417 : memref<10240x128xf32, #tpu.memory_space<vmem_shared>>)
      } else {
      }
      %mul3A_141 = arith.constant 8 : i32
      %mul3A_142 = arith.muli %scan3A_78, %mul3A_141 : i32
      %add3A_143 = arith.constant 4 : i32
      %add3A_144 = arith.addi %mul3A_142, %add3A_143 : i32
      %mul3A_145 = arith.constant 16 : i32
      %mul3A_146 = arith.muli %add3A_144, %mul3A_145 : i32
      %dma_start3A_147 = tpu.memref_slice %arg7[%mul3A_146] : memref<10112xi32, #tpu.memory_space<vmem>> -> memref<16xi32, #tpu.memory_space<vmem>>
      %dma_start3A_148 = arith.constant 0 : i32
      %dma_start3A_149 = arith.constant 0 : i32
      %dma_start3A_150 = tpu.memref_slice %arg2[%dma_start3A_148, %dma_start3A_149] : memref<10240x128xf32, #tpu.memory_space<hbm>> -> memref<10240x128xf32, #tpu.memory_space<hbm>>
      tpu.enqueue_indirect_dma source(%dma_start3A_150 : memref<10240x128xf32, #tpu.memory_space<hbm>>) target(%arg21 : memref<16x128xf32, #tpu.memory_space<vmem>>) offsets(%dma_start3A_147 : memref<16xi32, #tpu.memory_space<vmem>>) semaphore(%arg31 : memref<!tpu.dma_semaphore, #tpu.memory_space<semaphore_mem>>)
      %gt3A_151 = arith.constant 0 : i32
      %gt3A_152 = arith.cmpi sgt, %scan3A_78, %gt3A_151 : i32
      %convert_element_type3A_153 = arith.extui %gt3A_152 : i1 to i32
      %cond3A_154 = arith.constant 0 : i32
      %cond3A_155 = arith.cmpi ne, %convert_element_type3A_153, %cond3A_154 : i32
      scf.if %cond3A_155 {
        %mul3A_410 = arith.constant 8 : i32
        %mul3A_411 = arith.muli %scan3A_78, %mul3A_410 : i32
        %add3A_412 = arith.constant 5 : i32
        %add3A_413 = arith.addi %mul3A_411, %add3A_412 : i32
        %sub3A = arith.constant 8 : i32
        %sub3A_414 = arith.subi %add3A_413, %sub3A : i32
        %dma_wait3A_415 = arith.constant 0 : i32
        %dma_wait3A_416 = arith.constant 0 : i32
        %dma_wait3A_417 = tpu.memref_slice %arg26[%dma_wait3A_415, %dma_wait3A_416] : memref<10240x128xf32, #tpu.memory_space<vmem_shared>> -> memref<10240x128xf32, #tpu.memory_space<vmem_shared>>
        tpu.wait_indirect_dma semaphore(%arg40 : memref<!tpu.dma_semaphore, #tpu.memory_space<semaphore_mem>>) src(%arg22 : memref<16x128xf32, #tpu.memory_space<vmem>>) dst(%dma_wait3A_417 : memref<10240x128xf32, #tpu.memory_space<vmem_shared>>)
      } else {
      }
      %mul3A_156 = arith.constant 8 : i32
      %mul3A_157 = arith.muli %scan3A_78, %mul3A_156 : i32
      %add3A_158 = arith.constant 5 : i32
      %add3A_159 = arith.addi %mul3A_157, %add3A_158 : i32
      %mul3A_160 = arith.constant 16 : i32
      %mul3A_161 = arith.muli %add3A_159, %mul3A_160 : i32
      %dma_start3A_162 = tpu.memref_slice %arg7[%mul3A_161] : memref<10112xi32, #tpu.memory_space<vmem>> -> memref<16xi32, #tpu.memory_space<vmem>>
      %dma_start3A_163 = arith.constant 0 : i32
      %dma_start3A_164 = arith.constant 0 : i32
      %dma_start3A_165 = tpu.memref_slice %arg2[%dma_start3A_163, %dma_start3A_164] : memref<10240x128xf32, #tpu.memory_space<hbm>> -> memref<10240x128xf32, #tpu.memory_space<hbm>>
      tpu.enqueue_indirect_dma source(%dma_start3A_165 : memref<10240x128xf32, #tpu.memory_space<hbm>>) target(%arg22 : memref<16x128xf32, #tpu.memory_space<vmem>>) offsets(%dma_start3A_162 : memref<16xi32, #tpu.memory_space<vmem>>) semaphore(%arg32 : memref<!tpu.dma_semaphore, #tpu.memory_space<semaphore_mem>>)
      %gt3A_166 = arith.constant 0 : i32
      %gt3A_167 = arith.cmpi sgt, %scan3A_78, %gt3A_166 : i32
      %convert_element_type3A_168 = arith.extui %gt3A_167 : i1 to i32
      %cond3A_169 = arith.constant 0 : i32
      %cond3A_170 = arith.cmpi ne, %convert_element_type3A_168, %cond3A_169 : i32
      scf.if %cond3A_170 {
        %mul3A_410 = arith.constant 8 : i32
        %mul3A_411 = arith.muli %scan3A_78, %mul3A_410 : i32
        %add3A_412 = arith.constant 6 : i32
        %add3A_413 = arith.addi %mul3A_411, %add3A_412 : i32
        %sub3A = arith.constant 8 : i32
        %sub3A_414 = arith.subi %add3A_413, %sub3A : i32
        %dma_wait3A_415 = arith.constant 0 : i32
        %dma_wait3A_416 = arith.constant 0 : i32
        %dma_wait3A_417 = tpu.memref_slice %arg26[%dma_wait3A_415, %dma_wait3A_416] : memref<10240x128xf32, #tpu.memory_space<vmem_shared>> -> memref<10240x128xf32, #tpu.memory_space<vmem_shared>>
        tpu.wait_indirect_dma semaphore(%arg41 : memref<!tpu.dma_semaphore, #tpu.memory_space<semaphore_mem>>) src(%arg23 : memref<16x128xf32, #tpu.memory_space<vmem>>) dst(%dma_wait3A_417 : memref<10240x128xf32, #tpu.memory_space<vmem_shared>>)
      } else {
      }
      %mul3A_171 = arith.constant 8 : i32
      %mul3A_172 = arith.muli %scan3A_78, %mul3A_171 : i32
      %add3A_173 = arith.constant 6 : i32
      %add3A_174 = arith.addi %mul3A_172, %add3A_173 : i32
      %mul3A_175 = arith.constant 16 : i32
      %mul3A_176 = arith.muli %add3A_174, %mul3A_175 : i32
      %dma_start3A_177 = tpu.memref_slice %arg7[%mul3A_176] : memref<10112xi32, #tpu.memory_space<vmem>> -> memref<16xi32, #tpu.memory_space<vmem>>
      %dma_start3A_178 = arith.constant 0 : i32
      %dma_start3A_179 = arith.constant 0 : i32
      %dma_start3A_180 = tpu.memref_slice %arg2[%dma_start3A_178, %dma_start3A_179] : memref<10240x128xf32, #tpu.memory_space<hbm>> -> memref<10240x128xf32, #tpu.memory_space<hbm>>
      tpu.enqueue_indirect_dma source(%dma_start3A_180 : memref<10240x128xf32, #tpu.memory_space<hbm>>) target(%arg23 : memref<16x128xf32, #tpu.memory_space<vmem>>) offsets(%dma_start3A_177 : memref<16xi32, #tpu.memory_space<vmem>>) semaphore(%arg33 : memref<!tpu.dma_semaphore, #tpu.memory_space<semaphore_mem>>)
      %gt3A_181 = arith.constant 0 : i32
      %gt3A_182 = arith.cmpi sgt, %scan3A_78, %gt3A_181 : i32
      %convert_element_type3A_183 = arith.extui %gt3A_182 : i1 to i32
      %cond3A_184 = arith.constant 0 : i32
      %cond3A_185 = arith.cmpi ne, %convert_element_type3A_183, %cond3A_184 : i32
      scf.if %cond3A_185 {
        %mul3A_410 = arith.constant 8 : i32
        %mul3A_411 = arith.muli %scan3A_78, %mul3A_410 : i32
        %add3A_412 = arith.constant 7 : i32
        %add3A_413 = arith.addi %mul3A_411, %add3A_412 : i32
        %sub3A = arith.constant 8 : i32
        %sub3A_414 = arith.subi %add3A_413, %sub3A : i32
        %dma_wait3A_415 = arith.constant 0 : i32
        %dma_wait3A_416 = arith.constant 0 : i32
        %dma_wait3A_417 = tpu.memref_slice %arg26[%dma_wait3A_415, %dma_wait3A_416] : memref<10240x128xf32, #tpu.memory_space<vmem_shared>> -> memref<10240x128xf32, #tpu.memory_space<vmem_shared>>
        tpu.wait_indirect_dma semaphore(%arg42 : memref<!tpu.dma_semaphore, #tpu.memory_space<semaphore_mem>>) src(%arg24 : memref<16x128xf32, #tpu.memory_space<vmem>>) dst(%dma_wait3A_417 : memref<10240x128xf32, #tpu.memory_space<vmem_shared>>)
      } else {
      }
      %mul3A_186 = arith.constant 8 : i32
      %mul3A_187 = arith.muli %scan3A_78, %mul3A_186 : i32
      %add3A_188 = arith.constant 7 : i32
      %add3A_189 = arith.addi %mul3A_187, %add3A_188 : i32
      %mul3A_190 = arith.constant 16 : i32
      %mul3A_191 = arith.muli %add3A_189, %mul3A_190 : i32
      %dma_start3A_192 = tpu.memref_slice %arg7[%mul3A_191] : memref<10112xi32, #tpu.memory_space<vmem>> -> memref<16xi32, #tpu.memory_space<vmem>>
      %dma_start3A_193 = arith.constant 0 : i32
      %dma_start3A_194 = arith.constant 0 : i32
      %dma_start3A_195 = tpu.memref_slice %arg2[%dma_start3A_193, %dma_start3A_194] : memref<10240x128xf32, #tpu.memory_space<hbm>> -> memref<10240x128xf32, #tpu.memory_space<hbm>>
      tpu.enqueue_indirect_dma source(%dma_start3A_195 : memref<10240x128xf32, #tpu.memory_space<hbm>>) target(%arg24 : memref<16x128xf32, #tpu.memory_space<vmem>>) offsets(%dma_start3A_192 : memref<16xi32, #tpu.memory_space<vmem>>) semaphore(%arg34 : memref<!tpu.dma_semaphore, #tpu.memory_space<semaphore_mem>>)
      %mul3A_196 = arith.constant 8 : i32
      %mul3A_197 = arith.muli %scan3A_78, %mul3A_196 : i32
      %add3A_198 = arith.constant 0 : i32
      %add3A_199 = arith.addi %mul3A_197, %add3A_198 : i32
      %mul3A_200 = arith.constant 16 : i32
      %mul3A_201 = arith.muli %add3A_199, %mul3A_200 : i32
      %dma_wait3A_202 = tpu.memref_slice %arg7[%mul3A_201] : memref<10112xi32, #tpu.memory_space<vmem>> -> memref<16xi32, #tpu.memory_space<vmem>>
      %dma_wait3A_203 = arith.constant 0 : i32
      %dma_wait3A_204 = arith.constant 0 : i32
      %dma_wait3A_205 = tpu.memref_slice %arg2[%dma_wait3A_203, %dma_wait3A_204] : memref<10240x128xf32, #tpu.memory_space<hbm>> -> memref<10240x128xf32, #tpu.memory_space<hbm>>
      tpu.wait_indirect_dma semaphore(%arg27 : memref<!tpu.dma_semaphore, #tpu.memory_space<semaphore_mem>>) src(%dma_wait3A_205 : memref<10240x128xf32, #tpu.memory_space<hbm>>) dst(%arg17 : memref<16x128xf32, #tpu.memory_space<vmem>>)
      %mul3A_206 = arith.constant 16 : i32
      %mul3A_207 = arith.muli %add3A_199, %mul3A_206 : i32
      %add3A_208 = arith.constant 0 : i32
      %add3A_209 = arith.addi %mul3A_207, %add3A_208 : i32
      %get3A = arith.index_cast %add3A_209 : i32 to index
      %get3A_210 = tpu.vector_load %arg8[%get3A] {strides = array<i32>} : memref<10112xi32, #tpu.memory_space<vmem>>, vector<16xi32>,
      %swap3A = arith.constant 0 : index
      %swap3A_211 = tpu.vector_load %arg9[%swap3A] {strides = array<i32>} : memref<16xi32, #tpu.memory_space<vmem>>, vector<16xi32>,
      tpu.vector_store %arg9[%swap3A], %get3A_210 {strides = array<i32>} : memref<16xi32, #tpu.memory_space<vmem>>, vector<16xi32>,
      %dma_start3A_212 = arith.constant 0 : i32
      %dma_start3A_213 = arith.constant 0 : i32
      %dma_start3A_214 = tpu.memref_slice %arg26[%dma_start3A_212, %dma_start3A_213] : memref<10240x128xf32, #tpu.memory_space<vmem_shared>> -> memref<10240x128xf32, #tpu.memory_space<vmem_shared>>
      tpu.enqueue_indirect_dma source(%arg17 : memref<16x128xf32, #tpu.memory_space<vmem>>) target(%dma_start3A_214 : memref<10240x128xf32, #tpu.memory_space<vmem_shared>>) offsets(%arg9 : memref<16xi32, #tpu.memory_space<vmem>>) semaphore(%arg35 : memref<!tpu.dma_semaphore, #tpu.memory_space<semaphore_mem>>) {add = true}
      %mul3A_215 = arith.constant 16 : i32
      %mul3A_216 = arith.muli %add3A_199, %mul3A_215 : i32
      %add3A_217 = arith.constant 0 : i32
      %add3A_218 = arith.addi %mul3A_216, %add3A_217 : i32
      %get3A_219 = arith.index_cast %add3A_218 : i32 to index
      %get3A_220 = tpu.vector_load %arg8[%get3A_219] {strides = array<i32>} : memref<10112xi32, #tpu.memory_space<vmem>>, vector<16xi32>,
      tpu.vector_store_idx %arg25[%get3A_220], %broadcast_in_dim3A_46 {add = true} : memref<10240xf32, #tpu.memory_space<vmem>>[vector<16xi32>], vector<16xf32>,
      %mul3A_221 = arith.constant 8 : i32
      %mul3A_222 = arith.muli %scan3A_78, %mul3A_221 : i32
      %add3A_223 = arith.constant 1 : i32
      %add3A_224 = arith.addi %mul3A_222, %add3A_223 : i32
      %mul3A_225 = arith.constant 16 : i32
      %mul3A_226 = arith.muli %add3A_224, %mul3A_225 : i32
      %dma_wait3A_227 = tpu.memref_slice %arg7[%mul3A_226] : memref<10112xi32, #tpu.memory_space<vmem>> -> memref<16xi32, #tpu.memory_space<vmem>>
      %dma_wait3A_228 = arith.constant 0 : i32
      %dma_wait3A_229 = arith.constant 0 : i32
      %dma_wait3A_230 = tpu.memref_slice %arg2[%dma_wait3A_228, %dma_wait3A_229] : memref<10240x128xf32, #tpu.memory_space<hbm>> -> memref<10240x128xf32, #tpu.memory_space<hbm>>
      tpu.wait_indirect_dma semaphore(%arg28 : memref<!tpu.dma_semaphore, #tpu.memory_space<semaphore_mem>>) src(%dma_wait3A_230 : memref<10240x128xf32, #tpu.memory_space<hbm>>) dst(%arg18 : memref<16x128xf32, #tpu.memory_space<vmem>>)
      %mul3A_231 = arith.constant 16 : i32
      %mul3A_232 = arith.muli %add3A_224, %mul3A_231 : i32
      %add3A_233 = arith.constant 0 : i32
      %add3A_234 = arith.addi %mul3A_232, %add3A_233 : i32
      %get3A_235 = arith.index_cast %add3A_234 : i32 to index
      %get3A_236 = tpu.vector_load %arg8[%get3A_235] {strides = array<i32>} : memref<10112xi32, #tpu.memory_space<vmem>>, vector<16xi32>,
      %swap3A_237 = arith.constant 0 : index
      %swap3A_238 = tpu.vector_load %arg10[%swap3A_237] {strides = array<i32>} : memref<16xi32, #tpu.memory_space<vmem>>, vector<16xi32>,
      tpu.vector_store %arg10[%swap3A_237], %get3A_236 {strides = array<i32>} : memref<16xi32, #tpu.memory_space<vmem>>, vector<16xi32>,
      %dma_start3A_239 = arith.constant 0 : i32
      %dma_start3A_240 = arith.constant 0 : i32
      %dma_start3A_241 = tpu.memref_slice %arg26[%dma_start3A_239, %dma_start3A_240] : memref<10240x128xf32, #tpu.memory_space<vmem_shared>> -> memref<10240x128xf32, #tpu.memory_space<vmem_shared>>
      tpu.enqueue_indirect_dma source(%arg18 : memref<16x128xf32, #tpu.memory_space<vmem>>) target(%dma_start3A_241 : memref<10240x128xf32, #tpu.memory_space<vmem_shared>>) offsets(%arg10 : memref<16xi32, #tpu.memory_space<vmem>>) semaphore(%arg36 : memref<!tpu.dma_semaphore, #tpu.memory_space<semaphore_mem>>) {add = true}
      %mul3A_242 = arith.constant 16 : i32
      %mul3A_243 = arith.muli %add3A_224, %mul3A_242 : i32
      %add3A_244 = arith.constant 0 : i32
      %add3A_245 = arith.addi %mul3A_243, %add3A_244 : i32
      %get3A_246 = arith.index_cast %add3A_245 : i32 to index
      %get3A_247 = tpu.vector_load %arg8[%get3A_246] {strides = array<i32>} : memref<10112xi32, #tpu.memory_space<vmem>>, vector<16xi32>,
      tpu.vector_store_idx %arg25[%get3A_247], %broadcast_in_dim3A_46 {add = true} : memref<10240xf32, #tpu.memory_space<vmem>>[vector<16xi32>], vector<16xf32>,
      %mul3A_248 = arith.constant 8 : i32
      %mul3A_249 = arith.muli %scan3A_78, %mul3A_248 : i32
      %add3A_250 = arith.constant 2 : i32
      %add3A_251 = arith.addi %mul3A_249, %add3A_250 : i32
      %mul3A_252 = arith.constant 16 : i32
      %mul3A_253 = arith.muli %add3A_251, %mul3A_252 : i32
      %dma_wait3A_254 = tpu.memref_slice %arg7[%mul3A_253] : memref<10112xi32, #tpu.memory_space<vmem>> -> memref<16xi32, #tpu.memory_space<vmem>>
      %dma_wait3A_255 = arith.constant 0 : i32
      %dma_wait3A_256 = arith.constant 0 : i32
      %dma_wait3A_257 = tpu.memref_slice %arg2[%dma_wait3A_255, %dma_wait3A_256] : memref<10240x128xf32, #tpu.memory_space<hbm>> -> memref<10240x128xf32, #tpu.memory_space<hbm>>
      tpu.wait_indirect_dma semaphore(%arg29 : memref<!tpu.dma_semaphore, #tpu.memory_space<semaphore_mem>>) src(%dma_wait3A_257 : memref<10240x128xf32, #tpu.memory_space<hbm>>) dst(%arg19 : memref<16x128xf32, #tpu.memory_space<vmem>>)
      %mul3A_258 = arith.constant 16 : i32
      %mul3A_259 = arith.muli %add3A_251, %mul3A_258 : i32
      %add3A_260 = arith.constant 0 : i32
      %add3A_261 = arith.addi %mul3A_259, %add3A_260 : i32
      %get3A_262 = arith.index_cast %add3A_261 : i32 to index
      %get3A_263 = tpu.vector_load %arg8[%get3A_262] {strides = array<i32>} : memref<10112xi32, #tpu.memory_space<vmem>>, vector<16xi32>,
      %swap3A_264 = arith.constant 0 : index
      %swap3A_265 = tpu.vector_load %arg11[%swap3A_264] {strides = array<i32>} : memref<16xi32, #tpu.memory_space<vmem>>, vector<16xi32>,
      tpu.vector_store %arg11[%swap3A_264], %get3A_263 {strides = array<i32>} : memref<16xi32, #tpu.memory_space<vmem>>, vector<16xi32>,
      %dma_start3A_266 = arith.constant 0 : i32
      %dma_start3A_267 = arith.constant 0 : i32
      %dma_start3A_268 = tpu.memref_slice %arg26[%dma_start3A_266, %dma_start3A_267] : memref<10240x128xf32, #tpu.memory_space<vmem_shared>> -> memref<10240x128xf32, #tpu.memory_space<vmem_shared>>
      tpu.enqueue_indirect_dma source(%arg19 : memref<16x128xf32, #tpu.memory_space<vmem>>) target(%dma_start3A_268 : memref<10240x128xf32, #tpu.memory_space<vmem_shared>>) offsets(%arg11 : memref<16xi32, #tpu.memory_space<vmem>>) semaphore(%arg37 : memref<!tpu.dma_semaphore, #tpu.memory_space<semaphore_mem>>) {add = true}
      %mul3A_269 = arith.constant 16 : i32
      %mul3A_270 = arith.muli %add3A_251, %mul3A_269 : i32
      %add3A_271 = arith.constant 0 : i32
      %add3A_272 = arith.addi %mul3A_270, %add3A_271 : i32
      %get3A_273 = arith.index_cast %add3A_272 : i32 to index
      %get3A_274 = tpu.vector_load %arg8[%get3A_273] {strides = array<i32>} : memref<10112xi32, #tpu.memory_space<vmem>>, vector<16xi32>,
      tpu.vector_store_idx %arg25[%get3A_274], %broadcast_in_dim3A_46 {add = true} : memref<10240xf32, #tpu.memory_space<vmem>>[vector<16xi32>], vector<16xf32>,
      %mul3A_275 = arith.constant 8 : i32
      %mul3A_276 = arith.muli %scan3A_78, %mul3A_275 : i32
      %add3A_277 = arith.constant 3 : i32
      %add3A_278 = arith.addi %mul3A_276, %add3A_277 : i32
      %mul3A_279 = arith.constant 16 : i32
      %mul3A_280 = arith.muli %add3A_278, %mul3A_279 : i32
      %dma_wait3A_281 = tpu.memref_slice %arg7[%mul3A_280] : memref<10112xi32, #tpu.memory_space<vmem>> -> memref<16xi32, #tpu.memory_space<vmem>>
      %dma_wait3A_282 = arith.constant 0 : i32
      %dma_wait3A_283 = arith.constant 0 : i32
      %dma_wait3A_284 = tpu.memref_slice %arg2[%dma_wait3A_282, %dma_wait3A_283] : memref<10240x128xf32, #tpu.memory_space<hbm>> -> memref<10240x128xf32, #tpu.memory_space<hbm>>
      tpu.wait_indirect_dma semaphore(%arg30 : memref<!tpu.dma_semaphore, #tpu.memory_space<semaphore_mem>>) src(%dma_wait3A_284 : memref<10240x128xf32, #tpu.memory_space<hbm>>) dst(%arg20 : memref<16x128xf32, #tpu.memory_space<vmem>>)
      %mul3A_285 = arith.constant 16 : i32
      %mul3A_286 = arith.muli %add3A_278, %mul3A_285 : i32
      %add3A_287 = arith.constant 0 : i32
      %add3A_288 = arith.addi %mul3A_286, %add3A_287 : i32
      %get3A_289 = arith.index_cast %add3A_288 : i32 to index
      %get3A_290 = tpu.vector_load %arg8[%get3A_289] {strides = array<i32>} : memref<10112xi32, #tpu.memory_space<vmem>>, vector<16xi32>,
      %swap3A_291 = arith.constant 0 : index
      %swap3A_292 = tpu.vector_load %arg12[%swap3A_291] {strides = array<i32>} : memref<16xi32, #tpu.memory_space<vmem>>, vector<16xi32>,
      tpu.vector_store %arg12[%swap3A_291], %get3A_290 {strides = array<i32>} : memref<16xi32, #tpu.memory_space<vmem>>, vector<16xi32>,
      %dma_start3A_293 = arith.constant 0 : i32
      %dma_start3A_294 = arith.constant 0 : i32
      %dma_start3A_295 = tpu.memref_slice %arg26[%dma_start3A_293, %dma_start3A_294] : memref<10240x128xf32, #tpu.memory_space<vmem_shared>> -> memref<10240x128xf32, #tpu.memory_space<vmem_shared>>
      tpu.enqueue_indirect_dma source(%arg20 : memref<16x128xf32, #tpu.memory_space<vmem>>) target(%dma_start3A_295 : memref<10240x128xf32, #tpu.memory_space<vmem_shared>>) offsets(%arg12 : memref<16xi32, #tpu.memory_space<vmem>>) semaphore(%arg38 : memref<!tpu.dma_semaphore, #tpu.memory_space<semaphore_mem>>) {add = true}
      %mul3A_296 = arith.constant 16 : i32
      %mul3A_297 = arith.muli %add3A_278, %mul3A_296 : i32
      %add3A_298 = arith.constant 0 : i32
      %add3A_299 = arith.addi %mul3A_297, %add3A_298 : i32
      %get3A_300 = arith.index_cast %add3A_299 : i32 to index
      %get3A_301 = tpu.vector_load %arg8[%get3A_300] {strides = array<i32>} : memref<10112xi32, #tpu.memory_space<vmem>>, vector<16xi32>,
      tpu.vector_store_idx %arg25[%get3A_301], %broadcast_in_dim3A_46 {add = true} : memref<10240xf32, #tpu.memory_space<vmem>>[vector<16xi32>], vector<16xf32>,
      %mul3A_302 = arith.constant 8 : i32
      %mul3A_303 = arith.muli %scan3A_78, %mul3A_302 : i32
      %add3A_304 = arith.constant 4 : i32
      %add3A_305 = arith.addi %mul3A_303, %add3A_304 : i32
      %mul3A_306 = arith.constant 16 : i32
      %mul3A_307 = arith.muli %add3A_305, %mul3A_306 : i32
      %dma_wait3A_308 = tpu.memref_slice %arg7[%mul3A_307] : memref<10112xi32, #tpu.memory_space<vmem>> -> memref<16xi32, #tpu.memory_space<vmem>>
      %dma_wait3A_309 = arith.constant 0 : i32
      %dma_wait3A_310 = arith.constant 0 : i32
      %dma_wait3A_311 = tpu.memref_slice %arg2[%dma_wait3A_309, %dma_wait3A_310] : memref<10240x128xf32, #tpu.memory_space<hbm>> -> memref<10240x128xf32, #tpu.memory_space<hbm>>
      tpu.wait_indirect_dma semaphore(%arg31 : memref<!tpu.dma_semaphore, #tpu.memory_space<semaphore_mem>>) src(%dma_wait3A_311 : memref<10240x128xf32, #tpu.memory_space<hbm>>) dst(%arg21 : memref<16x128xf32, #tpu.memory_space<vmem>>)
      %mul3A_312 = arith.constant 16 : i32
      %mul3A_313 = arith.muli %add3A_305, %mul3A_312 : i32
      %add3A_314 = arith.constant 0 : i32
      %add3A_315 = arith.addi %mul3A_313, %add3A_314 : i32
      %get3A_316 = arith.index_cast %add3A_315 : i32 to index
      %get3A_317 = tpu.vector_load %arg8[%get3A_316] {strides = array<i32>} : memref<10112xi32, #tpu.memory_space<vmem>>, vector<16xi32>,
      %swap3A_318 = arith.constant 0 : index
      %swap3A_319 = tpu.vector_load %arg13[%swap3A_318] {strides = array<i32>} : memref<16xi32, #tpu.memory_space<vmem>>, vector<16xi32>,
      tpu.vector_store %arg13[%swap3A_318], %get3A_317 {strides = array<i32>} : memref<16xi32, #tpu.memory_space<vmem>>, vector<16xi32>,
      %dma_start3A_320 = arith.constant 0 : i32
      %dma_start3A_321 = arith.constant 0 : i32
      %dma_start3A_322 = tpu.memref_slice %arg26[%dma_start3A_320, %dma_start3A_321] : memref<10240x128xf32, #tpu.memory_space<vmem_shared>> -> memref<10240x128xf32, #tpu.memory_space<vmem_shared>>
      tpu.enqueue_indirect_dma source(%arg21 : memref<16x128xf32, #tpu.memory_space<vmem>>) target(%dma_start3A_322 : memref<10240x128xf32, #tpu.memory_space<vmem_shared>>) offsets(%arg13 : memref<16xi32, #tpu.memory_space<vmem>>) semaphore(%arg39 : memref<!tpu.dma_semaphore, #tpu.memory_space<semaphore_mem>>) {add = true}
      %mul3A_323 = arith.constant 16 : i32
      %mul3A_324 = arith.muli %add3A_305, %mul3A_323 : i32
      %add3A_325 = arith.constant 0 : i32
      %add3A_326 = arith.addi %mul3A_324, %add3A_325 : i32
      %get3A_327 = arith.index_cast %add3A_326 : i32 to index
      %get3A_328 = tpu.vector_load %arg8[%get3A_327] {strides = array<i32>} : memref<10112xi32, #tpu.memory_space<vmem>>, vector<16xi32>,
      tpu.vector_store_idx %arg25[%get3A_328], %broadcast_in_dim3A_46 {add = true} : memref<10240xf32, #tpu.memory_space<vmem>>[vector<16xi32>], vector<16xf32>,
      %mul3A_329 = arith.constant 8 : i32
      %mul3A_330 = arith.muli %scan3A_78, %mul3A_329 : i32
      %add3A_331 = arith.constant 5 : i32
      %add3A_332 = arith.addi %mul3A_330, %add3A_331 : i32
      %mul3A_333 = arith.constant 16 : i32
      %mul3A_334 = arith.muli %add3A_332, %mul3A_333 : i32
      %dma_wait3A_335 = tpu.memref_slice %arg7[%mul3A_334] : memref<10112xi32, #tpu.memory_space<vmem>> -> memref<16xi32, #tpu.memory_space<vmem>>
      %dma_wait3A_336 = arith.constant 0 : i32
      %dma_wait3A_337 = arith.constant 0 : i32
      %dma_wait3A_338 = tpu.memref_slice %arg2[%dma_wait3A_336, %dma_wait3A_337] : memref<10240x128xf32, #tpu.memory_space<hbm>> -> memref<10240x128xf32, #tpu.memory_space<hbm>>
      tpu.wait_indirect_dma semaphore(%arg32 : memref<!tpu.dma_semaphore, #tpu.memory_space<semaphore_mem>>) src(%dma_wait3A_338 : memref<10240x128xf32, #tpu.memory_space<hbm>>) dst(%arg22 : memref<16x128xf32, #tpu.memory_space<vmem>>)
      %mul3A_339 = arith.constant 16 : i32
      %mul3A_340 = arith.muli %add3A_332, %mul3A_339 : i32
      %add3A_341 = arith.constant 0 : i32
      %add3A_342 = arith.addi %mul3A_340, %add3A_341 : i32
      %get3A_343 = arith.index_cast %add3A_342 : i32 to index
      %get3A_344 = tpu.vector_load %arg8[%get3A_343] {strides = array<i32>} : memref<10112xi32, #tpu.memory_space<vmem>>, vector<16xi32>,
      %swap3A_345 = arith.constant 0 : index
      %swap3A_346 = tpu.vector_load %arg14[%swap3A_345] {strides = array<i32>} : memref<16xi32, #tpu.memory_space<vmem>>, vector<16xi32>,
      tpu.vector_store %arg14[%swap3A_345], %get3A_344 {strides = array<i32>} : memref<16xi32, #tpu.memory_space<vmem>>, vector<16xi32>,
      %dma_start3A_347 = arith.constant 0 : i32
      %dma_start3A_348 = arith.constant 0 : i32
      %dma_start3A_349 = tpu.memref_slice %arg26[%dma_start3A_347, %dma_start3A_348] : memref<10240x128xf32, #tpu.memory_space<vmem_shared>> -> memref<10240x128xf32, #tpu.memory_space<vmem_shared>>
      tpu.enqueue_indirect_dma source(%arg22 : memref<16x128xf32, #tpu.memory_space<vmem>>) target(%dma_start3A_349 : memref<10240x128xf32, #tpu.memory_space<vmem_shared>>) offsets(%arg14 : memref<16xi32, #tpu.memory_space<vmem>>) semaphore(%arg40 : memref<!tpu.dma_semaphore, #tpu.memory_space<semaphore_mem>>) {add = true}
      %mul3A_350 = arith.constant 16 : i32
      %mul3A_351 = arith.muli %add3A_332, %mul3A_350 : i32
      %add3A_352 = arith.constant 0 : i32
      %add3A_353 = arith.addi %mul3A_351, %add3A_352 : i32
      %get3A_354 = arith.index_cast %add3A_353 : i32 to index
      %get3A_355 = tpu.vector_load %arg8[%get3A_354] {strides = array<i32>} : memref<10112xi32, #tpu.memory_space<vmem>>, vector<16xi32>,
      tpu.vector_store_idx %arg25[%get3A_355], %broadcast_in_dim3A_46 {add = true} : memref<10240xf32, #tpu.memory_space<vmem>>[vector<16xi32>], vector<16xf32>,
      %mul3A_356 = arith.constant 8 : i32
      %mul3A_357 = arith.muli %scan3A_78, %mul3A_356 : i32
      %add3A_358 = arith.constant 6 : i32
      %add3A_359 = arith.addi %mul3A_357, %add3A_358 : i32
      %mul3A_360 = arith.constant 16 : i32
      %mul3A_361 = arith.muli %add3A_359, %mul3A_360 : i32
      %dma_wait3A_362 = tpu.memref_slice %arg7[%mul3A_361] : memref<10112xi32, #tpu.memory_space<vmem>> -> memref<16xi32, #tpu.memory_space<vmem>>
      %dma_wait3A_363 = arith.constant 0 : i32
      %dma_wait3A_364 = arith.constant 0 : i32
      %dma_wait3A_365 = tpu.memref_slice %arg2[%dma_wait3A_363, %dma_wait3A_364] : memref<10240x128xf32, #tpu.memory_space<hbm>> -> memref<10240x128xf32, #tpu.memory_space<hbm>>
      tpu.wait_indirect_dma semaphore(%arg33 : memref<!tpu.dma_semaphore, #tpu.memory_space<semaphore_mem>>) src(%dma_wait3A_365 : memref<10240x128xf32, #tpu.memory_space<hbm>>) dst(%arg23 : memref<16x128xf32, #tpu.memory_space<vmem>>)
      %mul3A_366 = arith.constant 16 : i32
      %mul3A_367 = arith.muli %add3A_359, %mul3A_366 : i32
      %add3A_368 = arith.constant 0 : i32
      %add3A_369 = arith.addi %mul3A_367, %add3A_368 : i32
      %get3A_370 = arith.index_cast %add3A_369 : i32 to index
      %get3A_371 = tpu.vector_load %arg8[%get3A_370] {strides = array<i32>} : memref<10112xi32, #tpu.memory_space<vmem>>, vector<16xi32>,
      %swap3A_372 = arith.constant 0 : index
      %swap3A_373 = tpu.vector_load %arg15[%swap3A_372] {strides = array<i32>} : memref<16xi32, #tpu.memory_space<vmem>>, vector<16xi32>,
      tpu.vector_store %arg15[%swap3A_372], %get3A_371 {strides = array<i32>} : memref<16xi32, #tpu.memory_space<vmem>>, vector<16xi32>,
      %dma_start3A_374 = arith.constant 0 : i32
      %dma_start3A_375 = arith.constant 0 : i32
      %dma_start3A_376 = tpu.memref_slice %arg26[%dma_start3A_374, %dma_start3A_375] : memref<10240x128xf32, #tpu.memory_space<vmem_shared>> -> memref<10240x128xf32, #tpu.memory_space<vmem_shared>>
      tpu.enqueue_indirect_dma source(%arg23 : memref<16x128xf32, #tpu.memory_space<vmem>>) target(%dma_start3A_376 : memref<10240x128xf32, #tpu.memory_space<vmem_shared>>) offsets(%arg15 : memref<16xi32, #tpu.memory_space<vmem>>) semaphore(%arg41 : memref<!tpu.dma_semaphore, #tpu.memory_space<semaphore_mem>>) {add = true}
      %mul3A_377 = arith.constant 16 : i32
      %mul3A_378 = arith.muli %add3A_359, %mul3A_377 : i32
      %add3A_379 = arith.constant 0 : i32
      %add3A_380 = arith.addi %mul3A_378, %add3A_379 : i32
      %get3A_381 = arith.index_cast %add3A_380 : i32 to index
      %get3A_382 = tpu.vector_load %arg8[%get3A_381] {strides = array<i32>} : memref<10112xi32, #tpu.memory_space<vmem>>, vector<16xi32>,
      tpu.vector_store_idx %arg25[%get3A_382], %broadcast_in_dim3A_46 {add = true} : memref<10240xf32, #tpu.memory_space<vmem>>[vector<16xi32>], vector<16xf32>,
      %mul3A_383 = arith.constant 8 : i32
      %mul3A_384 = arith.muli %scan3A_78, %mul3A_383 : i32
      %add3A_385 = arith.constant 7 : i32
      %add3A_386 = arith.addi %mul3A_384, %add3A_385 : i32
      %mul3A_387 = arith.constant 16 : i32
      %mul3A_388 = arith.muli %add3A_386, %mul3A_387 : i32
      %dma_wait3A_389 = tpu.memref_slice %arg7[%mul3A_388] : memref<10112xi32, #tpu.memory_space<vmem>> -> memref<16xi32, #tpu.memory_space<vmem>>
      %dma_wait3A_390 = arith.constant 0 : i32
      %dma_wait3A_391 = arith.constant 0 : i32
      %dma_wait3A_392 = tpu.memref_slice %arg2[%dma_wait3A_390, %dma_wait3A_391] : memref<10240x128xf32, #tpu.memory_space<hbm>> -> memref<10240x128xf32, #tpu.memory_space<hbm>>
      tpu.wait_indirect_dma semaphore(%arg34 : memref<!tpu.dma_semaphore, #tpu.memory_space<semaphore_mem>>) src(%dma_wait3A_392 : memref<10240x128xf32, #tpu.memory_space<hbm>>) dst(%arg24 : memref<16x128xf32, #tpu.memory_space<vmem>>)
      %mul3A_393 = arith.constant 16 : i32
      %mul3A_394 = arith.muli %add3A_386, %mul3A_393 : i32
      %add3A_395 = arith.constant 0 : i32
      %add3A_396 = arith.addi %mul3A_394, %add3A_395 : i32
      %get3A_397 = arith.index_cast %add3A_396 : i32 to index
      %get3A_398 = tpu.vector_load %arg8[%get3A_397] {strides = array<i32>} : memref<10112xi32, #tpu.memory_space<vmem>>, vector<16xi32>,
      %swap3A_399 = arith.constant 0 : index
      %swap3A_400 = tpu.vector_load %arg16[%swap3A_399] {strides = array<i32>} : memref<16xi32, #tpu.memory_space<vmem>>, vector<16xi32>,
      tpu.vector_store %arg16[%swap3A_399], %get3A_398 {strides = array<i32>} : memref<16xi32, #tpu.memory_space<vmem>>, vector<16xi32>,
      %dma_start3A_401 = arith.constant 0 : i32
      %dma_start3A_402 = arith.constant 0 : i32
      %dma_start3A_403 = tpu.memref_slice %arg26[%dma_start3A_401, %dma_start3A_402] : memref<10240x128xf32, #tpu.memory_space<vmem_shared>> -> memref<10240x128xf32, #tpu.memory_space<vmem_shared>>
      tpu.enqueue_indirect_dma source(%arg24 : memref<16x128xf32, #tpu.memory_space<vmem>>) target(%dma_start3A_403 : memref<10240x128xf32, #tpu.memory_space<vmem_shared>>) offsets(%arg16 : memref<16xi32, #tpu.memory_space<vmem>>) semaphore(%arg42 : memref<!tpu.dma_semaphore, #tpu.memory_space<semaphore_mem>>) {add = true}
      %mul3A_404 = arith.constant 16 : i32
      %mul3A_405 = arith.muli %add3A_386, %mul3A_404 : i32
      %add3A_406 = arith.constant 0 : i32
      %add3A_407 = arith.addi %mul3A_405, %add3A_406 : i32
      %get3A_408 = arith.index_cast %add3A_407 : i32 to index
      %get3A_409 = tpu.vector_load %arg8[%get3A_408] {strides = array<i32>} : memref<10112xi32, #tpu.memory_space<vmem>>, vector<16xi32>,
      tpu.vector_store_idx %arg25[%get3A_409], %broadcast_in_dim3A_46 {add = true} : memref<10240xf32, #tpu.memory_space<vmem>>[vector<16xi32>], vector<16xf32>,
    }
    %scan3A_52 = arith.constant 79 : i32
    %dma_wait3A_53 = arith.constant 0 : i32
    %dma_wait3A_54 = arith.constant 0 : i32
    %dma_wait3A_55 = tpu.memref_slice %arg26[%dma_wait3A_53, %dma_wait3A_54] : memref<10240x128xf32, #tpu.memory_space<vmem_shared>> -> memref<10240x128xf32, #tpu.memory_space<vmem_shared>>
    tpu.wait_indirect_dma semaphore(%arg35 : memref<!tpu.dma_semaphore, #tpu.memory_space<semaphore_mem>>) src(%arg17 : memref<16x128xf32, #tpu.memory_space<vmem>>) dst(%dma_wait3A_55 : memref<10240x128xf32, #tpu.memory_space<vmem_shared>>)
    %dma_wait3A_56 = arith.constant 0 : i32
    %dma_wait3A_57 = arith.constant 0 : i32
    %dma_wait3A_58 = tpu.memref_slice %arg26[%dma_wait3A_56, %dma_wait3A_57] : memref<10240x128xf32, #tpu.memory_space<vmem_shared>> -> memref<10240x128xf32, #tpu.memory_space<vmem_shared>>
    tpu.wait_indirect_dma semaphore(%arg36 : memref<!tpu.dma_semaphore, #tpu.memory_space<semaphore_mem>>) src(%arg18 : memref<16x128xf32, #tpu.memory_space<vmem>>) dst(%dma_wait3A_58 : memref<10240x128xf32, #tpu.memory_space<vmem_shared>>)
    %dma_wait3A_59 = arith.constant 0 : i32
    %dma_wait3A_60 = arith.constant 0 : i32
    %dma_wait3A_61 = tpu.memref_slice %arg26[%dma_wait3A_59, %dma_wait3A_60] : memref<10240x128xf32, #tpu.memory_space<vmem_shared>> -> memref<10240x128xf32, #tpu.memory_space<vmem_shared>>
    tpu.wait_indirect_dma semaphore(%arg37 : memref<!tpu.dma_semaphore, #tpu.memory_space<semaphore_mem>>) src(%arg19 : memref<16x128xf32, #tpu.memory_space<vmem>>) dst(%dma_wait3A_61 : memref<10240x128xf32, #tpu.memory_space<vmem_shared>>)
    %dma_wait3A_62 = arith.constant 0 : i32
    %dma_wait3A_63 = arith.constant 0 : i32
    %dma_wait3A_64 = tpu.memref_slice %arg26[%dma_wait3A_62, %dma_wait3A_63] : memref<10240x128xf32, #tpu.memory_space<vmem_shared>> -> memref<10240x128xf32, #tpu.memory_space<vmem_shared>>
    tpu.wait_indirect_dma semaphore(%arg38 : memref<!tpu.dma_semaphore, #tpu.memory_space<semaphore_mem>>) src(%arg20 : memref<16x128xf32, #tpu.memory_space<vmem>>) dst(%dma_wait3A_64 : memref<10240x128xf32, #tpu.memory_space<vmem_shared>>)
    %dma_wait3A_65 = arith.constant 0 : i32
    %dma_wait3A_66 = arith.constant 0 : i32
    %dma_wait3A_67 = tpu.memref_slice %arg26[%dma_wait3A_65, %dma_wait3A_66] : memref<10240x128xf32, #tpu.memory_space<vmem_shared>> -> memref<10240x128xf32, #tpu.memory_space<vmem_shared>>
    tpu.wait_indirect_dma semaphore(%arg39 : memref<!tpu.dma_semaphore, #tpu.memory_space<semaphore_mem>>) src(%arg21 : memref<16x128xf32, #tpu.memory_space<vmem>>) dst(%dma_wait3A_67 : memref<10240x128xf32, #tpu.memory_space<vmem_shared>>)
    %dma_wait3A_68 = arith.constant 0 : i32
    %dma_wait3A_69 = arith.constant 0 : i32
    %dma_wait3A_70 = tpu.memref_slice %arg26[%dma_wait3A_68, %dma_wait3A_69] : memref<10240x128xf32, #tpu.memory_space<vmem_shared>> -> memref<10240x128xf32, #tpu.memory_space<vmem_shared>>
    tpu.wait_indirect_dma semaphore(%arg40 : memref<!tpu.dma_semaphore, #tpu.memory_space<semaphore_mem>>) src(%arg22 : memref<16x128xf32, #tpu.memory_space<vmem>>) dst(%dma_wait3A_70 : memref<10240x128xf32, #tpu.memory_space<vmem_shared>>)
    %dma_wait3A_71 = arith.constant 0 : i32
    %dma_wait3A_72 = arith.constant 0 : i32
    %dma_wait3A_73 = tpu.memref_slice %arg26[%dma_wait3A_71, %dma_wait3A_72] : memref<10240x128xf32, #tpu.memory_space<vmem_shared>> -> memref<10240x128xf32, #tpu.memory_space<vmem_shared>>
    tpu.wait_indirect_dma semaphore(%arg41 : memref<!tpu.dma_semaphore, #tpu.memory_space<semaphore_mem>>) src(%arg23 : memref<16x128xf32, #tpu.memory_space<vmem>>) dst(%dma_wait3A_73 : memref<10240x128xf32, #tpu.memory_space<vmem_shared>>)
    %dma_wait3A_74 = arith.constant 0 : i32
    %dma_wait3A_75 = arith.constant 0 : i32
    %dma_wait3A_76 = tpu.memref_slice %arg26[%dma_wait3A_74, %dma_wait3A_75] : memref<10240x128xf32, #tpu.memory_space<vmem_shared>> -> memref<10240x128xf32, #tpu.memory_space<vmem_shared>>
    tpu.wait_indirect_dma semaphore(%arg42 : memref<!tpu.dma_semaphore, #tpu.memory_space<semaphore_mem>>) src(%arg24 : memref<16x128xf32, #tpu.memory_space<vmem>>) dst(%dma_wait3A_76 : memref<10240x128xf32, #tpu.memory_space<vmem_shared>>)
    %barrier3A_77 = arith.constant 0 : index
    tpu.barrier barrier_id(%barrier3A_77)
    "tpu.region"() ({
      %run_scoped3A = tpu.sem_alloc : memref<!tpu.dma_semaphore, #tpu.memory_space<semaphore_mem>>
      %dma_start3A_78 = arith.constant 0 : i32
      %dma_start3A_79 = tpu.memref_slice %arg5[%arg0, %mul3A_2, %dma_start3A_78] : memref<2x10240x128xf32, #tpu.memory_space<hbm>> -> memref<1x640x128xf32, #tpu.memory_space<hbm>>
      %dma_start3A_80 = tpu.memref_squeeze %dma_start3A_79 : memref<1x640x128xf32, #tpu.memory_space<hbm>> -> memref<640x128xf32, #tpu.memory_space<hbm>>
      %dma_start3A_81 = arith.constant 0 : i32
      %dma_start3A_82 = tpu.memref_slice %arg26[%mul3A_2, %dma_start3A_81] : memref<10240x128xf32, #tpu.memory_space<vmem_shared>> -> memref<640x128xf32, #tpu.memory_space<vmem_shared>>
      tpu.enqueue_dma source(%dma_start3A_82 : memref<640x128xf32, #tpu.memory_space<vmem_shared>>) target(%dma_start3A_80 : memref<640x128xf32, #tpu.memory_space<hbm>>) target_semaphore(%run_scoped3A : memref<!tpu.dma_semaphore, #tpu.memory_space<semaphore_mem>>)
      %dma_wait3A_83 = arith.constant 0 : i32
      %dma_wait3A_84 = tpu.memref_slice %arg5[%arg0, %mul3A_2, %dma_wait3A_83] : memref<2x10240x128xf32, #tpu.memory_space<hbm>> -> memref<1x640x128xf32, #tpu.memory_space<hbm>>
      %dma_wait3A_85 = tpu.memref_squeeze %dma_wait3A_84 : memref<1x640x128xf32, #tpu.memory_space<hbm>> -> memref<640x128xf32, #tpu.memory_space<hbm>>
      %dma_wait3A_86 = arith.constant 0 : i32
      %dma_wait3A_87 = tpu.memref_slice %arg26[%mul3A_2, %dma_wait3A_86] : memref<10240x128xf32, #tpu.memory_space<vmem_shared>> -> memref<640x128xf32, #tpu.memory_space<vmem_shared>>
      tpu.wait_dma2 semaphore(%run_scoped3A : memref<!tpu.dma_semaphore, #tpu.memory_space<semaphore_mem>>) src(%dma_wait3A_87 : memref<640x128xf32, #tpu.memory_space<vmem_shared>>) dst(%dma_wait3A_85 : memref<640x128xf32, #tpu.memory_space<hbm>>)
      tpu.yield
    }) : () -> ()
    "tpu.region"() ({
      %run_scoped3A = tpu.sem_alloc : memref<!tpu.dma_semaphore, #tpu.memory_space<semaphore_mem>>
      %dma_start3A_78 = arith.constant 0 : i32
      %dma_start3A_79 = tpu.memref_slice %arg6[%add3A, %dma_start3A_78] : memref<32x10240xf32, #tpu.memory_space<hbm>> -> memref<1x10240xf32, #tpu.memory_space<hbm>>
      %dma_start3A_80 = tpu.memref_squeeze %dma_start3A_79 : memref<1x10240xf32, #tpu.memory_space<hbm>> -> memref<10240xf32, #tpu.memory_space<hbm>>
      %dma_start3A_81 = arith.constant 0 : i32
      %dma_start3A_82 = tpu.memref_slice %arg6[%add3A, %dma_start3A_81] : memref<32x10240xf32, #tpu.memory_space<hbm>> -> memref<1x10240xf32, #tpu.memory_space<hbm>>
      %dma_start3A_83 = tpu.memref_squeeze %dma_start3A_82 : memref<1x10240xf32, #tpu.memory_space<hbm>> -> memref<10240xf32, #tpu.memory_space<hbm>>
      tpu.enqueue_dma source(%arg25 : memref<10240xf32, #tpu.memory_space<vmem>>) target(%dma_start3A_83 : memref<10240xf32, #tpu.memory_space<hbm>>) target_semaphore(%run_scoped3A : memref<!tpu.dma_semaphore, #tpu.memory_space<semaphore_mem>>)
      %dma_wait3A_84 = arith.constant 0 : i32
      %dma_wait3A_85 = tpu.memref_slice %arg6[%add3A, %dma_wait3A_84] : memref<32x10240xf32, #tpu.memory_space<hbm>> -> memref<1x10240xf32, #tpu.memory_space<hbm>>
      %dma_wait3A_86 = tpu.memref_squeeze %dma_wait3A_85 : memref<1x10240xf32, #tpu.memory_space<hbm>> -> memref<10240xf32, #tpu.memory_space<hbm>>
      %dma_wait3A_87 = arith.constant 0 : i32
      %dma_wait3A_88 = tpu.memref_slice %arg6[%add3A, %dma_wait3A_87] : memref<32x10240xf32, #tpu.memory_space<hbm>> -> memref<1x10240xf32, #tpu.memory_space<hbm>>
      %dma_wait3A_89 = tpu.memref_squeeze %dma_wait3A_88 : memref<1x10240xf32, #tpu.memory_space<hbm>> -> memref<10240xf32, #tpu.memory_space<hbm>>
      tpu.wait_dma2 semaphore(%run_scoped3A : memref<!tpu.dma_semaphore, #tpu.memory_space<semaphore_mem>>) src(%arg25 : memref<10240xf32, #tpu.memory_space<vmem>>) dst(%dma_wait3A_89 : memref<10240xf32, #tpu.memory_space<hbm>>)
      tpu.yield
    }) : () -> ()
    return
  }
}

module attributes {stable_mosaic.version = 14 : i64} {
  func.func @_in_body(%arg0: i32, %arg1: memref<1024x128xf32, #tpu.memory_space<vmem>>, %arg2: memref<128x128xf32, #tpu.memory_space<vmem>>, %arg3: memref<1x128xf32, #tpu.memory_space<vmem>>, %arg4: memref<1024x128xf32, #tpu.memory_space<vmem>>) attributes {dimension_semantics = [#tpu.dimension_semantics<arbitrary>], iteration_bounds = array<i64: 10>, scalar_prefetch = 0 : i64, scratch_operands = 0 : i64, tpu.core_type = #tpu.core_type<tc>, window_params = [{transform_indices = @transform_0, window_bounds = array<i64: 1024, 128>}, {pipeline_mode = #tpu.pipeline_mode<synchronous>, transform_indices = @transform_1, window_bounds = array<i64: 128, 128>}, {pipeline_mode = #tpu.pipeline_mode<synchronous>, transform_indices = @transform_2, window_bounds = array<i64: 1, 128>}, {transform_indices = @transform_3, window_bounds = array<i64: 1024, 128>}]} {
    %get3A = arith.constant 0 : index
    %get3A_0 = arith.constant 0 : index
    %get3A_1 = vector.load %arg1[%get3A, %get3A_0] : memref<1024x128xf32, #tpu.memory_space<vmem>>, vector<1024x128xf32>
    %get3A_2 = arith.constant 0 : index
    %get3A_3 = arith.constant 0 : index
    %get3A_4 = vector.load %arg2[%get3A_2, %get3A_3] : memref<128x128xf32, #tpu.memory_space<vmem>>, vector<128x128xf32>
    %dot_general3A = arith.constant dense<0.000000e+00> : vector<1024x128xf32>
    %dot_general3A_5 = tpu.matmul %get3A_1, %get3A_4, %dot_general3A {dimension_numbers = #tpu.dot_dimension_numbers<[1], [1], [0], [0], [0, 0, 1, 0], [], []>, transpose_lhs_hint = false} : vector<1024x128xf32>, vector<128x128xf32>, vector<1024x128xf32> -> vector<1024x128xf32>
    %get3A_6 = arith.constant 0 : index
    %get3A_7 = arith.constant 0 : index
    %get3A_8 = vector.load %arg3[%get3A_6, %get3A_7] : memref<1x128xf32, #tpu.memory_space<vmem>>, vector<1x128xf32>
    %add3A = vector.broadcast %get3A_8 : vector<1x128xf32> to vector<1024x128xf32>
    %add3A_9 = arith.addf %dot_general3A_5, %add3A : vector<1024x128xf32>
    %bitcast_convert_type3A = tpu.bitcast %add3A_9 : vector<1024x128xf32> -> vector<1024x128xi32>
    %ge3A = arith.constant 0 : i32
    %ge3A_10 = vector.broadcast %ge3A : i32 to vector<1024x128xi32>
    %ge3A_11 = arith.cmpi sge, %bitcast_convert_type3A, %ge3A_10 : vector<1024x128xi32>
    %xor3A = arith.constant -2147483648 : i32
    %xor3A_12 = vector.broadcast %xor3A : i32 to vector<1024x128xi32>
    %xor3A_13 = arith.xori %bitcast_convert_type3A, %xor3A_12 : vector<1024x128xi32>
    %not3A = arith.constant dense<-1> : vector<1024x128xi32>
    %not3A_14 = arith.xori %xor3A_13, %not3A : vector<1024x128xi32>
    %select_n3A = arith.select %ge3A_11, %bitcast_convert_type3A, %not3A_14 : vector<1024x128xi1>, vector<1024x128xi32>
    %broadcast_in_dim3A = arith.constant 1.000000e+00 : f32
    %broadcast_in_dim3A_15 = vector.broadcast %broadcast_in_dim3A : f32 to vector<128x1xf32>
    %ge3A_16 = arith.constant 0 : i32
    %ge3A_17 = vector.broadcast %ge3A_16 : i32 to vector<1024x128xi32>
    %ge3A_18 = arith.cmpi sge, %select_n3A, %ge3A_17 : vector<1024x128xi32>
    %jit3A = arith.constant 1.000000e+00 : f32
    %jit3A_19 = arith.constant 0.000000e+00 : f32
    %broadcast_in_dim3A_20 = vector.broadcast %jit3A : f32 to vector<1024x128xf32>
    %broadcast_in_dim3A_21 = vector.broadcast %jit3A_19 : f32 to vector<1024x128xf32>
    %select_n3A_22 = arith.select %ge3A_18, %broadcast_in_dim3A_20, %broadcast_in_dim3A_21 : vector<1024x128xi1>, vector<1024x128xf32>
    %dot_general3A_23 = arith.constant dense<0.000000e+00> : vector<1024x1xf32>
    %dot_general3A_24 = tpu.matmul %select_n3A_22, %broadcast_in_dim3A_15, %dot_general3A_23 {dimension_numbers = #tpu.dot_dimension_numbers<[1], [0], [0], [1], [0, 0, 1, 1], [], []>, transpose_lhs_hint = false} : vector<1024x128xf32>, vector<128x1xf32>, vector<1024x1xf32> -> vector<1024x1xf32>
    %ge3A_25 = arith.constant 3.200000e+01 : f32
    %ge3A_26 = vector.broadcast %ge3A_25 : f32 to vector<1024x1xf32>
    %ge3A_27 = arith.cmpf oge, %dot_general3A_24, %ge3A_26 : vector<1024x1xf32>
    %jit3A_28 = arith.constant 0 : i32
    %jit3A_29 = arith.constant -2147483648 : i32
    %broadcast_in_dim3A_30 = vector.broadcast %jit3A_28 : i32 to vector<1024x1xi32>
    %broadcast_in_dim3A_31 = vector.broadcast %jit3A_29 : i32 to vector<1024x1xi32>
    %select_n3A_32 = arith.select %ge3A_27, %broadcast_in_dim3A_30, %broadcast_in_dim3A_31 : vector<1024x1xi1>, vector<1024x1xi32>
    %add3A_33 = arith.constant 1073741824 : i32
    %add3A_34 = vector.broadcast %add3A_33 : i32 to vector<1024x1xi32>
    %add3A_35 = arith.addi %select_n3A_32, %add3A_34 : vector<1024x1xi32>
    %ge3A_36 = vector.broadcast %add3A_35 : vector<1024x1xi32> to vector<1024x128xi32>
    %ge3A_37 = arith.cmpi sge, %select_n3A, %ge3A_36 : vector<1024x128xi32>
    %jit3A_38 = arith.constant 1.000000e+00 : f32
    %jit3A_39 = arith.constant 0.000000e+00 : f32
    %broadcast_in_dim3A_40 = vector.broadcast %jit3A_38 : f32 to vector<1024x128xf32>
    %broadcast_in_dim3A_41 = vector.broadcast %jit3A_39 : f32 to vector<1024x128xf32>
    %select_n3A_42 = arith.select %ge3A_37, %broadcast_in_dim3A_40, %broadcast_in_dim3A_41 : vector<1024x128xi1>, vector<1024x128xf32>
    %dot_general3A_43 = arith.constant dense<0.000000e+00> : vector<1024x1xf32>
    %dot_general3A_44 = tpu.matmul %select_n3A_42, %broadcast_in_dim3A_15, %dot_general3A_43 {dimension_numbers = #tpu.dot_dimension_numbers<[1], [0], [0], [1], [0, 0, 1, 1], [], []>, transpose_lhs_hint = false} : vector<1024x128xf32>, vector<128x1xf32>, vector<1024x1xf32> -> vector<1024x1xf32>
    %ge3A_45 = arith.constant 3.200000e+01 : f32
    %ge3A_46 = vector.broadcast %ge3A_45 : f32 to vector<1024x1xf32>
    %ge3A_47 = arith.cmpf oge, %dot_general3A_44, %ge3A_46 : vector<1024x1xf32>
    %select_n3A_48 = arith.select %ge3A_47, %add3A_35, %select_n3A_32 : vector<1024x1xi1>, vector<1024x1xi32>
    %add3A_49 = arith.constant 536870912 : i32
    %add3A_50 = vector.broadcast %add3A_49 : i32 to vector<1024x1xi32>
    %add3A_51 = arith.addi %select_n3A_48, %add3A_50 : vector<1024x1xi32>
    %ge3A_52 = vector.broadcast %add3A_51 : vector<1024x1xi32> to vector<1024x128xi32>
    %ge3A_53 = arith.cmpi sge, %select_n3A, %ge3A_52 : vector<1024x128xi32>
    %jit3A_54 = arith.constant 1.000000e+00 : f32
    %jit3A_55 = arith.constant 0.000000e+00 : f32
    %broadcast_in_dim3A_56 = vector.broadcast %jit3A_54 : f32 to vector<1024x128xf32>
    %broadcast_in_dim3A_57 = vector.broadcast %jit3A_55 : f32 to vector<1024x128xf32>
    %select_n3A_58 = arith.select %ge3A_53, %broadcast_in_dim3A_56, %broadcast_in_dim3A_57 : vector<1024x128xi1>, vector<1024x128xf32>
    %dot_general3A_59 = arith.constant dense<0.000000e+00> : vector<1024x1xf32>
    %dot_general3A_60 = tpu.matmul %select_n3A_58, %broadcast_in_dim3A_15, %dot_general3A_59 {dimension_numbers = #tpu.dot_dimension_numbers<[1], [0], [0], [1], [0, 0, 1, 1], [], []>, transpose_lhs_hint = false} : vector<1024x128xf32>, vector<128x1xf32>, vector<1024x1xf32> -> vector<1024x1xf32>
    %ge3A_61 = arith.constant 3.200000e+01 : f32
    %ge3A_62 = vector.broadcast %ge3A_61 : f32 to vector<1024x1xf32>
    %ge3A_63 = arith.cmpf oge, %dot_general3A_60, %ge3A_62 : vector<1024x1xf32>
    %select_n3A_64 = arith.select %ge3A_63, %add3A_51, %select_n3A_48 : vector<1024x1xi1>, vector<1024x1xi32>
    %add3A_65 = arith.constant 268435456 : i32
    %add3A_66 = vector.broadcast %add3A_65 : i32 to vector<1024x1xi32>
    %add3A_67 = arith.addi %select_n3A_64, %add3A_66 : vector<1024x1xi32>
    %ge3A_68 = vector.broadcast %add3A_67 : vector<1024x1xi32> to vector<1024x128xi32>
    %ge3A_69 = arith.cmpi sge, %select_n3A, %ge3A_68 : vector<1024x128xi32>
    %jit3A_70 = arith.constant 1.000000e+00 : f32
    %jit3A_71 = arith.constant 0.000000e+00 : f32
    %broadcast_in_dim3A_72 = vector.broadcast %jit3A_70 : f32 to vector<1024x128xf32>
    %broadcast_in_dim3A_73 = vector.broadcast %jit3A_71 : f32 to vector<1024x128xf32>
    %select_n3A_74 = arith.select %ge3A_69, %broadcast_in_dim3A_72, %broadcast_in_dim3A_73 : vector<1024x128xi1>, vector<1024x128xf32>
    %dot_general3A_75 = arith.constant dense<0.000000e+00> : vector<1024x1xf32>
    %dot_general3A_76 = tpu.matmul %select_n3A_74, %broadcast_in_dim3A_15, %dot_general3A_75 {dimension_numbers = #tpu.dot_dimension_numbers<[1], [0], [0], [1], [0, 0, 1, 1], [], []>, transpose_lhs_hint = false} : vector<1024x128xf32>, vector<128x1xf32>, vector<1024x1xf32> -> vector<1024x1xf32>
    %ge3A_77 = arith.constant 3.200000e+01 : f32
    %ge3A_78 = vector.broadcast %ge3A_77 : f32 to vector<1024x1xf32>
    %ge3A_79 = arith.cmpf oge, %dot_general3A_76, %ge3A_78 : vector<1024x1xf32>
    %select_n3A_80 = arith.select %ge3A_79, %add3A_67, %select_n3A_64 : vector<1024x1xi1>, vector<1024x1xi32>
    %add3A_81 = arith.constant 134217728 : i32
    %add3A_82 = vector.broadcast %add3A_81 : i32 to vector<1024x1xi32>
    %add3A_83 = arith.addi %select_n3A_80, %add3A_82 : vector<1024x1xi32>
    %ge3A_84 = vector.broadcast %add3A_83 : vector<1024x1xi32> to vector<1024x128xi32>
    %ge3A_85 = arith.cmpi sge, %select_n3A, %ge3A_84 : vector<1024x128xi32>
    %jit3A_86 = arith.constant 1.000000e+00 : f32
    %jit3A_87 = arith.constant 0.000000e+00 : f32
    %broadcast_in_dim3A_88 = vector.broadcast %jit3A_86 : f32 to vector<1024x128xf32>
    %broadcast_in_dim3A_89 = vector.broadcast %jit3A_87 : f32 to vector<1024x128xf32>
    %select_n3A_90 = arith.select %ge3A_85, %broadcast_in_dim3A_88, %broadcast_in_dim3A_89 : vector<1024x128xi1>, vector<1024x128xf32>
    %dot_general3A_91 = arith.constant dense<0.000000e+00> : vector<1024x1xf32>
    %dot_general3A_92 = tpu.matmul %select_n3A_90, %broadcast_in_dim3A_15, %dot_general3A_91 {dimension_numbers = #tpu.dot_dimension_numbers<[1], [0], [0], [1], [0, 0, 1, 1], [], []>, transpose_lhs_hint = false} : vector<1024x128xf32>, vector<128x1xf32>, vector<1024x1xf32> -> vector<1024x1xf32>
    %ge3A_93 = arith.constant 3.200000e+01 : f32
    %ge3A_94 = vector.broadcast %ge3A_93 : f32 to vector<1024x1xf32>
    %ge3A_95 = arith.cmpf oge, %dot_general3A_92, %ge3A_94 : vector<1024x1xf32>
    %select_n3A_96 = arith.select %ge3A_95, %add3A_83, %select_n3A_80 : vector<1024x1xi1>, vector<1024x1xi32>
    %add3A_97 = arith.constant 67108864 : i32
    %add3A_98 = vector.broadcast %add3A_97 : i32 to vector<1024x1xi32>
    %add3A_99 = arith.addi %select_n3A_96, %add3A_98 : vector<1024x1xi32>
    %ge3A_100 = vector.broadcast %add3A_99 : vector<1024x1xi32> to vector<1024x128xi32>
    %ge3A_101 = arith.cmpi sge, %select_n3A, %ge3A_100 : vector<1024x128xi32>
    %jit3A_102 = arith.constant 1.000000e+00 : f32
    %jit3A_103 = arith.constant 0.000000e+00 : f32
    %broadcast_in_dim3A_104 = vector.broadcast %jit3A_102 : f32 to vector<1024x128xf32>
    %broadcast_in_dim3A_105 = vector.broadcast %jit3A_103 : f32 to vector<1024x128xf32>
    %select_n3A_106 = arith.select %ge3A_101, %broadcast_in_dim3A_104, %broadcast_in_dim3A_105 : vector<1024x128xi1>, vector<1024x128xf32>
    %dot_general3A_107 = arith.constant dense<0.000000e+00> : vector<1024x1xf32>
    %dot_general3A_108 = tpu.matmul %select_n3A_106, %broadcast_in_dim3A_15, %dot_general3A_107 {dimension_numbers = #tpu.dot_dimension_numbers<[1], [0], [0], [1], [0, 0, 1, 1], [], []>, transpose_lhs_hint = false} : vector<1024x128xf32>, vector<128x1xf32>, vector<1024x1xf32> -> vector<1024x1xf32>
    %ge3A_109 = arith.constant 3.200000e+01 : f32
    %ge3A_110 = vector.broadcast %ge3A_109 : f32 to vector<1024x1xf32>
    %ge3A_111 = arith.cmpf oge, %dot_general3A_108, %ge3A_110 : vector<1024x1xf32>
    %select_n3A_112 = arith.select %ge3A_111, %add3A_99, %select_n3A_96 : vector<1024x1xi1>, vector<1024x1xi32>
    %add3A_113 = arith.constant 33554432 : i32
    %add3A_114 = vector.broadcast %add3A_113 : i32 to vector<1024x1xi32>
    %add3A_115 = arith.addi %select_n3A_112, %add3A_114 : vector<1024x1xi32>
    %ge3A_116 = vector.broadcast %add3A_115 : vector<1024x1xi32> to vector<1024x128xi32>
    %ge3A_117 = arith.cmpi sge, %select_n3A, %ge3A_116 : vector<1024x128xi32>
    %jit3A_118 = arith.constant 1.000000e+00 : f32
    %jit3A_119 = arith.constant 0.000000e+00 : f32
    %broadcast_in_dim3A_120 = vector.broadcast %jit3A_118 : f32 to vector<1024x128xf32>
    %broadcast_in_dim3A_121 = vector.broadcast %jit3A_119 : f32 to vector<1024x128xf32>
    %select_n3A_122 = arith.select %ge3A_117, %broadcast_in_dim3A_120, %broadcast_in_dim3A_121 : vector<1024x128xi1>, vector<1024x128xf32>
    %dot_general3A_123 = arith.constant dense<0.000000e+00> : vector<1024x1xf32>
    %dot_general3A_124 = tpu.matmul %select_n3A_122, %broadcast_in_dim3A_15, %dot_general3A_123 {dimension_numbers = #tpu.dot_dimension_numbers<[1], [0], [0], [1], [0, 0, 1, 1], [], []>, transpose_lhs_hint = false} : vector<1024x128xf32>, vector<128x1xf32>, vector<1024x1xf32> -> vector<1024x1xf32>
    %ge3A_125 = arith.constant 3.200000e+01 : f32
    %ge3A_126 = vector.broadcast %ge3A_125 : f32 to vector<1024x1xf32>
    %ge3A_127 = arith.cmpf oge, %dot_general3A_124, %ge3A_126 : vector<1024x1xf32>
    %select_n3A_128 = arith.select %ge3A_127, %add3A_115, %select_n3A_112 : vector<1024x1xi1>, vector<1024x1xi32>
    %add3A_129 = arith.constant 16777216 : i32
    %add3A_130 = vector.broadcast %add3A_129 : i32 to vector<1024x1xi32>
    %add3A_131 = arith.addi %select_n3A_128, %add3A_130 : vector<1024x1xi32>
    %ge3A_132 = vector.broadcast %add3A_131 : vector<1024x1xi32> to vector<1024x128xi32>
    %ge3A_133 = arith.cmpi sge, %select_n3A, %ge3A_132 : vector<1024x128xi32>
    %jit3A_134 = arith.constant 1.000000e+00 : f32
    %jit3A_135 = arith.constant 0.000000e+00 : f32
    %broadcast_in_dim3A_136 = vector.broadcast %jit3A_134 : f32 to vector<1024x128xf32>
    %broadcast_in_dim3A_137 = vector.broadcast %jit3A_135 : f32 to vector<1024x128xf32>
    %select_n3A_138 = arith.select %ge3A_133, %broadcast_in_dim3A_136, %broadcast_in_dim3A_137 : vector<1024x128xi1>, vector<1024x128xf32>
    %dot_general3A_139 = arith.constant dense<0.000000e+00> : vector<1024x1xf32>
    %dot_general3A_140 = tpu.matmul %select_n3A_138, %broadcast_in_dim3A_15, %dot_general3A_139 {dimension_numbers = #tpu.dot_dimension_numbers<[1], [0], [0], [1], [0, 0, 1, 1], [], []>, transpose_lhs_hint = false} : vector<1024x128xf32>, vector<128x1xf32>, vector<1024x1xf32> -> vector<1024x1xf32>
    %ge3A_141 = arith.constant 3.200000e+01 : f32
    %ge3A_142 = vector.broadcast %ge3A_141 : f32 to vector<1024x1xf32>
    %ge3A_143 = arith.cmpf oge, %dot_general3A_140, %ge3A_142 : vector<1024x1xf32>
    %select_n3A_144 = arith.select %ge3A_143, %add3A_131, %select_n3A_128 : vector<1024x1xi1>, vector<1024x1xi32>
    %add3A_145 = arith.constant 8388608 : i32
    %add3A_146 = vector.broadcast %add3A_145 : i32 to vector<1024x1xi32>
    %add3A_147 = arith.addi %select_n3A_144, %add3A_146 : vector<1024x1xi32>
    %ge3A_148 = vector.broadcast %add3A_147 : vector<1024x1xi32> to vector<1024x128xi32>
    %ge3A_149 = arith.cmpi sge, %select_n3A, %ge3A_148 : vector<1024x128xi32>
    %jit3A_150 = arith.constant 1.000000e+00 : f32
    %jit3A_151 = arith.constant 0.000000e+00 : f32
    %broadcast_in_dim3A_152 = vector.broadcast %jit3A_150 : f32 to vector<1024x128xf32>
    %broadcast_in_dim3A_153 = vector.broadcast %jit3A_151 : f32 to vector<1024x128xf32>
    %select_n3A_154 = arith.select %ge3A_149, %broadcast_in_dim3A_152, %broadcast_in_dim3A_153 : vector<1024x128xi1>, vector<1024x128xf32>
    %dot_general3A_155 = arith.constant dense<0.000000e+00> : vector<1024x1xf32>
    %dot_general3A_156 = tpu.matmul %select_n3A_154, %broadcast_in_dim3A_15, %dot_general3A_155 {dimension_numbers = #tpu.dot_dimension_numbers<[1], [0], [0], [1], [0, 0, 1, 1], [], []>, transpose_lhs_hint = false} : vector<1024x128xf32>, vector<128x1xf32>, vector<1024x1xf32> -> vector<1024x1xf32>
    %ge3A_157 = arith.constant 3.200000e+01 : f32
    %ge3A_158 = vector.broadcast %ge3A_157 : f32 to vector<1024x1xf32>
    %ge3A_159 = arith.cmpf oge, %dot_general3A_156, %ge3A_158 : vector<1024x1xf32>
    %select_n3A_160 = arith.select %ge3A_159, %add3A_147, %select_n3A_144 : vector<1024x1xi1>, vector<1024x1xi32>
    %add3A_161 = arith.constant 4194304 : i32
    %add3A_162 = vector.broadcast %add3A_161 : i32 to vector<1024x1xi32>
    %add3A_163 = arith.addi %select_n3A_160, %add3A_162 : vector<1024x1xi32>
    %ge3A_164 = vector.broadcast %add3A_163 : vector<1024x1xi32> to vector<1024x128xi32>
    %ge3A_165 = arith.cmpi sge, %select_n3A, %ge3A_164 : vector<1024x128xi32>
    %jit3A_166 = arith.constant 1.000000e+00 : f32
    %jit3A_167 = arith.constant 0.000000e+00 : f32
    %broadcast_in_dim3A_168 = vector.broadcast %jit3A_166 : f32 to vector<1024x128xf32>
    %broadcast_in_dim3A_169 = vector.broadcast %jit3A_167 : f32 to vector<1024x128xf32>
    %select_n3A_170 = arith.select %ge3A_165, %broadcast_in_dim3A_168, %broadcast_in_dim3A_169 : vector<1024x128xi1>, vector<1024x128xf32>
    %dot_general3A_171 = arith.constant dense<0.000000e+00> : vector<1024x1xf32>
    %dot_general3A_172 = tpu.matmul %select_n3A_170, %broadcast_in_dim3A_15, %dot_general3A_171 {dimension_numbers = #tpu.dot_dimension_numbers<[1], [0], [0], [1], [0, 0, 1, 1], [], []>, transpose_lhs_hint = false} : vector<1024x128xf32>, vector<128x1xf32>, vector<1024x1xf32> -> vector<1024x1xf32>
    %ge3A_173 = arith.constant 3.200000e+01 : f32
    %ge3A_174 = vector.broadcast %ge3A_173 : f32 to vector<1024x1xf32>
    %ge3A_175 = arith.cmpf oge, %dot_general3A_172, %ge3A_174 : vector<1024x1xf32>
    %select_n3A_176 = arith.select %ge3A_175, %add3A_163, %select_n3A_160 : vector<1024x1xi1>, vector<1024x1xi32>
    %add3A_177 = arith.constant 2097152 : i32
    %add3A_178 = vector.broadcast %add3A_177 : i32 to vector<1024x1xi32>
    %add3A_179 = arith.addi %select_n3A_176, %add3A_178 : vector<1024x1xi32>
    %ge3A_180 = vector.broadcast %add3A_179 : vector<1024x1xi32> to vector<1024x128xi32>
    %ge3A_181 = arith.cmpi sge, %select_n3A, %ge3A_180 : vector<1024x128xi32>
    %jit3A_182 = arith.constant 1.000000e+00 : f32
    %jit3A_183 = arith.constant 0.000000e+00 : f32
    %broadcast_in_dim3A_184 = vector.broadcast %jit3A_182 : f32 to vector<1024x128xf32>
    %broadcast_in_dim3A_185 = vector.broadcast %jit3A_183 : f32 to vector<1024x128xf32>
    %select_n3A_186 = arith.select %ge3A_181, %broadcast_in_dim3A_184, %broadcast_in_dim3A_185 : vector<1024x128xi1>, vector<1024x128xf32>
    %dot_general3A_187 = arith.constant dense<0.000000e+00> : vector<1024x1xf32>
    %dot_general3A_188 = tpu.matmul %select_n3A_186, %broadcast_in_dim3A_15, %dot_general3A_187 {dimension_numbers = #tpu.dot_dimension_numbers<[1], [0], [0], [1], [0, 0, 1, 1], [], []>, transpose_lhs_hint = false} : vector<1024x128xf32>, vector<128x1xf32>, vector<1024x1xf32> -> vector<1024x1xf32>
    %ge3A_189 = arith.constant 3.200000e+01 : f32
    %ge3A_190 = vector.broadcast %ge3A_189 : f32 to vector<1024x1xf32>
    %ge3A_191 = arith.cmpf oge, %dot_general3A_188, %ge3A_190 : vector<1024x1xf32>
    %select_n3A_192 = arith.select %ge3A_191, %add3A_179, %select_n3A_176 : vector<1024x1xi1>, vector<1024x1xi32>
    %add3A_193 = arith.constant 1048576 : i32
    %add3A_194 = vector.broadcast %add3A_193 : i32 to vector<1024x1xi32>
    %add3A_195 = arith.addi %select_n3A_192, %add3A_194 : vector<1024x1xi32>
    %ge3A_196 = vector.broadcast %add3A_195 : vector<1024x1xi32> to vector<1024x128xi32>
    %ge3A_197 = arith.cmpi sge, %select_n3A, %ge3A_196 : vector<1024x128xi32>
    %jit3A_198 = arith.constant 1.000000e+00 : f32
    %jit3A_199 = arith.constant 0.000000e+00 : f32
    %broadcast_in_dim3A_200 = vector.broadcast %jit3A_198 : f32 to vector<1024x128xf32>
    %broadcast_in_dim3A_201 = vector.broadcast %jit3A_199 : f32 to vector<1024x128xf32>
    %select_n3A_202 = arith.select %ge3A_197, %broadcast_in_dim3A_200, %broadcast_in_dim3A_201 : vector<1024x128xi1>, vector<1024x128xf32>
    %dot_general3A_203 = arith.constant dense<0.000000e+00> : vector<1024x1xf32>
    %dot_general3A_204 = tpu.matmul %select_n3A_202, %broadcast_in_dim3A_15, %dot_general3A_203 {dimension_numbers = #tpu.dot_dimension_numbers<[1], [0], [0], [1], [0, 0, 1, 1], [], []>, transpose_lhs_hint = false} : vector<1024x128xf32>, vector<128x1xf32>, vector<1024x1xf32> -> vector<1024x1xf32>
    %ge3A_205 = arith.constant 3.200000e+01 : f32
    %ge3A_206 = vector.broadcast %ge3A_205 : f32 to vector<1024x1xf32>
    %ge3A_207 = arith.cmpf oge, %dot_general3A_204, %ge3A_206 : vector<1024x1xf32>
    %select_n3A_208 = arith.select %ge3A_207, %add3A_195, %select_n3A_192 : vector<1024x1xi1>, vector<1024x1xi32>
    %add3A_209 = arith.constant 524288 : i32
    %add3A_210 = vector.broadcast %add3A_209 : i32 to vector<1024x1xi32>
    %add3A_211 = arith.addi %select_n3A_208, %add3A_210 : vector<1024x1xi32>
    %ge3A_212 = vector.broadcast %add3A_211 : vector<1024x1xi32> to vector<1024x128xi32>
    %ge3A_213 = arith.cmpi sge, %select_n3A, %ge3A_212 : vector<1024x128xi32>
    %jit3A_214 = arith.constant 1.000000e+00 : f32
    %jit3A_215 = arith.constant 0.000000e+00 : f32
    %broadcast_in_dim3A_216 = vector.broadcast %jit3A_214 : f32 to vector<1024x128xf32>
    %broadcast_in_dim3A_217 = vector.broadcast %jit3A_215 : f32 to vector<1024x128xf32>
    %select_n3A_218 = arith.select %ge3A_213, %broadcast_in_dim3A_216, %broadcast_in_dim3A_217 : vector<1024x128xi1>, vector<1024x128xf32>
    %dot_general3A_219 = arith.constant dense<0.000000e+00> : vector<1024x1xf32>
    %dot_general3A_220 = tpu.matmul %select_n3A_218, %broadcast_in_dim3A_15, %dot_general3A_219 {dimension_numbers = #tpu.dot_dimension_numbers<[1], [0], [0], [1], [0, 0, 1, 1], [], []>, transpose_lhs_hint = false} : vector<1024x128xf32>, vector<128x1xf32>, vector<1024x1xf32> -> vector<1024x1xf32>
    %ge3A_221 = arith.constant 3.200000e+01 : f32
    %ge3A_222 = vector.broadcast %ge3A_221 : f32 to vector<1024x1xf32>
    %ge3A_223 = arith.cmpf oge, %dot_general3A_220, %ge3A_222 : vector<1024x1xf32>
    %select_n3A_224 = arith.select %ge3A_223, %add3A_211, %select_n3A_208 : vector<1024x1xi1>, vector<1024x1xi32>
    %add3A_225 = arith.constant 262144 : i32
    %add3A_226 = vector.broadcast %add3A_225 : i32 to vector<1024x1xi32>
    %add3A_227 = arith.addi %select_n3A_224, %add3A_226 : vector<1024x1xi32>
    %ge3A_228 = vector.broadcast %add3A_227 : vector<1024x1xi32> to vector<1024x128xi32>
    %ge3A_229 = arith.cmpi sge, %select_n3A, %ge3A_228 : vector<1024x128xi32>
    %jit3A_230 = arith.constant 1.000000e+00 : f32
    %jit3A_231 = arith.constant 0.000000e+00 : f32
    %broadcast_in_dim3A_232 = vector.broadcast %jit3A_230 : f32 to vector<1024x128xf32>
    %broadcast_in_dim3A_233 = vector.broadcast %jit3A_231 : f32 to vector<1024x128xf32>
    %select_n3A_234 = arith.select %ge3A_229, %broadcast_in_dim3A_232, %broadcast_in_dim3A_233 : vector<1024x128xi1>, vector<1024x128xf32>
    %dot_general3A_235 = arith.constant dense<0.000000e+00> : vector<1024x1xf32>
    %dot_general3A_236 = tpu.matmul %select_n3A_234, %broadcast_in_dim3A_15, %dot_general3A_235 {dimension_numbers = #tpu.dot_dimension_numbers<[1], [0], [0], [1], [0, 0, 1, 1], [], []>, transpose_lhs_hint = false} : vector<1024x128xf32>, vector<128x1xf32>, vector<1024x1xf32> -> vector<1024x1xf32>
    %ge3A_237 = arith.constant 3.200000e+01 : f32
    %ge3A_238 = vector.broadcast %ge3A_237 : f32 to vector<1024x1xf32>
    %ge3A_239 = arith.cmpf oge, %dot_general3A_236, %ge3A_238 : vector<1024x1xf32>
    %select_n3A_240 = arith.select %ge3A_239, %add3A_227, %select_n3A_224 : vector<1024x1xi1>, vector<1024x1xi32>
    %add3A_241 = arith.constant 131072 : i32
    %add3A_242 = vector.broadcast %add3A_241 : i32 to vector<1024x1xi32>
    %add3A_243 = arith.addi %select_n3A_240, %add3A_242 : vector<1024x1xi32>
    %ge3A_244 = vector.broadcast %add3A_243 : vector<1024x1xi32> to vector<1024x128xi32>
    %ge3A_245 = arith.cmpi sge, %select_n3A, %ge3A_244 : vector<1024x128xi32>
    %jit3A_246 = arith.constant 1.000000e+00 : f32
    %jit3A_247 = arith.constant 0.000000e+00 : f32
    %broadcast_in_dim3A_248 = vector.broadcast %jit3A_246 : f32 to vector<1024x128xf32>
    %broadcast_in_dim3A_249 = vector.broadcast %jit3A_247 : f32 to vector<1024x128xf32>
    %select_n3A_250 = arith.select %ge3A_245, %broadcast_in_dim3A_248, %broadcast_in_dim3A_249 : vector<1024x128xi1>, vector<1024x128xf32>
    %dot_general3A_251 = arith.constant dense<0.000000e+00> : vector<1024x1xf32>
    %dot_general3A_252 = tpu.matmul %select_n3A_250, %broadcast_in_dim3A_15, %dot_general3A_251 {dimension_numbers = #tpu.dot_dimension_numbers<[1], [0], [0], [1], [0, 0, 1, 1], [], []>, transpose_lhs_hint = false} : vector<1024x128xf32>, vector<128x1xf32>, vector<1024x1xf32> -> vector<1024x1xf32>
    %ge3A_253 = arith.constant 3.200000e+01 : f32
    %ge3A_254 = vector.broadcast %ge3A_253 : f32 to vector<1024x1xf32>
    %ge3A_255 = arith.cmpf oge, %dot_general3A_252, %ge3A_254 : vector<1024x1xf32>
    %select_n3A_256 = arith.select %ge3A_255, %add3A_243, %select_n3A_240 : vector<1024x1xi1>, vector<1024x1xi32>
    %add3A_257 = arith.constant 65536 : i32
    %add3A_258 = vector.broadcast %add3A_257 : i32 to vector<1024x1xi32>
    %add3A_259 = arith.addi %select_n3A_256, %add3A_258 : vector<1024x1xi32>
    %ge3A_260 = vector.broadcast %add3A_259 : vector<1024x1xi32> to vector<1024x128xi32>
    %ge3A_261 = arith.cmpi sge, %select_n3A, %ge3A_260 : vector<1024x128xi32>
    %jit3A_262 = arith.constant 1.000000e+00 : f32
    %jit3A_263 = arith.constant 0.000000e+00 : f32
    %broadcast_in_dim3A_264 = vector.broadcast %jit3A_262 : f32 to vector<1024x128xf32>
    %broadcast_in_dim3A_265 = vector.broadcast %jit3A_263 : f32 to vector<1024x128xf32>
    %select_n3A_266 = arith.select %ge3A_261, %broadcast_in_dim3A_264, %broadcast_in_dim3A_265 : vector<1024x128xi1>, vector<1024x128xf32>
    %dot_general3A_267 = arith.constant dense<0.000000e+00> : vector<1024x1xf32>
    %dot_general3A_268 = tpu.matmul %select_n3A_266, %broadcast_in_dim3A_15, %dot_general3A_267 {dimension_numbers = #tpu.dot_dimension_numbers<[1], [0], [0], [1], [0, 0, 1, 1], [], []>, transpose_lhs_hint = false} : vector<1024x128xf32>, vector<128x1xf32>, vector<1024x1xf32> -> vector<1024x1xf32>
    %ge3A_269 = arith.constant 3.200000e+01 : f32
    %ge3A_270 = vector.broadcast %ge3A_269 : f32 to vector<1024x1xf32>
    %ge3A_271 = arith.cmpf oge, %dot_general3A_268, %ge3A_270 : vector<1024x1xf32>
    %select_n3A_272 = arith.select %ge3A_271, %add3A_259, %select_n3A_256 : vector<1024x1xi1>, vector<1024x1xi32>
    %add3A_273 = arith.constant 32768 : i32
    %add3A_274 = vector.broadcast %add3A_273 : i32 to vector<1024x1xi32>
    %add3A_275 = arith.addi %select_n3A_272, %add3A_274 : vector<1024x1xi32>
    %ge3A_276 = vector.broadcast %add3A_275 : vector<1024x1xi32> to vector<1024x128xi32>
    %ge3A_277 = arith.cmpi sge, %select_n3A, %ge3A_276 : vector<1024x128xi32>
    %jit3A_278 = arith.constant 1.000000e+00 : f32
    %jit3A_279 = arith.constant 0.000000e+00 : f32
    %broadcast_in_dim3A_280 = vector.broadcast %jit3A_278 : f32 to vector<1024x128xf32>
    %broadcast_in_dim3A_281 = vector.broadcast %jit3A_279 : f32 to vector<1024x128xf32>
    %select_n3A_282 = arith.select %ge3A_277, %broadcast_in_dim3A_280, %broadcast_in_dim3A_281 : vector<1024x128xi1>, vector<1024x128xf32>
    %dot_general3A_283 = arith.constant dense<0.000000e+00> : vector<1024x1xf32>
    %dot_general3A_284 = tpu.matmul %select_n3A_282, %broadcast_in_dim3A_15, %dot_general3A_283 {dimension_numbers = #tpu.dot_dimension_numbers<[1], [0], [0], [1], [0, 0, 1, 1], [], []>, transpose_lhs_hint = false} : vector<1024x128xf32>, vector<128x1xf32>, vector<1024x1xf32> -> vector<1024x1xf32>
    %ge3A_285 = arith.constant 3.200000e+01 : f32
    %ge3A_286 = vector.broadcast %ge3A_285 : f32 to vector<1024x1xf32>
    %ge3A_287 = arith.cmpf oge, %dot_general3A_284, %ge3A_286 : vector<1024x1xf32>
    %select_n3A_288 = arith.select %ge3A_287, %add3A_275, %select_n3A_272 : vector<1024x1xi1>, vector<1024x1xi32>
    %add3A_289 = arith.constant 16384 : i32
    %add3A_290 = vector.broadcast %add3A_289 : i32 to vector<1024x1xi32>
    %add3A_291 = arith.addi %select_n3A_288, %add3A_290 : vector<1024x1xi32>
    %ge3A_292 = vector.broadcast %add3A_291 : vector<1024x1xi32> to vector<1024x128xi32>
    %ge3A_293 = arith.cmpi sge, %select_n3A, %ge3A_292 : vector<1024x128xi32>
    %jit3A_294 = arith.constant 1.000000e+00 : f32
    %jit3A_295 = arith.constant 0.000000e+00 : f32
    %broadcast_in_dim3A_296 = vector.broadcast %jit3A_294 : f32 to vector<1024x128xf32>
    %broadcast_in_dim3A_297 = vector.broadcast %jit3A_295 : f32 to vector<1024x128xf32>
    %select_n3A_298 = arith.select %ge3A_293, %broadcast_in_dim3A_296, %broadcast_in_dim3A_297 : vector<1024x128xi1>, vector<1024x128xf32>
    %dot_general3A_299 = arith.constant dense<0.000000e+00> : vector<1024x1xf32>
    %dot_general3A_300 = tpu.matmul %select_n3A_298, %broadcast_in_dim3A_15, %dot_general3A_299 {dimension_numbers = #tpu.dot_dimension_numbers<[1], [0], [0], [1], [0, 0, 1, 1], [], []>, transpose_lhs_hint = false} : vector<1024x128xf32>, vector<128x1xf32>, vector<1024x1xf32> -> vector<1024x1xf32>
    %ge3A_301 = arith.constant 3.200000e+01 : f32
    %ge3A_302 = vector.broadcast %ge3A_301 : f32 to vector<1024x1xf32>
    %ge3A_303 = arith.cmpf oge, %dot_general3A_300, %ge3A_302 : vector<1024x1xf32>
    %select_n3A_304 = arith.select %ge3A_303, %add3A_291, %select_n3A_288 : vector<1024x1xi1>, vector<1024x1xi32>
    %add3A_305 = arith.constant 8192 : i32
    %add3A_306 = vector.broadcast %add3A_305 : i32 to vector<1024x1xi32>
    %add3A_307 = arith.addi %select_n3A_304, %add3A_306 : vector<1024x1xi32>
    %ge3A_308 = vector.broadcast %add3A_307 : vector<1024x1xi32> to vector<1024x128xi32>
    %ge3A_309 = arith.cmpi sge, %select_n3A, %ge3A_308 : vector<1024x128xi32>
    %jit3A_310 = arith.constant 1.000000e+00 : f32
    %jit3A_311 = arith.constant 0.000000e+00 : f32
    %broadcast_in_dim3A_312 = vector.broadcast %jit3A_310 : f32 to vector<1024x128xf32>
    %broadcast_in_dim3A_313 = vector.broadcast %jit3A_311 : f32 to vector<1024x128xf32>
    %select_n3A_314 = arith.select %ge3A_309, %broadcast_in_dim3A_312, %broadcast_in_dim3A_313 : vector<1024x128xi1>, vector<1024x128xf32>
    %dot_general3A_315 = arith.constant dense<0.000000e+00> : vector<1024x1xf32>
    %dot_general3A_316 = tpu.matmul %select_n3A_314, %broadcast_in_dim3A_15, %dot_general3A_315 {dimension_numbers = #tpu.dot_dimension_numbers<[1], [0], [0], [1], [0, 0, 1, 1], [], []>, transpose_lhs_hint = false} : vector<1024x128xf32>, vector<128x1xf32>, vector<1024x1xf32> -> vector<1024x1xf32>
    %ge3A_317 = arith.constant 3.200000e+01 : f32
    %ge3A_318 = vector.broadcast %ge3A_317 : f32 to vector<1024x1xf32>
    %ge3A_319 = arith.cmpf oge, %dot_general3A_316, %ge3A_318 : vector<1024x1xf32>
    %select_n3A_320 = arith.select %ge3A_319, %add3A_307, %select_n3A_304 : vector<1024x1xi1>, vector<1024x1xi32>
    %add3A_321 = arith.constant 4096 : i32
    %add3A_322 = vector.broadcast %add3A_321 : i32 to vector<1024x1xi32>
    %add3A_323 = arith.addi %select_n3A_320, %add3A_322 : vector<1024x1xi32>
    %ge3A_324 = vector.broadcast %add3A_323 : vector<1024x1xi32> to vector<1024x128xi32>
    %ge3A_325 = arith.cmpi sge, %select_n3A, %ge3A_324 : vector<1024x128xi32>
    %jit3A_326 = arith.constant 1.000000e+00 : f32
    %jit3A_327 = arith.constant 0.000000e+00 : f32
    %broadcast_in_dim3A_328 = vector.broadcast %jit3A_326 : f32 to vector<1024x128xf32>
    %broadcast_in_dim3A_329 = vector.broadcast %jit3A_327 : f32 to vector<1024x128xf32>
    %select_n3A_330 = arith.select %ge3A_325, %broadcast_in_dim3A_328, %broadcast_in_dim3A_329 : vector<1024x128xi1>, vector<1024x128xf32>
    %dot_general3A_331 = arith.constant dense<0.000000e+00> : vector<1024x1xf32>
    %dot_general3A_332 = tpu.matmul %select_n3A_330, %broadcast_in_dim3A_15, %dot_general3A_331 {dimension_numbers = #tpu.dot_dimension_numbers<[1], [0], [0], [1], [0, 0, 1, 1], [], []>, transpose_lhs_hint = false} : vector<1024x128xf32>, vector<128x1xf32>, vector<1024x1xf32> -> vector<1024x1xf32>
    %ge3A_333 = arith.constant 3.200000e+01 : f32
    %ge3A_334 = vector.broadcast %ge3A_333 : f32 to vector<1024x1xf32>
    %ge3A_335 = arith.cmpf oge, %dot_general3A_332, %ge3A_334 : vector<1024x1xf32>
    %select_n3A_336 = arith.select %ge3A_335, %add3A_323, %select_n3A_320 : vector<1024x1xi1>, vector<1024x1xi32>
    %add3A_337 = arith.constant 2048 : i32
    %add3A_338 = vector.broadcast %add3A_337 : i32 to vector<1024x1xi32>
    %add3A_339 = arith.addi %select_n3A_336, %add3A_338 : vector<1024x1xi32>
    %ge3A_340 = vector.broadcast %add3A_339 : vector<1024x1xi32> to vector<1024x128xi32>
    %ge3A_341 = arith.cmpi sge, %select_n3A, %ge3A_340 : vector<1024x128xi32>
    %jit3A_342 = arith.constant 1.000000e+00 : f32
    %jit3A_343 = arith.constant 0.000000e+00 : f32
    %broadcast_in_dim3A_344 = vector.broadcast %jit3A_342 : f32 to vector<1024x128xf32>
    %broadcast_in_dim3A_345 = vector.broadcast %jit3A_343 : f32 to vector<1024x128xf32>
    %select_n3A_346 = arith.select %ge3A_341, %broadcast_in_dim3A_344, %broadcast_in_dim3A_345 : vector<1024x128xi1>, vector<1024x128xf32>
    %dot_general3A_347 = arith.constant dense<0.000000e+00> : vector<1024x1xf32>
    %dot_general3A_348 = tpu.matmul %select_n3A_346, %broadcast_in_dim3A_15, %dot_general3A_347 {dimension_numbers = #tpu.dot_dimension_numbers<[1], [0], [0], [1], [0, 0, 1, 1], [], []>, transpose_lhs_hint = false} : vector<1024x128xf32>, vector<128x1xf32>, vector<1024x1xf32> -> vector<1024x1xf32>
    %ge3A_349 = arith.constant 3.200000e+01 : f32
    %ge3A_350 = vector.broadcast %ge3A_349 : f32 to vector<1024x1xf32>
    %ge3A_351 = arith.cmpf oge, %dot_general3A_348, %ge3A_350 : vector<1024x1xf32>
    %select_n3A_352 = arith.select %ge3A_351, %add3A_339, %select_n3A_336 : vector<1024x1xi1>, vector<1024x1xi32>
    %add3A_353 = arith.constant 1024 : i32
    %add3A_354 = vector.broadcast %add3A_353 : i32 to vector<1024x1xi32>
    %add3A_355 = arith.addi %select_n3A_352, %add3A_354 : vector<1024x1xi32>
    %ge3A_356 = vector.broadcast %add3A_355 : vector<1024x1xi32> to vector<1024x128xi32>
    %ge3A_357 = arith.cmpi sge, %select_n3A, %ge3A_356 : vector<1024x128xi32>
    %jit3A_358 = arith.constant 1.000000e+00 : f32
    %jit3A_359 = arith.constant 0.000000e+00 : f32
    %broadcast_in_dim3A_360 = vector.broadcast %jit3A_358 : f32 to vector<1024x128xf32>
    %broadcast_in_dim3A_361 = vector.broadcast %jit3A_359 : f32 to vector<1024x128xf32>
    %select_n3A_362 = arith.select %ge3A_357, %broadcast_in_dim3A_360, %broadcast_in_dim3A_361 : vector<1024x128xi1>, vector<1024x128xf32>
    %dot_general3A_363 = arith.constant dense<0.000000e+00> : vector<1024x1xf32>
    %dot_general3A_364 = tpu.matmul %select_n3A_362, %broadcast_in_dim3A_15, %dot_general3A_363 {dimension_numbers = #tpu.dot_dimension_numbers<[1], [0], [0], [1], [0, 0, 1, 1], [], []>, transpose_lhs_hint = false} : vector<1024x128xf32>, vector<128x1xf32>, vector<1024x1xf32> -> vector<1024x1xf32>
    %ge3A_365 = arith.constant 3.200000e+01 : f32
    %ge3A_366 = vector.broadcast %ge3A_365 : f32 to vector<1024x1xf32>
    %ge3A_367 = arith.cmpf oge, %dot_general3A_364, %ge3A_366 : vector<1024x1xf32>
    %select_n3A_368 = arith.select %ge3A_367, %add3A_355, %select_n3A_352 : vector<1024x1xi1>, vector<1024x1xi32>
    %add3A_369 = arith.constant 512 : i32
    %add3A_370 = vector.broadcast %add3A_369 : i32 to vector<1024x1xi32>
    %add3A_371 = arith.addi %select_n3A_368, %add3A_370 : vector<1024x1xi32>
    %ge3A_372 = vector.broadcast %add3A_371 : vector<1024x1xi32> to vector<1024x128xi32>
    %ge3A_373 = arith.cmpi sge, %select_n3A, %ge3A_372 : vector<1024x128xi32>
    %jit3A_374 = arith.constant 1.000000e+00 : f32
    %jit3A_375 = arith.constant 0.000000e+00 : f32
    %broadcast_in_dim3A_376 = vector.broadcast %jit3A_374 : f32 to vector<1024x128xf32>
    %broadcast_in_dim3A_377 = vector.broadcast %jit3A_375 : f32 to vector<1024x128xf32>
    %select_n3A_378 = arith.select %ge3A_373, %broadcast_in_dim3A_376, %broadcast_in_dim3A_377 : vector<1024x128xi1>, vector<1024x128xf32>
    %dot_general3A_379 = arith.constant dense<0.000000e+00> : vector<1024x1xf32>
    %dot_general3A_380 = tpu.matmul %select_n3A_378, %broadcast_in_dim3A_15, %dot_general3A_379 {dimension_numbers = #tpu.dot_dimension_numbers<[1], [0], [0], [1], [0, 0, 1, 1], [], []>, transpose_lhs_hint = false} : vector<1024x128xf32>, vector<128x1xf32>, vector<1024x1xf32> -> vector<1024x1xf32>
    %ge3A_381 = arith.constant 3.200000e+01 : f32
    %ge3A_382 = vector.broadcast %ge3A_381 : f32 to vector<1024x1xf32>
    %ge3A_383 = arith.cmpf oge, %dot_general3A_380, %ge3A_382 : vector<1024x1xf32>
    %select_n3A_384 = arith.select %ge3A_383, %add3A_371, %select_n3A_368 : vector<1024x1xi1>, vector<1024x1xi32>
    %add3A_385 = arith.constant 256 : i32
    %add3A_386 = vector.broadcast %add3A_385 : i32 to vector<1024x1xi32>
    %add3A_387 = arith.addi %select_n3A_384, %add3A_386 : vector<1024x1xi32>
    %ge3A_388 = vector.broadcast %add3A_387 : vector<1024x1xi32> to vector<1024x128xi32>
    %ge3A_389 = arith.cmpi sge, %select_n3A, %ge3A_388 : vector<1024x128xi32>
    %jit3A_390 = arith.constant 1.000000e+00 : f32
    %jit3A_391 = arith.constant 0.000000e+00 : f32
    %broadcast_in_dim3A_392 = vector.broadcast %jit3A_390 : f32 to vector<1024x128xf32>
    %broadcast_in_dim3A_393 = vector.broadcast %jit3A_391 : f32 to vector<1024x128xf32>
    %select_n3A_394 = arith.select %ge3A_389, %broadcast_in_dim3A_392, %broadcast_in_dim3A_393 : vector<1024x128xi1>, vector<1024x128xf32>
    %dot_general3A_395 = arith.constant dense<0.000000e+00> : vector<1024x1xf32>
    %dot_general3A_396 = tpu.matmul %select_n3A_394, %broadcast_in_dim3A_15, %dot_general3A_395 {dimension_numbers = #tpu.dot_dimension_numbers<[1], [0], [0], [1], [0, 0, 1, 1], [], []>, transpose_lhs_hint = false} : vector<1024x128xf32>, vector<128x1xf32>, vector<1024x1xf32> -> vector<1024x1xf32>
    %ge3A_397 = arith.constant 3.200000e+01 : f32
    %ge3A_398 = vector.broadcast %ge3A_397 : f32 to vector<1024x1xf32>
    %ge3A_399 = arith.cmpf oge, %dot_general3A_396, %ge3A_398 : vector<1024x1xf32>
    %select_n3A_400 = arith.select %ge3A_399, %add3A_387, %select_n3A_384 : vector<1024x1xi1>, vector<1024x1xi32>
    %add3A_401 = arith.constant 128 : i32
    %add3A_402 = vector.broadcast %add3A_401 : i32 to vector<1024x1xi32>
    %add3A_403 = arith.addi %select_n3A_400, %add3A_402 : vector<1024x1xi32>
    %ge3A_404 = vector.broadcast %add3A_403 : vector<1024x1xi32> to vector<1024x128xi32>
    %ge3A_405 = arith.cmpi sge, %select_n3A, %ge3A_404 : vector<1024x128xi32>
    %jit3A_406 = arith.constant 1.000000e+00 : f32
    %jit3A_407 = arith.constant 0.000000e+00 : f32
    %broadcast_in_dim3A_408 = vector.broadcast %jit3A_406 : f32 to vector<1024x128xf32>
    %broadcast_in_dim3A_409 = vector.broadcast %jit3A_407 : f32 to vector<1024x128xf32>
    %select_n3A_410 = arith.select %ge3A_405, %broadcast_in_dim3A_408, %broadcast_in_dim3A_409 : vector<1024x128xi1>, vector<1024x128xf32>
    %dot_general3A_411 = arith.constant dense<0.000000e+00> : vector<1024x1xf32>
    %dot_general3A_412 = tpu.matmul %select_n3A_410, %broadcast_in_dim3A_15, %dot_general3A_411 {dimension_numbers = #tpu.dot_dimension_numbers<[1], [0], [0], [1], [0, 0, 1, 1], [], []>, transpose_lhs_hint = false} : vector<1024x128xf32>, vector<128x1xf32>, vector<1024x1xf32> -> vector<1024x1xf32>
    %ge3A_413 = arith.constant 3.200000e+01 : f32
    %ge3A_414 = vector.broadcast %ge3A_413 : f32 to vector<1024x1xf32>
    %ge3A_415 = arith.cmpf oge, %dot_general3A_412, %ge3A_414 : vector<1024x1xf32>
    %select_n3A_416 = arith.select %ge3A_415, %add3A_403, %select_n3A_400 : vector<1024x1xi1>, vector<1024x1xi32>
    %add3A_417 = arith.constant 64 : i32
    %add3A_418 = vector.broadcast %add3A_417 : i32 to vector<1024x1xi32>
    %add3A_419 = arith.addi %select_n3A_416, %add3A_418 : vector<1024x1xi32>
    %ge3A_420 = vector.broadcast %add3A_419 : vector<1024x1xi32> to vector<1024x128xi32>
    %ge3A_421 = arith.cmpi sge, %select_n3A, %ge3A_420 : vector<1024x128xi32>
    %jit3A_422 = arith.constant 1.000000e+00 : f32
    %jit3A_423 = arith.constant 0.000000e+00 : f32
    %broadcast_in_dim3A_424 = vector.broadcast %jit3A_422 : f32 to vector<1024x128xf32>
    %broadcast_in_dim3A_425 = vector.broadcast %jit3A_423 : f32 to vector<1024x128xf32>
    %select_n3A_426 = arith.select %ge3A_421, %broadcast_in_dim3A_424, %broadcast_in_dim3A_425 : vector<1024x128xi1>, vector<1024x128xf32>
    %dot_general3A_427 = arith.constant dense<0.000000e+00> : vector<1024x1xf32>
    %dot_general3A_428 = tpu.matmul %select_n3A_426, %broadcast_in_dim3A_15, %dot_general3A_427 {dimension_numbers = #tpu.dot_dimension_numbers<[1], [0], [0], [1], [0, 0, 1, 1], [], []>, transpose_lhs_hint = false} : vector<1024x128xf32>, vector<128x1xf32>, vector<1024x1xf32> -> vector<1024x1xf32>
    %ge3A_429 = arith.constant 3.200000e+01 : f32
    %ge3A_430 = vector.broadcast %ge3A_429 : f32 to vector<1024x1xf32>
    %ge3A_431 = arith.cmpf oge, %dot_general3A_428, %ge3A_430 : vector<1024x1xf32>
    %select_n3A_432 = arith.select %ge3A_431, %add3A_419, %select_n3A_416 : vector<1024x1xi1>, vector<1024x1xi32>
    %add3A_433 = arith.constant 32 : i32
    %add3A_434 = vector.broadcast %add3A_433 : i32 to vector<1024x1xi32>
    %add3A_435 = arith.addi %select_n3A_432, %add3A_434 : vector<1024x1xi32>
    %ge3A_436 = vector.broadcast %add3A_435 : vector<1024x1xi32> to vector<1024x128xi32>
    %ge3A_437 = arith.cmpi sge, %select_n3A, %ge3A_436 : vector<1024x128xi32>
    %jit3A_438 = arith.constant 1.000000e+00 : f32
    %jit3A_439 = arith.constant 0.000000e+00 : f32
    %broadcast_in_dim3A_440 = vector.broadcast %jit3A_438 : f32 to vector<1024x128xf32>
    %broadcast_in_dim3A_441 = vector.broadcast %jit3A_439 : f32 to vector<1024x128xf32>
    %select_n3A_442 = arith.select %ge3A_437, %broadcast_in_dim3A_440, %broadcast_in_dim3A_441 : vector<1024x128xi1>, vector<1024x128xf32>
    %dot_general3A_443 = arith.constant dense<0.000000e+00> : vector<1024x1xf32>
    %dot_general3A_444 = tpu.matmul %select_n3A_442, %broadcast_in_dim3A_15, %dot_general3A_443 {dimension_numbers = #tpu.dot_dimension_numbers<[1], [0], [0], [1], [0, 0, 1, 1], [], []>, transpose_lhs_hint = false} : vector<1024x128xf32>, vector<128x1xf32>, vector<1024x1xf32> -> vector<1024x1xf32>
    %ge3A_445 = arith.constant 3.200000e+01 : f32
    %ge3A_446 = vector.broadcast %ge3A_445 : f32 to vector<1024x1xf32>
    %ge3A_447 = arith.cmpf oge, %dot_general3A_444, %ge3A_446 : vector<1024x1xf32>
    %select_n3A_448 = arith.select %ge3A_447, %add3A_435, %select_n3A_432 : vector<1024x1xi1>, vector<1024x1xi32>
    %add3A_449 = arith.constant 16 : i32
    %add3A_450 = vector.broadcast %add3A_449 : i32 to vector<1024x1xi32>
    %add3A_451 = arith.addi %select_n3A_448, %add3A_450 : vector<1024x1xi32>
    %ge3A_452 = vector.broadcast %add3A_451 : vector<1024x1xi32> to vector<1024x128xi32>
    %ge3A_453 = arith.cmpi sge, %select_n3A, %ge3A_452 : vector<1024x128xi32>
    %jit3A_454 = arith.constant 1.000000e+00 : f32
    %jit3A_455 = arith.constant 0.000000e+00 : f32
    %broadcast_in_dim3A_456 = vector.broadcast %jit3A_454 : f32 to vector<1024x128xf32>
    %broadcast_in_dim3A_457 = vector.broadcast %jit3A_455 : f32 to vector<1024x128xf32>
    %select_n3A_458 = arith.select %ge3A_453, %broadcast_in_dim3A_456, %broadcast_in_dim3A_457 : vector<1024x128xi1>, vector<1024x128xf32>
    %dot_general3A_459 = arith.constant dense<0.000000e+00> : vector<1024x1xf32>
    %dot_general3A_460 = tpu.matmul %select_n3A_458, %broadcast_in_dim3A_15, %dot_general3A_459 {dimension_numbers = #tpu.dot_dimension_numbers<[1], [0], [0], [1], [0, 0, 1, 1], [], []>, transpose_lhs_hint = false} : vector<1024x128xf32>, vector<128x1xf32>, vector<1024x1xf32> -> vector<1024x1xf32>
    %ge3A_461 = arith.constant 3.200000e+01 : f32
    %ge3A_462 = vector.broadcast %ge3A_461 : f32 to vector<1024x1xf32>
    %ge3A_463 = arith.cmpf oge, %dot_general3A_460, %ge3A_462 : vector<1024x1xf32>
    %select_n3A_464 = arith.select %ge3A_463, %add3A_451, %select_n3A_448 : vector<1024x1xi1>, vector<1024x1xi32>
    %add3A_465 = arith.constant 8 : i32
    %add3A_466 = vector.broadcast %add3A_465 : i32 to vector<1024x1xi32>
    %add3A_467 = arith.addi %select_n3A_464, %add3A_466 : vector<1024x1xi32>
    %ge3A_468 = vector.broadcast %add3A_467 : vector<1024x1xi32> to vector<1024x128xi32>
    %ge3A_469 = arith.cmpi sge, %select_n3A, %ge3A_468 : vector<1024x128xi32>
    %jit3A_470 = arith.constant 1.000000e+00 : f32
    %jit3A_471 = arith.constant 0.000000e+00 : f32
    %broadcast_in_dim3A_472 = vector.broadcast %jit3A_470 : f32 to vector<1024x128xf32>
    %broadcast_in_dim3A_473 = vector.broadcast %jit3A_471 : f32 to vector<1024x128xf32>
    %select_n3A_474 = arith.select %ge3A_469, %broadcast_in_dim3A_472, %broadcast_in_dim3A_473 : vector<1024x128xi1>, vector<1024x128xf32>
    %dot_general3A_475 = arith.constant dense<0.000000e+00> : vector<1024x1xf32>
    %dot_general3A_476 = tpu.matmul %select_n3A_474, %broadcast_in_dim3A_15, %dot_general3A_475 {dimension_numbers = #tpu.dot_dimension_numbers<[1], [0], [0], [1], [0, 0, 1, 1], [], []>, transpose_lhs_hint = false} : vector<1024x128xf32>, vector<128x1xf32>, vector<1024x1xf32> -> vector<1024x1xf32>
    %ge3A_477 = arith.constant 3.200000e+01 : f32
    %ge3A_478 = vector.broadcast %ge3A_477 : f32 to vector<1024x1xf32>
    %ge3A_479 = arith.cmpf oge, %dot_general3A_476, %ge3A_478 : vector<1024x1xf32>
    %select_n3A_480 = arith.select %ge3A_479, %add3A_467, %select_n3A_464 : vector<1024x1xi1>, vector<1024x1xi32>
    %add3A_481 = arith.constant 4 : i32
    %add3A_482 = vector.broadcast %add3A_481 : i32 to vector<1024x1xi32>
    %add3A_483 = arith.addi %select_n3A_480, %add3A_482 : vector<1024x1xi32>
    %ge3A_484 = vector.broadcast %add3A_483 : vector<1024x1xi32> to vector<1024x128xi32>
    %ge3A_485 = arith.cmpi sge, %select_n3A, %ge3A_484 : vector<1024x128xi32>
    %jit3A_486 = arith.constant 1.000000e+00 : f32
    %jit3A_487 = arith.constant 0.000000e+00 : f32
    %broadcast_in_dim3A_488 = vector.broadcast %jit3A_486 : f32 to vector<1024x128xf32>
    %broadcast_in_dim3A_489 = vector.broadcast %jit3A_487 : f32 to vector<1024x128xf32>
    %select_n3A_490 = arith.select %ge3A_485, %broadcast_in_dim3A_488, %broadcast_in_dim3A_489 : vector<1024x128xi1>, vector<1024x128xf32>
    %dot_general3A_491 = arith.constant dense<0.000000e+00> : vector<1024x1xf32>
    %dot_general3A_492 = tpu.matmul %select_n3A_490, %broadcast_in_dim3A_15, %dot_general3A_491 {dimension_numbers = #tpu.dot_dimension_numbers<[1], [0], [0], [1], [0, 0, 1, 1], [], []>, transpose_lhs_hint = false} : vector<1024x128xf32>, vector<128x1xf32>, vector<1024x1xf32> -> vector<1024x1xf32>
    %ge3A_493 = arith.constant 3.200000e+01 : f32
    %ge3A_494 = vector.broadcast %ge3A_493 : f32 to vector<1024x1xf32>
    %ge3A_495 = arith.cmpf oge, %dot_general3A_492, %ge3A_494 : vector<1024x1xf32>
    %select_n3A_496 = arith.select %ge3A_495, %add3A_483, %select_n3A_480 : vector<1024x1xi1>, vector<1024x1xi32>
    %add3A_497 = arith.constant 2 : i32
    %add3A_498 = vector.broadcast %add3A_497 : i32 to vector<1024x1xi32>
    %add3A_499 = arith.addi %select_n3A_496, %add3A_498 : vector<1024x1xi32>
    %ge3A_500 = vector.broadcast %add3A_499 : vector<1024x1xi32> to vector<1024x128xi32>
    %ge3A_501 = arith.cmpi sge, %select_n3A, %ge3A_500 : vector<1024x128xi32>
    %jit3A_502 = arith.constant 1.000000e+00 : f32
    %jit3A_503 = arith.constant 0.000000e+00 : f32
    %broadcast_in_dim3A_504 = vector.broadcast %jit3A_502 : f32 to vector<1024x128xf32>
    %broadcast_in_dim3A_505 = vector.broadcast %jit3A_503 : f32 to vector<1024x128xf32>
    %select_n3A_506 = arith.select %ge3A_501, %broadcast_in_dim3A_504, %broadcast_in_dim3A_505 : vector<1024x128xi1>, vector<1024x128xf32>
    %dot_general3A_507 = arith.constant dense<0.000000e+00> : vector<1024x1xf32>
    %dot_general3A_508 = tpu.matmul %select_n3A_506, %broadcast_in_dim3A_15, %dot_general3A_507 {dimension_numbers = #tpu.dot_dimension_numbers<[1], [0], [0], [1], [0, 0, 1, 1], [], []>, transpose_lhs_hint = false} : vector<1024x128xf32>, vector<128x1xf32>, vector<1024x1xf32> -> vector<1024x1xf32>
    %ge3A_509 = arith.constant 3.200000e+01 : f32
    %ge3A_510 = vector.broadcast %ge3A_509 : f32 to vector<1024x1xf32>
    %ge3A_511 = arith.cmpf oge, %dot_general3A_508, %ge3A_510 : vector<1024x1xf32>
    %select_n3A_512 = arith.select %ge3A_511, %add3A_499, %select_n3A_496 : vector<1024x1xi1>, vector<1024x1xi32>
    %add3A_513 = arith.constant 1 : i32
    %add3A_514 = vector.broadcast %add3A_513 : i32 to vector<1024x1xi32>
    %add3A_515 = arith.addi %select_n3A_512, %add3A_514 : vector<1024x1xi32>
    %ge3A_516 = vector.broadcast %add3A_515 : vector<1024x1xi32> to vector<1024x128xi32>
    %ge3A_517 = arith.cmpi sge, %select_n3A, %ge3A_516 : vector<1024x128xi32>
    %jit3A_518 = arith.constant 1.000000e+00 : f32
    %jit3A_519 = arith.constant 0.000000e+00 : f32
    %broadcast_in_dim3A_520 = vector.broadcast %jit3A_518 : f32 to vector<1024x128xf32>
    %broadcast_in_dim3A_521 = vector.broadcast %jit3A_519 : f32 to vector<1024x128xf32>
    %select_n3A_522 = arith.select %ge3A_517, %broadcast_in_dim3A_520, %broadcast_in_dim3A_521 : vector<1024x128xi1>, vector<1024x128xf32>
    %dot_general3A_523 = arith.constant dense<0.000000e+00> : vector<1024x1xf32>
    %dot_general3A_524 = tpu.matmul %select_n3A_522, %broadcast_in_dim3A_15, %dot_general3A_523 {dimension_numbers = #tpu.dot_dimension_numbers<[1], [0], [0], [1], [0, 0, 1, 1], [], []>, transpose_lhs_hint = false} : vector<1024x128xf32>, vector<128x1xf32>, vector<1024x1xf32> -> vector<1024x1xf32>
    %ge3A_525 = arith.constant 3.200000e+01 : f32
    %ge3A_526 = vector.broadcast %ge3A_525 : f32 to vector<1024x1xf32>
    %ge3A_527 = arith.cmpf oge, %dot_general3A_524, %ge3A_526 : vector<1024x1xf32>
    %select_n3A_528 = arith.select %ge3A_527, %add3A_515, %select_n3A_512 : vector<1024x1xi1>, vector<1024x1xi32>
    %ge3A_529 = vector.broadcast %select_n3A_528 : vector<1024x1xi32> to vector<1024x128xi32>
    %ge3A_530 = arith.cmpi sge, %select_n3A, %ge3A_529 : vector<1024x128xi32>
    %jit3A_531 = arith.constant 0.000000e+00 : f32
    %broadcast_in_dim3A_532 = vector.broadcast %jit3A_531 : f32 to vector<1024x128xf32>
    %select_n3A_533 = arith.select %ge3A_530, %add3A_9, %broadcast_in_dim3A_532 : vector<1024x128xi1>, vector<1024x128xf32>
    %swap3A = arith.constant 0 : index
    %swap3A_534 = arith.constant 0 : index
    %swap3A_535 = vector.load %arg4[%swap3A, %swap3A_534] : memref<1024x128xf32, #tpu.memory_space<vmem>>, vector<1024x128xf32>
    tpu.vector_store %arg4[%swap3A, %swap3A_534], %select_n3A_533 {strides = array<i32>} : memref<1024x128xf32, #tpu.memory_space<vmem>>, vector<1024x128xf32>,
    return
  }
  func.func @transform_0(%arg0: i32) -> (i32, i32) {
    %c0_i32 = arith.constant 0 : i32
    %c0_i32_0 = arith.constant 0 : i32
    return %arg0, %c0_i32 : i32, i32
  }
  func.func @transform_1(%arg0: i32) -> (i32, i32) {
    %c0_i32 = arith.constant 0 : i32
    %c0_i32_0 = arith.constant 0 : i32
    %c0_i32_1 = arith.constant 0 : i32
    return %c0_i32, %c0_i32_0 : i32, i32
  }
  func.func @transform_2(%arg0: i32) -> (i32, i32) {
    %c0_i32 = arith.constant 0 : i32
    %c0_i32_0 = arith.constant 0 : i32
    %c0_i32_1 = arith.constant 0 : i32
    return %c0_i32, %c0_i32_0 : i32, i32
  }
  func.func @transform_3(%arg0: i32) -> (i32, i32) {
    %c0_i32 = arith.constant 0 : i32
    %c0_i32_0 = arith.constant 0 : i32
    return %arg0, %c0_i32 : i32, i32
  }
}

module attributes {stable_mosaic.version = 14 : i64} {
  func.func @_layer_body(%arg0: i32, %arg1: memref<1024x128xf32, #tpu.memory_space<vmem>>, %arg2: memref<2x1024x128xf32, #tpu.memory_space<vmem>>, %arg3: memref<32x1024xf32, #tpu.memory_space<vmem>>, %arg4: memref<128x128xf32, #tpu.memory_space<vmem>>, %arg5: memref<128x128xf32, #tpu.memory_space<vmem>>, %arg6: memref<1024x128xf32, #tpu.memory_space<vmem>>) attributes {dimension_semantics = [#tpu.dimension_semantics<arbitrary>], iteration_bounds = array<i64: 10>, scalar_prefetch = 0 : i64, scratch_operands = 0 : i64, tpu.core_type = #tpu.core_type<tc>, window_params = [{transform_indices = @transform_0, window_bounds = array<i64: 1024, 128>}, {transform_indices = @transform_1, window_bounds = array<i64: 2, 1024, 128>}, {transform_indices = @transform_2, window_bounds = array<i64: 32, 1024>}, {pipeline_mode = #tpu.pipeline_mode<synchronous>, transform_indices = @transform_3, window_bounds = array<i64: 128, 128>}, {pipeline_mode = #tpu.pipeline_mode<synchronous>, transform_indices = @transform_4, window_bounds = array<i64: 128, 128>}, {transform_indices = @transform_5, window_bounds = array<i64: 1024, 128>}]} {
    %get3A = arith.constant 0 : index
    %get3A_0 = arith.constant 0 : index
    %get3A_1 = vector.load %arg1[%get3A, %get3A_0] : memref<1024x128xf32, #tpu.memory_space<vmem>>, vector<1024x128xf32>
    %get3A_2 = arith.constant 0 : index
    %get3A_3 = arith.constant 0 : index
    %get3A_4 = vector.load %arg4[%get3A_2, %get3A_3] : memref<128x128xf32, #tpu.memory_space<vmem>>, vector<128x128xf32>
    %dot_general3A = arith.constant dense<0.000000e+00> : vector<1024x128xf32>
    %dot_general3A_5 = tpu.matmul %get3A_1, %get3A_4, %dot_general3A {dimension_numbers = #tpu.dot_dimension_numbers<[1], [1], [0], [0], [0, 0, 1, 0], [], []>, transpose_lhs_hint = false} : vector<1024x128xf32>, vector<128x128xf32>, vector<1024x128xf32> -> vector<1024x128xf32>
    %get3A_6 = arith.constant 0 : index
    %get3A_7 = arith.constant 0 : index
    %get3A_8 = vector.load %arg3[%get3A_6, %get3A_7] : memref<32x1024xf32, #tpu.memory_space<vmem>>, vector<32x1024xf32>
    %get3A_9 = arith.constant 0 : index
    %get3A_10 = arith.constant 0 : index
    %get3A_11 = vector.load %arg5[%get3A_9, %get3A_10] : memref<128x128xf32, #tpu.memory_space<vmem>>, vector<128x128xf32>
    %reduce_sum3A = arith.constant dense<0.000000e+00> : vector<1024xf32>
    %reduce_sum3A_12 = vector.multi_reduction <add>, %get3A_8, %reduce_sum3A [0] : vector<32x1024xf32> to vector<1024xf32>
    %broadcast_in_dim3A = vector.shape_cast %reduce_sum3A_12 : vector<1024xf32> to vector<1x1024xf32>
    %iota3A = tpu.iota {dimensions = array<i32: 0>} : vector<128x128xi32>
    %iota3A_13 = tpu.iota {dimensions = array<i32: 1>} : vector<128x128xi32>
    %eq3A = arith.cmpi eq, %iota3A, %iota3A_13 : vector<128x128xi32>
    %convert_element_type3A = arith.extui %eq3A : vector<128x128xi1> to vector<128x128xi32>
    %convert_element_type3A_14 = arith.sitofp %convert_element_type3A : vector<128x128xi32> to vector<128x128xf32>
    %broadcast_in_dim3A_15 = arith.constant 1.000000e+00 : f32
    %broadcast_in_dim3A_16 = vector.broadcast %broadcast_in_dim3A_15 : f32 to vector<128x128xf32>
    %get3A_17 = arith.constant 0 : index
    %get3A_18 = arith.constant 0 : index
    %get3A_19 = arith.constant 0 : index
    %get3A_20 = vector.load %arg2[%get3A_17, %get3A_18, %get3A_19] : memref<2x1024x128xf32, #tpu.memory_space<vmem>>, vector<1x1024x128xf32>
    %get3A_21 = vector.shape_cast %get3A_20 : vector<1x1024x128xf32> to vector<1024x128xf32>
    %get3A_22 = arith.constant 1 : index
    %get3A_23 = arith.constant 0 : index
    %get3A_24 = arith.constant 0 : index
    %get3A_25 = vector.load %arg2[%get3A_22, %get3A_23, %get3A_24] : memref<2x1024x128xf32, #tpu.memory_space<vmem>>, vector<1x1024x128xf32>
    %get3A_26 = vector.shape_cast %get3A_25 : vector<1x1024x128xf32> to vector<1024x128xf32>
    %add3A = arith.addf %get3A_21, %get3A_26 : vector<1024x128xf32>
    %slice3A = vector.extract_strided_slice %broadcast_in_dim3A {offsets = [0, 0], sizes = [1, 128], strides = [1, 1]} : vector<1x1024xf32> to vector<1x128xf32>
    %mul3A = vector.broadcast %slice3A : vector<1x128xf32> to vector<128x128xf32>
    %mul3A_27 = arith.mulf %convert_element_type3A_14, %mul3A : vector<128x128xf32>
    %dot_general3A_28 = arith.constant dense<0.000000e+00> : vector<128x128xf32>
    %dot_general3A_29 = tpu.matmul %mul3A_27, %broadcast_in_dim3A_16, %dot_general3A_28 {dimension_numbers = #tpu.dot_dimension_numbers<[1], [0], [0], [1], [0, 0, 1, 1], [], []>, transpose_lhs_hint = false} : vector<128x128xf32>, vector<128x128xf32>, vector<128x128xf32> -> vector<128x128xf32>
    %slice3A_30 = vector.extract_strided_slice %add3A {offsets = [0, 0], sizes = [128, 128], strides = [1, 1]} : vector<1024x128xf32> to vector<128x128xf32>
    %add3A_31 = arith.constant 9.99999997E-7 : f32
    %add3A_32 = vector.broadcast %add3A_31 : f32 to vector<128x128xf32>
    %add3A_33 = arith.addf %dot_general3A_29, %add3A_32 : vector<128x128xf32>
    %div3A = arith.divf %slice3A_30, %add3A_33 : vector<128x128xf32>
    %slice3A_34 = vector.extract_strided_slice %broadcast_in_dim3A {offsets = [0, 128], sizes = [1, 128], strides = [1, 1]} : vector<1x1024xf32> to vector<1x128xf32>
    %mul3A_35 = vector.broadcast %slice3A_34 : vector<1x128xf32> to vector<128x128xf32>
    %mul3A_36 = arith.mulf %convert_element_type3A_14, %mul3A_35 : vector<128x128xf32>
    %dot_general3A_37 = arith.constant dense<0.000000e+00> : vector<128x128xf32>
    %dot_general3A_38 = tpu.matmul %mul3A_36, %broadcast_in_dim3A_16, %dot_general3A_37 {dimension_numbers = #tpu.dot_dimension_numbers<[1], [0], [0], [1], [0, 0, 1, 1], [], []>, transpose_lhs_hint = false} : vector<128x128xf32>, vector<128x128xf32>, vector<128x128xf32> -> vector<128x128xf32>
    %slice3A_39 = vector.extract_strided_slice %add3A {offsets = [128, 0], sizes = [128, 128], strides = [1, 1]} : vector<1024x128xf32> to vector<128x128xf32>
    %add3A_40 = arith.constant 9.99999997E-7 : f32
    %add3A_41 = vector.broadcast %add3A_40 : f32 to vector<128x128xf32>
    %add3A_42 = arith.addf %dot_general3A_38, %add3A_41 : vector<128x128xf32>
    %div3A_43 = arith.divf %slice3A_39, %add3A_42 : vector<128x128xf32>
    %slice3A_44 = vector.extract_strided_slice %broadcast_in_dim3A {offsets = [0, 256], sizes = [1, 128], strides = [1, 1]} : vector<1x1024xf32> to vector<1x128xf32>
    %mul3A_45 = vector.broadcast %slice3A_44 : vector<1x128xf32> to vector<128x128xf32>
    %mul3A_46 = arith.mulf %convert_element_type3A_14, %mul3A_45 : vector<128x128xf32>
    %dot_general3A_47 = arith.constant dense<0.000000e+00> : vector<128x128xf32>
    %dot_general3A_48 = tpu.matmul %mul3A_46, %broadcast_in_dim3A_16, %dot_general3A_47 {dimension_numbers = #tpu.dot_dimension_numbers<[1], [0], [0], [1], [0, 0, 1, 1], [], []>, transpose_lhs_hint = false} : vector<128x128xf32>, vector<128x128xf32>, vector<128x128xf32> -> vector<128x128xf32>
    %slice3A_49 = vector.extract_strided_slice %add3A {offsets = [256, 0], sizes = [128, 128], strides = [1, 1]} : vector<1024x128xf32> to vector<128x128xf32>
    %add3A_50 = arith.constant 9.99999997E-7 : f32
    %add3A_51 = vector.broadcast %add3A_50 : f32 to vector<128x128xf32>
    %add3A_52 = arith.addf %dot_general3A_48, %add3A_51 : vector<128x128xf32>
    %div3A_53 = arith.divf %slice3A_49, %add3A_52 : vector<128x128xf32>
    %slice3A_54 = vector.extract_strided_slice %broadcast_in_dim3A {offsets = [0, 384], sizes = [1, 128], strides = [1, 1]} : vector<1x1024xf32> to vector<1x128xf32>
    %mul3A_55 = vector.broadcast %slice3A_54 : vector<1x128xf32> to vector<128x128xf32>
    %mul3A_56 = arith.mulf %convert_element_type3A_14, %mul3A_55 : vector<128x128xf32>
    %dot_general3A_57 = arith.constant dense<0.000000e+00> : vector<128x128xf32>
    %dot_general3A_58 = tpu.matmul %mul3A_56, %broadcast_in_dim3A_16, %dot_general3A_57 {dimension_numbers = #tpu.dot_dimension_numbers<[1], [0], [0], [1], [0, 0, 1, 1], [], []>, transpose_lhs_hint = false} : vector<128x128xf32>, vector<128x128xf32>, vector<128x128xf32> -> vector<128x128xf32>
    %slice3A_59 = vector.extract_strided_slice %add3A {offsets = [384, 0], sizes = [128, 128], strides = [1, 1]} : vector<1024x128xf32> to vector<128x128xf32>
    %add3A_60 = arith.constant 9.99999997E-7 : f32
    %add3A_61 = vector.broadcast %add3A_60 : f32 to vector<128x128xf32>
    %add3A_62 = arith.addf %dot_general3A_58, %add3A_61 : vector<128x128xf32>
    %div3A_63 = arith.divf %slice3A_59, %add3A_62 : vector<128x128xf32>
    %slice3A_64 = vector.extract_strided_slice %broadcast_in_dim3A {offsets = [0, 512], sizes = [1, 128], strides = [1, 1]} : vector<1x1024xf32> to vector<1x128xf32>
    %mul3A_65 = vector.broadcast %slice3A_64 : vector<1x128xf32> to vector<128x128xf32>
    %mul3A_66 = arith.mulf %convert_element_type3A_14, %mul3A_65 : vector<128x128xf32>
    %dot_general3A_67 = arith.constant dense<0.000000e+00> : vector<128x128xf32>
    %dot_general3A_68 = tpu.matmul %mul3A_66, %broadcast_in_dim3A_16, %dot_general3A_67 {dimension_numbers = #tpu.dot_dimension_numbers<[1], [0], [0], [1], [0, 0, 1, 1], [], []>, transpose_lhs_hint = false} : vector<128x128xf32>, vector<128x128xf32>, vector<128x128xf32> -> vector<128x128xf32>
    %slice3A_69 = vector.extract_strided_slice %add3A {offsets = [512, 0], sizes = [128, 128], strides = [1, 1]} : vector<1024x128xf32> to vector<128x128xf32>
    %add3A_70 = arith.constant 9.99999997E-7 : f32
    %add3A_71 = vector.broadcast %add3A_70 : f32 to vector<128x128xf32>
    %add3A_72 = arith.addf %dot_general3A_68, %add3A_71 : vector<128x128xf32>
    %div3A_73 = arith.divf %slice3A_69, %add3A_72 : vector<128x128xf32>
    %slice3A_74 = vector.extract_strided_slice %broadcast_in_dim3A {offsets = [0, 640], sizes = [1, 128], strides = [1, 1]} : vector<1x1024xf32> to vector<1x128xf32>
    %mul3A_75 = vector.broadcast %slice3A_74 : vector<1x128xf32> to vector<128x128xf32>
    %mul3A_76 = arith.mulf %convert_element_type3A_14, %mul3A_75 : vector<128x128xf32>
    %dot_general3A_77 = arith.constant dense<0.000000e+00> : vector<128x128xf32>
    %dot_general3A_78 = tpu.matmul %mul3A_76, %broadcast_in_dim3A_16, %dot_general3A_77 {dimension_numbers = #tpu.dot_dimension_numbers<[1], [0], [0], [1], [0, 0, 1, 1], [], []>, transpose_lhs_hint = false} : vector<128x128xf32>, vector<128x128xf32>, vector<128x128xf32> -> vector<128x128xf32>
    %slice3A_79 = vector.extract_strided_slice %add3A {offsets = [640, 0], sizes = [128, 128], strides = [1, 1]} : vector<1024x128xf32> to vector<128x128xf32>
    %add3A_80 = arith.constant 9.99999997E-7 : f32
    %add3A_81 = vector.broadcast %add3A_80 : f32 to vector<128x128xf32>
    %add3A_82 = arith.addf %dot_general3A_78, %add3A_81 : vector<128x128xf32>
    %div3A_83 = arith.divf %slice3A_79, %add3A_82 : vector<128x128xf32>
    %slice3A_84 = vector.extract_strided_slice %broadcast_in_dim3A {offsets = [0, 768], sizes = [1, 128], strides = [1, 1]} : vector<1x1024xf32> to vector<1x128xf32>
    %mul3A_85 = vector.broadcast %slice3A_84 : vector<1x128xf32> to vector<128x128xf32>
    %mul3A_86 = arith.mulf %convert_element_type3A_14, %mul3A_85 : vector<128x128xf32>
    %dot_general3A_87 = arith.constant dense<0.000000e+00> : vector<128x128xf32>
    %dot_general3A_88 = tpu.matmul %mul3A_86, %broadcast_in_dim3A_16, %dot_general3A_87 {dimension_numbers = #tpu.dot_dimension_numbers<[1], [0], [0], [1], [0, 0, 1, 1], [], []>, transpose_lhs_hint = false} : vector<128x128xf32>, vector<128x128xf32>, vector<128x128xf32> -> vector<128x128xf32>
    %slice3A_89 = vector.extract_strided_slice %add3A {offsets = [768, 0], sizes = [128, 128], strides = [1, 1]} : vector<1024x128xf32> to vector<128x128xf32>
    %add3A_90 = arith.constant 9.99999997E-7 : f32
    %add3A_91 = vector.broadcast %add3A_90 : f32 to vector<128x128xf32>
    %add3A_92 = arith.addf %dot_general3A_88, %add3A_91 : vector<128x128xf32>
    %div3A_93 = arith.divf %slice3A_89, %add3A_92 : vector<128x128xf32>
    %slice3A_94 = vector.extract_strided_slice %broadcast_in_dim3A {offsets = [0, 896], sizes = [1, 128], strides = [1, 1]} : vector<1x1024xf32> to vector<1x128xf32>
    %mul3A_95 = vector.broadcast %slice3A_94 : vector<1x128xf32> to vector<128x128xf32>
    %mul3A_96 = arith.mulf %convert_element_type3A_14, %mul3A_95 : vector<128x128xf32>
    %dot_general3A_97 = arith.constant dense<0.000000e+00> : vector<128x128xf32>
    %dot_general3A_98 = tpu.matmul %mul3A_96, %broadcast_in_dim3A_16, %dot_general3A_97 {dimension_numbers = #tpu.dot_dimension_numbers<[1], [0], [0], [1], [0, 0, 1, 1], [], []>, transpose_lhs_hint = false} : vector<128x128xf32>, vector<128x128xf32>, vector<128x128xf32> -> vector<128x128xf32>
    %slice3A_99 = vector.extract_strided_slice %add3A {offsets = [896, 0], sizes = [128, 128], strides = [1, 1]} : vector<1024x128xf32> to vector<128x128xf32>
    %add3A_100 = arith.constant 9.99999997E-7 : f32
    %add3A_101 = vector.broadcast %add3A_100 : f32 to vector<128x128xf32>
    %add3A_102 = arith.addf %dot_general3A_98, %add3A_101 : vector<128x128xf32>
    %div3A_103 = arith.divf %slice3A_99, %add3A_102 : vector<128x128xf32>
    %concatenate3A = tpu.concatenate %div3A, %div3A_43, %div3A_53, %div3A_63, %div3A_73, %div3A_83, %div3A_93, %div3A_103 in 0 : vector<128x128xf32>, vector<128x128xf32>, vector<128x128xf32>, vector<128x128xf32>, vector<128x128xf32>, vector<128x128xf32>, vector<128x128xf32>, vector<128x128xf32> -> vector<1024x128xf32>
    %dot_general3A_104 = arith.constant dense<0.000000e+00> : vector<1024x128xf32>
    %dot_general3A_105 = tpu.matmul %concatenate3A, %get3A_11, %dot_general3A_104 {dimension_numbers = #tpu.dot_dimension_numbers<[1], [1], [0], [0], [0, 0, 1, 0], [], []>, transpose_lhs_hint = false} : vector<1024x128xf32>, vector<128x128xf32>, vector<1024x128xf32> -> vector<1024x128xf32>
    %add3A_106 = arith.addf %dot_general3A_5, %dot_general3A_105 : vector<1024x128xf32>
    %bitcast_convert_type3A = tpu.bitcast %add3A_106 : vector<1024x128xf32> -> vector<1024x128xi32>
    %ge3A = arith.constant 0 : i32
    %ge3A_107 = vector.broadcast %ge3A : i32 to vector<1024x128xi32>
    %ge3A_108 = arith.cmpi sge, %bitcast_convert_type3A, %ge3A_107 : vector<1024x128xi32>
    %xor3A = arith.constant -2147483648 : i32
    %xor3A_109 = vector.broadcast %xor3A : i32 to vector<1024x128xi32>
    %xor3A_110 = arith.xori %bitcast_convert_type3A, %xor3A_109 : vector<1024x128xi32>
    %not3A = arith.constant dense<-1> : vector<1024x128xi32>
    %not3A_111 = arith.xori %xor3A_110, %not3A : vector<1024x128xi32>
    %select_n3A = arith.select %ge3A_108, %bitcast_convert_type3A, %not3A_111 : vector<1024x128xi1>, vector<1024x128xi32>
    %broadcast_in_dim3A_112 = arith.constant 1.000000e+00 : f32
    %broadcast_in_dim3A_113 = vector.broadcast %broadcast_in_dim3A_112 : f32 to vector<128x1xf32>
    %ge3A_114 = arith.constant 0 : i32
    %ge3A_115 = vector.broadcast %ge3A_114 : i32 to vector<1024x128xi32>
    %ge3A_116 = arith.cmpi sge, %select_n3A, %ge3A_115 : vector<1024x128xi32>
    %jit3A = arith.constant 1.000000e+00 : f32
    %jit3A_117 = arith.constant 0.000000e+00 : f32
    %broadcast_in_dim3A_118 = vector.broadcast %jit3A : f32 to vector<1024x128xf32>
    %broadcast_in_dim3A_119 = vector.broadcast %jit3A_117 : f32 to vector<1024x128xf32>
    %select_n3A_120 = arith.select %ge3A_116, %broadcast_in_dim3A_118, %broadcast_in_dim3A_119 : vector<1024x128xi1>, vector<1024x128xf32>
    %dot_general3A_121 = arith.constant dense<0.000000e+00> : vector<1024x1xf32>
    %dot_general3A_122 = tpu.matmul %select_n3A_120, %broadcast_in_dim3A_113, %dot_general3A_121 {dimension_numbers = #tpu.dot_dimension_numbers<[1], [0], [0], [1], [0, 0, 1, 1], [], []>, transpose_lhs_hint = false} : vector<1024x128xf32>, vector<128x1xf32>, vector<1024x1xf32> -> vector<1024x1xf32>
    %ge3A_123 = arith.constant 3.200000e+01 : f32
    %ge3A_124 = vector.broadcast %ge3A_123 : f32 to vector<1024x1xf32>
    %ge3A_125 = arith.cmpf oge, %dot_general3A_122, %ge3A_124 : vector<1024x1xf32>
    %jit3A_126 = arith.constant 0 : i32
    %jit3A_127 = arith.constant -2147483648 : i32
    %broadcast_in_dim3A_128 = vector.broadcast %jit3A_126 : i32 to vector<1024x1xi32>
    %broadcast_in_dim3A_129 = vector.broadcast %jit3A_127 : i32 to vector<1024x1xi32>
    %select_n3A_130 = arith.select %ge3A_125, %broadcast_in_dim3A_128, %broadcast_in_dim3A_129 : vector<1024x1xi1>, vector<1024x1xi32>
    %add3A_131 = arith.constant 1073741824 : i32
    %add3A_132 = vector.broadcast %add3A_131 : i32 to vector<1024x1xi32>
    %add3A_133 = arith.addi %select_n3A_130, %add3A_132 : vector<1024x1xi32>
    %ge3A_134 = vector.broadcast %add3A_133 : vector<1024x1xi32> to vector<1024x128xi32>
    %ge3A_135 = arith.cmpi sge, %select_n3A, %ge3A_134 : vector<1024x128xi32>
    %jit3A_136 = arith.constant 1.000000e+00 : f32
    %jit3A_137 = arith.constant 0.000000e+00 : f32
    %broadcast_in_dim3A_138 = vector.broadcast %jit3A_136 : f32 to vector<1024x128xf32>
    %broadcast_in_dim3A_139 = vector.broadcast %jit3A_137 : f32 to vector<1024x128xf32>
    %select_n3A_140 = arith.select %ge3A_135, %broadcast_in_dim3A_138, %broadcast_in_dim3A_139 : vector<1024x128xi1>, vector<1024x128xf32>
    %dot_general3A_141 = arith.constant dense<0.000000e+00> : vector<1024x1xf32>
    %dot_general3A_142 = tpu.matmul %select_n3A_140, %broadcast_in_dim3A_113, %dot_general3A_141 {dimension_numbers = #tpu.dot_dimension_numbers<[1], [0], [0], [1], [0, 0, 1, 1], [], []>, transpose_lhs_hint = false} : vector<1024x128xf32>, vector<128x1xf32>, vector<1024x1xf32> -> vector<1024x1xf32>
    %ge3A_143 = arith.constant 3.200000e+01 : f32
    %ge3A_144 = vector.broadcast %ge3A_143 : f32 to vector<1024x1xf32>
    %ge3A_145 = arith.cmpf oge, %dot_general3A_142, %ge3A_144 : vector<1024x1xf32>
    %select_n3A_146 = arith.select %ge3A_145, %add3A_133, %select_n3A_130 : vector<1024x1xi1>, vector<1024x1xi32>
    %add3A_147 = arith.constant 536870912 : i32
    %add3A_148 = vector.broadcast %add3A_147 : i32 to vector<1024x1xi32>
    %add3A_149 = arith.addi %select_n3A_146, %add3A_148 : vector<1024x1xi32>
    %ge3A_150 = vector.broadcast %add3A_149 : vector<1024x1xi32> to vector<1024x128xi32>
    %ge3A_151 = arith.cmpi sge, %select_n3A, %ge3A_150 : vector<1024x128xi32>
    %jit3A_152 = arith.constant 1.000000e+00 : f32
    %jit3A_153 = arith.constant 0.000000e+00 : f32
    %broadcast_in_dim3A_154 = vector.broadcast %jit3A_152 : f32 to vector<1024x128xf32>
    %broadcast_in_dim3A_155 = vector.broadcast %jit3A_153 : f32 to vector<1024x128xf32>
    %select_n3A_156 = arith.select %ge3A_151, %broadcast_in_dim3A_154, %broadcast_in_dim3A_155 : vector<1024x128xi1>, vector<1024x128xf32>
    %dot_general3A_157 = arith.constant dense<0.000000e+00> : vector<1024x1xf32>
    %dot_general3A_158 = tpu.matmul %select_n3A_156, %broadcast_in_dim3A_113, %dot_general3A_157 {dimension_numbers = #tpu.dot_dimension_numbers<[1], [0], [0], [1], [0, 0, 1, 1], [], []>, transpose_lhs_hint = false} : vector<1024x128xf32>, vector<128x1xf32>, vector<1024x1xf32> -> vector<1024x1xf32>
    %ge3A_159 = arith.constant 3.200000e+01 : f32
    %ge3A_160 = vector.broadcast %ge3A_159 : f32 to vector<1024x1xf32>
    %ge3A_161 = arith.cmpf oge, %dot_general3A_158, %ge3A_160 : vector<1024x1xf32>
    %select_n3A_162 = arith.select %ge3A_161, %add3A_149, %select_n3A_146 : vector<1024x1xi1>, vector<1024x1xi32>
    %add3A_163 = arith.constant 268435456 : i32
    %add3A_164 = vector.broadcast %add3A_163 : i32 to vector<1024x1xi32>
    %add3A_165 = arith.addi %select_n3A_162, %add3A_164 : vector<1024x1xi32>
    %ge3A_166 = vector.broadcast %add3A_165 : vector<1024x1xi32> to vector<1024x128xi32>
    %ge3A_167 = arith.cmpi sge, %select_n3A, %ge3A_166 : vector<1024x128xi32>
    %jit3A_168 = arith.constant 1.000000e+00 : f32
    %jit3A_169 = arith.constant 0.000000e+00 : f32
    %broadcast_in_dim3A_170 = vector.broadcast %jit3A_168 : f32 to vector<1024x128xf32>
    %broadcast_in_dim3A_171 = vector.broadcast %jit3A_169 : f32 to vector<1024x128xf32>
    %select_n3A_172 = arith.select %ge3A_167, %broadcast_in_dim3A_170, %broadcast_in_dim3A_171 : vector<1024x128xi1>, vector<1024x128xf32>
    %dot_general3A_173 = arith.constant dense<0.000000e+00> : vector<1024x1xf32>
    %dot_general3A_174 = tpu.matmul %select_n3A_172, %broadcast_in_dim3A_113, %dot_general3A_173 {dimension_numbers = #tpu.dot_dimension_numbers<[1], [0], [0], [1], [0, 0, 1, 1], [], []>, transpose_lhs_hint = false} : vector<1024x128xf32>, vector<128x1xf32>, vector<1024x1xf32> -> vector<1024x1xf32>
    %ge3A_175 = arith.constant 3.200000e+01 : f32
    %ge3A_176 = vector.broadcast %ge3A_175 : f32 to vector<1024x1xf32>
    %ge3A_177 = arith.cmpf oge, %dot_general3A_174, %ge3A_176 : vector<1024x1xf32>
    %select_n3A_178 = arith.select %ge3A_177, %add3A_165, %select_n3A_162 : vector<1024x1xi1>, vector<1024x1xi32>
    %add3A_179 = arith.constant 134217728 : i32
    %add3A_180 = vector.broadcast %add3A_179 : i32 to vector<1024x1xi32>
    %add3A_181 = arith.addi %select_n3A_178, %add3A_180 : vector<1024x1xi32>
    %ge3A_182 = vector.broadcast %add3A_181 : vector<1024x1xi32> to vector<1024x128xi32>
    %ge3A_183 = arith.cmpi sge, %select_n3A, %ge3A_182 : vector<1024x128xi32>
    %jit3A_184 = arith.constant 1.000000e+00 : f32
    %jit3A_185 = arith.constant 0.000000e+00 : f32
    %broadcast_in_dim3A_186 = vector.broadcast %jit3A_184 : f32 to vector<1024x128xf32>
    %broadcast_in_dim3A_187 = vector.broadcast %jit3A_185 : f32 to vector<1024x128xf32>
    %select_n3A_188 = arith.select %ge3A_183, %broadcast_in_dim3A_186, %broadcast_in_dim3A_187 : vector<1024x128xi1>, vector<1024x128xf32>
    %dot_general3A_189 = arith.constant dense<0.000000e+00> : vector<1024x1xf32>
    %dot_general3A_190 = tpu.matmul %select_n3A_188, %broadcast_in_dim3A_113, %dot_general3A_189 {dimension_numbers = #tpu.dot_dimension_numbers<[1], [0], [0], [1], [0, 0, 1, 1], [], []>, transpose_lhs_hint = false} : vector<1024x128xf32>, vector<128x1xf32>, vector<1024x1xf32> -> vector<1024x1xf32>
    %ge3A_191 = arith.constant 3.200000e+01 : f32
    %ge3A_192 = vector.broadcast %ge3A_191 : f32 to vector<1024x1xf32>
    %ge3A_193 = arith.cmpf oge, %dot_general3A_190, %ge3A_192 : vector<1024x1xf32>
    %select_n3A_194 = arith.select %ge3A_193, %add3A_181, %select_n3A_178 : vector<1024x1xi1>, vector<1024x1xi32>
    %add3A_195 = arith.constant 67108864 : i32
    %add3A_196 = vector.broadcast %add3A_195 : i32 to vector<1024x1xi32>
    %add3A_197 = arith.addi %select_n3A_194, %add3A_196 : vector<1024x1xi32>
    %ge3A_198 = vector.broadcast %add3A_197 : vector<1024x1xi32> to vector<1024x128xi32>
    %ge3A_199 = arith.cmpi sge, %select_n3A, %ge3A_198 : vector<1024x128xi32>
    %jit3A_200 = arith.constant 1.000000e+00 : f32
    %jit3A_201 = arith.constant 0.000000e+00 : f32
    %broadcast_in_dim3A_202 = vector.broadcast %jit3A_200 : f32 to vector<1024x128xf32>
    %broadcast_in_dim3A_203 = vector.broadcast %jit3A_201 : f32 to vector<1024x128xf32>
    %select_n3A_204 = arith.select %ge3A_199, %broadcast_in_dim3A_202, %broadcast_in_dim3A_203 : vector<1024x128xi1>, vector<1024x128xf32>
    %dot_general3A_205 = arith.constant dense<0.000000e+00> : vector<1024x1xf32>
    %dot_general3A_206 = tpu.matmul %select_n3A_204, %broadcast_in_dim3A_113, %dot_general3A_205 {dimension_numbers = #tpu.dot_dimension_numbers<[1], [0], [0], [1], [0, 0, 1, 1], [], []>, transpose_lhs_hint = false} : vector<1024x128xf32>, vector<128x1xf32>, vector<1024x1xf32> -> vector<1024x1xf32>
    %ge3A_207 = arith.constant 3.200000e+01 : f32
    %ge3A_208 = vector.broadcast %ge3A_207 : f32 to vector<1024x1xf32>
    %ge3A_209 = arith.cmpf oge, %dot_general3A_206, %ge3A_208 : vector<1024x1xf32>
    %select_n3A_210 = arith.select %ge3A_209, %add3A_197, %select_n3A_194 : vector<1024x1xi1>, vector<1024x1xi32>
    %add3A_211 = arith.constant 33554432 : i32
    %add3A_212 = vector.broadcast %add3A_211 : i32 to vector<1024x1xi32>
    %add3A_213 = arith.addi %select_n3A_210, %add3A_212 : vector<1024x1xi32>
    %ge3A_214 = vector.broadcast %add3A_213 : vector<1024x1xi32> to vector<1024x128xi32>
    %ge3A_215 = arith.cmpi sge, %select_n3A, %ge3A_214 : vector<1024x128xi32>
    %jit3A_216 = arith.constant 1.000000e+00 : f32
    %jit3A_217 = arith.constant 0.000000e+00 : f32
    %broadcast_in_dim3A_218 = vector.broadcast %jit3A_216 : f32 to vector<1024x128xf32>
    %broadcast_in_dim3A_219 = vector.broadcast %jit3A_217 : f32 to vector<1024x128xf32>
    %select_n3A_220 = arith.select %ge3A_215, %broadcast_in_dim3A_218, %broadcast_in_dim3A_219 : vector<1024x128xi1>, vector<1024x128xf32>
    %dot_general3A_221 = arith.constant dense<0.000000e+00> : vector<1024x1xf32>
    %dot_general3A_222 = tpu.matmul %select_n3A_220, %broadcast_in_dim3A_113, %dot_general3A_221 {dimension_numbers = #tpu.dot_dimension_numbers<[1], [0], [0], [1], [0, 0, 1, 1], [], []>, transpose_lhs_hint = false} : vector<1024x128xf32>, vector<128x1xf32>, vector<1024x1xf32> -> vector<1024x1xf32>
    %ge3A_223 = arith.constant 3.200000e+01 : f32
    %ge3A_224 = vector.broadcast %ge3A_223 : f32 to vector<1024x1xf32>
    %ge3A_225 = arith.cmpf oge, %dot_general3A_222, %ge3A_224 : vector<1024x1xf32>
    %select_n3A_226 = arith.select %ge3A_225, %add3A_213, %select_n3A_210 : vector<1024x1xi1>, vector<1024x1xi32>
    %add3A_227 = arith.constant 16777216 : i32
    %add3A_228 = vector.broadcast %add3A_227 : i32 to vector<1024x1xi32>
    %add3A_229 = arith.addi %select_n3A_226, %add3A_228 : vector<1024x1xi32>
    %ge3A_230 = vector.broadcast %add3A_229 : vector<1024x1xi32> to vector<1024x128xi32>
    %ge3A_231 = arith.cmpi sge, %select_n3A, %ge3A_230 : vector<1024x128xi32>
    %jit3A_232 = arith.constant 1.000000e+00 : f32
    %jit3A_233 = arith.constant 0.000000e+00 : f32
    %broadcast_in_dim3A_234 = vector.broadcast %jit3A_232 : f32 to vector<1024x128xf32>
    %broadcast_in_dim3A_235 = vector.broadcast %jit3A_233 : f32 to vector<1024x128xf32>
    %select_n3A_236 = arith.select %ge3A_231, %broadcast_in_dim3A_234, %broadcast_in_dim3A_235 : vector<1024x128xi1>, vector<1024x128xf32>
    %dot_general3A_237 = arith.constant dense<0.000000e+00> : vector<1024x1xf32>
    %dot_general3A_238 = tpu.matmul %select_n3A_236, %broadcast_in_dim3A_113, %dot_general3A_237 {dimension_numbers = #tpu.dot_dimension_numbers<[1], [0], [0], [1], [0, 0, 1, 1], [], []>, transpose_lhs_hint = false} : vector<1024x128xf32>, vector<128x1xf32>, vector<1024x1xf32> -> vector<1024x1xf32>
    %ge3A_239 = arith.constant 3.200000e+01 : f32
    %ge3A_240 = vector.broadcast %ge3A_239 : f32 to vector<1024x1xf32>
    %ge3A_241 = arith.cmpf oge, %dot_general3A_238, %ge3A_240 : vector<1024x1xf32>
    %select_n3A_242 = arith.select %ge3A_241, %add3A_229, %select_n3A_226 : vector<1024x1xi1>, vector<1024x1xi32>
    %add3A_243 = arith.constant 8388608 : i32
    %add3A_244 = vector.broadcast %add3A_243 : i32 to vector<1024x1xi32>
    %add3A_245 = arith.addi %select_n3A_242, %add3A_244 : vector<1024x1xi32>
    %ge3A_246 = vector.broadcast %add3A_245 : vector<1024x1xi32> to vector<1024x128xi32>
    %ge3A_247 = arith.cmpi sge, %select_n3A, %ge3A_246 : vector<1024x128xi32>
    %jit3A_248 = arith.constant 1.000000e+00 : f32
    %jit3A_249 = arith.constant 0.000000e+00 : f32
    %broadcast_in_dim3A_250 = vector.broadcast %jit3A_248 : f32 to vector<1024x128xf32>
    %broadcast_in_dim3A_251 = vector.broadcast %jit3A_249 : f32 to vector<1024x128xf32>
    %select_n3A_252 = arith.select %ge3A_247, %broadcast_in_dim3A_250, %broadcast_in_dim3A_251 : vector<1024x128xi1>, vector<1024x128xf32>
    %dot_general3A_253 = arith.constant dense<0.000000e+00> : vector<1024x1xf32>
    %dot_general3A_254 = tpu.matmul %select_n3A_252, %broadcast_in_dim3A_113, %dot_general3A_253 {dimension_numbers = #tpu.dot_dimension_numbers<[1], [0], [0], [1], [0, 0, 1, 1], [], []>, transpose_lhs_hint = false} : vector<1024x128xf32>, vector<128x1xf32>, vector<1024x1xf32> -> vector<1024x1xf32>
    %ge3A_255 = arith.constant 3.200000e+01 : f32
    %ge3A_256 = vector.broadcast %ge3A_255 : f32 to vector<1024x1xf32>
    %ge3A_257 = arith.cmpf oge, %dot_general3A_254, %ge3A_256 : vector<1024x1xf32>
    %select_n3A_258 = arith.select %ge3A_257, %add3A_245, %select_n3A_242 : vector<1024x1xi1>, vector<1024x1xi32>
    %add3A_259 = arith.constant 4194304 : i32
    %add3A_260 = vector.broadcast %add3A_259 : i32 to vector<1024x1xi32>
    %add3A_261 = arith.addi %select_n3A_258, %add3A_260 : vector<1024x1xi32>
    %ge3A_262 = vector.broadcast %add3A_261 : vector<1024x1xi32> to vector<1024x128xi32>
    %ge3A_263 = arith.cmpi sge, %select_n3A, %ge3A_262 : vector<1024x128xi32>
    %jit3A_264 = arith.constant 1.000000e+00 : f32
    %jit3A_265 = arith.constant 0.000000e+00 : f32
    %broadcast_in_dim3A_266 = vector.broadcast %jit3A_264 : f32 to vector<1024x128xf32>
    %broadcast_in_dim3A_267 = vector.broadcast %jit3A_265 : f32 to vector<1024x128xf32>
    %select_n3A_268 = arith.select %ge3A_263, %broadcast_in_dim3A_266, %broadcast_in_dim3A_267 : vector<1024x128xi1>, vector<1024x128xf32>
    %dot_general3A_269 = arith.constant dense<0.000000e+00> : vector<1024x1xf32>
    %dot_general3A_270 = tpu.matmul %select_n3A_268, %broadcast_in_dim3A_113, %dot_general3A_269 {dimension_numbers = #tpu.dot_dimension_numbers<[1], [0], [0], [1], [0, 0, 1, 1], [], []>, transpose_lhs_hint = false} : vector<1024x128xf32>, vector<128x1xf32>, vector<1024x1xf32> -> vector<1024x1xf32>
    %ge3A_271 = arith.constant 3.200000e+01 : f32
    %ge3A_272 = vector.broadcast %ge3A_271 : f32 to vector<1024x1xf32>
    %ge3A_273 = arith.cmpf oge, %dot_general3A_270, %ge3A_272 : vector<1024x1xf32>
    %select_n3A_274 = arith.select %ge3A_273, %add3A_261, %select_n3A_258 : vector<1024x1xi1>, vector<1024x1xi32>
    %add3A_275 = arith.constant 2097152 : i32
    %add3A_276 = vector.broadcast %add3A_275 : i32 to vector<1024x1xi32>
    %add3A_277 = arith.addi %select_n3A_274, %add3A_276 : vector<1024x1xi32>
    %ge3A_278 = vector.broadcast %add3A_277 : vector<1024x1xi32> to vector<1024x128xi32>
    %ge3A_279 = arith.cmpi sge, %select_n3A, %ge3A_278 : vector<1024x128xi32>
    %jit3A_280 = arith.constant 1.000000e+00 : f32
    %jit3A_281 = arith.constant 0.000000e+00 : f32
    %broadcast_in_dim3A_282 = vector.broadcast %jit3A_280 : f32 to vector<1024x128xf32>
    %broadcast_in_dim3A_283 = vector.broadcast %jit3A_281 : f32 to vector<1024x128xf32>
    %select_n3A_284 = arith.select %ge3A_279, %broadcast_in_dim3A_282, %broadcast_in_dim3A_283 : vector<1024x128xi1>, vector<1024x128xf32>
    %dot_general3A_285 = arith.constant dense<0.000000e+00> : vector<1024x1xf32>
    %dot_general3A_286 = tpu.matmul %select_n3A_284, %broadcast_in_dim3A_113, %dot_general3A_285 {dimension_numbers = #tpu.dot_dimension_numbers<[1], [0], [0], [1], [0, 0, 1, 1], [], []>, transpose_lhs_hint = false} : vector<1024x128xf32>, vector<128x1xf32>, vector<1024x1xf32> -> vector<1024x1xf32>
    %ge3A_287 = arith.constant 3.200000e+01 : f32
    %ge3A_288 = vector.broadcast %ge3A_287 : f32 to vector<1024x1xf32>
    %ge3A_289 = arith.cmpf oge, %dot_general3A_286, %ge3A_288 : vector<1024x1xf32>
    %select_n3A_290 = arith.select %ge3A_289, %add3A_277, %select_n3A_274 : vector<1024x1xi1>, vector<1024x1xi32>
    %add3A_291 = arith.constant 1048576 : i32
    %add3A_292 = vector.broadcast %add3A_291 : i32 to vector<1024x1xi32>
    %add3A_293 = arith.addi %select_n3A_290, %add3A_292 : vector<1024x1xi32>
    %ge3A_294 = vector.broadcast %add3A_293 : vector<1024x1xi32> to vector<1024x128xi32>
    %ge3A_295 = arith.cmpi sge, %select_n3A, %ge3A_294 : vector<1024x128xi32>
    %jit3A_296 = arith.constant 1.000000e+00 : f32
    %jit3A_297 = arith.constant 0.000000e+00 : f32
    %broadcast_in_dim3A_298 = vector.broadcast %jit3A_296 : f32 to vector<1024x128xf32>
    %broadcast_in_dim3A_299 = vector.broadcast %jit3A_297 : f32 to vector<1024x128xf32>
    %select_n3A_300 = arith.select %ge3A_295, %broadcast_in_dim3A_298, %broadcast_in_dim3A_299 : vector<1024x128xi1>, vector<1024x128xf32>
    %dot_general3A_301 = arith.constant dense<0.000000e+00> : vector<1024x1xf32>
    %dot_general3A_302 = tpu.matmul %select_n3A_300, %broadcast_in_dim3A_113, %dot_general3A_301 {dimension_numbers = #tpu.dot_dimension_numbers<[1], [0], [0], [1], [0, 0, 1, 1], [], []>, transpose_lhs_hint = false} : vector<1024x128xf32>, vector<128x1xf32>, vector<1024x1xf32> -> vector<1024x1xf32>
    %ge3A_303 = arith.constant 3.200000e+01 : f32
    %ge3A_304 = vector.broadcast %ge3A_303 : f32 to vector<1024x1xf32>
    %ge3A_305 = arith.cmpf oge, %dot_general3A_302, %ge3A_304 : vector<1024x1xf32>
    %select_n3A_306 = arith.select %ge3A_305, %add3A_293, %select_n3A_290 : vector<1024x1xi1>, vector<1024x1xi32>
    %add3A_307 = arith.constant 524288 : i32
    %add3A_308 = vector.broadcast %add3A_307 : i32 to vector<1024x1xi32>
    %add3A_309 = arith.addi %select_n3A_306, %add3A_308 : vector<1024x1xi32>
    %ge3A_310 = vector.broadcast %add3A_309 : vector<1024x1xi32> to vector<1024x128xi32>
    %ge3A_311 = arith.cmpi sge, %select_n3A, %ge3A_310 : vector<1024x128xi32>
    %jit3A_312 = arith.constant 1.000000e+00 : f32
    %jit3A_313 = arith.constant 0.000000e+00 : f32
    %broadcast_in_dim3A_314 = vector.broadcast %jit3A_312 : f32 to vector<1024x128xf32>
    %broadcast_in_dim3A_315 = vector.broadcast %jit3A_313 : f32 to vector<1024x128xf32>
    %select_n3A_316 = arith.select %ge3A_311, %broadcast_in_dim3A_314, %broadcast_in_dim3A_315 : vector<1024x128xi1>, vector<1024x128xf32>
    %dot_general3A_317 = arith.constant dense<0.000000e+00> : vector<1024x1xf32>
    %dot_general3A_318 = tpu.matmul %select_n3A_316, %broadcast_in_dim3A_113, %dot_general3A_317 {dimension_numbers = #tpu.dot_dimension_numbers<[1], [0], [0], [1], [0, 0, 1, 1], [], []>, transpose_lhs_hint = false} : vector<1024x128xf32>, vector<128x1xf32>, vector<1024x1xf32> -> vector<1024x1xf32>
    %ge3A_319 = arith.constant 3.200000e+01 : f32
    %ge3A_320 = vector.broadcast %ge3A_319 : f32 to vector<1024x1xf32>
    %ge3A_321 = arith.cmpf oge, %dot_general3A_318, %ge3A_320 : vector<1024x1xf32>
    %select_n3A_322 = arith.select %ge3A_321, %add3A_309, %select_n3A_306 : vector<1024x1xi1>, vector<1024x1xi32>
    %add3A_323 = arith.constant 262144 : i32
    %add3A_324 = vector.broadcast %add3A_323 : i32 to vector<1024x1xi32>
    %add3A_325 = arith.addi %select_n3A_322, %add3A_324 : vector<1024x1xi32>
    %ge3A_326 = vector.broadcast %add3A_325 : vector<1024x1xi32> to vector<1024x128xi32>
    %ge3A_327 = arith.cmpi sge, %select_n3A, %ge3A_326 : vector<1024x128xi32>
    %jit3A_328 = arith.constant 1.000000e+00 : f32
    %jit3A_329 = arith.constant 0.000000e+00 : f32
    %broadcast_in_dim3A_330 = vector.broadcast %jit3A_328 : f32 to vector<1024x128xf32>
    %broadcast_in_dim3A_331 = vector.broadcast %jit3A_329 : f32 to vector<1024x128xf32>
    %select_n3A_332 = arith.select %ge3A_327, %broadcast_in_dim3A_330, %broadcast_in_dim3A_331 : vector<1024x128xi1>, vector<1024x128xf32>
    %dot_general3A_333 = arith.constant dense<0.000000e+00> : vector<1024x1xf32>
    %dot_general3A_334 = tpu.matmul %select_n3A_332, %broadcast_in_dim3A_113, %dot_general3A_333 {dimension_numbers = #tpu.dot_dimension_numbers<[1], [0], [0], [1], [0, 0, 1, 1], [], []>, transpose_lhs_hint = false} : vector<1024x128xf32>, vector<128x1xf32>, vector<1024x1xf32> -> vector<1024x1xf32>
    %ge3A_335 = arith.constant 3.200000e+01 : f32
    %ge3A_336 = vector.broadcast %ge3A_335 : f32 to vector<1024x1xf32>
    %ge3A_337 = arith.cmpf oge, %dot_general3A_334, %ge3A_336 : vector<1024x1xf32>
    %select_n3A_338 = arith.select %ge3A_337, %add3A_325, %select_n3A_322 : vector<1024x1xi1>, vector<1024x1xi32>
    %add3A_339 = arith.constant 131072 : i32
    %add3A_340 = vector.broadcast %add3A_339 : i32 to vector<1024x1xi32>
    %add3A_341 = arith.addi %select_n3A_338, %add3A_340 : vector<1024x1xi32>
    %ge3A_342 = vector.broadcast %add3A_341 : vector<1024x1xi32> to vector<1024x128xi32>
    %ge3A_343 = arith.cmpi sge, %select_n3A, %ge3A_342 : vector<1024x128xi32>
    %jit3A_344 = arith.constant 1.000000e+00 : f32
    %jit3A_345 = arith.constant 0.000000e+00 : f32
    %broadcast_in_dim3A_346 = vector.broadcast %jit3A_344 : f32 to vector<1024x128xf32>
    %broadcast_in_dim3A_347 = vector.broadcast %jit3A_345 : f32 to vector<1024x128xf32>
    %select_n3A_348 = arith.select %ge3A_343, %broadcast_in_dim3A_346, %broadcast_in_dim3A_347 : vector<1024x128xi1>, vector<1024x128xf32>
    %dot_general3A_349 = arith.constant dense<0.000000e+00> : vector<1024x1xf32>
    %dot_general3A_350 = tpu.matmul %select_n3A_348, %broadcast_in_dim3A_113, %dot_general3A_349 {dimension_numbers = #tpu.dot_dimension_numbers<[1], [0], [0], [1], [0, 0, 1, 1], [], []>, transpose_lhs_hint = false} : vector<1024x128xf32>, vector<128x1xf32>, vector<1024x1xf32> -> vector<1024x1xf32>
    %ge3A_351 = arith.constant 3.200000e+01 : f32
    %ge3A_352 = vector.broadcast %ge3A_351 : f32 to vector<1024x1xf32>
    %ge3A_353 = arith.cmpf oge, %dot_general3A_350, %ge3A_352 : vector<1024x1xf32>
    %select_n3A_354 = arith.select %ge3A_353, %add3A_341, %select_n3A_338 : vector<1024x1xi1>, vector<1024x1xi32>
    %add3A_355 = arith.constant 65536 : i32
    %add3A_356 = vector.broadcast %add3A_355 : i32 to vector<1024x1xi32>
    %add3A_357 = arith.addi %select_n3A_354, %add3A_356 : vector<1024x1xi32>
    %ge3A_358 = vector.broadcast %add3A_357 : vector<1024x1xi32> to vector<1024x128xi32>
    %ge3A_359 = arith.cmpi sge, %select_n3A, %ge3A_358 : vector<1024x128xi32>
    %jit3A_360 = arith.constant 1.000000e+00 : f32
    %jit3A_361 = arith.constant 0.000000e+00 : f32
    %broadcast_in_dim3A_362 = vector.broadcast %jit3A_360 : f32 to vector<1024x128xf32>
    %broadcast_in_dim3A_363 = vector.broadcast %jit3A_361 : f32 to vector<1024x128xf32>
    %select_n3A_364 = arith.select %ge3A_359, %broadcast_in_dim3A_362, %broadcast_in_dim3A_363 : vector<1024x128xi1>, vector<1024x128xf32>
    %dot_general3A_365 = arith.constant dense<0.000000e+00> : vector<1024x1xf32>
    %dot_general3A_366 = tpu.matmul %select_n3A_364, %broadcast_in_dim3A_113, %dot_general3A_365 {dimension_numbers = #tpu.dot_dimension_numbers<[1], [0], [0], [1], [0, 0, 1, 1], [], []>, transpose_lhs_hint = false} : vector<1024x128xf32>, vector<128x1xf32>, vector<1024x1xf32> -> vector<1024x1xf32>
    %ge3A_367 = arith.constant 3.200000e+01 : f32
    %ge3A_368 = vector.broadcast %ge3A_367 : f32 to vector<1024x1xf32>
    %ge3A_369 = arith.cmpf oge, %dot_general3A_366, %ge3A_368 : vector<1024x1xf32>
    %select_n3A_370 = arith.select %ge3A_369, %add3A_357, %select_n3A_354 : vector<1024x1xi1>, vector<1024x1xi32>
    %add3A_371 = arith.constant 32768 : i32
    %add3A_372 = vector.broadcast %add3A_371 : i32 to vector<1024x1xi32>
    %add3A_373 = arith.addi %select_n3A_370, %add3A_372 : vector<1024x1xi32>
    %ge3A_374 = vector.broadcast %add3A_373 : vector<1024x1xi32> to vector<1024x128xi32>
    %ge3A_375 = arith.cmpi sge, %select_n3A, %ge3A_374 : vector<1024x128xi32>
    %jit3A_376 = arith.constant 1.000000e+00 : f32
    %jit3A_377 = arith.constant 0.000000e+00 : f32
    %broadcast_in_dim3A_378 = vector.broadcast %jit3A_376 : f32 to vector<1024x128xf32>
    %broadcast_in_dim3A_379 = vector.broadcast %jit3A_377 : f32 to vector<1024x128xf32>
    %select_n3A_380 = arith.select %ge3A_375, %broadcast_in_dim3A_378, %broadcast_in_dim3A_379 : vector<1024x128xi1>, vector<1024x128xf32>
    %dot_general3A_381 = arith.constant dense<0.000000e+00> : vector<1024x1xf32>
    %dot_general3A_382 = tpu.matmul %select_n3A_380, %broadcast_in_dim3A_113, %dot_general3A_381 {dimension_numbers = #tpu.dot_dimension_numbers<[1], [0], [0], [1], [0, 0, 1, 1], [], []>, transpose_lhs_hint = false} : vector<1024x128xf32>, vector<128x1xf32>, vector<1024x1xf32> -> vector<1024x1xf32>
    %ge3A_383 = arith.constant 3.200000e+01 : f32
    %ge3A_384 = vector.broadcast %ge3A_383 : f32 to vector<1024x1xf32>
    %ge3A_385 = arith.cmpf oge, %dot_general3A_382, %ge3A_384 : vector<1024x1xf32>
    %select_n3A_386 = arith.select %ge3A_385, %add3A_373, %select_n3A_370 : vector<1024x1xi1>, vector<1024x1xi32>
    %add3A_387 = arith.constant 16384 : i32
    %add3A_388 = vector.broadcast %add3A_387 : i32 to vector<1024x1xi32>
    %add3A_389 = arith.addi %select_n3A_386, %add3A_388 : vector<1024x1xi32>
    %ge3A_390 = vector.broadcast %add3A_389 : vector<1024x1xi32> to vector<1024x128xi32>
    %ge3A_391 = arith.cmpi sge, %select_n3A, %ge3A_390 : vector<1024x128xi32>
    %jit3A_392 = arith.constant 1.000000e+00 : f32
    %jit3A_393 = arith.constant 0.000000e+00 : f32
    %broadcast_in_dim3A_394 = vector.broadcast %jit3A_392 : f32 to vector<1024x128xf32>
    %broadcast_in_dim3A_395 = vector.broadcast %jit3A_393 : f32 to vector<1024x128xf32>
    %select_n3A_396 = arith.select %ge3A_391, %broadcast_in_dim3A_394, %broadcast_in_dim3A_395 : vector<1024x128xi1>, vector<1024x128xf32>
    %dot_general3A_397 = arith.constant dense<0.000000e+00> : vector<1024x1xf32>
    %dot_general3A_398 = tpu.matmul %select_n3A_396, %broadcast_in_dim3A_113, %dot_general3A_397 {dimension_numbers = #tpu.dot_dimension_numbers<[1], [0], [0], [1], [0, 0, 1, 1], [], []>, transpose_lhs_hint = false} : vector<1024x128xf32>, vector<128x1xf32>, vector<1024x1xf32> -> vector<1024x1xf32>
    %ge3A_399 = arith.constant 3.200000e+01 : f32
    %ge3A_400 = vector.broadcast %ge3A_399 : f32 to vector<1024x1xf32>
    %ge3A_401 = arith.cmpf oge, %dot_general3A_398, %ge3A_400 : vector<1024x1xf32>
    %select_n3A_402 = arith.select %ge3A_401, %add3A_389, %select_n3A_386 : vector<1024x1xi1>, vector<1024x1xi32>
    %add3A_403 = arith.constant 8192 : i32
    %add3A_404 = vector.broadcast %add3A_403 : i32 to vector<1024x1xi32>
    %add3A_405 = arith.addi %select_n3A_402, %add3A_404 : vector<1024x1xi32>
    %ge3A_406 = vector.broadcast %add3A_405 : vector<1024x1xi32> to vector<1024x128xi32>
    %ge3A_407 = arith.cmpi sge, %select_n3A, %ge3A_406 : vector<1024x128xi32>
    %jit3A_408 = arith.constant 1.000000e+00 : f32
    %jit3A_409 = arith.constant 0.000000e+00 : f32
    %broadcast_in_dim3A_410 = vector.broadcast %jit3A_408 : f32 to vector<1024x128xf32>
    %broadcast_in_dim3A_411 = vector.broadcast %jit3A_409 : f32 to vector<1024x128xf32>
    %select_n3A_412 = arith.select %ge3A_407, %broadcast_in_dim3A_410, %broadcast_in_dim3A_411 : vector<1024x128xi1>, vector<1024x128xf32>
    %dot_general3A_413 = arith.constant dense<0.000000e+00> : vector<1024x1xf32>
    %dot_general3A_414 = tpu.matmul %select_n3A_412, %broadcast_in_dim3A_113, %dot_general3A_413 {dimension_numbers = #tpu.dot_dimension_numbers<[1], [0], [0], [1], [0, 0, 1, 1], [], []>, transpose_lhs_hint = false} : vector<1024x128xf32>, vector<128x1xf32>, vector<1024x1xf32> -> vector<1024x1xf32>
    %ge3A_415 = arith.constant 3.200000e+01 : f32
    %ge3A_416 = vector.broadcast %ge3A_415 : f32 to vector<1024x1xf32>
    %ge3A_417 = arith.cmpf oge, %dot_general3A_414, %ge3A_416 : vector<1024x1xf32>
    %select_n3A_418 = arith.select %ge3A_417, %add3A_405, %select_n3A_402 : vector<1024x1xi1>, vector<1024x1xi32>
    %add3A_419 = arith.constant 4096 : i32
    %add3A_420 = vector.broadcast %add3A_419 : i32 to vector<1024x1xi32>
    %add3A_421 = arith.addi %select_n3A_418, %add3A_420 : vector<1024x1xi32>
    %ge3A_422 = vector.broadcast %add3A_421 : vector<1024x1xi32> to vector<1024x128xi32>
    %ge3A_423 = arith.cmpi sge, %select_n3A, %ge3A_422 : vector<1024x128xi32>
    %jit3A_424 = arith.constant 1.000000e+00 : f32
    %jit3A_425 = arith.constant 0.000000e+00 : f32
    %broadcast_in_dim3A_426 = vector.broadcast %jit3A_424 : f32 to vector<1024x128xf32>
    %broadcast_in_dim3A_427 = vector.broadcast %jit3A_425 : f32 to vector<1024x128xf32>
    %select_n3A_428 = arith.select %ge3A_423, %broadcast_in_dim3A_426, %broadcast_in_dim3A_427 : vector<1024x128xi1>, vector<1024x128xf32>
    %dot_general3A_429 = arith.constant dense<0.000000e+00> : vector<1024x1xf32>
    %dot_general3A_430 = tpu.matmul %select_n3A_428, %broadcast_in_dim3A_113, %dot_general3A_429 {dimension_numbers = #tpu.dot_dimension_numbers<[1], [0], [0], [1], [0, 0, 1, 1], [], []>, transpose_lhs_hint = false} : vector<1024x128xf32>, vector<128x1xf32>, vector<1024x1xf32> -> vector<1024x1xf32>
    %ge3A_431 = arith.constant 3.200000e+01 : f32
    %ge3A_432 = vector.broadcast %ge3A_431 : f32 to vector<1024x1xf32>
    %ge3A_433 = arith.cmpf oge, %dot_general3A_430, %ge3A_432 : vector<1024x1xf32>
    %select_n3A_434 = arith.select %ge3A_433, %add3A_421, %select_n3A_418 : vector<1024x1xi1>, vector<1024x1xi32>
    %add3A_435 = arith.constant 2048 : i32
    %add3A_436 = vector.broadcast %add3A_435 : i32 to vector<1024x1xi32>
    %add3A_437 = arith.addi %select_n3A_434, %add3A_436 : vector<1024x1xi32>
    %ge3A_438 = vector.broadcast %add3A_437 : vector<1024x1xi32> to vector<1024x128xi32>
    %ge3A_439 = arith.cmpi sge, %select_n3A, %ge3A_438 : vector<1024x128xi32>
    %jit3A_440 = arith.constant 1.000000e+00 : f32
    %jit3A_441 = arith.constant 0.000000e+00 : f32
    %broadcast_in_dim3A_442 = vector.broadcast %jit3A_440 : f32 to vector<1024x128xf32>
    %broadcast_in_dim3A_443 = vector.broadcast %jit3A_441 : f32 to vector<1024x128xf32>
    %select_n3A_444 = arith.select %ge3A_439, %broadcast_in_dim3A_442, %broadcast_in_dim3A_443 : vector<1024x128xi1>, vector<1024x128xf32>
    %dot_general3A_445 = arith.constant dense<0.000000e+00> : vector<1024x1xf32>
    %dot_general3A_446 = tpu.matmul %select_n3A_444, %broadcast_in_dim3A_113, %dot_general3A_445 {dimension_numbers = #tpu.dot_dimension_numbers<[1], [0], [0], [1], [0, 0, 1, 1], [], []>, transpose_lhs_hint = false} : vector<1024x128xf32>, vector<128x1xf32>, vector<1024x1xf32> -> vector<1024x1xf32>
    %ge3A_447 = arith.constant 3.200000e+01 : f32
    %ge3A_448 = vector.broadcast %ge3A_447 : f32 to vector<1024x1xf32>
    %ge3A_449 = arith.cmpf oge, %dot_general3A_446, %ge3A_448 : vector<1024x1xf32>
    %select_n3A_450 = arith.select %ge3A_449, %add3A_437, %select_n3A_434 : vector<1024x1xi1>, vector<1024x1xi32>
    %add3A_451 = arith.constant 1024 : i32
    %add3A_452 = vector.broadcast %add3A_451 : i32 to vector<1024x1xi32>
    %add3A_453 = arith.addi %select_n3A_450, %add3A_452 : vector<1024x1xi32>
    %ge3A_454 = vector.broadcast %add3A_453 : vector<1024x1xi32> to vector<1024x128xi32>
    %ge3A_455 = arith.cmpi sge, %select_n3A, %ge3A_454 : vector<1024x128xi32>
    %jit3A_456 = arith.constant 1.000000e+00 : f32
    %jit3A_457 = arith.constant 0.000000e+00 : f32
    %broadcast_in_dim3A_458 = vector.broadcast %jit3A_456 : f32 to vector<1024x128xf32>
    %broadcast_in_dim3A_459 = vector.broadcast %jit3A_457 : f32 to vector<1024x128xf32>
    %select_n3A_460 = arith.select %ge3A_455, %broadcast_in_dim3A_458, %broadcast_in_dim3A_459 : vector<1024x128xi1>, vector<1024x128xf32>
    %dot_general3A_461 = arith.constant dense<0.000000e+00> : vector<1024x1xf32>
    %dot_general3A_462 = tpu.matmul %select_n3A_460, %broadcast_in_dim3A_113, %dot_general3A_461 {dimension_numbers = #tpu.dot_dimension_numbers<[1], [0], [0], [1], [0, 0, 1, 1], [], []>, transpose_lhs_hint = false} : vector<1024x128xf32>, vector<128x1xf32>, vector<1024x1xf32> -> vector<1024x1xf32>
    %ge3A_463 = arith.constant 3.200000e+01 : f32
    %ge3A_464 = vector.broadcast %ge3A_463 : f32 to vector<1024x1xf32>
    %ge3A_465 = arith.cmpf oge, %dot_general3A_462, %ge3A_464 : vector<1024x1xf32>
    %select_n3A_466 = arith.select %ge3A_465, %add3A_453, %select_n3A_450 : vector<1024x1xi1>, vector<1024x1xi32>
    %add3A_467 = arith.constant 512 : i32
    %add3A_468 = vector.broadcast %add3A_467 : i32 to vector<1024x1xi32>
    %add3A_469 = arith.addi %select_n3A_466, %add3A_468 : vector<1024x1xi32>
    %ge3A_470 = vector.broadcast %add3A_469 : vector<1024x1xi32> to vector<1024x128xi32>
    %ge3A_471 = arith.cmpi sge, %select_n3A, %ge3A_470 : vector<1024x128xi32>
    %jit3A_472 = arith.constant 1.000000e+00 : f32
    %jit3A_473 = arith.constant 0.000000e+00 : f32
    %broadcast_in_dim3A_474 = vector.broadcast %jit3A_472 : f32 to vector<1024x128xf32>
    %broadcast_in_dim3A_475 = vector.broadcast %jit3A_473 : f32 to vector<1024x128xf32>
    %select_n3A_476 = arith.select %ge3A_471, %broadcast_in_dim3A_474, %broadcast_in_dim3A_475 : vector<1024x128xi1>, vector<1024x128xf32>
    %dot_general3A_477 = arith.constant dense<0.000000e+00> : vector<1024x1xf32>
    %dot_general3A_478 = tpu.matmul %select_n3A_476, %broadcast_in_dim3A_113, %dot_general3A_477 {dimension_numbers = #tpu.dot_dimension_numbers<[1], [0], [0], [1], [0, 0, 1, 1], [], []>, transpose_lhs_hint = false} : vector<1024x128xf32>, vector<128x1xf32>, vector<1024x1xf32> -> vector<1024x1xf32>
    %ge3A_479 = arith.constant 3.200000e+01 : f32
    %ge3A_480 = vector.broadcast %ge3A_479 : f32 to vector<1024x1xf32>
    %ge3A_481 = arith.cmpf oge, %dot_general3A_478, %ge3A_480 : vector<1024x1xf32>
    %select_n3A_482 = arith.select %ge3A_481, %add3A_469, %select_n3A_466 : vector<1024x1xi1>, vector<1024x1xi32>
    %add3A_483 = arith.constant 256 : i32
    %add3A_484 = vector.broadcast %add3A_483 : i32 to vector<1024x1xi32>
    %add3A_485 = arith.addi %select_n3A_482, %add3A_484 : vector<1024x1xi32>
    %ge3A_486 = vector.broadcast %add3A_485 : vector<1024x1xi32> to vector<1024x128xi32>
    %ge3A_487 = arith.cmpi sge, %select_n3A, %ge3A_486 : vector<1024x128xi32>
    %jit3A_488 = arith.constant 1.000000e+00 : f32
    %jit3A_489 = arith.constant 0.000000e+00 : f32
    %broadcast_in_dim3A_490 = vector.broadcast %jit3A_488 : f32 to vector<1024x128xf32>
    %broadcast_in_dim3A_491 = vector.broadcast %jit3A_489 : f32 to vector<1024x128xf32>
    %select_n3A_492 = arith.select %ge3A_487, %broadcast_in_dim3A_490, %broadcast_in_dim3A_491 : vector<1024x128xi1>, vector<1024x128xf32>
    %dot_general3A_493 = arith.constant dense<0.000000e+00> : vector<1024x1xf32>
    %dot_general3A_494 = tpu.matmul %select_n3A_492, %broadcast_in_dim3A_113, %dot_general3A_493 {dimension_numbers = #tpu.dot_dimension_numbers<[1], [0], [0], [1], [0, 0, 1, 1], [], []>, transpose_lhs_hint = false} : vector<1024x128xf32>, vector<128x1xf32>, vector<1024x1xf32> -> vector<1024x1xf32>
    %ge3A_495 = arith.constant 3.200000e+01 : f32
    %ge3A_496 = vector.broadcast %ge3A_495 : f32 to vector<1024x1xf32>
    %ge3A_497 = arith.cmpf oge, %dot_general3A_494, %ge3A_496 : vector<1024x1xf32>
    %select_n3A_498 = arith.select %ge3A_497, %add3A_485, %select_n3A_482 : vector<1024x1xi1>, vector<1024x1xi32>
    %add3A_499 = arith.constant 128 : i32
    %add3A_500 = vector.broadcast %add3A_499 : i32 to vector<1024x1xi32>
    %add3A_501 = arith.addi %select_n3A_498, %add3A_500 : vector<1024x1xi32>
    %ge3A_502 = vector.broadcast %add3A_501 : vector<1024x1xi32> to vector<1024x128xi32>
    %ge3A_503 = arith.cmpi sge, %select_n3A, %ge3A_502 : vector<1024x128xi32>
    %jit3A_504 = arith.constant 1.000000e+00 : f32
    %jit3A_505 = arith.constant 0.000000e+00 : f32
    %broadcast_in_dim3A_506 = vector.broadcast %jit3A_504 : f32 to vector<1024x128xf32>
    %broadcast_in_dim3A_507 = vector.broadcast %jit3A_505 : f32 to vector<1024x128xf32>
    %select_n3A_508 = arith.select %ge3A_503, %broadcast_in_dim3A_506, %broadcast_in_dim3A_507 : vector<1024x128xi1>, vector<1024x128xf32>
    %dot_general3A_509 = arith.constant dense<0.000000e+00> : vector<1024x1xf32>
    %dot_general3A_510 = tpu.matmul %select_n3A_508, %broadcast_in_dim3A_113, %dot_general3A_509 {dimension_numbers = #tpu.dot_dimension_numbers<[1], [0], [0], [1], [0, 0, 1, 1], [], []>, transpose_lhs_hint = false} : vector<1024x128xf32>, vector<128x1xf32>, vector<1024x1xf32> -> vector<1024x1xf32>
    %ge3A_511 = arith.constant 3.200000e+01 : f32
    %ge3A_512 = vector.broadcast %ge3A_511 : f32 to vector<1024x1xf32>
    %ge3A_513 = arith.cmpf oge, %dot_general3A_510, %ge3A_512 : vector<1024x1xf32>
    %select_n3A_514 = arith.select %ge3A_513, %add3A_501, %select_n3A_498 : vector<1024x1xi1>, vector<1024x1xi32>
    %add3A_515 = arith.constant 64 : i32
    %add3A_516 = vector.broadcast %add3A_515 : i32 to vector<1024x1xi32>
    %add3A_517 = arith.addi %select_n3A_514, %add3A_516 : vector<1024x1xi32>
    %ge3A_518 = vector.broadcast %add3A_517 : vector<1024x1xi32> to vector<1024x128xi32>
    %ge3A_519 = arith.cmpi sge, %select_n3A, %ge3A_518 : vector<1024x128xi32>
    %jit3A_520 = arith.constant 1.000000e+00 : f32
    %jit3A_521 = arith.constant 0.000000e+00 : f32
    %broadcast_in_dim3A_522 = vector.broadcast %jit3A_520 : f32 to vector<1024x128xf32>
    %broadcast_in_dim3A_523 = vector.broadcast %jit3A_521 : f32 to vector<1024x128xf32>
    %select_n3A_524 = arith.select %ge3A_519, %broadcast_in_dim3A_522, %broadcast_in_dim3A_523 : vector<1024x128xi1>, vector<1024x128xf32>
    %dot_general3A_525 = arith.constant dense<0.000000e+00> : vector<1024x1xf32>
    %dot_general3A_526 = tpu.matmul %select_n3A_524, %broadcast_in_dim3A_113, %dot_general3A_525 {dimension_numbers = #tpu.dot_dimension_numbers<[1], [0], [0], [1], [0, 0, 1, 1], [], []>, transpose_lhs_hint = false} : vector<1024x128xf32>, vector<128x1xf32>, vector<1024x1xf32> -> vector<1024x1xf32>
    %ge3A_527 = arith.constant 3.200000e+01 : f32
    %ge3A_528 = vector.broadcast %ge3A_527 : f32 to vector<1024x1xf32>
    %ge3A_529 = arith.cmpf oge, %dot_general3A_526, %ge3A_528 : vector<1024x1xf32>
    %select_n3A_530 = arith.select %ge3A_529, %add3A_517, %select_n3A_514 : vector<1024x1xi1>, vector<1024x1xi32>
    %add3A_531 = arith.constant 32 : i32
    %add3A_532 = vector.broadcast %add3A_531 : i32 to vector<1024x1xi32>
    %add3A_533 = arith.addi %select_n3A_530, %add3A_532 : vector<1024x1xi32>
    %ge3A_534 = vector.broadcast %add3A_533 : vector<1024x1xi32> to vector<1024x128xi32>
    %ge3A_535 = arith.cmpi sge, %select_n3A, %ge3A_534 : vector<1024x128xi32>
    %jit3A_536 = arith.constant 1.000000e+00 : f32
    %jit3A_537 = arith.constant 0.000000e+00 : f32
    %broadcast_in_dim3A_538 = vector.broadcast %jit3A_536 : f32 to vector<1024x128xf32>
    %broadcast_in_dim3A_539 = vector.broadcast %jit3A_537 : f32 to vector<1024x128xf32>
    %select_n3A_540 = arith.select %ge3A_535, %broadcast_in_dim3A_538, %broadcast_in_dim3A_539 : vector<1024x128xi1>, vector<1024x128xf32>
    %dot_general3A_541 = arith.constant dense<0.000000e+00> : vector<1024x1xf32>
    %dot_general3A_542 = tpu.matmul %select_n3A_540, %broadcast_in_dim3A_113, %dot_general3A_541 {dimension_numbers = #tpu.dot_dimension_numbers<[1], [0], [0], [1], [0, 0, 1, 1], [], []>, transpose_lhs_hint = false} : vector<1024x128xf32>, vector<128x1xf32>, vector<1024x1xf32> -> vector<1024x1xf32>
    %ge3A_543 = arith.constant 3.200000e+01 : f32
    %ge3A_544 = vector.broadcast %ge3A_543 : f32 to vector<1024x1xf32>
    %ge3A_545 = arith.cmpf oge, %dot_general3A_542, %ge3A_544 : vector<1024x1xf32>
    %select_n3A_546 = arith.select %ge3A_545, %add3A_533, %select_n3A_530 : vector<1024x1xi1>, vector<1024x1xi32>
    %add3A_547 = arith.constant 16 : i32
    %add3A_548 = vector.broadcast %add3A_547 : i32 to vector<1024x1xi32>
    %add3A_549 = arith.addi %select_n3A_546, %add3A_548 : vector<1024x1xi32>
    %ge3A_550 = vector.broadcast %add3A_549 : vector<1024x1xi32> to vector<1024x128xi32>
    %ge3A_551 = arith.cmpi sge, %select_n3A, %ge3A_550 : vector<1024x128xi32>
    %jit3A_552 = arith.constant 1.000000e+00 : f32
    %jit3A_553 = arith.constant 0.000000e+00 : f32
    %broadcast_in_dim3A_554 = vector.broadcast %jit3A_552 : f32 to vector<1024x128xf32>
    %broadcast_in_dim3A_555 = vector.broadcast %jit3A_553 : f32 to vector<1024x128xf32>
    %select_n3A_556 = arith.select %ge3A_551, %broadcast_in_dim3A_554, %broadcast_in_dim3A_555 : vector<1024x128xi1>, vector<1024x128xf32>
    %dot_general3A_557 = arith.constant dense<0.000000e+00> : vector<1024x1xf32>
    %dot_general3A_558 = tpu.matmul %select_n3A_556, %broadcast_in_dim3A_113, %dot_general3A_557 {dimension_numbers = #tpu.dot_dimension_numbers<[1], [0], [0], [1], [0, 0, 1, 1], [], []>, transpose_lhs_hint = false} : vector<1024x128xf32>, vector<128x1xf32>, vector<1024x1xf32> -> vector<1024x1xf32>
    %ge3A_559 = arith.constant 3.200000e+01 : f32
    %ge3A_560 = vector.broadcast %ge3A_559 : f32 to vector<1024x1xf32>
    %ge3A_561 = arith.cmpf oge, %dot_general3A_558, %ge3A_560 : vector<1024x1xf32>
    %select_n3A_562 = arith.select %ge3A_561, %add3A_549, %select_n3A_546 : vector<1024x1xi1>, vector<1024x1xi32>
    %add3A_563 = arith.constant 8 : i32
    %add3A_564 = vector.broadcast %add3A_563 : i32 to vector<1024x1xi32>
    %add3A_565 = arith.addi %select_n3A_562, %add3A_564 : vector<1024x1xi32>
    %ge3A_566 = vector.broadcast %add3A_565 : vector<1024x1xi32> to vector<1024x128xi32>
    %ge3A_567 = arith.cmpi sge, %select_n3A, %ge3A_566 : vector<1024x128xi32>
    %jit3A_568 = arith.constant 1.000000e+00 : f32
    %jit3A_569 = arith.constant 0.000000e+00 : f32
    %broadcast_in_dim3A_570 = vector.broadcast %jit3A_568 : f32 to vector<1024x128xf32>
    %broadcast_in_dim3A_571 = vector.broadcast %jit3A_569 : f32 to vector<1024x128xf32>
    %select_n3A_572 = arith.select %ge3A_567, %broadcast_in_dim3A_570, %broadcast_in_dim3A_571 : vector<1024x128xi1>, vector<1024x128xf32>
    %dot_general3A_573 = arith.constant dense<0.000000e+00> : vector<1024x1xf32>
    %dot_general3A_574 = tpu.matmul %select_n3A_572, %broadcast_in_dim3A_113, %dot_general3A_573 {dimension_numbers = #tpu.dot_dimension_numbers<[1], [0], [0], [1], [0, 0, 1, 1], [], []>, transpose_lhs_hint = false} : vector<1024x128xf32>, vector<128x1xf32>, vector<1024x1xf32> -> vector<1024x1xf32>
    %ge3A_575 = arith.constant 3.200000e+01 : f32
    %ge3A_576 = vector.broadcast %ge3A_575 : f32 to vector<1024x1xf32>
    %ge3A_577 = arith.cmpf oge, %dot_general3A_574, %ge3A_576 : vector<1024x1xf32>
    %select_n3A_578 = arith.select %ge3A_577, %add3A_565, %select_n3A_562 : vector<1024x1xi1>, vector<1024x1xi32>
    %add3A_579 = arith.constant 4 : i32
    %add3A_580 = vector.broadcast %add3A_579 : i32 to vector<1024x1xi32>
    %add3A_581 = arith.addi %select_n3A_578, %add3A_580 : vector<1024x1xi32>
    %ge3A_582 = vector.broadcast %add3A_581 : vector<1024x1xi32> to vector<1024x128xi32>
    %ge3A_583 = arith.cmpi sge, %select_n3A, %ge3A_582 : vector<1024x128xi32>
    %jit3A_584 = arith.constant 1.000000e+00 : f32
    %jit3A_585 = arith.constant 0.000000e+00 : f32
    %broadcast_in_dim3A_586 = vector.broadcast %jit3A_584 : f32 to vector<1024x128xf32>
    %broadcast_in_dim3A_587 = vector.broadcast %jit3A_585 : f32 to vector<1024x128xf32>
    %select_n3A_588 = arith.select %ge3A_583, %broadcast_in_dim3A_586, %broadcast_in_dim3A_587 : vector<1024x128xi1>, vector<1024x128xf32>
    %dot_general3A_589 = arith.constant dense<0.000000e+00> : vector<1024x1xf32>
    %dot_general3A_590 = tpu.matmul %select_n3A_588, %broadcast_in_dim3A_113, %dot_general3A_589 {dimension_numbers = #tpu.dot_dimension_numbers<[1], [0], [0], [1], [0, 0, 1, 1], [], []>, transpose_lhs_hint = false} : vector<1024x128xf32>, vector<128x1xf32>, vector<1024x1xf32> -> vector<1024x1xf32>
    %ge3A_591 = arith.constant 3.200000e+01 : f32
    %ge3A_592 = vector.broadcast %ge3A_591 : f32 to vector<1024x1xf32>
    %ge3A_593 = arith.cmpf oge, %dot_general3A_590, %ge3A_592 : vector<1024x1xf32>
    %select_n3A_594 = arith.select %ge3A_593, %add3A_581, %select_n3A_578 : vector<1024x1xi1>, vector<1024x1xi32>
    %add3A_595 = arith.constant 2 : i32
    %add3A_596 = vector.broadcast %add3A_595 : i32 to vector<1024x1xi32>
    %add3A_597 = arith.addi %select_n3A_594, %add3A_596 : vector<1024x1xi32>
    %ge3A_598 = vector.broadcast %add3A_597 : vector<1024x1xi32> to vector<1024x128xi32>
    %ge3A_599 = arith.cmpi sge, %select_n3A, %ge3A_598 : vector<1024x128xi32>
    %jit3A_600 = arith.constant 1.000000e+00 : f32
    %jit3A_601 = arith.constant 0.000000e+00 : f32
    %broadcast_in_dim3A_602 = vector.broadcast %jit3A_600 : f32 to vector<1024x128xf32>
    %broadcast_in_dim3A_603 = vector.broadcast %jit3A_601 : f32 to vector<1024x128xf32>
    %select_n3A_604 = arith.select %ge3A_599, %broadcast_in_dim3A_602, %broadcast_in_dim3A_603 : vector<1024x128xi1>, vector<1024x128xf32>
    %dot_general3A_605 = arith.constant dense<0.000000e+00> : vector<1024x1xf32>
    %dot_general3A_606 = tpu.matmul %select_n3A_604, %broadcast_in_dim3A_113, %dot_general3A_605 {dimension_numbers = #tpu.dot_dimension_numbers<[1], [0], [0], [1], [0, 0, 1, 1], [], []>, transpose_lhs_hint = false} : vector<1024x128xf32>, vector<128x1xf32>, vector<1024x1xf32> -> vector<1024x1xf32>
    %ge3A_607 = arith.constant 3.200000e+01 : f32
    %ge3A_608 = vector.broadcast %ge3A_607 : f32 to vector<1024x1xf32>
    %ge3A_609 = arith.cmpf oge, %dot_general3A_606, %ge3A_608 : vector<1024x1xf32>
    %select_n3A_610 = arith.select %ge3A_609, %add3A_597, %select_n3A_594 : vector<1024x1xi1>, vector<1024x1xi32>
    %add3A_611 = arith.constant 1 : i32
    %add3A_612 = vector.broadcast %add3A_611 : i32 to vector<1024x1xi32>
    %add3A_613 = arith.addi %select_n3A_610, %add3A_612 : vector<1024x1xi32>
    %ge3A_614 = vector.broadcast %add3A_613 : vector<1024x1xi32> to vector<1024x128xi32>
    %ge3A_615 = arith.cmpi sge, %select_n3A, %ge3A_614 : vector<1024x128xi32>
    %jit3A_616 = arith.constant 1.000000e+00 : f32
    %jit3A_617 = arith.constant 0.000000e+00 : f32
    %broadcast_in_dim3A_618 = vector.broadcast %jit3A_616 : f32 to vector<1024x128xf32>
    %broadcast_in_dim3A_619 = vector.broadcast %jit3A_617 : f32 to vector<1024x128xf32>
    %select_n3A_620 = arith.select %ge3A_615, %broadcast_in_dim3A_618, %broadcast_in_dim3A_619 : vector<1024x128xi1>, vector<1024x128xf32>
    %dot_general3A_621 = arith.constant dense<0.000000e+00> : vector<1024x1xf32>
    %dot_general3A_622 = tpu.matmul %select_n3A_620, %broadcast_in_dim3A_113, %dot_general3A_621 {dimension_numbers = #tpu.dot_dimension_numbers<[1], [0], [0], [1], [0, 0, 1, 1], [], []>, transpose_lhs_hint = false} : vector<1024x128xf32>, vector<128x1xf32>, vector<1024x1xf32> -> vector<1024x1xf32>
    %ge3A_623 = arith.constant 3.200000e+01 : f32
    %ge3A_624 = vector.broadcast %ge3A_623 : f32 to vector<1024x1xf32>
    %ge3A_625 = arith.cmpf oge, %dot_general3A_622, %ge3A_624 : vector<1024x1xf32>
    %select_n3A_626 = arith.select %ge3A_625, %add3A_613, %select_n3A_610 : vector<1024x1xi1>, vector<1024x1xi32>
    %ge3A_627 = vector.broadcast %select_n3A_626 : vector<1024x1xi32> to vector<1024x128xi32>
    %ge3A_628 = arith.cmpi sge, %select_n3A, %ge3A_627 : vector<1024x128xi32>
    %jit3A_629 = arith.constant 0.000000e+00 : f32
    %broadcast_in_dim3A_630 = vector.broadcast %jit3A_629 : f32 to vector<1024x128xf32>
    %select_n3A_631 = arith.select %ge3A_628, %add3A_106, %broadcast_in_dim3A_630 : vector<1024x128xi1>, vector<1024x128xf32>
    %swap3A = arith.constant 0 : index
    %swap3A_632 = arith.constant 0 : index
    %swap3A_633 = vector.load %arg6[%swap3A, %swap3A_632] : memref<1024x128xf32, #tpu.memory_space<vmem>>, vector<1024x128xf32>
    tpu.vector_store %arg6[%swap3A, %swap3A_632], %select_n3A_631 {strides = array<i32>} : memref<1024x128xf32, #tpu.memory_space<vmem>>, vector<1024x128xf32>,
    return
  }
  func.func @transform_0(%arg0: i32) -> (i32, i32) {
    %c0_i32 = arith.constant 0 : i32
    %c0_i32_0 = arith.constant 0 : i32
    return %arg0, %c0_i32 : i32, i32
  }
  func.func @transform_1(%arg0: i32) -> (i32, i32, i32) {
    %c0_i32 = arith.constant 0 : i32
    %c0_i32_0 = arith.constant 0 : i32
    %c0_i32_1 = arith.constant 0 : i32
    return %c0_i32, %arg0, %c0_i32_0 : i32, i32, i32
  }
  func.func @transform_2(%arg0: i32) -> (i32, i32) {
    %c0_i32 = arith.constant 0 : i32
    %c0_i32_0 = arith.constant 0 : i32
    return %c0_i32, %arg0 : i32, i32
  }
  func.func @transform_3(%arg0: i32) -> (i32, i32) {
    %c0_i32 = arith.constant 0 : i32
    %c0_i32_0 = arith.constant 0 : i32
    %c0_i32_1 = arith.constant 0 : i32
    return %c0_i32, %c0_i32_0 : i32, i32
  }
  func.func @transform_4(%arg0: i32) -> (i32, i32) {
    %c0_i32 = arith.constant 0 : i32
    %c0_i32_0 = arith.constant 0 : i32
    %c0_i32_1 = arith.constant 0 : i32
    return %c0_i32, %c0_i32_0 : i32, i32
  }
  func.func @transform_5(%arg0: i32) -> (i32, i32) {
    %c0_i32 = arith.constant 0 : i32
    %c0_i32_0 = arith.constant 0 : i32
    return %arg0, %c0_i32 : i32, i32
  }
}

module attributes {stable_mosaic.version = 14 : i64} {
  func.func @_final_body(%arg0: i32, %arg1: memref<1024x128xf32, #tpu.memory_space<vmem>>, %arg2: memref<2x1024x128xf32, #tpu.memory_space<vmem>>, %arg3: memref<32x1024xf32, #tpu.memory_space<vmem>>, %arg4: memref<128x128xf32, #tpu.memory_space<vmem>>, %arg5: memref<128x128xf32, #tpu.memory_space<vmem>>, %arg6: memref<128x128xf32, #tpu.memory_space<vmem>>, %arg7: memref<1x128xf32, #tpu.memory_space<vmem>>, %arg8: memref<1024x128xf32, #tpu.memory_space<vmem>>) attributes {dimension_semantics = [#tpu.dimension_semantics<arbitrary>], iteration_bounds = array<i64: 10>, scalar_prefetch = 0 : i64, scratch_operands = 0 : i64, tpu.core_type = #tpu.core_type<tc>, window_params = [{transform_indices = @transform_0, window_bounds = array<i64: 1024, 128>}, {transform_indices = @transform_1, window_bounds = array<i64: 2, 1024, 128>}, {transform_indices = @transform_2, window_bounds = array<i64: 32, 1024>}, {pipeline_mode = #tpu.pipeline_mode<synchronous>, transform_indices = @transform_3, window_bounds = array<i64: 128, 128>}, {pipeline_mode = #tpu.pipeline_mode<synchronous>, transform_indices = @transform_4, window_bounds = array<i64: 128, 128>}, {pipeline_mode = #tpu.pipeline_mode<synchronous>, transform_indices = @transform_5, window_bounds = array<i64: 128, 128>}, {pipeline_mode = #tpu.pipeline_mode<synchronous>, transform_indices = @transform_6, window_bounds = array<i64: 1, 128>}, {transform_indices = @transform_7, window_bounds = array<i64: 1024, 128>}]} {
    %get3A = arith.constant 0 : index
    %get3A_0 = arith.constant 0 : index
    %get3A_1 = vector.load %arg1[%get3A, %get3A_0] : memref<1024x128xf32, #tpu.memory_space<vmem>>, vector<1024x128xf32>
    %get3A_2 = arith.constant 0 : index
    %get3A_3 = arith.constant 0 : index
    %get3A_4 = vector.load %arg4[%get3A_2, %get3A_3] : memref<128x128xf32, #tpu.memory_space<vmem>>, vector<128x128xf32>
    %dot_general3A = arith.constant dense<0.000000e+00> : vector<1024x128xf32>
    %dot_general3A_5 = tpu.matmul %get3A_1, %get3A_4, %dot_general3A {dimension_numbers = #tpu.dot_dimension_numbers<[1], [1], [0], [0], [0, 0, 1, 0], [], []>, transpose_lhs_hint = false} : vector<1024x128xf32>, vector<128x128xf32>, vector<1024x128xf32> -> vector<1024x128xf32>
    %get3A_6 = arith.constant 0 : index
    %get3A_7 = arith.constant 0 : index
    %get3A_8 = vector.load %arg3[%get3A_6, %get3A_7] : memref<32x1024xf32, #tpu.memory_space<vmem>>, vector<32x1024xf32>
    %get3A_9 = arith.constant 0 : index
    %get3A_10 = arith.constant 0 : index
    %get3A_11 = vector.load %arg5[%get3A_9, %get3A_10] : memref<128x128xf32, #tpu.memory_space<vmem>>, vector<128x128xf32>
    %reduce_sum3A = arith.constant dense<0.000000e+00> : vector<1024xf32>
    %reduce_sum3A_12 = vector.multi_reduction <add>, %get3A_8, %reduce_sum3A [0] : vector<32x1024xf32> to vector<1024xf32>
    %broadcast_in_dim3A = vector.shape_cast %reduce_sum3A_12 : vector<1024xf32> to vector<1x1024xf32>
    %iota3A = tpu.iota {dimensions = array<i32: 0>} : vector<128x128xi32>
    %iota3A_13 = tpu.iota {dimensions = array<i32: 1>} : vector<128x128xi32>
    %eq3A = arith.cmpi eq, %iota3A, %iota3A_13 : vector<128x128xi32>
    %convert_element_type3A = arith.extui %eq3A : vector<128x128xi1> to vector<128x128xi32>
    %convert_element_type3A_14 = arith.sitofp %convert_element_type3A : vector<128x128xi32> to vector<128x128xf32>
    %broadcast_in_dim3A_15 = arith.constant 1.000000e+00 : f32
    %broadcast_in_dim3A_16 = vector.broadcast %broadcast_in_dim3A_15 : f32 to vector<128x128xf32>
    %get3A_17 = arith.constant 0 : index
    %get3A_18 = arith.constant 0 : index
    %get3A_19 = arith.constant 0 : index
    %get3A_20 = vector.load %arg2[%get3A_17, %get3A_18, %get3A_19] : memref<2x1024x128xf32, #tpu.memory_space<vmem>>, vector<1x1024x128xf32>
    %get3A_21 = vector.shape_cast %get3A_20 : vector<1x1024x128xf32> to vector<1024x128xf32>
    %get3A_22 = arith.constant 1 : index
    %get3A_23 = arith.constant 0 : index
    %get3A_24 = arith.constant 0 : index
    %get3A_25 = vector.load %arg2[%get3A_22, %get3A_23, %get3A_24] : memref<2x1024x128xf32, #tpu.memory_space<vmem>>, vector<1x1024x128xf32>
    %get3A_26 = vector.shape_cast %get3A_25 : vector<1x1024x128xf32> to vector<1024x128xf32>
    %add3A = arith.addf %get3A_21, %get3A_26 : vector<1024x128xf32>
    %slice3A = vector.extract_strided_slice %broadcast_in_dim3A {offsets = [0, 0], sizes = [1, 128], strides = [1, 1]} : vector<1x1024xf32> to vector<1x128xf32>
    %mul3A = vector.broadcast %slice3A : vector<1x128xf32> to vector<128x128xf32>
    %mul3A_27 = arith.mulf %convert_element_type3A_14, %mul3A : vector<128x128xf32>
    %dot_general3A_28 = arith.constant dense<0.000000e+00> : vector<128x128xf32>
    %dot_general3A_29 = tpu.matmul %mul3A_27, %broadcast_in_dim3A_16, %dot_general3A_28 {dimension_numbers = #tpu.dot_dimension_numbers<[1], [0], [0], [1], [0, 0, 1, 1], [], []>, transpose_lhs_hint = false} : vector<128x128xf32>, vector<128x128xf32>, vector<128x128xf32> -> vector<128x128xf32>
    %slice3A_30 = vector.extract_strided_slice %add3A {offsets = [0, 0], sizes = [128, 128], strides = [1, 1]} : vector<1024x128xf32> to vector<128x128xf32>
    %add3A_31 = arith.constant 9.99999997E-7 : f32
    %add3A_32 = vector.broadcast %add3A_31 : f32 to vector<128x128xf32>
    %add3A_33 = arith.addf %dot_general3A_29, %add3A_32 : vector<128x128xf32>
    %div3A = arith.divf %slice3A_30, %add3A_33 : vector<128x128xf32>
    %slice3A_34 = vector.extract_strided_slice %broadcast_in_dim3A {offsets = [0, 128], sizes = [1, 128], strides = [1, 1]} : vector<1x1024xf32> to vector<1x128xf32>
    %mul3A_35 = vector.broadcast %slice3A_34 : vector<1x128xf32> to vector<128x128xf32>
    %mul3A_36 = arith.mulf %convert_element_type3A_14, %mul3A_35 : vector<128x128xf32>
    %dot_general3A_37 = arith.constant dense<0.000000e+00> : vector<128x128xf32>
    %dot_general3A_38 = tpu.matmul %mul3A_36, %broadcast_in_dim3A_16, %dot_general3A_37 {dimension_numbers = #tpu.dot_dimension_numbers<[1], [0], [0], [1], [0, 0, 1, 1], [], []>, transpose_lhs_hint = false} : vector<128x128xf32>, vector<128x128xf32>, vector<128x128xf32> -> vector<128x128xf32>
    %slice3A_39 = vector.extract_strided_slice %add3A {offsets = [128, 0], sizes = [128, 128], strides = [1, 1]} : vector<1024x128xf32> to vector<128x128xf32>
    %add3A_40 = arith.constant 9.99999997E-7 : f32
    %add3A_41 = vector.broadcast %add3A_40 : f32 to vector<128x128xf32>
    %add3A_42 = arith.addf %dot_general3A_38, %add3A_41 : vector<128x128xf32>
    %div3A_43 = arith.divf %slice3A_39, %add3A_42 : vector<128x128xf32>
    %slice3A_44 = vector.extract_strided_slice %broadcast_in_dim3A {offsets = [0, 256], sizes = [1, 128], strides = [1, 1]} : vector<1x1024xf32> to vector<1x128xf32>
    %mul3A_45 = vector.broadcast %slice3A_44 : vector<1x128xf32> to vector<128x128xf32>
    %mul3A_46 = arith.mulf %convert_element_type3A_14, %mul3A_45 : vector<128x128xf32>
    %dot_general3A_47 = arith.constant dense<0.000000e+00> : vector<128x128xf32>
    %dot_general3A_48 = tpu.matmul %mul3A_46, %broadcast_in_dim3A_16, %dot_general3A_47 {dimension_numbers = #tpu.dot_dimension_numbers<[1], [0], [0], [1], [0, 0, 1, 1], [], []>, transpose_lhs_hint = false} : vector<128x128xf32>, vector<128x128xf32>, vector<128x128xf32> -> vector<128x128xf32>
    %slice3A_49 = vector.extract_strided_slice %add3A {offsets = [256, 0], sizes = [128, 128], strides = [1, 1]} : vector<1024x128xf32> to vector<128x128xf32>
    %add3A_50 = arith.constant 9.99999997E-7 : f32
    %add3A_51 = vector.broadcast %add3A_50 : f32 to vector<128x128xf32>
    %add3A_52 = arith.addf %dot_general3A_48, %add3A_51 : vector<128x128xf32>
    %div3A_53 = arith.divf %slice3A_49, %add3A_52 : vector<128x128xf32>
    %slice3A_54 = vector.extract_strided_slice %broadcast_in_dim3A {offsets = [0, 384], sizes = [1, 128], strides = [1, 1]} : vector<1x1024xf32> to vector<1x128xf32>
    %mul3A_55 = vector.broadcast %slice3A_54 : vector<1x128xf32> to vector<128x128xf32>
    %mul3A_56 = arith.mulf %convert_element_type3A_14, %mul3A_55 : vector<128x128xf32>
    %dot_general3A_57 = arith.constant dense<0.000000e+00> : vector<128x128xf32>
    %dot_general3A_58 = tpu.matmul %mul3A_56, %broadcast_in_dim3A_16, %dot_general3A_57 {dimension_numbers = #tpu.dot_dimension_numbers<[1], [0], [0], [1], [0, 0, 1, 1], [], []>, transpose_lhs_hint = false} : vector<128x128xf32>, vector<128x128xf32>, vector<128x128xf32> -> vector<128x128xf32>
    %slice3A_59 = vector.extract_strided_slice %add3A {offsets = [384, 0], sizes = [128, 128], strides = [1, 1]} : vector<1024x128xf32> to vector<128x128xf32>
    %add3A_60 = arith.constant 9.99999997E-7 : f32
    %add3A_61 = vector.broadcast %add3A_60 : f32 to vector<128x128xf32>
    %add3A_62 = arith.addf %dot_general3A_58, %add3A_61 : vector<128x128xf32>
    %div3A_63 = arith.divf %slice3A_59, %add3A_62 : vector<128x128xf32>
    %slice3A_64 = vector.extract_strided_slice %broadcast_in_dim3A {offsets = [0, 512], sizes = [1, 128], strides = [1, 1]} : vector<1x1024xf32> to vector<1x128xf32>
    %mul3A_65 = vector.broadcast %slice3A_64 : vector<1x128xf32> to vector<128x128xf32>
    %mul3A_66 = arith.mulf %convert_element_type3A_14, %mul3A_65 : vector<128x128xf32>
    %dot_general3A_67 = arith.constant dense<0.000000e+00> : vector<128x128xf32>
    %dot_general3A_68 = tpu.matmul %mul3A_66, %broadcast_in_dim3A_16, %dot_general3A_67 {dimension_numbers = #tpu.dot_dimension_numbers<[1], [0], [0], [1], [0, 0, 1, 1], [], []>, transpose_lhs_hint = false} : vector<128x128xf32>, vector<128x128xf32>, vector<128x128xf32> -> vector<128x128xf32>
    %slice3A_69 = vector.extract_strided_slice %add3A {offsets = [512, 0], sizes = [128, 128], strides = [1, 1]} : vector<1024x128xf32> to vector<128x128xf32>
    %add3A_70 = arith.constant 9.99999997E-7 : f32
    %add3A_71 = vector.broadcast %add3A_70 : f32 to vector<128x128xf32>
    %add3A_72 = arith.addf %dot_general3A_68, %add3A_71 : vector<128x128xf32>
    %div3A_73 = arith.divf %slice3A_69, %add3A_72 : vector<128x128xf32>
    %slice3A_74 = vector.extract_strided_slice %broadcast_in_dim3A {offsets = [0, 640], sizes = [1, 128], strides = [1, 1]} : vector<1x1024xf32> to vector<1x128xf32>
    %mul3A_75 = vector.broadcast %slice3A_74 : vector<1x128xf32> to vector<128x128xf32>
    %mul3A_76 = arith.mulf %convert_element_type3A_14, %mul3A_75 : vector<128x128xf32>
    %dot_general3A_77 = arith.constant dense<0.000000e+00> : vector<128x128xf32>
    %dot_general3A_78 = tpu.matmul %mul3A_76, %broadcast_in_dim3A_16, %dot_general3A_77 {dimension_numbers = #tpu.dot_dimension_numbers<[1], [0], [0], [1], [0, 0, 1, 1], [], []>, transpose_lhs_hint = false} : vector<128x128xf32>, vector<128x128xf32>, vector<128x128xf32> -> vector<128x128xf32>
    %slice3A_79 = vector.extract_strided_slice %add3A {offsets = [640, 0], sizes = [128, 128], strides = [1, 1]} : vector<1024x128xf32> to vector<128x128xf32>
    %add3A_80 = arith.constant 9.99999997E-7 : f32
    %add3A_81 = vector.broadcast %add3A_80 : f32 to vector<128x128xf32>
    %add3A_82 = arith.addf %dot_general3A_78, %add3A_81 : vector<128x128xf32>
    %div3A_83 = arith.divf %slice3A_79, %add3A_82 : vector<128x128xf32>
    %slice3A_84 = vector.extract_strided_slice %broadcast_in_dim3A {offsets = [0, 768], sizes = [1, 128], strides = [1, 1]} : vector<1x1024xf32> to vector<1x128xf32>
    %mul3A_85 = vector.broadcast %slice3A_84 : vector<1x128xf32> to vector<128x128xf32>
    %mul3A_86 = arith.mulf %convert_element_type3A_14, %mul3A_85 : vector<128x128xf32>
    %dot_general3A_87 = arith.constant dense<0.000000e+00> : vector<128x128xf32>
    %dot_general3A_88 = tpu.matmul %mul3A_86, %broadcast_in_dim3A_16, %dot_general3A_87 {dimension_numbers = #tpu.dot_dimension_numbers<[1], [0], [0], [1], [0, 0, 1, 1], [], []>, transpose_lhs_hint = false} : vector<128x128xf32>, vector<128x128xf32>, vector<128x128xf32> -> vector<128x128xf32>
    %slice3A_89 = vector.extract_strided_slice %add3A {offsets = [768, 0], sizes = [128, 128], strides = [1, 1]} : vector<1024x128xf32> to vector<128x128xf32>
    %add3A_90 = arith.constant 9.99999997E-7 : f32
    %add3A_91 = vector.broadcast %add3A_90 : f32 to vector<128x128xf32>
    %add3A_92 = arith.addf %dot_general3A_88, %add3A_91 : vector<128x128xf32>
    %div3A_93 = arith.divf %slice3A_89, %add3A_92 : vector<128x128xf32>
    %slice3A_94 = vector.extract_strided_slice %broadcast_in_dim3A {offsets = [0, 896], sizes = [1, 128], strides = [1, 1]} : vector<1x1024xf32> to vector<1x128xf32>
    %mul3A_95 = vector.broadcast %slice3A_94 : vector<1x128xf32> to vector<128x128xf32>
    %mul3A_96 = arith.mulf %convert_element_type3A_14, %mul3A_95 : vector<128x128xf32>
    %dot_general3A_97 = arith.constant dense<0.000000e+00> : vector<128x128xf32>
    %dot_general3A_98 = tpu.matmul %mul3A_96, %broadcast_in_dim3A_16, %dot_general3A_97 {dimension_numbers = #tpu.dot_dimension_numbers<[1], [0], [0], [1], [0, 0, 1, 1], [], []>, transpose_lhs_hint = false} : vector<128x128xf32>, vector<128x128xf32>, vector<128x128xf32> -> vector<128x128xf32>
    %slice3A_99 = vector.extract_strided_slice %add3A {offsets = [896, 0], sizes = [128, 128], strides = [1, 1]} : vector<1024x128xf32> to vector<128x128xf32>
    %add3A_100 = arith.constant 9.99999997E-7 : f32
    %add3A_101 = vector.broadcast %add3A_100 : f32 to vector<128x128xf32>
    %add3A_102 = arith.addf %dot_general3A_98, %add3A_101 : vector<128x128xf32>
    %div3A_103 = arith.divf %slice3A_99, %add3A_102 : vector<128x128xf32>
    %concatenate3A = tpu.concatenate %div3A, %div3A_43, %div3A_53, %div3A_63, %div3A_73, %div3A_83, %div3A_93, %div3A_103 in 0 : vector<128x128xf32>, vector<128x128xf32>, vector<128x128xf32>, vector<128x128xf32>, vector<128x128xf32>, vector<128x128xf32>, vector<128x128xf32>, vector<128x128xf32> -> vector<1024x128xf32>
    %dot_general3A_104 = arith.constant dense<0.000000e+00> : vector<1024x128xf32>
    %dot_general3A_105 = tpu.matmul %concatenate3A, %get3A_11, %dot_general3A_104 {dimension_numbers = #tpu.dot_dimension_numbers<[1], [1], [0], [0], [0, 0, 1, 0], [], []>, transpose_lhs_hint = false} : vector<1024x128xf32>, vector<128x128xf32>, vector<1024x128xf32> -> vector<1024x128xf32>
    %add3A_106 = arith.addf %dot_general3A_5, %dot_general3A_105 : vector<1024x128xf32>
    %get3A_107 = arith.constant 0 : index
    %get3A_108 = arith.constant 0 : index
    %get3A_109 = vector.load %arg6[%get3A_107, %get3A_108] : memref<128x128xf32, #tpu.memory_space<vmem>>, vector<128x128xf32>
    %dot_general3A_110 = arith.constant dense<0.000000e+00> : vector<1024x128xf32>
    %dot_general3A_111 = tpu.matmul %add3A_106, %get3A_109, %dot_general3A_110 {dimension_numbers = #tpu.dot_dimension_numbers<[1], [1], [0], [0], [0, 0, 1, 0], [], []>, transpose_lhs_hint = false} : vector<1024x128xf32>, vector<128x128xf32>, vector<1024x128xf32> -> vector<1024x128xf32>
    %get3A_112 = arith.constant 0 : index
    %get3A_113 = arith.constant 0 : index
    %get3A_114 = vector.load %arg7[%get3A_112, %get3A_113] : memref<1x128xf32, #tpu.memory_space<vmem>>, vector<1x128xf32>
    %add3A_115 = vector.broadcast %get3A_114 : vector<1x128xf32> to vector<1024x128xf32>
    %add3A_116 = arith.addf %dot_general3A_111, %add3A_115 : vector<1024x128xf32>
    %swap3A = arith.constant 0 : index
    %swap3A_117 = arith.constant 0 : index
    %swap3A_118 = vector.load %arg8[%swap3A, %swap3A_117] : memref<1024x128xf32, #tpu.memory_space<vmem>>, vector<1024x128xf32>
    tpu.vector_store %arg8[%swap3A, %swap3A_117], %add3A_116 {strides = array<i32>} : memref<1024x128xf32, #tpu.memory_space<vmem>>, vector<1024x128xf32>,
    return
  }
  func.func @transform_0(%arg0: i32) -> (i32, i32) {
    %c0_i32 = arith.constant 0 : i32
    %c0_i32_0 = arith.constant 0 : i32
    return %arg0, %c0_i32 : i32, i32
  }
  func.func @transform_1(%arg0: i32) -> (i32, i32, i32) {
    %c0_i32 = arith.constant 0 : i32
    %c0_i32_0 = arith.constant 0 : i32
    %c0_i32_1 = arith.constant 0 : i32
    return %c0_i32, %arg0, %c0_i32_0 : i32, i32, i32
  }
  func.func @transform_2(%arg0: i32) -> (i32, i32) {
    %c0_i32 = arith.constant 0 : i32
    %c0_i32_0 = arith.constant 0 : i32
    return %c0_i32, %arg0 : i32, i32
  }
  func.func @transform_3(%arg0: i32) -> (i32, i32) {
    %c0_i32 = arith.constant 0 : i32
    %c0_i32_0 = arith.constant 0 : i32
    %c0_i32_1 = arith.constant 0 : i32
    return %c0_i32, %c0_i32_0 : i32, i32
  }
  func.func @transform_4(%arg0: i32) -> (i32, i32) {
    %c0_i32 = arith.constant 0 : i32
    %c0_i32_0 = arith.constant 0 : i32
    %c0_i32_1 = arith.constant 0 : i32
    return %c0_i32, %c0_i32_0 : i32, i32
  }
  func.func @transform_5(%arg0: i32) -> (i32, i32) {
    %c0_i32 = arith.constant 0 : i32
    %c0_i32_0 = arith.constant 0 : i32
    %c0_i32_1 = arith.constant 0 : i32
    return %c0_i32, %c0_i32_0 : i32, i32
  }
  func.func @transform_6(%arg0: i32) -> (i32, i32) {
    %c0_i32 = arith.constant 0 : i32
    %c0_i32_0 = arith.constant 0 : i32
    %c0_i32_1 = arith.constant 0 : i32
    return %c0_i32, %c0_i32_0 : i32, i32
  }
  func.func @transform_7(%arg0: i32) -> (i32, i32) {
    %c0_i32 = arith.constant 0 : i32
    %c0_i32_0 = arith.constant 0 : i32
    return %arg0, %c0_i32 : i32, i32
  }
}

</mosaic_0001>

<sc_bundles>
// kernel: kernel.12.cloned.1.call-start
scs
__scs_entry_jumppad:
0x0: {  	(pc) =	sbr.rel $0x88, $3  }
0x1: {  	(tag) =	ssettag $0x0;
	lr =	simm.s32 $0x1  }
0x2: {  	[smem:$0x3F95] =	sst lr;
	_ =	strace $0xD0000000  }
0x3: {  	_ = 	snop  }
0x4: {  	_ = 	snop  }
0x5: {  	_ = 	snop  }
0x6: {  	_ = 	snop  }
0x7: {  	_ = 	snop  }
__scs_overlays_trampoline_lowered:
0x8: {  	[smem:$0x3FA4] =	sst s0  }
0x9: {  	[smem:$0x3FA5] =	sst s1  }
0xa: {  	[smem:$0x3FA6] =	sst s2  }
0xb: {  	[smem:$0x3FA7] =	sst s3  }
0xc: {  	[smem:$0x3FA8] =	sst s4  }
0xd: {  	[smem:$0x3FA9] =	sst s5  }
0xe: {  	[smem:$0x3FAA] =	sst s6  }
0xf: {  	[smem:$0x3FAB] =	sst s7  }
0x10: {  	[smem:$0x3FAC] =	sst s8  }
0x11: {  	[smem:$0x3FAD] =	sst s9;
	s0 =	simm.s32 @!p0 $0x0  }
0x12: {  	s1 =	sld [smem:$0x3F93];
	s0 =	simm.s32 @p0 $0x1  }
0x13: {  	[smem:$0x3FAE] =	sst s0;
	s0 =	simm.s32 @!p1 $0x0  }
0x14: {  	s2 =	sld [smem:$0x3F92];
	s0 =	simm.s32 @p1 $0x1  }
0x15: {  	[smem:$0x3FAF] =	sst s0;
	s0 =	simm.s32 @!p2 $0x0  }
0x16: {  	s3 =	sld [smem:$0x3FDB];
	s0 =	simm.s32 @p2 $0x1  }
0x17: {  	s4 =	simm.s32 $0x1BF5;
	[smem:$0x3FB1] =	sst s0  }
0x18: {  	s0 =	sld [smem:$0x3F94];
	_ =	swait.ge [sflag:s4], $0x0  }
0x19: {  	s7 =	sld [smem:$0x3F95]  }
0x1a: {  	s8 =	sadd.s32 $0xFFFFE003, lr  }
0x1b: {  	s9 =	sadd.s32 $0xFFFFFEF7, lr;
	s5 =	simm.s32 $0xFFFFFFFF;
	p2 =	slt.u32 s8, $0xFFFFF086  }
0x1c: {  	p1 =	slt.u32 s9, $0xF7A;
	s5 =	simm.s32 @!p2 $0x0  }
0x1d: {  	s5 =	simm.s32 @p1 $0x1;
	p0 =	seq.s32 s7, s2  }
0x1e: {  	s7 =	smul.u32 @!p0 $0xF7A, s2;
	p2 =	seq.s32 @!p0 s5, $0x0  }
0x1f: {  	s9 =	smul.u32 $0xF7A, s1;
	s8 =	simm.s32 @!p0 $0x1BF5;
	p2 =	por !p2, p0  }
0x20: {  	[sflag:s8] =	ssyncset.s32 @!p0 $0xFFFFF086;
	s6 =	sadd.s32 @!p0 s3, s7;
	s7 =	simm.s32 @!p0 $0x108  }
0x21: {  	s3 =	sadd.s32 s3, s9;
	s6 =	sadd.s32 @!p0 $0x88, s6;
	s7 =	simm.s32 @p2 $0x1082  }
0x22: {  	[simem:s7], [sflag:s8] =	dma.local @!p0 [hbm:s6], $0xF7A  }
0x23: {  	s9 =	sor.u32 $0xD0000000, s2;
	s6 =	simm.s32 $0x108;
	_ =	swait.ge @!p0 [sflag:s8], $0x0  }
0x24: {  	s3 =	sadd.s32 $0x88, s3;
	s6 =	simm.s32 @!p1 $0x1082;
	[sflag:s4] =	ssyncset.s32 $0xFFFFF086  }
0x25: {  	[simem:s6], [sflag:s4] =	dma.local [hbm:s3], $0xF7A  }
0x26: {  	[smem:$0x3F95] =	sst s1;
	(tag) =	ssettag s2;
	_ =	strace s9  }
0x27: {  	s1 =	sld [smem:$0x3FA5]  }
0x28: {  	s2 =	sld [smem:$0x3FA6]  }
0x29: {  	s4 =	sld [smem:$0x3FA8]  }
0x2a: {  	p0 =	seq.s32 s5, $0x0;
	s5 =	sld [smem:$0x3FA9]  }
0x2b: {  	s6 =	sld [smem:$0x3FAA]  }
0x2c: {  	s7 =	sld [smem:$0x3FAB]  }
0x2d: {  	s3 =	simm.s32 $0x108;
	s8 =	sld [smem:$0x3FAC]  }
0x2e: {  	s3 =	simm.s32 @!p0 $0x1082;
	s9 =	sld [smem:$0x3FAD]  }
0x2f: {  	lr =	sadd.s32 s0, s3;
	s0 =	sld [smem:$0x3FA4]  }
0x30: {  	s3 =	sld [smem:$0x3FA7]  }
0x31: {  	[smem:$0x3FB0] =	sst s10  }
0x32: {  	s10 =	sld [smem:$0x3FAE];
	_ =	sdelay $0x3  }
0x33: {  	p0 =	seq.s32 s10, $0x1;
	s10 =	sld [smem:$0x3FB0];
	_ =	sdelay $0x3  }
0x34: {  	[smem:$0x3FB0] =	sst s10  }
0x35: {  	s10 =	sld [smem:$0x3FAF];
	_ =	sdelay $0x3  }
0x36: {  	p1 =	seq.s32 s10, $0x1;
	s10 =	sld [smem:$0x3FB0];
	_ =	sdelay $0x3  }
0x37: {  	[smem:$0x3FB0] =	sst s10  }
0x38: {  	s10 =	sld [smem:$0x3FB1]  }
0x39: {  	_ = 	snop;
	(pc) =	sbr.ind lr, $3  }
0x3a: {  	_ = 	snop  }
0x3b: {  	_ = 	snop  }
0x3c: {  	p2 =	seq.s32 s10, $0x1;
	s10 =	sld [smem:$0x3FB0]  }
0x3d: {  	_ =	shalt  }
0x3e: {  	_ =	shalt  }
0x3f: {  	_ =	shalt  }
0x40: {  	_ =	shalt  }
0x41: {  	_ =	shalt  }
0x42: {  	_ =	shalt  }
0x43: {  	_ =	shalt  }
0x44: {  	_ =	shalt  }
0x45: {  	_ =	shalt  }
0x46: {  	_ =	shalt  }
0x47: {  	_ =	shalt  }
0x48: {  	_ =	shalt  }
0x49: {  	_ =	shalt  }
0x4a: {  	_ =	shalt  }
0x4b: {  	_ =	shalt  }
0x4c: {  	_ =	shalt  }
0x4d: {  	_ =	shalt  }
0x4e: {  	_ =	shalt  }
0x4f: {  	_ =	shalt  }
0x50: {  	_ =	shalt  }
0x51: {  	_ =	shalt  }
0x52: {  	_ =	shalt  }
0x53: {  	_ =	shalt  }
0x54: {  	_ =	shalt  }
0x55: {  	_ =	shalt  }
0x56: {  	_ =	shalt  }
0x57: {  	_ =	shalt  }
0x58: {  	_ =	shalt  }
0x59: {  	_ =	shalt  }
0x5a: {  	_ =	shalt  }
0x5b: {  	_ =	shalt  }
0x5c: {  	_ =	shalt  }
0x5d: {  	_ =	shalt  }
0x5e: {  	_ =	shalt  }
0x5f: {  	_ =	shalt  }
0x60: {  	_ =	shalt  }
0x61: {  	_ =	shalt  }
0x62: {  	_ =	shalt  }
0x63: {  	_ =	shalt  }
0x64: {  	_ =	shalt  }
0x65: {  	_ =	shalt  }
0x66: {  	_ =	shalt  }
0x67: {  	_ =	shalt  }
0x68: {  	_ =	shalt  }
0x69: {  	_ =	shalt  }
0x6a: {  	_ =	shalt  }
0x6b: {  	_ =	shalt  }
0x6c: {  	_ =	shalt  }
0x6d: {  	_ =	shalt  }
0x6e: {  	_ =	shalt  }
0x6f: {  	_ =	shalt  }
0x70: {  	_ =	shalt  }
0x71: {  	_ =	shalt  }
0x72: {  	_ =	shalt  }
0x73: {  	_ =	shalt  }
0x74: {  	_ =	shalt  }
0x75: {  	_ =	shalt  }
0x76: {  	_ =	shalt  }
0x77: {  	_ =	shalt  }
0x78: {  	_ =	shalt  }
0x79: {  	_ =	shalt  }
0x7a: {  	_ =	shalt  }
0x7b: {  	_ =	shalt  }
0x7c: {  	_ =	shalt  }
0x7d: {  	_ =	shalt  }
0x7e: {  	_ =	shalt  }
0x7f: {  	_ =	shalt  }
0x80: {  	_ =	shalt  }
0x81: {  	_ =	shalt  }
0x82: {  	_ =	shalt  }
0x83: {  	_ =	shalt  }
0x84: {  	_ =	shalt  }
0x85: {  	_ =	shalt  }
0x86: {  	_ =	shalt  }
0x87: {  	_ =	shalt  }
.Lfunc_end0:
.L_simem_size_0:
called_computation.1_lowered:
.L_overlay_start_0:
0x88: {  	s2 =	sld [smem:$0x3FD9]  }
0x89: {  	s3 =	sld [smem:$0x3FFE];
	_ =	sdelay $0x1  }
0x8a: {  	s1 =	srdreg.scid  }
0x8b: {  	s0 =	sand.u32 $0x1, s1  }
0x8c: {  	s17 =	sshll.u32 s0, $0xA;
	s2 =	sadd.s32 s3, s2  }
0x8d: {  	s2 =	sadd.s32 s2, s17  }
0x8e: {  	[smem:$0x3FBC] =	sst s2  }
0x8f: {  	_ = 	snop  }
0x90: {  	s2 =	sld [smem:$0x3FD0];
	(tm) =	ssettm $0x1  }
0x91: {  	s18 =	sld [smem:$0x3FFB];
	_ =	sdelay $0x3  }
0x92: {  	_ =	strace s18  }
0x93: {  	s3 =	sld [smem:$0x3FFC];
	_ =	sdelay $0x3  }
0x94: {  	_ =	strace s3  }
0x95: {  	s3 =	sld [smem:$0x3FFD];
	_ =	sdelay $0x3  }
0x96: {  	_ =	strace s3  }
0x97: {  	_ =	strace $0x8FFFFFFF  }
0x98: {  	s19 =	sld [smem:$0x3FDB];
	_ =	sdelay $0x1  }
0x99: {  	s4 =	simm.s32 $_scs_section_size  }
0x9a: {  	s5 =	simm.s32 $_size__tile_overlayer_lowered;
	s6 =	simm.s32 $_tile_overlayer_lowered  }
0x9b: {  	s22 =	simm.s32 $0x1BFF;
	s21 =	sshll.u32 s6, $0x1;
	s3 =	sadd.s32 s4, s19  }
0x9c: {  	s7 =	simm.s32 $0x0;
	s20 =	sshll.u32 s5, $0x1;
	s5 =	sadd.s32 s21, s3  }
0x9d: {  	[timem:s7], [sflag:s22] =	dma.local [hbm:s5], s20  }
0x9e: {  	_ =	swait.ge [sflag:s22], s20  }
0x9f: {  	s4 =	ssub.s32 $0x0, s20;
	[sflag:s22] =	ssyncset.done $0x0  }
0xa0: {  	[sflag:s22] =	ssyncadd.s32 s4;
	_ =	sdelay $0x1  }
0xa1: {  	s23 =	simm.s32 $0x1B8B  }
0xa2: {  	_ =	swait.ge [sflag:s23], $0x1  }
0xa3: {  	[sflag:s23] =	ssyncset.done $0x0  }
0xa4: {  	s25 =	simm.s32 $0x1B8E;
	s24 =	sld [smem:$0x3FFE];
	[sflag:s23] =	ssyncadd.s32 $0xFFFFFFFF  }
0xa5: {  	s26 =	simm.s32 $execute0_lowered;
	[smem:$0x3FD2] =	sst s25  }
0xa6: {  	s5 =	sshll.u32 s26, $0x1;
	_ =	strace $0x80000049;
	[dreg:$0x1] =	wrdreg $0xFFFFFFFF  }
0xa7: {  	s28 =	simm.s32 $_size_execute0_lowered;
	s3 =	sadd.s32 s3, s5;
	[dreg:$0x0] =	wrdreg $0x0  }
0xa8: {  	s5 =	sshll.u32 s28, $0x1;
	[dreg:$0x2] =	wrdreg s3  }
0xa9: {  	[dreg:$0x3] =	wrdreg s5  }
0xaa: {  	[dreg:$0x4] =	wrdreg $0xC0  }
0xab: {  	_ =	task [dreg:s7], $0x5FFFF  }
0xac: {  	[dreg:$0x1] =	wrdreg $0xFFFFFFFF  }
0xad: {  	[dreg:$0x0] =	wrdreg $0x60  }
0xae: {  	[dreg:$0x2] =	wrdreg s24  }
0xaf: {  	[dreg:$0x3] =	wrdreg s2  }
0xb0: {  	[dreg:$0x4] =	wrdreg $0xBB000  }
0xb1: {  	[dreg:$0x5] =	wrdreg $0x9  }
0xb2: {  	_ =	task.clear_ibuf [dreg:s7], $0x6FFFF;
	_ =	strace $0x90000049  }
0xb3: {  	s29 =	simm.s32 $0x9;
	_ =	strace $0x8000004B  }
0xb4: {  	_ =	swait.ge [sflag:s29], $0x1  }
0xb5: {  	[sflag:s29] =	ssyncadd.s32 $0xFFFFFFFF  }
0xb6: {  	_ =	strace $0x9000004B  }
0xb7: {  	_ =	sfence  }
0xb8: {  	s30 =	sld [smem:$0x0];
	_ =	sdelay $0x2  }
0xb9: {  	s31 =	sshll.u32 s1, $0xD;
	s1 =	sshrl.u32 s1, $0x2  }
0xba: {  	s3 =	sand.u32 $0x4000, s31;
	s1 =	sadd.s32 s1, s30  }
0xbb: {  	s0 =	sor.u32 s3, s0;
	s1 =	sshll.u32 s1, $0x11  }
0xbc: {  	s0 =	sor.u32 s1, s0  }
0xbd: {  	s0 =	sadd.s32 $0x8F2B, s0  }
0xbe: {  	[sflag:s0] =	ssyncadd.remote.s32 $0x1  }
0xbf: {  	_ =	sfence.sel $0xFFFF  }
0xc0: {  	[dreg:$0x0] =	wrdreg $0xFFFFFFFF;
	(pc) =	sbr.abs _section_cstart, $3  }
0xc1: {  	[dreg:$0x1] =	wrdreg $0xFFFFFFFF  }
0xc2: {  	_ =	task.clear_ibuf [dreg:s7], $0x2FFFF;
	_ =	strace $0x9FFFFFFF  }
0xc3: {  	(tm) =	ssettm $0x7FFFFFFF  }
tec
execute0_lowered:
.L_overlay_start_1:
0x0: {  	(tag) =	ssettag $0x1  }
0x1: {  	s0 =	rddreg [dreg:$0x0]  }
0x2: {  	s1 =	srdreg.scid;
	s5 =	rddreg [dreg:$0x1]  }
0x3: {  	s10 =	stileid.u32;
	s2 =	rddreg [dreg:$0x2]  }
0x4: {  	s3 =	simm.s32 $0x0;
	s18 =	simm.s32 $0x4F00;
	s20 =	simm.s32 $0x4F80  }
0x5: {  	s22 =	simm.s32 $0x5B00;
	s24 =	simm.s32 $0x5000;
	[smem:$0x7FF] =	sst s3  }
0x6: {  	s1 =	sand.u32 $0x1, s1;
	_ =	strace $0x8000004A;
	[dreg:$0x4] =	wrdreg s18  }
0x7: {  	s6 =	sshll.u32 s10, $0x1;
	s7 =	smul.u32 $0x14000, s10;
	[dreg:$0x5] =	wrdreg s20  }
0x8: {  	s11 =	sshrl.u32 s10, $0x2;
	s10 =	smul.u32 $0x50000, s10;
	[dreg:$0x6] =	wrdreg s22  }
0x9: {  	s26 =	simm.s32 $0x6300;
	s4 =	smul.u32 $0x140000, s1;
	[dreg:$0x7] =	wrdreg s24  }
0xa: {  	s6 =	sor.u32 s1, s6;
	s1 =	ssub.s32 $0x2, s1;
	[dreg:$0x8] =	wrdreg s26  }
0xb: {  	s8 =	smul.u32 $0x4F0, s6;
	s6 =	sshll.u32 s6, $0x7;
	s9 =	sshrl.u32 s1, $0x1  }
0xc: {  	s14 =	sshrl.u32 s10, $0x2;
	s7 =	sadd.s32 s7, s4;
	s4 =	sadd.s32 $0x18000, s0  }
0xd: {  	s6 =	sand.u32 $0x380, s6;
	s1 =	ssub.s32 s1, s9;
	s9 =	simm.s32 $0x6B00  }
0xe: {  	s8 =	sadd.s32 s8, s0;
	s16 =	smax.u32 s1, $0x1;
	[dreg:$0xa] =	wrdreg s9  }
0xf: {  	s7 =	sshrl.u32 s7, $0x3;
	s12 =	sadd.s32 $0x4400, s8;
	[dreg:$0x16] =	wrdreg s16  }
0x10: {  	s0 =	sadd.s32 s7, s0;
	s13 =	sadd.s32 $0xE200, s8;
	[dreg:$0x12] =	wrdreg s12  }
0x11: {  	s7 =	smul.u32 $0x14000, s11;
	s11 =	simm.s32 $0x5100;
	[dreg:$0x13] =	wrdreg s13  }
0x12: {  	s0 =	sadd.s32 $0x40000, s0;
	[dreg:$0xb] =	wrdreg s11;
	s13 =	simm.s32 $0x7300  }
0x13: {  	s6 =	sor.u32 s7, s6;
	s7 =	sadd.s32 s14, s2;
	[dreg:$0x14] =	wrdreg s0  }
0x14: {  	[dreg:$0xc] =	wrdreg s13;
	s17 =	sadd.s32 $0x800, s7  }
0x15: {  	s19 =	sadd.s32 $0x1000, s7;
	[dreg:$0x17] =	wrdreg s17  }
0x16: {  	s21 =	sadd.s32 $0x1800, s7;
	[dreg:$0x18] =	wrdreg s19  }
0x17: {  	s23 =	sadd.s32 $0x2000, s7;
	[dreg:$0x19] =	wrdreg s21  }
0x18: {  	s25 =	sadd.s32 $0x2800, s7;
	[dreg:$0x1a] =	wrdreg s23  }
0x19: {  	s8 =	sadd.s32 $0x3800, s7;
	[dreg:$0x1b] =	wrdreg s25  }
0x1a: {  	s10 =	sadd.s32 $0x4000, s7;
	[dreg:$0x1d] =	wrdreg s8  }
0x1b: {  	s12 =	sadd.s32 $0x4800, s7;
	[dreg:$0x1e] =	wrdreg s10  }
0x1c: {  	s14 =	sadd.s32 $0x5000, s7;
	[dreg:$0x1f] =	wrdreg s12  }
0x1d: {  	s16 =	sadd.s32 $0x5800, s7;
	[smem:$0x7E0] =	sst s14  }
0x1e: {  	s18 =	sadd.s32 $0x6000, s7;
	[smem:$0x7E1] =	sst s16  }
0x1f: {  	s20 =	sadd.s32 $0x6800, s7;
	[smem:$0x7E2] =	sst s18  }
0x20: {  	s22 =	sadd.s32 $0x7000, s7;
	[smem:$0x7E3] =	sst s20  }
0x21: {  	s24 =	sadd.s32 $0x7800, s7;
	[smem:$0x7E4] =	sst s22  }
0x22: {  	s26 =	sadd.s32 $0x8800, s7;
	[smem:$0x7E5] =	sst s24  }
0x23: {  	s1 =	sadd.s32 $0x9000, s7;
	[smem:$0x7E7] =	sst s26  }
0x24: {  	s9 =	sadd.s32 $0xB000, s7;
	[smem:$0x7E8] =	sst s1  }
0x25: {  	s11 =	sadd.s32 $0xC000, s7;
	[smem:$0x7EC] =	sst s9  }
0x26: {  	s6 =	sshrl.u32 s6, $0x3;
	s13 =	sadd.s32 $0xD000, s7;
	[smem:$0x7EE] =	sst s11  }
0x27: {  	s15 =	sadd.s32 s5, s6;
	[smem:$0x7F0] =	sst s13  }
0x28: {  	s5 =	sadd.s32 $0x3000, s7;
	[dreg:$0x15] =	wrdreg s15  }
0x29: {  	s6 =	simm.s32 $0x5080;
	[dreg:$0x1c] =	wrdreg s5  }
0x2a: {  	s17 =	simm.s32 $0x7B00;
	[dreg:$0x9] =	wrdreg s6  }
0x2b: {  	s19 =	simm.s32 $0x5200;
	[dreg:$0xe] =	wrdreg s17  }
0x2c: {  	s21 =	simm.s32 $0x8300;
	[dreg:$0xf] =	wrdreg s19  }
0x2d: {  	s23 =	simm.s32 $0x5280;
	[dreg:$0x10] =	wrdreg s21  }
0x2e: {  	s25 =	sadd.s32 $0x8000, s7;
	[dreg:$0x11] =	wrdreg s23  }
0x2f: {  	s8 =	sadd.s32 $0xA800, s7;
	[smem:$0x7E6] =	sst s25  }
0x30: {  	s10 =	sadd.s32 $0xB800, s7;
	[smem:$0x7EB] =	sst s8  }
0x31: {  	s28 =	simm.s32 $0x8B00;
	s12 =	sadd.s32 $0xC800, s7;
	[smem:$0x7ED] =	sst s10  }
0x32: {  	s29 =	simm.s32 $0x9300;
	s14 =	sadd.s32 $0xD800, s7;
	[smem:$0x7EF] =	sst s12  }
0x33: {  	s30 =	simm.s32 $0x2;
	s16 =	sadd.s32 $0xE800, s7;
	[smem:$0x7F1] =	sst s14  }
0x34: {  	s31 =	simm.s32 $0x3;
	s18 =	sadd.s32 $0xF800, s7;
	[smem:$0x7F3] =	sst s16  }
0x35: {  	s0 =	simm.s32 $0x5;
	s20 =	sadd.s32 $0x10800, s7;
	[smem:$0x7F5] =	sst s18  }
0x36: {  	s22 =	sadd.s32 $0x11800, s7;
	s24 =	sadd.s32 $0x12800, s7;
	[smem:$0x7F7] =	sst s20  }
0x37: {  	s26 =	sadd.s32 $0x13800, s7;
	s1 =	simm.s32 $0x4;
	[smem:$0x7F9] =	sst s22  }
0x38: {  	s9 =	simm.s32 $0x9;
	s11 =	simm.s32 $0xB;
	[smem:$0x7FB] =	sst s24  }
0x39: {  	s13 =	simm.s32 $0xD;
	s15 =	simm.s32 $0x5180;
	[smem:$0x7FD] =	sst s26  }
0x3a: {  	s5 =	sadd.s32 $0x9800, s7;
	s6 =	sadd.s32 $0xA000, s7;
	[dreg:$0xd] =	wrdreg s15  }
0x3b: {  	s17 =	sadd.s32 $0xF000, s7;
	s19 =	sadd.s32 $0x10000, s7;
	[smem:$0x7E9] =	sst s5  }
0x3c: {  	s21 =	sadd.s32 $0x11000, s7;
	s23 =	sadd.s32 $0x12000, s7;
	[smem:$0x7EA] =	sst s6  }
0x3d: {  	s25 =	sadd.s32 $0x13000, s7;
	s24 =	simm.s32 $0x1;
	[smem:$0x7F4] =	sst s17  }
0x3e: {  	s26 =	simm.s32 $0x10;
	s8 =	simm.s32 $0x8;
	[smem:$0x7F6] =	sst s19  }
0x3f: {  	s10 =	simm.s32 $0xA;
	s12 =	simm.s32 $0xC;
	[smem:$0x7F8] =	sst s21  }
0x40: {  	s14 =	simm.s32 $0xE;
	s16 =	simm.s32 $0x12;
	[smem:$0x7FA] =	sst s23  }
0x41: {  	s15 =	sadd.s32 $0xE000, s7;
	[smem:$0x7FC] =	sst s25;
	s23 =	simm.s32 $0x5300  }
0x42: {  	s25 =	simm.s32 $0x11;
	s5 =	simm.s32 $0x6;
	s6 =	simm.s32 $0x7  }
0x43: {  	v0 =	vimm.f32 $0.0e+00;
	v1 =	vimm.f32 $1.000000000e+00;
	s17 =	simm.s32 $0x0;
	[smem:$0x7F2] =	sst s15;
	s15 =	simm.s32 $0xF  }
.LBB2_1:
0x44: {  	s18 =	rddreg [dreg:$0x12]  }
0x45: {  	[tilespmem:s3], [sflag:$0x11] =	stream.linear.gather [hbm4b:s18+s3], $0x2780, $0x38;
	[tilespmem:$0x1FB00] =	vst v63  }
0x46: {  	s20 =	rddreg [dreg:$0x13];
	s19 =	simm.s32 $0x2780;
	s21 =	sand.u32 $0x1E00, s3  }
0x47: {  	[tilespmem:s19], [sflag:$0x11] =	stream.linear.gather [hbm4b:s20+s3], $0x2780, $0x38;
	[tilespmem:$0x1FB00] =	vst v63  }
0x48: {  	s22 =	sand.u32 $0x70, s3;
	s20 =	sshrl.u32 s21, $0x2  }
0x49: {  	s18 =	simm.s32 $0x40;
	s19 =	simm.s32 $0x0;
	s20 =	sor.u32 s22, s20  }
.LBB2_2:
0x4a: {  	p0 =	sne.s32 s18, $0x1FC0  }
0x4b: {  	[tilespmem:s20+$0x5300] =	vst v0;
	s19 =	sadd.s32 $0x10, s19;
	s20 =	smov.u32 s18;
	s18 =	sadd.s32 $0x40, s18  }
.Ltmp0:
0x4c: {  	(pc) =	sbr.rel @p0 .LBB2_2-.Ltmp0, $4  }
0x4d: {  	_ = 	snop  }
0x4e: {  	s20 =	sand.u32 $0x1E00, s20  }
0x4f: {  	s21 =	sand.u32 $0x70, s19;
	s20 =	sshrl.u32 s20, $0x2  }
0x50: {  	s20 =	sor.u32 s21, s20  }
0x51: {  	[tilespmem:s20+$0x5300] =	vst v0;
	s18 =	rddreg [dreg:$0x17]  }
0x52: {  	[spmem:s7] =	stream.linear.scatter [tilespmem:s23], [sflag:$0x1], $0x800, $0x38;
	[tilespmem:$0x1FB00] =	vst v63  }
0x53: {  	s21 =	rddreg [dreg:$0x18]  }
0x54: {  	[spmem:s18] =	stream.linear.scatter [tilespmem:s23], [sflag:$0x1], $0x800, $0x38;
	[tilespmem:$0x1FB00] =	vst v63  }
0x55: {  	s22 =	rddreg [dreg:$0x19]  }
0x56: {  	[spmem:s21] =	stream.linear.scatter [tilespmem:s23], [sflag:$0x1], $0x800, $0x38;
	[tilespmem:$0x1FB00] =	vst v63  }
0x57: {  	s19 =	rddreg [dreg:$0x1a]  }
0x58: {  	[spmem:s22] =	stream.linear.scatter [tilespmem:s23], [sflag:$0x1], $0x800, $0x38;
	[tilespmem:$0x1FB00] =	vst v63  }
0x59: {  	s20 =	rddreg [dreg:$0x1b]  }
0x5a: {  	[spmem:s19] =	stream.linear.scatter [tilespmem:s23], [sflag:$0x1], $0x800, $0x38;
	[tilespmem:$0x1FB00] =	vst v63  }
0x5b: {  	s21 =	rddreg [dreg:$0x1c]  }
0x5c: {  	[spmem:s20] =	stream.linear.scatter [tilespmem:s23], [sflag:$0x1], $0x800, $0x38;
	[tilespmem:$0x1FB00] =	vst v63  }
0x5d: {  	s22 =	rddreg [dreg:$0x1d]  }
0x5e: {  	[spmem:s21] =	stream.linear.scatter [tilespmem:s23], [sflag:$0x1], $0x800, $0x38;
	[tilespmem:$0x1FB00] =	vst v63  }
0x5f: {  	s19 =	rddreg [dreg:$0x1e]  }
0x60: {  	[spmem:s22] =	stream.linear.scatter [tilespmem:s23], [sflag:$0x1], $0x800, $0x38;
	[tilespmem:$0x1FB00] =	vst v63  }
0x61: {  	s20 =	rddreg [dreg:$0x1f]  }
0x62: {  	[spmem:s19] =	stream.linear.scatter [tilespmem:s23], [sflag:$0x1], $0x800, $0x38;
	[tilespmem:$0x1FB00] =	vst v63  }
0x63: {  	s21 =	sld [smem:$0x7E0]  }
0x64: {  	[spmem:s20] =	stream.linear.scatter [tilespmem:s23], [sflag:$0x1], $0x800, $0x38;
	[tilespmem:$0x1FB00] =	vst v63  }
0x65: {  	s22 =	sld [smem:$0x7E1]  }
0x66: {  	[spmem:s21] =	stream.linear.scatter [tilespmem:s23], [sflag:$0x1], $0x800, $0x38;
	[tilespmem:$0x1FB00] =	vst v63  }
0x67: {  	s19 =	sld [smem:$0x7E2]  }
0x68: {  	[spmem:s22] =	stream.linear.scatter [tilespmem:s23], [sflag:$0x1], $0x800, $0x38;
	[tilespmem:$0x1FB00] =	vst v63  }
0x69: {  	s20 =	sld [smem:$0x7E3]  }
0x6a: {  	[spmem:s19] =	stream.linear.scatter [tilespmem:s23], [sflag:$0x1], $0x800, $0x38;
	[tilespmem:$0x1FB00] =	vst v63  }
0x6b: {  	s21 =	sld [smem:$0x7E4]  }
0x6c: {  	[spmem:s20] =	stream.linear.scatter [tilespmem:s23], [sflag:$0x1], $0x800, $0x38;
	[tilespmem:$0x1FB00] =	vst v63  }
0x6d: {  	s22 =	sld [smem:$0x7E5]  }
0x6e: {  	[spmem:s21] =	stream.linear.scatter [tilespmem:s23], [sflag:$0x1], $0x800, $0x38;
	[tilespmem:$0x1FB00] =	vst v63  }
0x6f: {  	s19 =	sld [smem:$0x7E6]  }
0x70: {  	[spmem:s22] =	stream.linear.scatter [tilespmem:s23], [sflag:$0x1], $0x800, $0x38;
	[tilespmem:$0x1FB00] =	vst v63  }
0x71: {  	s20 =	sld [smem:$0x7E7]  }
0x72: {  	[spmem:s19] =	stream.linear.scatter [tilespmem:s23], [sflag:$0x1], $0x800, $0x38;
	[tilespmem:$0x1FB00] =	vst v63  }
0x73: {  	s21 =	sld [smem:$0x7E8]  }
0x74: {  	[spmem:s20] =	stream.linear.scatter [tilespmem:s23], [sflag:$0x1], $0x800, $0x38;
	[tilespmem:$0x1FB00] =	vst v63  }
0x75: {  	s22 =	sld [smem:$0x7E9]  }
0x76: {  	[spmem:s21] =	stream.linear.scatter [tilespmem:s23], [sflag:$0x1], $0x800, $0x38;
	[tilespmem:$0x1FB00] =	vst v63  }
0x77: {  	s19 =	sld [smem:$0x7EA]  }
0x78: {  	[spmem:s22] =	stream.linear.scatter [tilespmem:s23], [sflag:$0x1], $0x800, $0x38;
	[tilespmem:$0x1FB00] =	vst v63  }
0x79: {  	s20 =	sld [smem:$0x7EB]  }
0x7a: {  	[spmem:s19] =	stream.linear.scatter [tilespmem:s23], [sflag:$0x1], $0x800, $0x38;
	[tilespmem:$0x1FB00] =	vst v63  }
0x7b: {  	s21 =	sld [smem:$0x7EC]  }
0x7c: {  	[spmem:s20] =	stream.linear.scatter [tilespmem:s23], [sflag:$0x1], $0x800, $0x38;
	[tilespmem:$0x1FB00] =	vst v63  }
0x7d: {  	s22 =	sld [smem:$0x7ED]  }
0x7e: {  	[spmem:s21] =	stream.linear.scatter [tilespmem:s23], [sflag:$0x1], $0x800, $0x38;
	[tilespmem:$0x1FB00] =	vst v63  }
0x7f: {  	s19 =	sld [smem:$0x7EE]  }
0x80: {  	[spmem:s22] =	stream.linear.scatter [tilespmem:s23], [sflag:$0x1], $0x800, $0x38;
	[tilespmem:$0x1FB00] =	vst v63  }
0x81: {  	s20 =	sld [smem:$0x7EF]  }
0x82: {  	[spmem:s19] =	stream.linear.scatter [tilespmem:s23], [sflag:$0x1], $0x800, $0x38;
	[tilespmem:$0x1FB00] =	vst v63  }
0x83: {  	s21 =	sld [smem:$0x7F0]  }
0x84: {  	[spmem:s20] =	stream.linear.scatter [tilespmem:s23], [sflag:$0x1], $0x800, $0x38;
	[tilespmem:$0x1FB00] =	vst v63  }
0x85: {  	s22 =	sld [smem:$0x7F1]  }
0x86: {  	[spmem:s21] =	stream.linear.scatter [tilespmem:s23], [sflag:$0x1], $0x800, $0x38;
	[tilespmem:$0x1FB00] =	vst v63  }
0x87: {  	s19 =	sld [smem:$0x7F2]  }
0x88: {  	[spmem:s22] =	stream.linear.scatter [tilespmem:s23], [sflag:$0x1], $0x800, $0x38;
	[tilespmem:$0x1FB00] =	vst v63  }
0x89: {  	s20 =	sld [smem:$0x7F3]  }
0x8a: {  	[spmem:s19] =	stream.linear.scatter [tilespmem:s23], [sflag:$0x1], $0x800, $0x38;
	[tilespmem:$0x1FB00] =	vst v63  }
0x8b: {  	s21 =	sld [smem:$0x7F4]  }
0x8c: {  	[spmem:s20] =	stream.linear.scatter [tilespmem:s23], [sflag:$0x1], $0x800, $0x38;
	[tilespmem:$0x1FB00] =	vst v63  }
0x8d: {  	s22 =	sld [smem:$0x7F5]  }
0x8e: {  	[spmem:s21] =	stream.linear.scatter [tilespmem:s23], [sflag:$0x1], $0x800, $0x38;
	[tilespmem:$0x1FB00] =	vst v63  }
0x8f: {  	s19 =	sld [smem:$0x7F6]  }
0x90: {  	[spmem:s22] =	stream.linear.scatter [tilespmem:s23], [sflag:$0x1], $0x800, $0x38;
	[tilespmem:$0x1FB00] =	vst v63  }
0x91: {  	s20 =	sld [smem:$0x7F7]  }
0x92: {  	[spmem:s19] =	stream.linear.scatter [tilespmem:s23], [sflag:$0x1], $0x800, $0x38;
	[tilespmem:$0x1FB00] =	vst v63  }
0x93: {  	s21 =	sld [smem:$0x7F8]  }
0x94: {  	[spmem:s20] =	stream.linear.scatter [tilespmem:s23], [sflag:$0x1], $0x800, $0x38;
	[tilespmem:$0x1FB00] =	vst v63  }
0x95: {  	s22 =	sld [smem:$0x7F9]  }
0x96: {  	[spmem:s21] =	stream.linear.scatter [tilespmem:s23], [sflag:$0x1], $0x800, $0x38;
	[tilespmem:$0x1FB00] =	vst v63  }
0x97: {  	s19 =	sld [smem:$0x7FA]  }
0x98: {  	[spmem:s22] =	stream.linear.scatter [tilespmem:s23], [sflag:$0x1], $0x800, $0x38;
	[tilespmem:$0x1FB00] =	vst v63  }
0x99: {  	s20 =	sld [smem:$0x7FB]  }
0x9a: {  	[spmem:s19] =	stream.linear.scatter [tilespmem:s23], [sflag:$0x1], $0x800, $0x38;
	[tilespmem:$0x1FB00] =	vst v63  }
0x9b: {  	s21 =	sld [smem:$0x7FC]  }
0x9c: {  	[spmem:s20] =	stream.linear.scatter [tilespmem:s23], [sflag:$0x1], $0x800, $0x38;
	[tilespmem:$0x1FB00] =	vst v63  }
0x9d: {  	s22 =	sld [smem:$0x7FD]  }
0x9e: {  	[spmem:s21] =	stream.linear.scatter [tilespmem:s23], [sflag:$0x1], $0x800, $0x38;
	[tilespmem:$0x1FB00] =	vst v63  }
0x9f: {  	s18 =	simm.s32 $0x0  }
0xa0: {  	[spmem:s22] =	stream.linear.scatter [tilespmem:s23], [sflag:$0x1], $0x800, $0x38;
	[tilespmem:$0x1FB00] =	vst v63  }
.LBB2_4:
0xa1: {  	p0 =	sne.s32 s18, $0x9FC0  }
.Ltmp1:
0xa2: {  	_ = 	snop;
	(pc) =	sbr.rel @p0 .LBB2_4-.Ltmp1, $3  }
0xa3: {  	_ =	sdelay $0x1  }
0xa4: {  	s19 =	sshra.s32 s18, $0x2  }
0xa5: {  	s18 =	sadd.s32 $0x40, s18;
	[tilespmem:s19+$0x9300] =	vst v0  }
0xa6: {  	_ =	swait.ge [sflag:s24], $0x800  }
0xa7: {  	s18 =	simm.s32 $0x27;
	[sflag:s24] =	ssyncset.done $0x0  }
.LBB2_6:
0xa8: {  	p0 =	sne.s32 s18, $0x1;
	s18 =	sadd.s32 $0xFFFFFFFF, s18;
	[sflag:s24] =	ssyncadd.s32 $0xFFFFF800  }
.Ltmp2:
0xa9: {  	(pc) =	sbr.rel @p0 .LBB2_6-.Ltmp2, $3  }
0xaa: {  	_ =	sdelay $0x1  }
0xab: {  	_ =	swait.ge [sflag:s24], $0x800  }
0xac: {  	[sflag:s24] =	ssyncset.done $0x0  }
0xad: {  	[sflag:s24] =	ssyncadd.s32 $0xFFFFF800  }
0xae: {  	_ =	swait.ge [sflag:s25], $0x2780  }
0xaf: {  	[sflag:s25] =	ssyncset.done $0x0  }
0xb0: {  	[sflag:s25] =	ssyncadd.s32 $0xFFFFD880  }
0xb1: {  	_ =	swait.ge [sflag:s25], $0x2780  }
0xb2: {  	[sflag:s25] =	ssyncset.done $0x0  }
0xb3: {  	[sflag:s25] =	ssyncadd.s32 $0xFFFFD880  }
0xb4: {  	s18 =	simm.s32 $0x0;
	[bflag:$0x0] =	sbarrier.arrive $0xFFFF  }
.LBB2_8:
0xb5: {  	p0 =	seq.s32 s18, $0x0  }
0xb6: {  	s19 =	simm.s32 @p0 $0x10;
	s20 =	simm.s32 @p0 $0x0;
	s21 =	simm.s32 @p0 $0x5300  }
0xb7: {  	[tilespmem:s21], [sflag:$0x1] =	stream.indirect.gather @p0 [hbm4b:s4+s19], $0x80, s20, s19, $0xb8;
	[tilespmem:$0x1FB00] =	vst v63  }
0xb8: {  	s20 =	simm.s32 @p0 $0x5B00  }
0xb9: {  	[tilespmem:s20], [sflag:$0x2] =	stream.indirect.gather @p0 [hbm4b:s4+s19], $0x80, s19, s19, $0xb8;
	[tilespmem:$0x1FB00] =	vst v63  }
0xba: {  	s21 =	simm.s32 @p0 $0x6300;
	s20 =	simm.s32 @p0 $0x20  }
0xbb: {  	[tilespmem:s21], [sflag:$0x3] =	stream.indirect.gather @p0 [hbm4b:s4+s19], $0x80, s20, s19, $0xb8;
	[tilespmem:$0x1FB00] =	vst v63  }
0xbc: {  	s20 =	simm.s32 @p0 $0x30;
	s21 =	simm.s32 @p0 $0x6B00  }
0xbd: {  	[tilespmem:s21], [sflag:$0x4] =	stream.indirect.gather @p0 [hbm4b:s4+s19], $0x80, s20, s19, $0xb8;
	[tilespmem:$0x1FB00] =	vst v63  }
0xbe: {  	s20 =	simm.s32 @p0 $0x40;
	s21 =	simm.s32 @p0 $0x7300  }
0xbf: {  	[tilespmem:s21], [sflag:$0x5] =	stream.indirect.gather @p0 [hbm4b:s4+s19], $0x80, s20, s19, $0xb8;
	[tilespmem:$0x1FB00] =	vst v63  }
0xc0: {  	s20 =	simm.s32 @p0 $0x50;
	s21 =	simm.s32 @p0 $0x7B00  }
0xc1: {  	[tilespmem:s21], [sflag:$0x6] =	stream.indirect.gather @p0 [hbm4b:s4+s19], $0x80, s20, s19, $0xb8;
	[tilespmem:$0x1FB00] =	vst v63  }
0xc2: {  	s20 =	simm.s32 @p0 $0x60;
	s21 =	simm.s32 @p0 $0x8300  }
0xc3: {  	[tilespmem:s21], [sflag:$0x7] =	stream.indirect.gather @p0 [hbm4b:s4+s19], $0x80, s20, s19, $0xb8;
	[tilespmem:$0x1FB00] =	vst v63  }
0xc4: {  	s19 =	simm.s32 @!p0 $0x9  }
0xc5: {  	_ =	swait.ge @!p0 [sflag:s19], $0x800  }
0xc6: {  	s20 =	simm.s32 @!p0 $0x10;
	[sflag:s19] =	ssyncset.done @!p0 $0x0  }
0xc7: {  	s21 =	simm.s32 @!p0 $0x5300;
	[sflag:s19] =	ssyncadd.s32 @!p0 $0xFFFFF800;
	s19 =	sshra.s32 @!p0 s18, $0x2  }
0xc8: {  	[tilespmem:s21], [sflag:$0x1] =	stream.indirect.gather @!p0 [hbm4b:s4+s20], $0x80, s19, s20, $0xb8;
	[tilespmem:$0x1FB00] =	vst v63  }
0xc9: {  	s21 =	simm.s32 @!p0 $0xA  }
0xca: {  	_ =	swait.ge @!p0 [sflag:s21], $0x800  }
0xcb: {  	[sflag:s21] =	ssyncset.done @!p0 $0x0  }
0xcc: {  	s22 =	simm.s32 @!p0 $0x5B00;
	[sflag:s21] =	ssyncadd.s32 @!p0 $0xFFFFF800;
	s21 =	sadd.s32 @!p0 $0x10, s19  }
0xcd: {  	[tilespmem:s22], [sflag:$0x2] =	stream.indirect.gather @!p0 [hbm4b:s4+s20], $0x80, s21, s20, $0xb8;
	[tilespmem:$0x1FB00] =	vst v63  }
0xce: {  	s21 =	simm.s32 @!p0 $0xB  }
0xcf: {  	_ =	swait.ge @!p0 [sflag:s21], $0x800  }
0xd0: {  	[sflag:s21] =	ssyncset.done @!p0 $0x0  }
0xd1: {  	s22 =	simm.s32 @!p0 $0x6300;
	[sflag:s21] =	ssyncadd.s32 @!p0 $0xFFFFF800;
	s21 =	sadd.s32 @!p0 $0x20, s19  }
0xd2: {  	[tilespmem:s22], [sflag:$0x3] =	stream.indirect.gather @!p0 [hbm4b:s4+s20], $0x80, s21, s20, $0xb8;
	[tilespmem:$0x1FB00] =	vst v63  }
0xd3: {  	s21 =	simm.s32 @!p0 $0xC  }
0xd4: {  	_ =	swait.ge @!p0 [sflag:s21], $0x800  }
0xd5: {  	[sflag:s21] =	ssyncset.done @!p0 $0x0  }
0xd6: {  	s22 =	simm.s32 @!p0 $0x6B00;
	[sflag:s21] =	ssyncadd.s32 @!p0 $0xFFFFF800;
	s21 =	sadd.s32 @!p0 $0x30, s19  }
0xd7: {  	[tilespmem:s22], [sflag:$0x4] =	stream.indirect.gather @!p0 [hbm4b:s4+s20], $0x80, s21, s20, $0xb8;
	[tilespmem:$0x1FB00] =	vst v63  }
0xd8: {  	s21 =	simm.s32 @!p0 $0xD  }
0xd9: {  	_ =	swait.ge @!p0 [sflag:s21], $0x800  }
0xda: {  	[sflag:s21] =	ssyncset.done @!p0 $0x0  }
0xdb: {  	s22 =	simm.s32 @!p0 $0x7300;
	[sflag:s21] =	ssyncadd.s32 @!p0 $0xFFFFF800;
	s21 =	sadd.s32 @!p0 $0x40, s19  }
0xdc: {  	[tilespmem:s22], [sflag:$0x5] =	stream.indirect.gather @!p0 [hbm4b:s4+s20], $0x80, s21, s20, $0xb8;
	[tilespmem:$0x1FB00] =	vst v63  }
0xdd: {  	s21 =	simm.s32 @!p0 $0xE  }
0xde: {  	_ =	swait.ge @!p0 [sflag:s21], $0x800  }
0xdf: {  	[sflag:s21] =	ssyncset.done @!p0 $0x0  }
0xe0: {  	s22 =	simm.s32 @!p0 $0x7B00;
	[sflag:s21] =	ssyncadd.s32 @!p0 $0xFFFFF800;
	s21 =	sadd.s32 @!p0 $0x50, s19  }
0xe1: {  	[tilespmem:s22], [sflag:$0x6] =	stream.indirect.gather @!p0 [hbm4b:s4+s20], $0x80, s21, s20, $0xb8;
	[tilespmem:$0x1FB00] =	vst v63  }
0xe2: {  	s21 =	simm.s32 @!p0 $0xF  }
0xe3: {  	_ =	swait.ge @!p0 [sflag:s21], $0x800  }
0xe4: {  	[sflag:s21] =	ssyncset.done @!p0 $0x0  }
0xe5: {  	s22 =	simm.s32 @!p0 $0x8300;
	[sflag:s21] =	ssyncadd.s32 @!p0 $0xFFFFF800;
	s21 =	sadd.s32 @!p0 $0x60, s19  }
0xe6: {  	[tilespmem:s22], [sflag:$0x7] =	stream.indirect.gather @!p0 [hbm4b:s4+s20], $0x80, s21, s20, $0xb8;
	[tilespmem:$0x1FB00] =	vst v63  }
0xe7: {  	_ =	swait.ge @!p0 [sflag:s20], $0x800  }
0xe8: {  	s19 =	simm.s32 @p0 $0x0;
	[sflag:s20] =	ssyncset.done @!p0 $0x0  }
0xe9: {  	s19 =	sadd.s32 $0x70, s19;
	[sflag:s20] =	ssyncadd.s32 @!p0 $0xFFFFF800  }
0xea: {  	[tilespmem:s28], [sflag:$0x8] =	stream.indirect.gather [hbm4b:s4+s26], $0x80, s19, s26, $0xb8;
	[tilespmem:$0x1FB00] =	vst v63  }
0xeb: {  	s19 =	smov.u32 s18;
	_ =	swait.ge [sflag:s24], $0x800  }
0xec: {  	s19 =	simm.s32 @p0 $0x0;
	[sflag:s24] =	ssyncset.done $0x0  }
0xed: {  	s19 =	sshra.s32 s19, $0x2;
	[sflag:s24] =	ssyncadd.s32 $0xFFFFF800  }
0xee: {  	v2 =	vld [tilespmem:s19+$0x2780];
	_ =	sdelay $0x4  }
0xef: {  	s22 =	rddreg [dreg:$0x4];
	[tilespmem:$0x4F00] =	vst v2  }
0xf0: {  	[spmem:s2] =	stream.indirect.scatter.add.f32 [tilespmem:s23], [sflag:$0x9], $0x80, s22, s26, $0xb8;
	[tilespmem:$0x1FB00] =	vst v63  }
0xf1: {  	v2 =	vld [tilespmem:s19+$0x2780];
	_ =	sdelay $0x7  }
0xf2: {  	[tilespmem:v2+s29+$0x0] =	vst.idx.add.f32.msk $0xffff, v1  }
0xf3: {  	_ =	swait.ge [sflag:s30], $0x800  }
0xf4: {  	[sflag:s30] =	ssyncset.done $0x0  }
0xf5: {  	[sflag:s30] =	ssyncadd.s32 $0xFFFFF800  }
0xf6: {  	v2 =	vld [tilespmem:s19+$0x2790];
	_ =	sdelay $0x3  }
0xf7: {  	s21 =	rddreg [dreg:$0x5]  }
0xf8: {  	s22 =	rddreg [dreg:$0x6];
	[tilespmem:$0x4F80] =	vst v2  }
0xf9: {  	[spmem:s2] =	stream.indirect.scatter.add.f32 [tilespmem:s22], [sflag:$0xA], $0x80, s21, s26, $0xb8;
	[tilespmem:$0x1FB00] =	vst v63  }
0xfa: {  	v2 =	vld [tilespmem:s19+$0x2790];
	_ =	sdelay $0x7  }
0xfb: {  	[tilespmem:v2+s29+$0x0] =	vst.idx.add.f32.msk $0xffff, v1  }
0xfc: {  	_ =	swait.ge [sflag:s31], $0x800  }
0xfd: {  	[sflag:s31] =	ssyncset.done $0x0  }
0xfe: {  	[sflag:s31] =	ssyncadd.s32 $0xFFFFF800  }
0xff: {  	v2 =	vld [tilespmem:s19+$0x27A0];
	_ =	sdelay $0x3  }
0x100: {  	s21 =	rddreg [dreg:$0x7]  }
0x101: {  	s22 =	rddreg [dreg:$0x8];
	[tilespmem:$0x5000] =	vst v2  }
0x102: {  	[spmem:s2] =	stream.indirect.scatter.add.f32 [tilespmem:s22], [sflag:$0xB], $0x80, s21, s26, $0xb8;
	[tilespmem:$0x1FB00] =	vst v63  }
0x103: {  	v2 =	vld [tilespmem:s19+$0x27A0];
	_ =	sdelay $0x7  }
0x104: {  	[tilespmem:v2+s29+$0x0] =	vst.idx.add.f32.msk $0xffff, v1  }
0x105: {  	_ =	swait.ge [sflag:s1], $0x800  }
0x106: {  	[sflag:s1] =	ssyncset.done $0x0  }
0x107: {  	[sflag:s1] =	ssyncadd.s32 $0xFFFFF800  }
0x108: {  	v2 =	vld [tilespmem:s19+$0x27B0];
	_ =	sdelay $0x3  }
0x109: {  	s21 =	rddreg [dreg:$0x9]  }
0x10a: {  	s22 =	rddreg [dreg:$0xa];
	[tilespmem:$0x5080] =	vst v2  }
0x10b: {  	[spmem:s2] =	stream.indirect.scatter.add.f32 [tilespmem:s22], [sflag:$0xC], $0x80, s21, s26, $0xb8;
	[tilespmem:$0x1FB00] =	vst v63  }
0x10c: {  	v2 =	vld [tilespmem:s19+$0x27B0];
	_ =	sdelay $0x7  }
0x10d: {  	[tilespmem:v2+s29+$0x0] =	vst.idx.add.f32.msk $0xffff, v1  }
0x10e: {  	_ =	swait.ge [sflag:s0], $0x800  }
0x10f: {  	[sflag:s0] =	ssyncset.done $0x0  }
0x110: {  	[sflag:s0] =	ssyncadd.s32 $0xFFFFF800  }
0x111: {  	v2 =	vld [tilespmem:s19+$0x27C0];
	_ =	sdelay $0x3  }
0x112: {  	s21 =	rddreg [dreg:$0xb]  }
0x113: {  	s22 =	rddreg [dreg:$0xc];
	[tilespmem:$0x5100] =	vst v2  }
0x114: {  	[spmem:s2] =	stream.indirect.scatter.add.f32 [tilespmem:s22], [sflag:$0xD], $0x80, s21, s26, $0xb8;
	[tilespmem:$0x1FB00] =	vst v63  }
0x115: {  	v2 =	vld [tilespmem:s19+$0x27C0];
	_ =	sdelay $0x7  }
0x116: {  	[tilespmem:v2+s29+$0x0] =	vst.idx.add.f32.msk $0xffff, v1  }
0x117: {  	_ =	swait.ge [sflag:s5], $0x800  }
0x118: {  	[sflag:s5] =	ssyncset.done $0x0  }
0x119: {  	[sflag:s5] =	ssyncadd.s32 $0xFFFFF800  }
0x11a: {  	v2 =	vld [tilespmem:s19+$0x27D0];
	_ =	sdelay $0x3  }
0x11b: {  	s21 =	rddreg [dreg:$0xd]  }
0x11c: {  	s22 =	rddreg [dreg:$0xe];
	[tilespmem:$0x5180] =	vst v2  }
0x11d: {  	[spmem:s2] =	stream.indirect.scatter.add.f32 [tilespmem:s22], [sflag:$0xE], $0x80, s21, s26, $0xb8;
	[tilespmem:$0x1FB00] =	vst v63  }
0x11e: {  	v2 =	vld [tilespmem:s19+$0x27D0];
	_ =	sdelay $0x7  }
0x11f: {  	[tilespmem:v2+s29+$0x0] =	vst.idx.add.f32.msk $0xffff, v1  }
0x120: {  	_ =	swait.ge [sflag:s6], $0x800  }
0x121: {  	[sflag:s6] =	ssyncset.done $0x0  }
0x122: {  	[sflag:s6] =	ssyncadd.s32 $0xFFFFF800  }
0x123: {  	v2 =	vld [tilespmem:s19+$0x27E0];
	_ =	sdelay $0x3  }
0x124: {  	s21 =	rddreg [dreg:$0xf]  }
0x125: {  	s22 =	rddreg [dreg:$0x10];
	[tilespmem:$0x5200] =	vst v2  }
0x126: {  	[spmem:s2] =	stream.indirect.scatter.add.f32 [tilespmem:s22], [sflag:$0xF], $0x80, s21, s26, $0xb8;
	[tilespmem:$0x1FB00] =	vst v63  }
0x127: {  	v2 =	vld [tilespmem:s19+$0x27E0];
	_ =	sdelay $0x7  }
0x128: {  	[tilespmem:v2+s29+$0x0] =	vst.idx.add.f32.msk $0xffff, v1  }
0x129: {  	_ =	swait.ge [sflag:s8], $0x800  }
0x12a: {  	[sflag:s8] =	ssyncset.done $0x0  }
0x12b: {  	[sflag:s8] =	ssyncadd.s32 $0xFFFFF800  }
0x12c: {  	v2 =	vld [tilespmem:s19+$0x27F0];
	_ =	sdelay $0x4  }
0x12d: {  	s22 =	rddreg [dreg:$0x11];
	[tilespmem:$0x5280] =	vst v2  }
0x12e: {  	[spmem:s2] =	stream.indirect.scatter.add.f32 [tilespmem:s28], [sflag:$0x10], $0x80, s22, s26, $0xb8;
	[tilespmem:$0x1FB00] =	vst v63  }
0x12f: {  	v2 =	vld [tilespmem:s19+$0x27F0];
	_ =	sdelay $0x1  }
0x130: {  	s18 =	sadd.s32 $0x200, s18  }
0x131: {  	p0 =	sne.s32 s18, $0x9E00  }
.Ltmp3:
0x132: {  	_ = 	snop;
	(pc) =	sbr.rel @p0 .LBB2_8-.Ltmp3, $2  }
0x133: {  	_ =	sdelay $0x2  }
0x134: {  	[tilespmem:v2+s29+$0x0] =	vst.idx.add.f32.msk $0xffff, v1  }
0x135: {  	_ =	swait.ge [sflag:s9], $0x800  }
0x136: {  	[sflag:s9] =	ssyncset.done $0x0  }
0x137: {  	[sflag:s9] =	ssyncadd.s32 $0xFFFFF800  }
0x138: {  	_ =	swait.ge [sflag:s10], $0x800  }
0x139: {  	[sflag:s10] =	ssyncset.done $0x0  }
0x13a: {  	[sflag:s10] =	ssyncadd.s32 $0xFFFFF800  }
0x13b: {  	_ =	swait.ge [sflag:s11], $0x800  }
0x13c: {  	[sflag:s11] =	ssyncset.done $0x0  }
0x13d: {  	[sflag:s11] =	ssyncadd.s32 $0xFFFFF800  }
0x13e: {  	_ =	swait.ge [sflag:s12], $0x800  }
0x13f: {  	[sflag:s12] =	ssyncset.done $0x0  }
0x140: {  	[sflag:s12] =	ssyncadd.s32 $0xFFFFF800  }
0x141: {  	_ =	swait.ge [sflag:s13], $0x800  }
0x142: {  	[sflag:s13] =	ssyncset.done $0x0  }
0x143: {  	[sflag:s13] =	ssyncadd.s32 $0xFFFFF800  }
0x144: {  	_ =	swait.ge [sflag:s14], $0x800  }
0x145: {  	[sflag:s14] =	ssyncset.done $0x0  }
0x146: {  	[sflag:s14] =	ssyncadd.s32 $0xFFFFF800  }
0x147: {  	_ =	swait.ge [sflag:s15], $0x800  }
0x148: {  	[sflag:s15] =	ssyncset.done $0x0  }
0x149: {  	[sflag:s15] =	ssyncadd.s32 $0xFFFFF800  }
0x14a: {  	_ =	swait.ge [sflag:s26], $0x800  }
0x14b: {  	[sflag:s26] =	ssyncset.done $0x0  }
0x14c: {  	s18 =	stileid.u32;
	[sflag:s26] =	ssyncadd.s32 $0xFFFFF800  }
0x14d: {  	s18 =	sshll.u32 s18, $0x6;
	[bflag:$0x0] =	sbarrier.arrive $0xFFFF  }
0x14e: {  	s19 =	sshrl.u32 s7, $0x3;
	s18 =	sor.u32 $0x1C12, s18;
	s20 =	rddreg [dreg:$0x14]  }
0x14f: {  	[hbm:s20], [sflag:s18] =	dma.local [spmem:s19], $0x2800  }
0x150: {  	_ =	swait.ge [sflag:s16], $0x2800  }
0x151: {  	s21 =	simm.s32 $0x400;
	[sflag:s16] =	ssyncset.done $0x0  }
0x152: {  	s20 =	simm.s32 $0x80;
	s19 =	rddreg [dreg:$0x15];
	[sflag:s16] =	ssyncadd.s32 $0xFFFFD800  }
0x153: {  	[hbm4b:s19+s20] =	stream.strided.scatter [tilespmem:s29], [sflag:$0x12], $0x2800, s21, s20, $0x38;
	[tilespmem:$0x1FB00] =	vst v63  }
0x154: {  	_ =	swait.ge [sflag:s16], $0x2800  }
0x155: {  	s17 =	sadd.s32 $0x1, s17;
	s22 =	rddreg [dreg:$0x16]  }
0x156: {  	p0 =	sne.s32 s17, s22  }
.Ltmp4:
0x157: {  	_ = 	snop;
	(pc) =	sbr.rel @p0 .LBB2_1-.Ltmp4, $3  }
0x158: {  	_ =	sdelay $0x1  }
0x159: {  	[sflag:s16] =	ssyncset.done $0x0  }
0x15a: {  	[sflag:s16] =	ssyncadd.s32 $0xFFFFD800  }
0x15b: {  	_ =	sfence.sel $0x180000  }
0x15c: {  	[bflag:$0x0] =	sbarrier.arrive $0xFFFF  }
0x15d: {  	_ =	strace $0x9000004A  }
0x15e: {  	s0 =	stileid.u32;
	[bflag:$0x2] =	sbarrier.arrive $0xFFFF  }
0x15f: {  	p0 =	sne.s32 s0, $0x0;
	s0 =	rddreg [dreg:$0x3]  }
0x160: {  	s0 =	sadd.s32 @!p0 $0x100000, s0  }
0x161: {  	[sflag:s0] =	ssyncadd.tile.s32 @!p0 $0x1;
	_ =	shalt  }
.Lfunc_end2:
_tile_overlayer_lowered:
.L_overlay_start_2:
0x162: {  	(tag) =	ssettag $0x2  }
0x163: {  	s0 =	rddreg [dreg:$0x0];
	s2 =	stileid.u32  }
0x164: {  	s1 =	rddreg [dreg:$0x1];
	p0 =	sne.s32 s2, $0x0  }
0x165: {  	s3 =	rddreg [dreg:$0x2];
	[bflag:$0x3] =	sbarrier.arrive $0xFFFF;
	s2 =	simm.s32 @!p0 $0x1C12  }
0x166: {  	[timem:s3], [sflag:s2] =	dma.local @!p0 [hbm:s0], s1  }
0x167: {  	s0 =	simm.s32 @!p0 $0x12  }
0x168: {  	_ =	swait.ge @!p0 [sflag:s0], s1  }
0x169: {  	s1 =	ssub.s32 @!p0 $0x0, s1;
	[sflag:s0] =	ssyncset.done @!p0 $0x0  }
0x16a: {  	[sflag:s0] =	ssyncadd.s32 @!p0 s1  }
0x16b: {  	[bflag:$0x3] =	sbarrier.arrive $0xFFFF  }
0x16c: {  	_ =	shalt  }

// kernel: kernel.15.cloned.1.call-start
scs
__scs_entry_jumppad:
0x0: {  	(pc) =	sbr.rel $0x88, $3  }
0x1: {  	(tag) =	ssettag $0x0;
	lr =	simm.s32 $0x1  }
0x2: {  	[smem:$0x3F95] =	sst lr;
	_ =	strace $0xD0000000  }
0x3: {  	_ = 	snop  }
0x4: {  	_ = 	snop  }
0x5: {  	_ = 	snop  }
0x6: {  	_ = 	snop  }
0x7: {  	_ = 	snop  }
__scs_overlays_trampoline_lowered:
0x8: {  	[smem:$0x3FA4] =	sst s0  }
0x9: {  	[smem:$0x3FA5] =	sst s1  }
0xa: {  	[smem:$0x3FA6] =	sst s2  }
0xb: {  	[smem:$0x3FA7] =	sst s3  }
0xc: {  	[smem:$0x3FA8] =	sst s4  }
0xd: {  	[smem:$0x3FA9] =	sst s5  }
0xe: {  	[smem:$0x3FAA] =	sst s6  }
0xf: {  	[smem:$0x3FAB] =	sst s7  }
0x10: {  	[smem:$0x3FAC] =	sst s8  }
0x11: {  	[smem:$0x3FAD] =	sst s9;
	s0 =	simm.s32 @!p0 $0x0  }
0x12: {  	s1 =	sld [smem:$0x3F93];
	s0 =	simm.s32 @p0 $0x1  }
0x13: {  	[smem:$0x3FAE] =	sst s0;
	s0 =	simm.s32 @!p1 $0x0  }
0x14: {  	s2 =	sld [smem:$0x3F92];
	s0 =	simm.s32 @p1 $0x1  }
0x15: {  	[smem:$0x3FAF] =	sst s0;
	s0 =	simm.s32 @!p2 $0x0  }
0x16: {  	s3 =	sld [smem:$0x3FDB];
	s0 =	simm.s32 @p2 $0x1  }
0x17: {  	s4 =	simm.s32 $0x1BF5;
	[smem:$0x3FB1] =	sst s0  }
0x18: {  	s0 =	sld [smem:$0x3F94];
	_ =	swait.ge [sflag:s4], $0x0  }
0x19: {  	s7 =	sld [smem:$0x3F95]  }
0x1a: {  	s8 =	sadd.s32 $0xFFFFE003, lr  }
0x1b: {  	s9 =	sadd.s32 $0xFFFFFEF7, lr;
	s5 =	simm.s32 $0xFFFFFFFF;
	p2 =	slt.u32 s8, $0xFFFFF086  }
0x1c: {  	p1 =	slt.u32 s9, $0xF7A;
	s5 =	simm.s32 @!p2 $0x0  }
0x1d: {  	s5 =	simm.s32 @p1 $0x1;
	p0 =	seq.s32 s7, s2  }
0x1e: {  	s7 =	smul.u32 @!p0 $0xF7A, s2;
	p2 =	seq.s32 @!p0 s5, $0x0  }
0x1f: {  	s9 =	smul.u32 $0xF7A, s1;
	s8 =	simm.s32 @!p0 $0x1BF5;
	p2 =	por !p2, p0  }
0x20: {  	[sflag:s8] =	ssyncset.s32 @!p0 $0xFFFFF086;
	s6 =	sadd.s32 @!p0 s3, s7;
	s7 =	simm.s32 @!p0 $0x108  }
0x21: {  	s3 =	sadd.s32 s3, s9;
	s6 =	sadd.s32 @!p0 $0x88, s6;
	s7 =	simm.s32 @p2 $0x1082  }
0x22: {  	[simem:s7], [sflag:s8] =	dma.local @!p0 [hbm:s6], $0xF7A  }
0x23: {  	s9 =	sor.u32 $0xD0000000, s2;
	s6 =	simm.s32 $0x108;
	_ =	swait.ge @!p0 [sflag:s8], $0x0  }
0x24: {  	s3 =	sadd.s32 $0x88, s3;
	s6 =	simm.s32 @!p1 $0x1082;
	[sflag:s4] =	ssyncset.s32 $0xFFFFF086  }
0x25: {  	[simem:s6], [sflag:s4] =	dma.local [hbm:s3], $0xF7A  }
0x26: {  	[smem:$0x3F95] =	sst s1;
	(tag) =	ssettag s2;
	_ =	strace s9  }
0x27: {  	s1 =	sld [smem:$0x3FA5]  }
0x28: {  	s2 =	sld [smem:$0x3FA6]  }
0x29: {  	s4 =	sld [smem:$0x3FA8]  }
0x2a: {  	p0 =	seq.s32 s5, $0x0;
	s5 =	sld [smem:$0x3FA9]  }
0x2b: {  	s6 =	sld [smem:$0x3FAA]  }
0x2c: {  	s7 =	sld [smem:$0x3FAB]  }
0x2d: {  	s3 =	simm.s32 $0x108;
	s8 =	sld [smem:$0x3FAC]  }
0x2e: {  	s3 =	simm.s32 @!p0 $0x1082;
	s9 =	sld [smem:$0x3FAD]  }
0x2f: {  	lr =	sadd.s32 s0, s3;
	s0 =	sld [smem:$0x3FA4]  }
0x30: {  	s3 =	sld [smem:$0x3FA7]  }
0x31: {  	[smem:$0x3FB0] =	sst s10  }
0x32: {  	s10 =	sld [smem:$0x3FAE];
	_ =	sdelay $0x3  }
0x33: {  	p0 =	seq.s32 s10, $0x1;
	s10 =	sld [smem:$0x3FB0];
	_ =	sdelay $0x3  }
0x34: {  	[smem:$0x3FB0] =	sst s10  }
0x35: {  	s10 =	sld [smem:$0x3FAF];
	_ =	sdelay $0x3  }
0x36: {  	p1 =	seq.s32 s10, $0x1;
	s10 =	sld [smem:$0x3FB0];
	_ =	sdelay $0x3  }
0x37: {  	[smem:$0x3FB0] =	sst s10  }
0x38: {  	s10 =	sld [smem:$0x3FB1]  }
0x39: {  	_ = 	snop;
	(pc) =	sbr.ind lr, $3  }
0x3a: {  	_ = 	snop  }
0x3b: {  	_ = 	snop  }
0x3c: {  	p2 =	seq.s32 s10, $0x1;
	s10 =	sld [smem:$0x3FB0]  }
0x3d: {  	_ =	shalt  }
0x3e: {  	_ =	shalt  }
0x3f: {  	_ =	shalt  }
0x40: {  	_ =	shalt  }
0x41: {  	_ =	shalt  }
0x42: {  	_ =	shalt  }
0x43: {  	_ =	shalt  }
0x44: {  	_ =	shalt  }
0x45: {  	_ =	shalt  }
0x46: {  	_ =	shalt  }
0x47: {  	_ =	shalt  }
0x48: {  	_ =	shalt  }
0x49: {  	_ =	shalt  }
0x4a: {  	_ =	shalt  }
0x4b: {  	_ =	shalt  }
0x4c: {  	_ =	shalt  }
0x4d: {  	_ =	shalt  }
0x4e: {  	_ =	shalt  }
0x4f: {  	_ =	shalt  }
0x50: {  	_ =	shalt  }
0x51: {  	_ =	shalt  }
0x52: {  	_ =	shalt  }
0x53: {  	_ =	shalt  }
0x54: {  	_ =	shalt  }
0x55: {  	_ =	shalt  }
0x56: {  	_ =	shalt  }
0x57: {  	_ =	shalt  }
0x58: {  	_ =	shalt  }
0x59: {  	_ =	shalt  }
0x5a: {  	_ =	shalt  }
0x5b: {  	_ =	shalt  }
0x5c: {  	_ =	shalt  }
0x5d: {  	_ =	shalt  }
0x5e: {  	_ =	shalt  }
0x5f: {  	_ =	shalt  }
0x60: {  	_ =	shalt  }
0x61: {  	_ =	shalt  }
0x62: {  	_ =	shalt  }
0x63: {  	_ =	shalt  }
0x64: {  	_ =	shalt  }
0x65: {  	_ =	shalt  }
0x66: {  	_ =	shalt  }
0x67: {  	_ =	shalt  }
0x68: {  	_ =	shalt  }
0x69: {  	_ =	shalt  }
0x6a: {  	_ =	shalt  }
0x6b: {  	_ =	shalt  }
0x6c: {  	_ =	shalt  }
0x6d: {  	_ =	shalt  }
0x6e: {  	_ =	shalt  }
0x6f: {  	_ =	shalt  }
0x70: {  	_ =	shalt  }
0x71: {  	_ =	shalt  }
0x72: {  	_ =	shalt  }
0x73: {  	_ =	shalt  }
0x74: {  	_ =	shalt  }
0x75: {  	_ =	shalt  }
0x76: {  	_ =	shalt  }
0x77: {  	_ =	shalt  }
0x78: {  	_ =	shalt  }
0x79: {  	_ =	shalt  }
0x7a: {  	_ =	shalt  }
0x7b: {  	_ =	shalt  }
0x7c: {  	_ =	shalt  }
0x7d: {  	_ =	shalt  }
0x7e: {  	_ =	shalt  }
0x7f: {  	_ =	shalt  }
0x80: {  	_ =	shalt  }
0x81: {  	_ =	shalt  }
0x82: {  	_ =	shalt  }
0x83: {  	_ =	shalt  }
0x84: {  	_ =	shalt  }
0x85: {  	_ =	shalt  }
0x86: {  	_ =	shalt  }
0x87: {  	_ =	shalt  }
.Lfunc_end0:
.L_simem_size_0:
called_computation.2_lowered:
.L_overlay_start_0:
0x88: {  	s2 =	sld [smem:$0x3FD9]  }
0x89: {  	s3 =	sld [smem:$0x3FFE];
	_ =	sdelay $0x1  }
0x8a: {  	s1 =	srdreg.scid  }
0x8b: {  	s0 =	sand.u32 $0x1, s1  }
0x8c: {  	s17 =	sshll.u32 s0, $0xA;
	s2 =	sadd.s32 s3, s2  }
0x8d: {  	s2 =	sadd.s32 s2, s17  }
0x8e: {  	[smem:$0x3FBC] =	sst s2  }
0x8f: {  	_ = 	snop  }
0x90: {  	s2 =	sld [smem:$0x3FD0];
	(tm) =	ssettm $0x1  }
0x91: {  	s18 =	sld [smem:$0x3FFB];
	_ =	sdelay $0x3  }
0x92: {  	_ =	strace s18  }
0x93: {  	s3 =	sld [smem:$0x3FFC];
	_ =	sdelay $0x3  }
0x94: {  	_ =	strace s3  }
0x95: {  	s3 =	sld [smem:$0x3FFD];
	_ =	sdelay $0x3  }
0x96: {  	_ =	strace s3  }
0x97: {  	_ =	strace $0x8FFFFFFF  }
0x98: {  	s19 =	sld [smem:$0x3FDB];
	_ =	sdelay $0x1  }
0x99: {  	s4 =	simm.s32 $_scs_section_size  }
0x9a: {  	s5 =	simm.s32 $_size__tile_overlayer_lowered;
	s6 =	simm.s32 $_tile_overlayer_lowered  }
0x9b: {  	s22 =	simm.s32 $0x1BFF;
	s21 =	sshll.u32 s6, $0x1;
	s3 =	sadd.s32 s4, s19  }
0x9c: {  	s7 =	simm.s32 $0x0;
	s20 =	sshll.u32 s5, $0x1;
	s5 =	sadd.s32 s21, s3  }
0x9d: {  	[timem:s7], [sflag:s22] =	dma.local [hbm:s5], s20  }
0x9e: {  	_ =	swait.ge [sflag:s22], s20  }
0x9f: {  	s4 =	ssub.s32 $0x0, s20;
	[sflag:s22] =	ssyncset.done $0x0  }
0xa0: {  	[sflag:s22] =	ssyncadd.s32 s4;
	_ =	sdelay $0x1  }
0xa1: {  	s23 =	simm.s32 $0x1B8B  }
0xa2: {  	_ =	swait.ge [sflag:s23], $0x1  }
0xa3: {  	[sflag:s23] =	ssyncset.done $0x0  }
0xa4: {  	s25 =	simm.s32 $0x1B8E;
	s24 =	sld [smem:$0x3FFE];
	[sflag:s23] =	ssyncadd.s32 $0xFFFFFFFF  }
0xa5: {  	s26 =	simm.s32 $execute0_lowered;
	[smem:$0x3FD2] =	sst s25  }
0xa6: {  	s5 =	sshll.u32 s26, $0x1;
	_ =	strace $0x8000004C;
	[dreg:$0x1] =	wrdreg $0xFFFFFFFF  }
0xa7: {  	s28 =	simm.s32 $_size_execute0_lowered;
	s3 =	sadd.s32 s3, s5;
	[dreg:$0x0] =	wrdreg $0x0  }
0xa8: {  	s5 =	sshll.u32 s28, $0x1;
	[dreg:$0x2] =	wrdreg s3  }
0xa9: {  	[dreg:$0x3] =	wrdreg s5  }
0xaa: {  	[dreg:$0x4] =	wrdreg $0xC0  }
0xab: {  	_ =	task [dreg:s7], $0x5FFFF  }
0xac: {  	[dreg:$0x1] =	wrdreg $0xFFFFFFFF  }
0xad: {  	[dreg:$0x0] =	wrdreg $0x60  }
0xae: {  	[dreg:$0x2] =	wrdreg s24  }
0xaf: {  	[dreg:$0x3] =	wrdreg s2  }
0xb0: {  	[dreg:$0x4] =	wrdreg $0xBB000  }
0xb1: {  	[dreg:$0x5] =	wrdreg $0x9  }
0xb2: {  	_ =	task.clear_ibuf [dreg:s7], $0x6FFFF;
	_ =	strace $0x9000004C  }
0xb3: {  	s29 =	simm.s32 $0x9;
	_ =	strace $0x8000004E  }
0xb4: {  	_ =	swait.ge [sflag:s29], $0x1  }
0xb5: {  	[sflag:s29] =	ssyncadd.s32 $0xFFFFFFFF  }
0xb6: {  	_ =	strace $0x9000004E  }
0xb7: {  	_ =	sfence  }
0xb8: {  	s30 =	sld [smem:$0x0];
	_ =	sdelay $0x2  }
0xb9: {  	s31 =	sshll.u32 s1, $0xD;
	s1 =	sshrl.u32 s1, $0x2  }
0xba: {  	s3 =	sand.u32 $0x4000, s31;
	s1 =	sadd.s32 s1, s30  }
0xbb: {  	s0 =	sor.u32 s3, s0;
	s1 =	sshll.u32 s1, $0x11  }
0xbc: {  	s0 =	sor.u32 s1, s0  }
0xbd: {  	s0 =	sadd.s32 $0x8F2B, s0  }
0xbe: {  	[sflag:s0] =	ssyncadd.remote.s32 $0x1  }
0xbf: {  	_ =	sfence.sel $0xFFFF  }
0xc0: {  	[dreg:$0x0] =	wrdreg $0xFFFFFFFF;
	(pc) =	sbr.abs _section_cstart, $3  }
0xc1: {  	[dreg:$0x1] =	wrdreg $0xFFFFFFFF  }
0xc2: {  	_ =	task.clear_ibuf [dreg:s7], $0x2FFFF;
	_ =	strace $0x9FFFFFFF  }
0xc3: {  	(tm) =	ssettm $0x7FFFFFFF  }
tec
execute0_lowered:
.L_overlay_start_1:
0x0: {  	(tag) =	ssettag $0x1  }
0x1: {  	s0 =	rddreg [dreg:$0x0]  }
0x2: {  	s1 =	srdreg.scid;
	s5 =	rddreg [dreg:$0x1]  }
0x3: {  	s10 =	stileid.u32;
	s2 =	rddreg [dreg:$0x2]  }
0x4: {  	s3 =	simm.s32 $0x0;
	s18 =	simm.s32 $0x4F00;
	s20 =	simm.s32 $0x4F80  }
0x5: {  	s22 =	simm.s32 $0x5B00;
	s24 =	simm.s32 $0x5000;
	[smem:$0x7FF] =	sst s3  }
0x6: {  	s1 =	sand.u32 $0x1, s1;
	_ =	strace $0x8000004D;
	[dreg:$0x4] =	wrdreg s18  }
0x7: {  	s6 =	sshll.u32 s10, $0x1;
	s7 =	smul.u32 $0x14000, s10;
	[dreg:$0x5] =	wrdreg s20  }
0x8: {  	s11 =	sshrl.u32 s10, $0x2;
	s10 =	smul.u32 $0x50000, s10;
	[dreg:$0x6] =	wrdreg s22  }
0x9: {  	s26 =	simm.s32 $0x6300;
	s4 =	smul.u32 $0x140000, s1;
	[dreg:$0x7] =	wrdreg s24  }
0xa: {  	s6 =	sor.u32 s1, s6;
	s1 =	ssub.s32 $0x2, s1;
	[dreg:$0x8] =	wrdreg s26  }
0xb: {  	s8 =	smul.u32 $0x4F0, s6;
	s6 =	sshll.u32 s6, $0x7;
	s9 =	sshrl.u32 s1, $0x1  }
0xc: {  	s14 =	sshrl.u32 s10, $0x2;
	s7 =	sadd.s32 s7, s4;
	s4 =	sadd.s32 $0x18000, s0  }
0xd: {  	s6 =	sand.u32 $0x380, s6;
	s1 =	ssub.s32 s1, s9;
	s9 =	simm.s32 $0x6B00  }
0xe: {  	s8 =	sadd.s32 s8, s0;
	s16 =	smax.u32 s1, $0x1;
	[dreg:$0xa] =	wrdreg s9  }
0xf: {  	s7 =	sshrl.u32 s7, $0x3;
	s12 =	sadd.s32 $0x4400, s8;
	[dreg:$0x16] =	wrdreg s16  }
0x10: {  	s0 =	sadd.s32 s7, s0;
	s13 =	sadd.s32 $0xE200, s8;
	[dreg:$0x12] =	wrdreg s12  }
0x11: {  	s7 =	smul.u32 $0x14000, s11;
	s11 =	simm.s32 $0x5100;
	[dreg:$0x13] =	wrdreg s13  }
0x12: {  	s0 =	sadd.s32 $0x40000, s0;
	[dreg:$0xb] =	wrdreg s11;
	s13 =	simm.s32 $0x7300  }
0x13: {  	s6 =	sor.u32 s7, s6;
	s7 =	sadd.s32 s14, s2;
	[dreg:$0x14] =	wrdreg s0  }
0x14: {  	[dreg:$0xc] =	wrdreg s13;
	s17 =	sadd.s32 $0x800, s7  }
0x15: {  	s19 =	sadd.s32 $0x1000, s7;
	[dreg:$0x17] =	wrdreg s17  }
0x16: {  	s21 =	sadd.s32 $0x1800, s7;
	[dreg:$0x18] =	wrdreg s19  }
0x17: {  	s23 =	sadd.s32 $0x2000, s7;
	[dreg:$0x19] =	wrdreg s21  }
0x18: {  	s25 =	sadd.s32 $0x2800, s7;
	[dreg:$0x1a] =	wrdreg s23  }
0x19: {  	s8 =	sadd.s32 $0x3800, s7;
	[dreg:$0x1b] =	wrdreg s25  }
0x1a: {  	s10 =	sadd.s32 $0x4000, s7;
	[dreg:$0x1d] =	wrdreg s8  }
0x1b: {  	s12 =	sadd.s32 $0x4800, s7;
	[dreg:$0x1e] =	wrdreg s10  }
0x1c: {  	s14 =	sadd.s32 $0x5000, s7;
	[dreg:$0x1f] =	wrdreg s12  }
0x1d: {  	s16 =	sadd.s32 $0x5800, s7;
	[smem:$0x7E0] =	sst s14  }
0x1e: {  	s18 =	sadd.s32 $0x6000, s7;
	[smem:$0x7E1] =	sst s16  }
0x1f: {  	s20 =	sadd.s32 $0x6800, s7;
	[smem:$0x7E2] =	sst s18  }
0x20: {  	s22 =	sadd.s32 $0x7000, s7;
	[smem:$0x7E3] =	sst s20  }
0x21: {  	s24 =	sadd.s32 $0x7800, s7;
	[smem:$0x7E4] =	sst s22  }
0x22: {  	s26 =	sadd.s32 $0x8800, s7;
	[smem:$0x7E5] =	sst s24  }
0x23: {  	s1 =	sadd.s32 $0x9000, s7;
	[smem:$0x7E7] =	sst s26  }
0x24: {  	s9 =	sadd.s32 $0xB000, s7;
	[smem:$0x7E8] =	sst s1  }
0x25: {  	s11 =	sadd.s32 $0xC000, s7;
	[smem:$0x7EC] =	sst s9  }
0x26: {  	s6 =	sshrl.u32 s6, $0x3;
	s13 =	sadd.s32 $0xD000, s7;
	[smem:$0x7EE] =	sst s11  }
0x27: {  	s15 =	sadd.s32 s5, s6;
	[smem:$0x7F0] =	sst s13  }
0x28: {  	s5 =	sadd.s32 $0x3000, s7;
	[dreg:$0x15] =	wrdreg s15  }
0x29: {  	s6 =	simm.s32 $0x5080;
	[dreg:$0x1c] =	wrdreg s5  }
0x2a: {  	s17 =	simm.s32 $0x7B00;
	[dreg:$0x9] =	wrdreg s6  }
0x2b: {  	s19 =	simm.s32 $0x5200;
	[dreg:$0xe] =	wrdreg s17  }
0x2c: {  	s21 =	simm.s32 $0x8300;
	[dreg:$0xf] =	wrdreg s19  }
0x2d: {  	s23 =	simm.s32 $0x5280;
	[dreg:$0x10] =	wrdreg s21  }
0x2e: {  	s25 =	sadd.s32 $0x8000, s7;
	[dreg:$0x11] =	wrdreg s23  }
0x2f: {  	s8 =	sadd.s32 $0xA800, s7;
	[smem:$0x7E6] =	sst s25  }
0x30: {  	s10 =	sadd.s32 $0xB800, s7;
	[smem:$0x7EB] =	sst s8  }
0x31: {  	s28 =	simm.s32 $0x8B00;
	s12 =	sadd.s32 $0xC800, s7;
	[smem:$0x7ED] =	sst s10  }
0x32: {  	s29 =	simm.s32 $0x9300;
	s14 =	sadd.s32 $0xD800, s7;
	[smem:$0x7EF] =	sst s12  }
0x33: {  	s30 =	simm.s32 $0x2;
	s16 =	sadd.s32 $0xE800, s7;
	[smem:$0x7F1] =	sst s14  }
0x34: {  	s31 =	simm.s32 $0x3;
	s18 =	sadd.s32 $0xF800, s7;
	[smem:$0x7F3] =	sst s16  }
0x35: {  	s0 =	simm.s32 $0x5;
	s20 =	sadd.s32 $0x10800, s7;
	[smem:$0x7F5] =	sst s18  }
0x36: {  	s22 =	sadd.s32 $0x11800, s7;
	s24 =	sadd.s32 $0x12800, s7;
	[smem:$0x7F7] =	sst s20  }
0x37: {  	s26 =	sadd.s32 $0x13800, s7;
	s1 =	simm.s32 $0x4;
	[smem:$0x7F9] =	sst s22  }
0x38: {  	s9 =	simm.s32 $0x9;
	s11 =	simm.s32 $0xB;
	[smem:$0x7FB] =	sst s24  }
0x39: {  	s13 =	simm.s32 $0xD;
	s15 =	simm.s32 $0x5180;
	[smem:$0x7FD] =	sst s26  }
0x3a: {  	s5 =	sadd.s32 $0x9800, s7;
	s6 =	sadd.s32 $0xA000, s7;
	[dreg:$0xd] =	wrdreg s15  }
0x3b: {  	s17 =	sadd.s32 $0xF000, s7;
	s19 =	sadd.s32 $0x10000, s7;
	[smem:$0x7E9] =	sst s5  }
0x3c: {  	s21 =	sadd.s32 $0x11000, s7;
	s23 =	sadd.s32 $0x12000, s7;
	[smem:$0x7EA] =	sst s6  }
0x3d: {  	s25 =	sadd.s32 $0x13000, s7;
	s24 =	simm.s32 $0x1;
	[smem:$0x7F4] =	sst s17  }
0x3e: {  	s26 =	simm.s32 $0x10;
	s8 =	simm.s32 $0x8;
	[smem:$0x7F6] =	sst s19  }
0x3f: {  	s10 =	simm.s32 $0xA;
	s12 =	simm.s32 $0xC;
	[smem:$0x7F8] =	sst s21  }
0x40: {  	s14 =	simm.s32 $0xE;
	s16 =	simm.s32 $0x12;
	[smem:$0x7FA] =	sst s23  }
0x41: {  	s15 =	sadd.s32 $0xE000, s7;
	[smem:$0x7FC] =	sst s25;
	s23 =	simm.s32 $0x5300  }
0x42: {  	s25 =	simm.s32 $0x11;
	s5 =	simm.s32 $0x6;
	s6 =	simm.s32 $0x7  }
0x43: {  	v0 =	vimm.f32 $0.0e+00;
	v1 =	vimm.f32 $1.000000000e+00;
	s17 =	simm.s32 $0x0;
	[smem:$0x7F2] =	sst s15;
	s15 =	simm.s32 $0xF  }
.LBB2_1:
0x44: {  	s18 =	rddreg [dreg:$0x12]  }
0x45: {  	[tilespmem:s3], [sflag:$0x11] =	stream.linear.gather [hbm4b:s18+s3], $0x2780, $0x38;
	[tilespmem:$0x1FB00] =	vst v63  }
0x46: {  	s20 =	rddreg [dreg:$0x13];
	s19 =	simm.s32 $0x2780;
	s21 =	sand.u32 $0x1E00, s3  }
0x47: {  	[tilespmem:s19], [sflag:$0x11] =	stream.linear.gather [hbm4b:s20+s3], $0x2780, $0x38;
	[tilespmem:$0x1FB00] =	vst v63  }
0x48: {  	s22 =	sand.u32 $0x70, s3;
	s20 =	sshrl.u32 s21, $0x2  }
0x49: {  	s18 =	simm.s32 $0x40;
	s19 =	simm.s32 $0x0;
	s20 =	sor.u32 s22, s20  }
.LBB2_2:
0x4a: {  	p0 =	sne.s32 s18, $0x1FC0  }
0x4b: {  	[tilespmem:s20+$0x5300] =	vst v0;
	s19 =	sadd.s32 $0x10, s19;
	s20 =	smov.u32 s18;
	s18 =	sadd.s32 $0x40, s18  }
.Ltmp0:
0x4c: {  	(pc) =	sbr.rel @p0 .LBB2_2-.Ltmp0, $4  }
0x4d: {  	_ = 	snop  }
0x4e: {  	s20 =	sand.u32 $0x1E00, s20  }
0x4f: {  	s21 =	sand.u32 $0x70, s19;
	s20 =	sshrl.u32 s20, $0x2  }
0x50: {  	s20 =	sor.u32 s21, s20  }
0x51: {  	[tilespmem:s20+$0x5300] =	vst v0;
	s18 =	rddreg [dreg:$0x17]  }
0x52: {  	[spmem:s7] =	stream.linear.scatter [tilespmem:s23], [sflag:$0x1], $0x800, $0x38;
	[tilespmem:$0x1FB00] =	vst v63  }
0x53: {  	s21 =	rddreg [dreg:$0x18]  }
0x54: {  	[spmem:s18] =	stream.linear.scatter [tilespmem:s23], [sflag:$0x1], $0x800, $0x38;
	[tilespmem:$0x1FB00] =	vst v63  }
0x55: {  	s22 =	rddreg [dreg:$0x19]  }
0x56: {  	[spmem:s21] =	stream.linear.scatter [tilespmem:s23], [sflag:$0x1], $0x800, $0x38;
	[tilespmem:$0x1FB00] =	vst v63  }
0x57: {  	s19 =	rddreg [dreg:$0x1a]  }
0x58: {  	[spmem:s22] =	stream.linear.scatter [tilespmem:s23], [sflag:$0x1], $0x800, $0x38;
	[tilespmem:$0x1FB00] =	vst v63  }
0x59: {  	s20 =	rddreg [dreg:$0x1b]  }
0x5a: {  	[spmem:s19] =	stream.linear.scatter [tilespmem:s23], [sflag:$0x1], $0x800, $0x38;
	[tilespmem:$0x1FB00] =	vst v63  }
0x5b: {  	s21 =	rddreg [dreg:$0x1c]  }
0x5c: {  	[spmem:s20] =	stream.linear.scatter [tilespmem:s23], [sflag:$0x1], $0x800, $0x38;
	[tilespmem:$0x1FB00] =	vst v63  }
0x5d: {  	s22 =	rddreg [dreg:$0x1d]  }
0x5e: {  	[spmem:s21] =	stream.linear.scatter [tilespmem:s23], [sflag:$0x1], $0x800, $0x38;
	[tilespmem:$0x1FB00] =	vst v63  }
0x5f: {  	s19 =	rddreg [dreg:$0x1e]  }
0x60: {  	[spmem:s22] =	stream.linear.scatter [tilespmem:s23], [sflag:$0x1], $0x800, $0x38;
	[tilespmem:$0x1FB00] =	vst v63  }
0x61: {  	s20 =	rddreg [dreg:$0x1f]  }
0x62: {  	[spmem:s19] =	stream.linear.scatter [tilespmem:s23], [sflag:$0x1], $0x800, $0x38;
	[tilespmem:$0x1FB00] =	vst v63  }
0x63: {  	s21 =	sld [smem:$0x7E0]  }
0x64: {  	[spmem:s20] =	stream.linear.scatter [tilespmem:s23], [sflag:$0x1], $0x800, $0x38;
	[tilespmem:$0x1FB00] =	vst v63  }
0x65: {  	s22 =	sld [smem:$0x7E1]  }
0x66: {  	[spmem:s21] =	stream.linear.scatter [tilespmem:s23], [sflag:$0x1], $0x800, $0x38;
	[tilespmem:$0x1FB00] =	vst v63  }
0x67: {  	s19 =	sld [smem:$0x7E2]  }
0x68: {  	[spmem:s22] =	stream.linear.scatter [tilespmem:s23], [sflag:$0x1], $0x800, $0x38;
	[tilespmem:$0x1FB00] =	vst v63  }
0x69: {  	s20 =	sld [smem:$0x7E3]  }
0x6a: {  	[spmem:s19] =	stream.linear.scatter [tilespmem:s23], [sflag:$0x1], $0x800, $0x38;
	[tilespmem:$0x1FB00] =	vst v63  }
0x6b: {  	s21 =	sld [smem:$0x7E4]  }
0x6c: {  	[spmem:s20] =	stream.linear.scatter [tilespmem:s23], [sflag:$0x1], $0x800, $0x38;
	[tilespmem:$0x1FB00] =	vst v63  }
0x6d: {  	s22 =	sld [smem:$0x7E5]  }
0x6e: {  	[spmem:s21] =	stream.linear.scatter [tilespmem:s23], [sflag:$0x1], $0x800, $0x38;
	[tilespmem:$0x1FB00] =	vst v63  }
0x6f: {  	s19 =	sld [smem:$0x7E6]  }
0x70: {  	[spmem:s22] =	stream.linear.scatter [tilespmem:s23], [sflag:$0x1], $0x800, $0x38;
	[tilespmem:$0x1FB00] =	vst v63  }
0x71: {  	s20 =	sld [smem:$0x7E7]  }
0x72: {  	[spmem:s19] =	stream.linear.scatter [tilespmem:s23], [sflag:$0x1], $0x800, $0x38;
	[tilespmem:$0x1FB00] =	vst v63  }
0x73: {  	s21 =	sld [smem:$0x7E8]  }
0x74: {  	[spmem:s20] =	stream.linear.scatter [tilespmem:s23], [sflag:$0x1], $0x800, $0x38;
	[tilespmem:$0x1FB00] =	vst v63  }
0x75: {  	s22 =	sld [smem:$0x7E9]  }
0x76: {  	[spmem:s21] =	stream.linear.scatter [tilespmem:s23], [sflag:$0x1], $0x800, $0x38;
	[tilespmem:$0x1FB00] =	vst v63  }
0x77: {  	s19 =	sld [smem:$0x7EA]  }
0x78: {  	[spmem:s22] =	stream.linear.scatter [tilespmem:s23], [sflag:$0x1], $0x800, $0x38;
	[tilespmem:$0x1FB00] =	vst v63  }
0x79: {  	s20 =	sld [smem:$0x7EB]  }
0x7a: {  	[spmem:s19] =	stream.linear.scatter [tilespmem:s23], [sflag:$0x1], $0x800, $0x38;
	[tilespmem:$0x1FB00] =	vst v63  }
0x7b: {  	s21 =	sld [smem:$0x7EC]  }
0x7c: {  	[spmem:s20] =	stream.linear.scatter [tilespmem:s23], [sflag:$0x1], $0x800, $0x38;
	[tilespmem:$0x1FB00] =	vst v63  }
0x7d: {  	s22 =	sld [smem:$0x7ED]  }
0x7e: {  	[spmem:s21] =	stream.linear.scatter [tilespmem:s23], [sflag:$0x1], $0x800, $0x38;
	[tilespmem:$0x1FB00] =	vst v63  }
0x7f: {  	s19 =	sld [smem:$0x7EE]  }
0x80: {  	[spmem:s22] =	stream.linear.scatter [tilespmem:s23], [sflag:$0x1], $0x800, $0x38;
	[tilespmem:$0x1FB00] =	vst v63  }
0x81: {  	s20 =	sld [smem:$0x7EF]  }
0x82: {  	[spmem:s19] =	stream.linear.scatter [tilespmem:s23], [sflag:$0x1], $0x800, $0x38;
	[tilespmem:$0x1FB00] =	vst v63  }
0x83: {  	s21 =	sld [smem:$0x7F0]  }
0x84: {  	[spmem:s20] =	stream.linear.scatter [tilespmem:s23], [sflag:$0x1], $0x800, $0x38;
	[tilespmem:$0x1FB00] =	vst v63  }
0x85: {  	s22 =	sld [smem:$0x7F1]  }
0x86: {  	[spmem:s21] =	stream.linear.scatter [tilespmem:s23], [sflag:$0x1], $0x800, $0x38;
	[tilespmem:$0x1FB00] =	vst v63  }
0x87: {  	s19 =	sld [smem:$0x7F2]  }
0x88: {  	[spmem:s22] =	stream.linear.scatter [tilespmem:s23], [sflag:$0x1], $0x800, $0x38;
	[tilespmem:$0x1FB00] =	vst v63  }
0x89: {  	s20 =	sld [smem:$0x7F3]  }
0x8a: {  	[spmem:s19] =	stream.linear.scatter [tilespmem:s23], [sflag:$0x1], $0x800, $0x38;
	[tilespmem:$0x1FB00] =	vst v63  }
0x8b: {  	s21 =	sld [smem:$0x7F4]  }
0x8c: {  	[spmem:s20] =	stream.linear.scatter [tilespmem:s23], [sflag:$0x1], $0x800, $0x38;
	[tilespmem:$0x1FB00] =	vst v63  }
0x8d: {  	s22 =	sld [smem:$0x7F5]  }
0x8e: {  	[spmem:s21] =	stream.linear.scatter [tilespmem:s23], [sflag:$0x1], $0x800, $0x38;
	[tilespmem:$0x1FB00] =	vst v63  }
0x8f: {  	s19 =	sld [smem:$0x7F6]  }
0x90: {  	[spmem:s22] =	stream.linear.scatter [tilespmem:s23], [sflag:$0x1], $0x800, $0x38;
	[tilespmem:$0x1FB00] =	vst v63  }
0x91: {  	s20 =	sld [smem:$0x7F7]  }
0x92: {  	[spmem:s19] =	stream.linear.scatter [tilespmem:s23], [sflag:$0x1], $0x800, $0x38;
	[tilespmem:$0x1FB00] =	vst v63  }
0x93: {  	s21 =	sld [smem:$0x7F8]  }
0x94: {  	[spmem:s20] =	stream.linear.scatter [tilespmem:s23], [sflag:$0x1], $0x800, $0x38;
	[tilespmem:$0x1FB00] =	vst v63  }
0x95: {  	s22 =	sld [smem:$0x7F9]  }
0x96: {  	[spmem:s21] =	stream.linear.scatter [tilespmem:s23], [sflag:$0x1], $0x800, $0x38;
	[tilespmem:$0x1FB00] =	vst v63  }
0x97: {  	s19 =	sld [smem:$0x7FA]  }
0x98: {  	[spmem:s22] =	stream.linear.scatter [tilespmem:s23], [sflag:$0x1], $0x800, $0x38;
	[tilespmem:$0x1FB00] =	vst v63  }
0x99: {  	s20 =	sld [smem:$0x7FB]  }
0x9a: {  	[spmem:s19] =	stream.linear.scatter [tilespmem:s23], [sflag:$0x1], $0x800, $0x38;
	[tilespmem:$0x1FB00] =	vst v63  }
0x9b: {  	s21 =	sld [smem:$0x7FC]  }
0x9c: {  	[spmem:s20] =	stream.linear.scatter [tilespmem:s23], [sflag:$0x1], $0x800, $0x38;
	[tilespmem:$0x1FB00] =	vst v63  }
0x9d: {  	s22 =	sld [smem:$0x7FD]  }
0x9e: {  	[spmem:s21] =	stream.linear.scatter [tilespmem:s23], [sflag:$0x1], $0x800, $0x38;
	[tilespmem:$0x1FB00] =	vst v63  }
0x9f: {  	s18 =	simm.s32 $0x0  }
0xa0: {  	[spmem:s22] =	stream.linear.scatter [tilespmem:s23], [sflag:$0x1], $0x800, $0x38;
	[tilespmem:$0x1FB00] =	vst v63  }
.LBB2_4:
0xa1: {  	p0 =	sne.s32 s18, $0x9FC0  }
.Ltmp1:
0xa2: {  	_ = 	snop;
	(pc) =	sbr.rel @p0 .LBB2_4-.Ltmp1, $3  }
0xa3: {  	_ =	sdelay $0x1  }
0xa4: {  	s19 =	sshra.s32 s18, $0x2  }
0xa5: {  	s18 =	sadd.s32 $0x40, s18;
	[tilespmem:s19+$0x9300] =	vst v0  }
0xa6: {  	_ =	swait.ge [sflag:s24], $0x800  }
0xa7: {  	s18 =	simm.s32 $0x27;
	[sflag:s24] =	ssyncset.done $0x0  }
.LBB2_6:
0xa8: {  	p0 =	sne.s32 s18, $0x1;
	s18 =	sadd.s32 $0xFFFFFFFF, s18;
	[sflag:s24] =	ssyncadd.s32 $0xFFFFF800  }
.Ltmp2:
0xa9: {  	(pc) =	sbr.rel @p0 .LBB2_6-.Ltmp2, $3  }
0xaa: {  	_ =	sdelay $0x1  }
0xab: {  	_ =	swait.ge [sflag:s24], $0x800  }
0xac: {  	[sflag:s24] =	ssyncset.done $0x0  }
0xad: {  	[sflag:s24] =	ssyncadd.s32 $0xFFFFF800  }
0xae: {  	_ =	swait.ge [sflag:s25], $0x2780  }
0xaf: {  	[sflag:s25] =	ssyncset.done $0x0  }
0xb0: {  	[sflag:s25] =	ssyncadd.s32 $0xFFFFD880  }
0xb1: {  	_ =	swait.ge [sflag:s25], $0x2780  }
0xb2: {  	[sflag:s25] =	ssyncset.done $0x0  }
0xb3: {  	[sflag:s25] =	ssyncadd.s32 $0xFFFFD880  }
0xb4: {  	s18 =	simm.s32 $0x0;
	[bflag:$0x0] =	sbarrier.arrive $0xFFFF  }
.LBB2_8:
0xb5: {  	p0 =	seq.s32 s18, $0x0  }
0xb6: {  	s19 =	simm.s32 @p0 $0x10;
	s20 =	simm.s32 @p0 $0x0;
	s21 =	simm.s32 @p0 $0x5300  }
0xb7: {  	[tilespmem:s21], [sflag:$0x1] =	stream.indirect.gather @p0 [hbm4b:s4+s19], $0x80, s20, s19, $0xb8;
	[tilespmem:$0x1FB00] =	vst v63  }
0xb8: {  	s20 =	simm.s32 @p0 $0x5B00  }
0xb9: {  	[tilespmem:s20], [sflag:$0x2] =	stream.indirect.gather @p0 [hbm4b:s4+s19], $0x80, s19, s19, $0xb8;
	[tilespmem:$0x1FB00] =	vst v63  }
0xba: {  	s21 =	simm.s32 @p0 $0x6300;
	s20 =	simm.s32 @p0 $0x20  }
0xbb: {  	[tilespmem:s21], [sflag:$0x3] =	stream.indirect.gather @p0 [hbm4b:s4+s19], $0x80, s20, s19, $0xb8;
	[tilespmem:$0x1FB00] =	vst v63  }
0xbc: {  	s20 =	simm.s32 @p0 $0x30;
	s21 =	simm.s32 @p0 $0x6B00  }
0xbd: {  	[tilespmem:s21], [sflag:$0x4] =	stream.indirect.gather @p0 [hbm4b:s4+s19], $0x80, s20, s19, $0xb8;
	[tilespmem:$0x1FB00] =	vst v63  }
0xbe: {  	s20 =	simm.s32 @p0 $0x40;
	s21 =	simm.s32 @p0 $0x7300  }
0xbf: {  	[tilespmem:s21], [sflag:$0x5] =	stream.indirect.gather @p0 [hbm4b:s4+s19], $0x80, s20, s19, $0xb8;
	[tilespmem:$0x1FB00] =	vst v63  }
0xc0: {  	s20 =	simm.s32 @p0 $0x50;
	s21 =	simm.s32 @p0 $0x7B00  }
0xc1: {  	[tilespmem:s21], [sflag:$0x6] =	stream.indirect.gather @p0 [hbm4b:s4+s19], $0x80, s20, s19, $0xb8;
	[tilespmem:$0x1FB00] =	vst v63  }
0xc2: {  	s20 =	simm.s32 @p0 $0x60;
	s21 =	simm.s32 @p0 $0x8300  }
0xc3: {  	[tilespmem:s21], [sflag:$0x7] =	stream.indirect.gather @p0 [hbm4b:s4+s19], $0x80, s20, s19, $0xb8;
	[tilespmem:$0x1FB00] =	vst v63  }
0xc4: {  	s19 =	simm.s32 @!p0 $0x9  }
0xc5: {  	_ =	swait.ge @!p0 [sflag:s19], $0x800  }
0xc6: {  	s20 =	simm.s32 @!p0 $0x10;
	[sflag:s19] =	ssyncset.done @!p0 $0x0  }
0xc7: {  	s21 =	simm.s32 @!p0 $0x5300;
	[sflag:s19] =	ssyncadd.s32 @!p0 $0xFFFFF800;
	s19 =	sshra.s32 @!p0 s18, $0x2  }
0xc8: {  	[tilespmem:s21], [sflag:$0x1] =	stream.indirect.gather @!p0 [hbm4b:s4+s20], $0x80, s19, s20, $0xb8;
	[tilespmem:$0x1FB00] =	vst v63  }
0xc9: {  	s21 =	simm.s32 @!p0 $0xA  }
0xca: {  	_ =	swait.ge @!p0 [sflag:s21], $0x800  }
0xcb: {  	[sflag:s21] =	ssyncset.done @!p0 $0x0  }
0xcc: {  	s22 =	simm.s32 @!p0 $0x5B00;
	[sflag:s21] =	ssyncadd.s32 @!p0 $0xFFFFF800;
	s21 =	sadd.s32 @!p0 $0x10, s19  }
0xcd: {  	[tilespmem:s22], [sflag:$0x2] =	stream.indirect.gather @!p0 [hbm4b:s4+s20], $0x80, s21, s20, $0xb8;
	[tilespmem:$0x1FB00] =	vst v63  }
0xce: {  	s21 =	simm.s32 @!p0 $0xB  }
0xcf: {  	_ =	swait.ge @!p0 [sflag:s21], $0x800  }
0xd0: {  	[sflag:s21] =	ssyncset.done @!p0 $0x0  }
0xd1: {  	s22 =	simm.s32 @!p0 $0x6300;
	[sflag:s21] =	ssyncadd.s32 @!p0 $0xFFFFF800;
	s21 =	sadd.s32 @!p0 $0x20, s19  }
0xd2: {  	[tilespmem:s22], [sflag:$0x3] =	stream.indirect.gather @!p0 [hbm4b:s4+s20], $0x80, s21, s20, $0xb8;
	[tilespmem:$0x1FB00] =	vst v63  }
0xd3: {  	s21 =	simm.s32 @!p0 $0xC  }
0xd4: {  	_ =	swait.ge @!p0 [sflag:s21], $0x800  }
0xd5: {  	[sflag:s21] =	ssyncset.done @!p0 $0x0  }
0xd6: {  	s22 =	simm.s32 @!p0 $0x6B00;
	[sflag:s21] =	ssyncadd.s32 @!p0 $0xFFFFF800;
	s21 =	sadd.s32 @!p0 $0x30, s19  }
0xd7: {  	[tilespmem:s22], [sflag:$0x4] =	stream.indirect.gather @!p0 [hbm4b:s4+s20], $0x80, s21, s20, $0xb8;
	[tilespmem:$0x1FB00] =	vst v63  }
0xd8: {  	s21 =	simm.s32 @!p0 $0xD  }
0xd9: {  	_ =	swait.ge @!p0 [sflag:s21], $0x800  }
0xda: {  	[sflag:s21] =	ssyncset.done @!p0 $0x0  }
0xdb: {  	s22 =	simm.s32 @!p0 $0x7300;
	[sflag:s21] =	ssyncadd.s32 @!p0 $0xFFFFF800;
	s21 =	sadd.s32 @!p0 $0x40, s19  }
0xdc: {  	[tilespmem:s22], [sflag:$0x5] =	stream.indirect.gather @!p0 [hbm4b:s4+s20], $0x80, s21, s20, $0xb8;
	[tilespmem:$0x1FB00] =	vst v63  }
0xdd: {  	s21 =	simm.s32 @!p0 $0xE  }
0xde: {  	_ =	swait.ge @!p0 [sflag:s21], $0x800  }
0xdf: {  	[sflag:s21] =	ssyncset.done @!p0 $0x0  }
0xe0: {  	s22 =	simm.s32 @!p0 $0x7B00;
	[sflag:s21] =	ssyncadd.s32 @!p0 $0xFFFFF800;
	s21 =	sadd.s32 @!p0 $0x50, s19  }
0xe1: {  	[tilespmem:s22], [sflag:$0x6] =	stream.indirect.gather @!p0 [hbm4b:s4+s20], $0x80, s21, s20, $0xb8;
	[tilespmem:$0x1FB00] =	vst v63  }
0xe2: {  	s21 =	simm.s32 @!p0 $0xF  }
0xe3: {  	_ =	swait.ge @!p0 [sflag:s21], $0x800  }
0xe4: {  	[sflag:s21] =	ssyncset.done @!p0 $0x0  }
0xe5: {  	s22 =	simm.s32 @!p0 $0x8300;
	[sflag:s21] =	ssyncadd.s32 @!p0 $0xFFFFF800;
	s21 =	sadd.s32 @!p0 $0x60, s19  }
0xe6: {  	[tilespmem:s22], [sflag:$0x7] =	stream.indirect.gather @!p0 [hbm4b:s4+s20], $0x80, s21, s20, $0xb8;
	[tilespmem:$0x1FB00] =	vst v63  }
0xe7: {  	_ =	swait.ge @!p0 [sflag:s20], $0x800  }
0xe8: {  	s19 =	simm.s32 @p0 $0x0;
	[sflag:s20] =	ssyncset.done @!p0 $0x0  }
0xe9: {  	s19 =	sadd.s32 $0x70, s19;
	[sflag:s20] =	ssyncadd.s32 @!p0 $0xFFFFF800  }
0xea: {  	[tilespmem:s28], [sflag:$0x8] =	stream.indirect.gather [hbm4b:s4+s26], $0x80, s19, s26, $0xb8;
	[tilespmem:$0x1FB00] =	vst v63  }
0xeb: {  	s19 =	smov.u32 s18;
	_ =	swait.ge [sflag:s24], $0x800  }
0xec: {  	s19 =	simm.s32 @p0 $0x0;
	[sflag:s24] =	ssyncset.done $0x0  }
0xed: {  	s19 =	sshra.s32 s19, $0x2;
	[sflag:s24] =	ssyncadd.s32 $0xFFFFF800  }
0xee: {  	v2 =	vld [tilespmem:s19+$0x2780];
	_ =	sdelay $0x4  }
0xef: {  	s22 =	rddreg [dreg:$0x4];
	[tilespmem:$0x4F00] =	vst v2  }
0xf0: {  	[spmem:s2] =	stream.indirect.scatter.add.f32 [tilespmem:s23], [sflag:$0x9], $0x80, s22, s26, $0xb8;
	[tilespmem:$0x1FB00] =	vst v63  }
0xf1: {  	v2 =	vld [tilespmem:s19+$0x2780];
	_ =	sdelay $0x7  }
0xf2: {  	[tilespmem:v2+s29+$0x0] =	vst.idx.add.f32.msk $0xffff, v1  }
0xf3: {  	_ =	swait.ge [sflag:s30], $0x800  }
0xf4: {  	[sflag:s30] =	ssyncset.done $0x0  }
0xf5: {  	[sflag:s30] =	ssyncadd.s32 $0xFFFFF800  }
0xf6: {  	v2 =	vld [tilespmem:s19+$0x2790];
	_ =	sdelay $0x3  }
0xf7: {  	s21 =	rddreg [dreg:$0x5]  }
0xf8: {  	s22 =	rddreg [dreg:$0x6];
	[tilespmem:$0x4F80] =	vst v2  }
0xf9: {  	[spmem:s2] =	stream.indirect.scatter.add.f32 [tilespmem:s22], [sflag:$0xA], $0x80, s21, s26, $0xb8;
	[tilespmem:$0x1FB00] =	vst v63  }
0xfa: {  	v2 =	vld [tilespmem:s19+$0x2790];
	_ =	sdelay $0x7  }
0xfb: {  	[tilespmem:v2+s29+$0x0] =	vst.idx.add.f32.msk $0xffff, v1  }
0xfc: {  	_ =	swait.ge [sflag:s31], $0x800  }
0xfd: {  	[sflag:s31] =	ssyncset.done $0x0  }
0xfe: {  	[sflag:s31] =	ssyncadd.s32 $0xFFFFF800  }
0xff: {  	v2 =	vld [tilespmem:s19+$0x27A0];
	_ =	sdelay $0x3  }
0x100: {  	s21 =	rddreg [dreg:$0x7]  }
0x101: {  	s22 =	rddreg [dreg:$0x8];
	[tilespmem:$0x5000] =	vst v2  }
0x102: {  	[spmem:s2] =	stream.indirect.scatter.add.f32 [tilespmem:s22], [sflag:$0xB], $0x80, s21, s26, $0xb8;
	[tilespmem:$0x1FB00] =	vst v63  }
0x103: {  	v2 =	vld [tilespmem:s19+$0x27A0];
	_ =	sdelay $0x7  }
0x104: {  	[tilespmem:v2+s29+$0x0] =	vst.idx.add.f32.msk $0xffff, v1  }
0x105: {  	_ =	swait.ge [sflag:s1], $0x800  }
0x106: {  	[sflag:s1] =	ssyncset.done $0x0  }
0x107: {  	[sflag:s1] =	ssyncadd.s32 $0xFFFFF800  }
0x108: {  	v2 =	vld [tilespmem:s19+$0x27B0];
	_ =	sdelay $0x3  }
0x109: {  	s21 =	rddreg [dreg:$0x9]  }
0x10a: {  	s22 =	rddreg [dreg:$0xa];
	[tilespmem:$0x5080] =	vst v2  }
0x10b: {  	[spmem:s2] =	stream.indirect.scatter.add.f32 [tilespmem:s22], [sflag:$0xC], $0x80, s21, s26, $0xb8;
	[tilespmem:$0x1FB00] =	vst v63  }
0x10c: {  	v2 =	vld [tilespmem:s19+$0x27B0];
	_ =	sdelay $0x7  }
0x10d: {  	[tilespmem:v2+s29+$0x0] =	vst.idx.add.f32.msk $0xffff, v1  }
0x10e: {  	_ =	swait.ge [sflag:s0], $0x800  }
0x10f: {  	[sflag:s0] =	ssyncset.done $0x0  }
0x110: {  	[sflag:s0] =	ssyncadd.s32 $0xFFFFF800  }
0x111: {  	v2 =	vld [tilespmem:s19+$0x27C0];
	_ =	sdelay $0x3  }
0x112: {  	s21 =	rddreg [dreg:$0xb]  }
0x113: {  	s22 =	rddreg [dreg:$0xc];
	[tilespmem:$0x5100] =	vst v2  }
0x114: {  	[spmem:s2] =	stream.indirect.scatter.add.f32 [tilespmem:s22], [sflag:$0xD], $0x80, s21, s26, $0xb8;
	[tilespmem:$0x1FB00] =	vst v63  }
0x115: {  	v2 =	vld [tilespmem:s19+$0x27C0];
	_ =	sdelay $0x7  }
0x116: {  	[tilespmem:v2+s29+$0x0] =	vst.idx.add.f32.msk $0xffff, v1  }
0x117: {  	_ =	swait.ge [sflag:s5], $0x800  }
0x118: {  	[sflag:s5] =	ssyncset.done $0x0  }
0x119: {  	[sflag:s5] =	ssyncadd.s32 $0xFFFFF800  }
0x11a: {  	v2 =	vld [tilespmem:s19+$0x27D0];
	_ =	sdelay $0x3  }
0x11b: {  	s21 =	rddreg [dreg:$0xd]  }
0x11c: {  	s22 =	rddreg [dreg:$0xe];
	[tilespmem:$0x5180] =	vst v2  }
0x11d: {  	[spmem:s2] =	stream.indirect.scatter.add.f32 [tilespmem:s22], [sflag:$0xE], $0x80, s21, s26, $0xb8;
	[tilespmem:$0x1FB00] =	vst v63  }
0x11e: {  	v2 =	vld [tilespmem:s19+$0x27D0];
	_ =	sdelay $0x7  }
0x11f: {  	[tilespmem:v2+s29+$0x0] =	vst.idx.add.f32.msk $0xffff, v1  }
0x120: {  	_ =	swait.ge [sflag:s6], $0x800  }
0x121: {  	[sflag:s6] =	ssyncset.done $0x0  }
0x122: {  	[sflag:s6] =	ssyncadd.s32 $0xFFFFF800  }
0x123: {  	v2 =	vld [tilespmem:s19+$0x27E0];
	_ =	sdelay $0x3  }
0x124: {  	s21 =	rddreg [dreg:$0xf]  }
0x125: {  	s22 =	rddreg [dreg:$0x10];
	[tilespmem:$0x5200] =	vst v2  }
0x126: {  	[spmem:s2] =	stream.indirect.scatter.add.f32 [tilespmem:s22], [sflag:$0xF], $0x80, s21, s26, $0xb8;
	[tilespmem:$0x1FB00] =	vst v63  }
0x127: {  	v2 =	vld [tilespmem:s19+$0x27E0];
	_ =	sdelay $0x7  }
0x128: {  	[tilespmem:v2+s29+$0x0] =	vst.idx.add.f32.msk $0xffff, v1  }
0x129: {  	_ =	swait.ge [sflag:s8], $0x800  }
0x12a: {  	[sflag:s8] =	ssyncset.done $0x0  }
0x12b: {  	[sflag:s8] =	ssyncadd.s32 $0xFFFFF800  }
0x12c: {  	v2 =	vld [tilespmem:s19+$0x27F0];
	_ =	sdelay $0x4  }
0x12d: {  	s22 =	rddreg [dreg:$0x11];
	[tilespmem:$0x5280] =	vst v2  }
0x12e: {  	[spmem:s2] =	stream.indirect.scatter.add.f32 [tilespmem:s28], [sflag:$0x10], $0x80, s22, s26, $0xb8;
	[tilespmem:$0x1FB00] =	vst v63  }
0x12f: {  	v2 =	vld [tilespmem:s19+$0x27F0];
	_ =	sdelay $0x1  }
0x130: {  	s18 =	sadd.s32 $0x200, s18  }
0x131: {  	p0 =	sne.s32 s18, $0x9E00  }
.Ltmp3:
0x132: {  	_ = 	snop;
	(pc) =	sbr.rel @p0 .LBB2_8-.Ltmp3, $2  }
0x133: {  	_ =	sdelay $0x2  }
0x134: {  	[tilespmem:v2+s29+$0x0] =	vst.idx.add.f32.msk $0xffff, v1  }
0x135: {  	_ =	swait.ge [sflag:s9], $0x800  }
0x136: {  	[sflag:s9] =	ssyncset.done $0x0  }
0x137: {  	[sflag:s9] =	ssyncadd.s32 $0xFFFFF800  }
0x138: {  	_ =	swait.ge [sflag:s10], $0x800  }
0x139: {  	[sflag:s10] =	ssyncset.done $0x0  }
0x13a: {  	[sflag:s10] =	ssyncadd.s32 $0xFFFFF800  }
0x13b: {  	_ =	swait.ge [sflag:s11], $0x800  }
0x13c: {  	[sflag:s11] =	ssyncset.done $0x0  }
0x13d: {  	[sflag:s11] =	ssyncadd.s32 $0xFFFFF800  }
0x13e: {  	_ =	swait.ge [sflag:s12], $0x800  }
0x13f: {  	[sflag:s12] =	ssyncset.done $0x0  }
0x140: {  	[sflag:s12] =	ssyncadd.s32 $0xFFFFF800  }
0x141: {  	_ =	swait.ge [sflag:s13], $0x800  }
0x142: {  	[sflag:s13] =	ssyncset.done $0x0  }
0x143: {  	[sflag:s13] =	ssyncadd.s32 $0xFFFFF800  }
0x144: {  	_ =	swait.ge [sflag:s14], $0x800  }
0x145: {  	[sflag:s14] =	ssyncset.done $0x0  }
0x146: {  	[sflag:s14] =	ssyncadd.s32 $0xFFFFF800  }
0x147: {  	_ =	swait.ge [sflag:s15], $0x800  }
0x148: {  	[sflag:s15] =	ssyncset.done $0x0  }
0x149: {  	[sflag:s15] =	ssyncadd.s32 $0xFFFFF800  }
0x14a: {  	_ =	swait.ge [sflag:s26], $0x800  }
0x14b: {  	[sflag:s26] =	ssyncset.done $0x0  }
0x14c: {  	s18 =	stileid.u32;
	[sflag:s26] =	ssyncadd.s32 $0xFFFFF800  }
0x14d: {  	s18 =	sshll.u32 s18, $0x6;
	[bflag:$0x0] =	sbarrier.arrive $0xFFFF  }
0x14e: {  	s19 =	sshrl.u32 s7, $0x3;
	s18 =	sor.u32 $0x1C12, s18;
	s20 =	rddreg [dreg:$0x14]  }
0x14f: {  	[hbm:s20], [sflag:s18] =	dma.local [spmem:s19], $0x2800  }
0x150: {  	_ =	swait.ge [sflag:s16], $0x2800  }
0x151: {  	s21 =	simm.s32 $0x400;
	[sflag:s16] =	ssyncset.done $0x0  }
0x152: {  	s20 =	simm.s32 $0x80;
	s19 =	rddreg [dreg:$0x15];
	[sflag:s16] =	ssyncadd.s32 $0xFFFFD800  }
0x153: {  	[hbm4b:s19+s20] =	stream.strided.scatter [tilespmem:s29], [sflag:$0x12], $0x2800, s21, s20, $0x38;
	[tilespmem:$0x1FB00] =	vst v63  }
0x154: {  	_ =	swait.ge [sflag:s16], $0x2800  }
0x155: {  	s17 =	sadd.s32 $0x1, s17;
	s22 =	rddreg [dreg:$0x16]  }
0x156: {  	p0 =	sne.s32 s17, s22  }
.Ltmp4:
0x157: {  	_ = 	snop;
	(pc) =	sbr.rel @p0 .LBB2_1-.Ltmp4, $3  }
0x158: {  	_ =	sdelay $0x1  }
0x159: {  	[sflag:s16] =	ssyncset.done $0x0  }
0x15a: {  	[sflag:s16] =	ssyncadd.s32 $0xFFFFD800  }
0x15b: {  	_ =	sfence.sel $0x180000  }
0x15c: {  	[bflag:$0x0] =	sbarrier.arrive $0xFFFF  }
0x15d: {  	_ =	strace $0x9000004D  }
0x15e: {  	s0 =	stileid.u32;
	[bflag:$0x2] =	sbarrier.arrive $0xFFFF  }
0x15f: {  	p0 =	sne.s32 s0, $0x0;
	s0 =	rddreg [dreg:$0x3]  }
0x160: {  	s0 =	sadd.s32 @!p0 $0x100000, s0  }
0x161: {  	[sflag:s0] =	ssyncadd.tile.s32 @!p0 $0x1;
	_ =	shalt  }
.Lfunc_end2:
_tile_overlayer_lowered:
.L_overlay_start_2:
0x162: {  	(tag) =	ssettag $0x2  }
0x163: {  	s0 =	rddreg [dreg:$0x0];
	s2 =	stileid.u32  }
0x164: {  	s1 =	rddreg [dreg:$0x1];
	p0 =	sne.s32 s2, $0x0  }
0x165: {  	s3 =	rddreg [dreg:$0x2];
	[bflag:$0x3] =	sbarrier.arrive $0xFFFF;
	s2 =	simm.s32 @!p0 $0x1C12  }
0x166: {  	[timem:s3], [sflag:s2] =	dma.local @!p0 [hbm:s0], s1  }
0x167: {  	s0 =	simm.s32 @!p0 $0x12  }
0x168: {  	_ =	swait.ge @!p0 [sflag:s0], s1  }
0x169: {  	s1 =	ssub.s32 @!p0 $0x0, s1;
	[sflag:s0] =	ssyncset.done @!p0 $0x0  }
0x16a: {  	[sflag:s0] =	ssyncadd.s32 @!p0 s1  }
0x16b: {  	[bflag:$0x3] =	sbarrier.arrive $0xFFFF  }
0x16c: {  	_ =	shalt  }

// kernel: kernel.9.cloned.1.call-start
scs
__scs_entry_jumppad:
0x0: {  	(pc) =	sbr.rel $0x88, $3  }
0x1: {  	(tag) =	ssettag $0x0;
	lr =	simm.s32 $0x1  }
0x2: {  	[smem:$0x3F95] =	sst lr;
	_ =	strace $0xD0000000  }
0x3: {  	_ = 	snop  }
0x4: {  	_ = 	snop  }
0x5: {  	_ = 	snop  }
0x6: {  	_ = 	snop  }
0x7: {  	_ = 	snop  }
__scs_overlays_trampoline_lowered:
0x8: {  	[smem:$0x3FA4] =	sst s0  }
0x9: {  	[smem:$0x3FA5] =	sst s1  }
0xa: {  	[smem:$0x3FA6] =	sst s2  }
0xb: {  	[smem:$0x3FA7] =	sst s3  }
0xc: {  	[smem:$0x3FA8] =	sst s4  }
0xd: {  	[smem:$0x3FA9] =	sst s5  }
0xe: {  	[smem:$0x3FAA] =	sst s6  }
0xf: {  	[smem:$0x3FAB] =	sst s7  }
0x10: {  	[smem:$0x3FAC] =	sst s8  }
0x11: {  	[smem:$0x3FAD] =	sst s9;
	s0 =	simm.s32 @!p0 $0x0  }
0x12: {  	s1 =	sld [smem:$0x3F93];
	s0 =	simm.s32 @p0 $0x1  }
0x13: {  	[smem:$0x3FAE] =	sst s0;
	s0 =	simm.s32 @!p1 $0x0  }
0x14: {  	s2 =	sld [smem:$0x3F92];
	s0 =	simm.s32 @p1 $0x1  }
0x15: {  	[smem:$0x3FAF] =	sst s0;
	s0 =	simm.s32 @!p2 $0x0  }
0x16: {  	s3 =	sld [smem:$0x3FDB];
	s0 =	simm.s32 @p2 $0x1  }
0x17: {  	s4 =	simm.s32 $0x1BF5;
	[smem:$0x3FB1] =	sst s0  }
0x18: {  	s0 =	sld [smem:$0x3F94];
	_ =	swait.ge [sflag:s4], $0x0  }
0x19: {  	s7 =	sld [smem:$0x3F95]  }
0x1a: {  	s8 =	sadd.s32 $0xFFFFE003, lr  }
0x1b: {  	s9 =	sadd.s32 $0xFFFFFEF7, lr;
	s5 =	simm.s32 $0xFFFFFFFF;
	p2 =	slt.u32 s8, $0xFFFFF086  }
0x1c: {  	p1 =	slt.u32 s9, $0xF7A;
	s5 =	simm.s32 @!p2 $0x0  }
0x1d: {  	s5 =	simm.s32 @p1 $0x1;
	p0 =	seq.s32 s7, s2  }
0x1e: {  	s7 =	smul.u32 @!p0 $0xF7A, s2;
	p2 =	seq.s32 @!p0 s5, $0x0  }
0x1f: {  	s9 =	smul.u32 $0xF7A, s1;
	s8 =	simm.s32 @!p0 $0x1BF5;
	p2 =	por !p2, p0  }
0x20: {  	[sflag:s8] =	ssyncset.s32 @!p0 $0xFFFFF086;
	s6 =	sadd.s32 @!p0 s3, s7;
	s7 =	simm.s32 @!p0 $0x108  }
0x21: {  	s3 =	sadd.s32 s3, s9;
	s6 =	sadd.s32 @!p0 $0x88, s6;
	s7 =	simm.s32 @p2 $0x1082  }
0x22: {  	[simem:s7], [sflag:s8] =	dma.local @!p0 [hbm:s6], $0xF7A  }
0x23: {  	s9 =	sor.u32 $0xD0000000, s2;
	s6 =	simm.s32 $0x108;
	_ =	swait.ge @!p0 [sflag:s8], $0x0  }
0x24: {  	s3 =	sadd.s32 $0x88, s3;
	s6 =	simm.s32 @!p1 $0x1082;
	[sflag:s4] =	ssyncset.s32 $0xFFFFF086  }
0x25: {  	[simem:s6], [sflag:s4] =	dma.local [hbm:s3], $0xF7A  }
0x26: {  	[smem:$0x3F95] =	sst s1;
	(tag) =	ssettag s2;
	_ =	strace s9  }
0x27: {  	s1 =	sld [smem:$0x3FA5]  }
0x28: {  	s2 =	sld [smem:$0x3FA6]  }
0x29: {  	s4 =	sld [smem:$0x3FA8]  }
0x2a: {  	p0 =	seq.s32 s5, $0x0;
	s5 =	sld [smem:$0x3FA9]  }
0x2b: {  	s6 =	sld [smem:$0x3FAA]  }
0x2c: {  	s7 =	sld [smem:$0x3FAB]  }
0x2d: {  	s3 =	simm.s32 $0x108;
	s8 =	sld [smem:$0x3FAC]  }
0x2e: {  	s3 =	simm.s32 @!p0 $0x1082;
	s9 =	sld [smem:$0x3FAD]  }
0x2f: {  	lr =	sadd.s32 s0, s3;
	s0 =	sld [smem:$0x3FA4]  }
0x30: {  	s3 =	sld [smem:$0x3FA7]  }
0x31: {  	[smem:$0x3FB0] =	sst s10  }
0x32: {  	s10 =	sld [smem:$0x3FAE];
	_ =	sdelay $0x3  }
0x33: {  	p0 =	seq.s32 s10, $0x1;
	s10 =	sld [smem:$0x3FB0];
	_ =	sdelay $0x3  }
0x34: {  	[smem:$0x3FB0] =	sst s10  }
0x35: {  	s10 =	sld [smem:$0x3FAF];
	_ =	sdelay $0x3  }
0x36: {  	p1 =	seq.s32 s10, $0x1;
	s10 =	sld [smem:$0x3FB0];
	_ =	sdelay $0x3  }
0x37: {  	[smem:$0x3FB0] =	sst s10  }
0x38: {  	s10 =	sld [smem:$0x3FB1]  }
0x39: {  	_ = 	snop;
	(pc) =	sbr.ind lr, $3  }
0x3a: {  	_ = 	snop  }
0x3b: {  	_ = 	snop  }
0x3c: {  	p2 =	seq.s32 s10, $0x1;
	s10 =	sld [smem:$0x3FB0]  }
0x3d: {  	_ =	shalt  }
0x3e: {  	_ =	shalt  }
0x3f: {  	_ =	shalt  }
0x40: {  	_ =	shalt  }
0x41: {  	_ =	shalt  }
0x42: {  	_ =	shalt  }
0x43: {  	_ =	shalt  }
0x44: {  	_ =	shalt  }
0x45: {  	_ =	shalt  }
0x46: {  	_ =	shalt  }
0x47: {  	_ =	shalt  }
0x48: {  	_ =	shalt  }
0x49: {  	_ =	shalt  }
0x4a: {  	_ =	shalt  }
0x4b: {  	_ =	shalt  }
0x4c: {  	_ =	shalt  }
0x4d: {  	_ =	shalt  }
0x4e: {  	_ =	shalt  }
0x4f: {  	_ =	shalt  }
0x50: {  	_ =	shalt  }
0x51: {  	_ =	shalt  }
0x52: {  	_ =	shalt  }
0x53: {  	_ =	shalt  }
0x54: {  	_ =	shalt  }
0x55: {  	_ =	shalt  }
0x56: {  	_ =	shalt  }
0x57: {  	_ =	shalt  }
0x58: {  	_ =	shalt  }
0x59: {  	_ =	shalt  }
0x5a: {  	_ =	shalt  }
0x5b: {  	_ =	shalt  }
0x5c: {  	_ =	shalt  }
0x5d: {  	_ =	shalt  }
0x5e: {  	_ =	shalt  }
0x5f: {  	_ =	shalt  }
0x60: {  	_ =	shalt  }
0x61: {  	_ =	shalt  }
0x62: {  	_ =	shalt  }
0x63: {  	_ =	shalt  }
0x64: {  	_ =	shalt  }
0x65: {  	_ =	shalt  }
0x66: {  	_ =	shalt  }
0x67: {  	_ =	shalt  }
0x68: {  	_ =	shalt  }
0x69: {  	_ =	shalt  }
0x6a: {  	_ =	shalt  }
0x6b: {  	_ =	shalt  }
0x6c: {  	_ =	shalt  }
0x6d: {  	_ =	shalt  }
0x6e: {  	_ =	shalt  }
0x6f: {  	_ =	shalt  }
0x70: {  	_ =	shalt  }
0x71: {  	_ =	shalt  }
0x72: {  	_ =	shalt  }
0x73: {  	_ =	shalt  }
0x74: {  	_ =	shalt  }
0x75: {  	_ =	shalt  }
0x76: {  	_ =	shalt  }
0x77: {  	_ =	shalt  }
0x78: {  	_ =	shalt  }
0x79: {  	_ =	shalt  }
0x7a: {  	_ =	shalt  }
0x7b: {  	_ =	shalt  }
0x7c: {  	_ =	shalt  }
0x7d: {  	_ =	shalt  }
0x7e: {  	_ =	shalt  }
0x7f: {  	_ =	shalt  }
0x80: {  	_ =	shalt  }
0x81: {  	_ =	shalt  }
0x82: {  	_ =	shalt  }
0x83: {  	_ =	shalt  }
0x84: {  	_ =	shalt  }
0x85: {  	_ =	shalt  }
0x86: {  	_ =	shalt  }
0x87: {  	_ =	shalt  }
.Lfunc_end0:
.L_simem_size_0:
called_computation_lowered:
.L_overlay_start_0:
0x88: {  	s2 =	sld [smem:$0x3FD9]  }
0x89: {  	s3 =	sld [smem:$0x3FFE];
	_ =	sdelay $0x1  }
0x8a: {  	s1 =	srdreg.scid  }
0x8b: {  	s0 =	sand.u32 $0x1, s1  }
0x8c: {  	s17 =	sshll.u32 s0, $0xA;
	s2 =	sadd.s32 s3, s2  }
0x8d: {  	s2 =	sadd.s32 s2, s17  }
0x8e: {  	[smem:$0x3FBC] =	sst s2  }
0x8f: {  	_ = 	snop  }
0x90: {  	s2 =	sld [smem:$0x3FD0];
	(tm) =	ssettm $0x1  }
0x91: {  	s18 =	sld [smem:$0x3FFB];
	_ =	sdelay $0x3  }
0x92: {  	_ =	strace s18  }
0x93: {  	s3 =	sld [smem:$0x3FFC];
	_ =	sdelay $0x3  }
0x94: {  	_ =	strace s3  }
0x95: {  	s3 =	sld [smem:$0x3FFD];
	_ =	sdelay $0x3  }
0x96: {  	_ =	strace s3  }
0x97: {  	_ =	strace $0x8FFFFFFF  }
0x98: {  	s19 =	sld [smem:$0x3FDB];
	_ =	sdelay $0x1  }
0x99: {  	s4 =	simm.s32 $_scs_section_size  }
0x9a: {  	s5 =	simm.s32 $_size__tile_overlayer_lowered;
	s6 =	simm.s32 $_tile_overlayer_lowered  }
0x9b: {  	s22 =	simm.s32 $0x1BFF;
	s21 =	sshll.u32 s6, $0x1;
	s3 =	sadd.s32 s4, s19  }
0x9c: {  	s7 =	simm.s32 $0x0;
	s20 =	sshll.u32 s5, $0x1;
	s5 =	sadd.s32 s21, s3  }
0x9d: {  	[timem:s7], [sflag:s22] =	dma.local [hbm:s5], s20  }
0x9e: {  	_ =	swait.ge [sflag:s22], s20  }
0x9f: {  	s4 =	ssub.s32 $0x0, s20;
	[sflag:s22] =	ssyncset.done $0x0  }
0xa0: {  	[sflag:s22] =	ssyncadd.s32 s4;
	_ =	sdelay $0x1  }
0xa1: {  	s23 =	simm.s32 $0x1B8B  }
0xa2: {  	_ =	swait.ge [sflag:s23], $0x1  }
0xa3: {  	[sflag:s23] =	ssyncset.done $0x0  }
0xa4: {  	s25 =	simm.s32 $0x1B8E;
	s24 =	sld [smem:$0x3FFE];
	[sflag:s23] =	ssyncadd.s32 $0xFFFFFFFF  }
0xa5: {  	s26 =	simm.s32 $execute0_lowered;
	[smem:$0x3FD2] =	sst s25  }
0xa6: {  	s5 =	sshll.u32 s26, $0x1;
	_ =	strace $0x80000046;
	[dreg:$0x1] =	wrdreg $0xFFFFFFFF  }
0xa7: {  	s28 =	simm.s32 $_size_execute0_lowered;
	s3 =	sadd.s32 s3, s5;
	[dreg:$0x0] =	wrdreg $0x0  }
0xa8: {  	s5 =	sshll.u32 s28, $0x1;
	[dreg:$0x2] =	wrdreg s3  }
0xa9: {  	[dreg:$0x3] =	wrdreg s5  }
0xaa: {  	[dreg:$0x4] =	wrdreg $0xC0  }
0xab: {  	_ =	task [dreg:s7], $0x5FFFF  }
0xac: {  	[dreg:$0x1] =	wrdreg $0xFFFFFFFF  }
0xad: {  	[dreg:$0x0] =	wrdreg $0x60  }
0xae: {  	[dreg:$0x2] =	wrdreg s24  }
0xaf: {  	[dreg:$0x3] =	wrdreg s2  }
0xb0: {  	[dreg:$0x4] =	wrdreg $0xBB000  }
0xb1: {  	[dreg:$0x5] =	wrdreg $0x9  }
0xb2: {  	_ =	task.clear_ibuf [dreg:s7], $0x6FFFF;
	_ =	strace $0x90000046  }
0xb3: {  	s29 =	simm.s32 $0x9;
	_ =	strace $0x80000048  }
0xb4: {  	_ =	swait.ge [sflag:s29], $0x1  }
0xb5: {  	[sflag:s29] =	ssyncadd.s32 $0xFFFFFFFF  }
0xb6: {  	_ =	strace $0x90000048  }
0xb7: {  	_ =	sfence  }
0xb8: {  	s30 =	sld [smem:$0x0];
	_ =	sdelay $0x2  }
0xb9: {  	s31 =	sshll.u32 s1, $0xD;
	s1 =	sshrl.u32 s1, $0x2  }
0xba: {  	s3 =	sand.u32 $0x4000, s31;
	s1 =	sadd.s32 s1, s30  }
0xbb: {  	s0 =	sor.u32 s3, s0;
	s1 =	sshll.u32 s1, $0x11  }
0xbc: {  	s0 =	sor.u32 s1, s0  }
0xbd: {  	s0 =	sadd.s32 $0x8F2B, s0  }
0xbe: {  	[sflag:s0] =	ssyncadd.remote.s32 $0x1  }
0xbf: {  	_ =	sfence.sel $0xFFFF  }
0xc0: {  	[dreg:$0x0] =	wrdreg $0xFFFFFFFF;
	(pc) =	sbr.abs _section_cstart, $3  }
0xc1: {  	[dreg:$0x1] =	wrdreg $0xFFFFFFFF  }
0xc2: {  	_ =	task.clear_ibuf [dreg:s7], $0x2FFFF;
	_ =	strace $0x9FFFFFFF  }
0xc3: {  	(tm) =	ssettm $0x7FFFFFFF  }
tec
execute0_lowered:
.L_overlay_start_1:
0x0: {  	(tag) =	ssettag $0x1  }
0x1: {  	s0 =	rddreg [dreg:$0x0]  }
0x2: {  	s1 =	srdreg.scid;
	s5 =	rddreg [dreg:$0x1]  }
0x3: {  	s10 =	stileid.u32;
	s2 =	rddreg [dreg:$0x2]  }
0x4: {  	s3 =	simm.s32 $0x0;
	s18 =	simm.s32 $0x4F00;
	s20 =	simm.s32 $0x4F80  }
0x5: {  	s22 =	simm.s32 $0x5B00;
	s24 =	simm.s32 $0x5000;
	[smem:$0x7FF] =	sst s3  }
0x6: {  	s1 =	sand.u32 $0x1, s1;
	_ =	strace $0x80000047;
	[dreg:$0x4] =	wrdreg s18  }
0x7: {  	s6 =	sshll.u32 s10, $0x1;
	s7 =	smul.u32 $0x14000, s10;
	[dreg:$0x5] =	wrdreg s20  }
0x8: {  	s11 =	sshrl.u32 s10, $0x2;
	s10 =	smul.u32 $0x50000, s10;
	[dreg:$0x6] =	wrdreg s22  }
0x9: {  	s26 =	simm.s32 $0x6300;
	s4 =	smul.u32 $0x140000, s1;
	[dreg:$0x7] =	wrdreg s24  }
0xa: {  	s6 =	sor.u32 s1, s6;
	s1 =	ssub.s32 $0x2, s1;
	[dreg:$0x8] =	wrdreg s26  }
0xb: {  	s8 =	smul.u32 $0x4F0, s6;
	s6 =	sshll.u32 s6, $0x7;
	s9 =	sshrl.u32 s1, $0x1  }
0xc: {  	s14 =	sshrl.u32 s10, $0x2;
	s7 =	sadd.s32 s7, s4;
	s4 =	sadd.s32 $0x18000, s0  }
0xd: {  	s6 =	sand.u32 $0x380, s6;
	s1 =	ssub.s32 s1, s9;
	s9 =	simm.s32 $0x6B00  }
0xe: {  	s8 =	sadd.s32 s8, s0;
	s16 =	smax.u32 s1, $0x1;
	[dreg:$0xa] =	wrdreg s9  }
0xf: {  	s7 =	sshrl.u32 s7, $0x3;
	s12 =	sadd.s32 $0x4400, s8;
	[dreg:$0x16] =	wrdreg s16  }
0x10: {  	s0 =	sadd.s32 s7, s0;
	s13 =	sadd.s32 $0xE200, s8;
	[dreg:$0x12] =	wrdreg s12  }
0x11: {  	s7 =	smul.u32 $0x14000, s11;
	s11 =	simm.s32 $0x5100;
	[dreg:$0x13] =	wrdreg s13  }
0x12: {  	s0 =	sadd.s32 $0x40000, s0;
	[dreg:$0xb] =	wrdreg s11;
	s13 =	simm.s32 $0x7300  }
0x13: {  	s6 =	sor.u32 s7, s6;
	s7 =	sadd.s32 s14, s2;
	[dreg:$0x14] =	wrdreg s0  }
0x14: {  	[dreg:$0xc] =	wrdreg s13;
	s17 =	sadd.s32 $0x800, s7  }
0x15: {  	s19 =	sadd.s32 $0x1000, s7;
	[dreg:$0x17] =	wrdreg s17  }
0x16: {  	s21 =	sadd.s32 $0x1800, s7;
	[dreg:$0x18] =	wrdreg s19  }
0x17: {  	s23 =	sadd.s32 $0x2000, s7;
	[dreg:$0x19] =	wrdreg s21  }
0x18: {  	s25 =	sadd.s32 $0x2800, s7;
	[dreg:$0x1a] =	wrdreg s23  }
0x19: {  	s8 =	sadd.s32 $0x3800, s7;
	[dreg:$0x1b] =	wrdreg s25  }
0x1a: {  	s10 =	sadd.s32 $0x4000, s7;
	[dreg:$0x1d] =	wrdreg s8  }
0x1b: {  	s12 =	sadd.s32 $0x4800, s7;
	[dreg:$0x1e] =	wrdreg s10  }
0x1c: {  	s14 =	sadd.s32 $0x5000, s7;
	[dreg:$0x1f] =	wrdreg s12  }
0x1d: {  	s16 =	sadd.s32 $0x5800, s7;
	[smem:$0x7E0] =	sst s14  }
0x1e: {  	s18 =	sadd.s32 $0x6000, s7;
	[smem:$0x7E1] =	sst s16  }
0x1f: {  	s20 =	sadd.s32 $0x6800, s7;
	[smem:$0x7E2] =	sst s18  }
0x20: {  	s22 =	sadd.s32 $0x7000, s7;
	[smem:$0x7E3] =	sst s20  }
0x21: {  	s24 =	sadd.s32 $0x7800, s7;
	[smem:$0x7E4] =	sst s22  }
0x22: {  	s26 =	sadd.s32 $0x8800, s7;
	[smem:$0x7E5] =	sst s24  }
0x23: {  	s1 =	sadd.s32 $0x9000, s7;
	[smem:$0x7E7] =	sst s26  }
0x24: {  	s9 =	sadd.s32 $0xB000, s7;
	[smem:$0x7E8] =	sst s1  }
0x25: {  	s11 =	sadd.s32 $0xC000, s7;
	[smem:$0x7EC] =	sst s9  }
0x26: {  	s6 =	sshrl.u32 s6, $0x3;
	s13 =	sadd.s32 $0xD000, s7;
	[smem:$0x7EE] =	sst s11  }
0x27: {  	s15 =	sadd.s32 s5, s6;
	[smem:$0x7F0] =	sst s13  }
0x28: {  	s5 =	sadd.s32 $0x3000, s7;
	[dreg:$0x15] =	wrdreg s15  }
0x29: {  	s6 =	simm.s32 $0x5080;
	[dreg:$0x1c] =	wrdreg s5  }
0x2a: {  	s17 =	simm.s32 $0x7B00;
	[dreg:$0x9] =	wrdreg s6  }
0x2b: {  	s19 =	simm.s32 $0x5200;
	[dreg:$0xe] =	wrdreg s17  }
0x2c: {  	s21 =	simm.s32 $0x8300;
	[dreg:$0xf] =	wrdreg s19  }
0x2d: {  	s23 =	simm.s32 $0x5280;
	[dreg:$0x10] =	wrdreg s21  }
0x2e: {  	s25 =	sadd.s32 $0x8000, s7;
	[dreg:$0x11] =	wrdreg s23  }
0x2f: {  	s8 =	sadd.s32 $0xA800, s7;
	[smem:$0x7E6] =	sst s25  }
0x30: {  	s10 =	sadd.s32 $0xB800, s7;
	[smem:$0x7EB] =	sst s8  }
0x31: {  	s28 =	simm.s32 $0x8B00;
	s12 =	sadd.s32 $0xC800, s7;
	[smem:$0x7ED] =	sst s10  }
0x32: {  	s29 =	simm.s32 $0x9300;
	s14 =	sadd.s32 $0xD800, s7;
	[smem:$0x7EF] =	sst s12  }
0x33: {  	s30 =	simm.s32 $0x2;
	s16 =	sadd.s32 $0xE800, s7;
	[smem:$0x7F1] =	sst s14  }
0x34: {  	s31 =	simm.s32 $0x3;
	s18 =	sadd.s32 $0xF800, s7;
	[smem:$0x7F3] =	sst s16  }
0x35: {  	s0 =	simm.s32 $0x5;
	s20 =	sadd.s32 $0x10800, s7;
	[smem:$0x7F5] =	sst s18  }
0x36: {  	s22 =	sadd.s32 $0x11800, s7;
	s24 =	sadd.s32 $0x12800, s7;
	[smem:$0x7F7] =	sst s20  }
0x37: {  	s26 =	sadd.s32 $0x13800, s7;
	s1 =	simm.s32 $0x4;
	[smem:$0x7F9] =	sst s22  }
0x38: {  	s9 =	simm.s32 $0x9;
	s11 =	simm.s32 $0xB;
	[smem:$0x7FB] =	sst s24  }
0x39: {  	s13 =	simm.s32 $0xD;
	s15 =	simm.s32 $0x5180;
	[smem:$0x7FD] =	sst s26  }
0x3a: {  	s5 =	sadd.s32 $0x9800, s7;
	s6 =	sadd.s32 $0xA000, s7;
	[dreg:$0xd] =	wrdreg s15  }
0x3b: {  	s17 =	sadd.s32 $0xF000, s7;
	s19 =	sadd.s32 $0x10000, s7;
	[smem:$0x7E9] =	sst s5  }
0x3c: {  	s21 =	sadd.s32 $0x11000, s7;
	s23 =	sadd.s32 $0x12000, s7;
	[smem:$0x7EA] =	sst s6  }
0x3d: {  	s25 =	sadd.s32 $0x13000, s7;
	s24 =	simm.s32 $0x1;
	[smem:$0x7F4] =	sst s17  }
0x3e: {  	s26 =	simm.s32 $0x10;
	s8 =	simm.s32 $0x8;
	[smem:$0x7F6] =	sst s19  }
0x3f: {  	s10 =	simm.s32 $0xA;
	s12 =	simm.s32 $0xC;
	[smem:$0x7F8] =	sst s21  }
0x40: {  	s14 =	simm.s32 $0xE;
	s16 =	simm.s32 $0x12;
	[smem:$0x7FA] =	sst s23  }
0x41: {  	s15 =	sadd.s32 $0xE000, s7;
	[smem:$0x7FC] =	sst s25;
	s23 =	simm.s32 $0x5300  }
0x42: {  	s25 =	simm.s32 $0x11;
	s5 =	simm.s32 $0x6;
	s6 =	simm.s32 $0x7  }
0x43: {  	v0 =	vimm.f32 $0.0e+00;
	v1 =	vimm.f32 $1.000000000e+00;
	s17 =	simm.s32 $0x0;
	[smem:$0x7F2] =	sst s15;
	s15 =	simm.s32 $0xF  }
.LBB2_1:
0x44: {  	s18 =	rddreg [dreg:$0x12]  }
0x45: {  	[tilespmem:s3], [sflag:$0x11] =	stream.linear.gather [hbm4b:s18+s3], $0x2780, $0x38;
	[tilespmem:$0x1FB00] =	vst v63  }
0x46: {  	s20 =	rddreg [dreg:$0x13];
	s19 =	simm.s32 $0x2780;
	s21 =	sand.u32 $0x1E00, s3  }
0x47: {  	[tilespmem:s19], [sflag:$0x11] =	stream.linear.gather [hbm4b:s20+s3], $0x2780, $0x38;
	[tilespmem:$0x1FB00] =	vst v63  }
0x48: {  	s22 =	sand.u32 $0x70, s3;
	s20 =	sshrl.u32 s21, $0x2  }
0x49: {  	s18 =	simm.s32 $0x40;
	s19 =	simm.s32 $0x0;
	s20 =	sor.u32 s22, s20  }
.LBB2_2:
0x4a: {  	p0 =	sne.s32 s18, $0x1FC0  }
0x4b: {  	[tilespmem:s20+$0x5300] =	vst v0;
	s19 =	sadd.s32 $0x10, s19;
	s20 =	smov.u32 s18;
	s18 =	sadd.s32 $0x40, s18  }
.Ltmp0:
0x4c: {  	(pc) =	sbr.rel @p0 .LBB2_2-.Ltmp0, $4  }
0x4d: {  	_ = 	snop  }
0x4e: {  	s20 =	sand.u32 $0x1E00, s20  }
0x4f: {  	s21 =	sand.u32 $0x70, s19;
	s20 =	sshrl.u32 s20, $0x2  }
0x50: {  	s20 =	sor.u32 s21, s20  }
0x51: {  	[tilespmem:s20+$0x5300] =	vst v0;
	s18 =	rddreg [dreg:$0x17]  }
0x52: {  	[spmem:s7] =	stream.linear.scatter [tilespmem:s23], [sflag:$0x1], $0x800, $0x38;
	[tilespmem:$0x1FB00] =	vst v63  }
0x53: {  	s21 =	rddreg [dreg:$0x18]  }
0x54: {  	[spmem:s18] =	stream.linear.scatter [tilespmem:s23], [sflag:$0x1], $0x800, $0x38;
	[tilespmem:$0x1FB00] =	vst v63  }
0x55: {  	s22 =	rddreg [dreg:$0x19]  }
0x56: {  	[spmem:s21] =	stream.linear.scatter [tilespmem:s23], [sflag:$0x1], $0x800, $0x38;
	[tilespmem:$0x1FB00] =	vst v63  }
0x57: {  	s19 =	rddreg [dreg:$0x1a]  }
0x58: {  	[spmem:s22] =	stream.linear.scatter [tilespmem:s23], [sflag:$0x1], $0x800, $0x38;
	[tilespmem:$0x1FB00] =	vst v63  }
0x59: {  	s20 =	rddreg [dreg:$0x1b]  }
0x5a: {  	[spmem:s19] =	stream.linear.scatter [tilespmem:s23], [sflag:$0x1], $0x800, $0x38;
	[tilespmem:$0x1FB00] =	vst v63  }
0x5b: {  	s21 =	rddreg [dreg:$0x1c]  }
0x5c: {  	[spmem:s20] =	stream.linear.scatter [tilespmem:s23], [sflag:$0x1], $0x800, $0x38;
	[tilespmem:$0x1FB00] =	vst v63  }
0x5d: {  	s22 =	rddreg [dreg:$0x1d]  }
0x5e: {  	[spmem:s21] =	stream.linear.scatter [tilespmem:s23], [sflag:$0x1], $0x800, $0x38;
	[tilespmem:$0x1FB00] =	vst v63  }
0x5f: {  	s19 =	rddreg [dreg:$0x1e]  }
0x60: {  	[spmem:s22] =	stream.linear.scatter [tilespmem:s23], [sflag:$0x1], $0x800, $0x38;
	[tilespmem:$0x1FB00] =	vst v63  }
0x61: {  	s20 =	rddreg [dreg:$0x1f]  }
0x62: {  	[spmem:s19] =	stream.linear.scatter [tilespmem:s23], [sflag:$0x1], $0x800, $0x38;
	[tilespmem:$0x1FB00] =	vst v63  }
0x63: {  	s21 =	sld [smem:$0x7E0]  }
0x64: {  	[spmem:s20] =	stream.linear.scatter [tilespmem:s23], [sflag:$0x1], $0x800, $0x38;
	[tilespmem:$0x1FB00] =	vst v63  }
0x65: {  	s22 =	sld [smem:$0x7E1]  }
0x66: {  	[spmem:s21] =	stream.linear.scatter [tilespmem:s23], [sflag:$0x1], $0x800, $0x38;
	[tilespmem:$0x1FB00] =	vst v63  }
0x67: {  	s19 =	sld [smem:$0x7E2]  }
0x68: {  	[spmem:s22] =	stream.linear.scatter [tilespmem:s23], [sflag:$0x1], $0x800, $0x38;
	[tilespmem:$0x1FB00] =	vst v63  }
0x69: {  	s20 =	sld [smem:$0x7E3]  }
0x6a: {  	[spmem:s19] =	stream.linear.scatter [tilespmem:s23], [sflag:$0x1], $0x800, $0x38;
	[tilespmem:$0x1FB00] =	vst v63  }
0x6b: {  	s21 =	sld [smem:$0x7E4]  }
0x6c: {  	[spmem:s20] =	stream.linear.scatter [tilespmem:s23], [sflag:$0x1], $0x800, $0x38;
	[tilespmem:$0x1FB00] =	vst v63  }
0x6d: {  	s22 =	sld [smem:$0x7E5]  }
0x6e: {  	[spmem:s21] =	stream.linear.scatter [tilespmem:s23], [sflag:$0x1], $0x800, $0x38;
	[tilespmem:$0x1FB00] =	vst v63  }
0x6f: {  	s19 =	sld [smem:$0x7E6]  }
0x70: {  	[spmem:s22] =	stream.linear.scatter [tilespmem:s23], [sflag:$0x1], $0x800, $0x38;
	[tilespmem:$0x1FB00] =	vst v63  }
0x71: {  	s20 =	sld [smem:$0x7E7]  }
0x72: {  	[spmem:s19] =	stream.linear.scatter [tilespmem:s23], [sflag:$0x1], $0x800, $0x38;
	[tilespmem:$0x1FB00] =	vst v63  }
0x73: {  	s21 =	sld [smem:$0x7E8]  }
0x74: {  	[spmem:s20] =	stream.linear.scatter [tilespmem:s23], [sflag:$0x1], $0x800, $0x38;
	[tilespmem:$0x1FB00] =	vst v63  }
0x75: {  	s22 =	sld [smem:$0x7E9]  }
0x76: {  	[spmem:s21] =	stream.linear.scatter [tilespmem:s23], [sflag:$0x1], $0x800, $0x38;
	[tilespmem:$0x1FB00] =	vst v63  }
0x77: {  	s19 =	sld [smem:$0x7EA]  }
0x78: {  	[spmem:s22] =	stream.linear.scatter [tilespmem:s23], [sflag:$0x1], $0x800, $0x38;
	[tilespmem:$0x1FB00] =	vst v63  }
0x79: {  	s20 =	sld [smem:$0x7EB]  }
0x7a: {  	[spmem:s19] =	stream.linear.scatter [tilespmem:s23], [sflag:$0x1], $0x800, $0x38;
	[tilespmem:$0x1FB00] =	vst v63  }
0x7b: {  	s21 =	sld [smem:$0x7EC]  }
0x7c: {  	[spmem:s20] =	stream.linear.scatter [tilespmem:s23], [sflag:$0x1], $0x800, $0x38;
	[tilespmem:$0x1FB00] =	vst v63  }
0x7d: {  	s22 =	sld [smem:$0x7ED]  }
0x7e: {  	[spmem:s21] =	stream.linear.scatter [tilespmem:s23], [sflag:$0x1], $0x800, $0x38;
	[tilespmem:$0x1FB00] =	vst v63  }
0x7f: {  	s19 =	sld [smem:$0x7EE]  }
0x80: {  	[spmem:s22] =	stream.linear.scatter [tilespmem:s23], [sflag:$0x1], $0x800, $0x38;
	[tilespmem:$0x1FB00] =	vst v63  }
0x81: {  	s20 =	sld [smem:$0x7EF]  }
0x82: {  	[spmem:s19] =	stream.linear.scatter [tilespmem:s23], [sflag:$0x1], $0x800, $0x38;
	[tilespmem:$0x1FB00] =	vst v63  }
0x83: {  	s21 =	sld [smem:$0x7F0]  }
0x84: {  	[spmem:s20] =	stream.linear.scatter [tilespmem:s23], [sflag:$0x1], $0x800, $0x38;
	[tilespmem:$0x1FB00] =	vst v63  }
0x85: {  	s22 =	sld [smem:$0x7F1]  }
0x86: {  	[spmem:s21] =	stream.linear.scatter [tilespmem:s23], [sflag:$0x1], $0x800, $0x38;
	[tilespmem:$0x1FB00] =	vst v63  }
0x87: {  	s19 =	sld [smem:$0x7F2]  }
0x88: {  	[spmem:s22] =	stream.linear.scatter [tilespmem:s23], [sflag:$0x1], $0x800, $0x38;
	[tilespmem:$0x1FB00] =	vst v63  }
0x89: {  	s20 =	sld [smem:$0x7F3]  }
0x8a: {  	[spmem:s19] =	stream.linear.scatter [tilespmem:s23], [sflag:$0x1], $0x800, $0x38;
	[tilespmem:$0x1FB00] =	vst v63  }
0x8b: {  	s21 =	sld [smem:$0x7F4]  }
0x8c: {  	[spmem:s20] =	stream.linear.scatter [tilespmem:s23], [sflag:$0x1], $0x800, $0x38;
	[tilespmem:$0x1FB00] =	vst v63  }
0x8d: {  	s22 =	sld [smem:$0x7F5]  }
0x8e: {  	[spmem:s21] =	stream.linear.scatter [tilespmem:s23], [sflag:$0x1], $0x800, $0x38;
	[tilespmem:$0x1FB00] =	vst v63  }
0x8f: {  	s19 =	sld [smem:$0x7F6]  }
0x90: {  	[spmem:s22] =	stream.linear.scatter [tilespmem:s23], [sflag:$0x1], $0x800, $0x38;
	[tilespmem:$0x1FB00] =	vst v63  }
0x91: {  	s20 =	sld [smem:$0x7F7]  }
0x92: {  	[spmem:s19] =	stream.linear.scatter [tilespmem:s23], [sflag:$0x1], $0x800, $0x38;
	[tilespmem:$0x1FB00] =	vst v63  }
0x93: {  	s21 =	sld [smem:$0x7F8]  }
0x94: {  	[spmem:s20] =	stream.linear.scatter [tilespmem:s23], [sflag:$0x1], $0x800, $0x38;
	[tilespmem:$0x1FB00] =	vst v63  }
0x95: {  	s22 =	sld [smem:$0x7F9]  }
0x96: {  	[spmem:s21] =	stream.linear.scatter [tilespmem:s23], [sflag:$0x1], $0x800, $0x38;
	[tilespmem:$0x1FB00] =	vst v63  }
0x97: {  	s19 =	sld [smem:$0x7FA]  }
0x98: {  	[spmem:s22] =	stream.linear.scatter [tilespmem:s23], [sflag:$0x1], $0x800, $0x38;
	[tilespmem:$0x1FB00] =	vst v63  }
0x99: {  	s20 =	sld [smem:$0x7FB]  }
0x9a: {  	[spmem:s19] =	stream.linear.scatter [tilespmem:s23], [sflag:$0x1], $0x800, $0x38;
	[tilespmem:$0x1FB00] =	vst v63  }
0x9b: {  	s21 =	sld [smem:$0x7FC]  }
0x9c: {  	[spmem:s20] =	stream.linear.scatter [tilespmem:s23], [sflag:$0x1], $0x800, $0x38;
	[tilespmem:$0x1FB00] =	vst v63  }
0x9d: {  	s22 =	sld [smem:$0x7FD]  }
0x9e: {  	[spmem:s21] =	stream.linear.scatter [tilespmem:s23], [sflag:$0x1], $0x800, $0x38;
	[tilespmem:$0x1FB00] =	vst v63  }
0x9f: {  	s18 =	simm.s32 $0x0  }
0xa0: {  	[spmem:s22] =	stream.linear.scatter [tilespmem:s23], [sflag:$0x1], $0x800, $0x38;
	[tilespmem:$0x1FB00] =	vst v63  }
.LBB2_4:
0xa1: {  	p0 =	sne.s32 s18, $0x9FC0  }
.Ltmp1:
0xa2: {  	_ = 	snop;
	(pc) =	sbr.rel @p0 .LBB2_4-.Ltmp1, $3  }
0xa3: {  	_ =	sdelay $0x1  }
0xa4: {  	s19 =	sshra.s32 s18, $0x2  }
0xa5: {  	s18 =	sadd.s32 $0x40, s18;
	[tilespmem:s19+$0x9300] =	vst v0  }
0xa6: {  	_ =	swait.ge [sflag:s24], $0x800  }
0xa7: {  	s18 =	simm.s32 $0x27;
	[sflag:s24] =	ssyncset.done $0x0  }
.LBB2_6:
0xa8: {  	p0 =	sne.s32 s18, $0x1;
	s18 =	sadd.s32 $0xFFFFFFFF, s18;
	[sflag:s24] =	ssyncadd.s32 $0xFFFFF800  }
.Ltmp2:
0xa9: {  	(pc) =	sbr.rel @p0 .LBB2_6-.Ltmp2, $3  }
0xaa: {  	_ =	sdelay $0x1  }
0xab: {  	_ =	swait.ge [sflag:s24], $0x800  }
0xac: {  	[sflag:s24] =	ssyncset.done $0x0  }
0xad: {  	[sflag:s24] =	ssyncadd.s32 $0xFFFFF800  }
0xae: {  	_ =	swait.ge [sflag:s25], $0x2780  }
0xaf: {  	[sflag:s25] =	ssyncset.done $0x0  }
0xb0: {  	[sflag:s25] =	ssyncadd.s32 $0xFFFFD880  }
0xb1: {  	_ =	swait.ge [sflag:s25], $0x2780  }
0xb2: {  	[sflag:s25] =	ssyncset.done $0x0  }
0xb3: {  	[sflag:s25] =	ssyncadd.s32 $0xFFFFD880  }
0xb4: {  	s18 =	simm.s32 $0x0;
	[bflag:$0x0] =	sbarrier.arrive $0xFFFF  }
.LBB2_8:
0xb5: {  	p0 =	seq.s32 s18, $0x0  }
0xb6: {  	s19 =	simm.s32 @p0 $0x10;
	s20 =	simm.s32 @p0 $0x0;
	s21 =	simm.s32 @p0 $0x5300  }
0xb7: {  	[tilespmem:s21], [sflag:$0x1] =	stream.indirect.gather @p0 [hbm4b:s4+s19], $0x80, s20, s19, $0xb8;
	[tilespmem:$0x1FB00] =	vst v63  }
0xb8: {  	s20 =	simm.s32 @p0 $0x5B00  }
0xb9: {  	[tilespmem:s20], [sflag:$0x2] =	stream.indirect.gather @p0 [hbm4b:s4+s19], $0x80, s19, s19, $0xb8;
	[tilespmem:$0x1FB00] =	vst v63  }
0xba: {  	s21 =	simm.s32 @p0 $0x6300;
	s20 =	simm.s32 @p0 $0x20  }
0xbb: {  	[tilespmem:s21], [sflag:$0x3] =	stream.indirect.gather @p0 [hbm4b:s4+s19], $0x80, s20, s19, $0xb8;
	[tilespmem:$0x1FB00] =	vst v63  }
0xbc: {  	s20 =	simm.s32 @p0 $0x30;
	s21 =	simm.s32 @p0 $0x6B00  }
0xbd: {  	[tilespmem:s21], [sflag:$0x4] =	stream.indirect.gather @p0 [hbm4b:s4+s19], $0x80, s20, s19, $0xb8;
	[tilespmem:$0x1FB00] =	vst v63  }
0xbe: {  	s20 =	simm.s32 @p0 $0x40;
	s21 =	simm.s32 @p0 $0x7300  }
0xbf: {  	[tilespmem:s21], [sflag:$0x5] =	stream.indirect.gather @p0 [hbm4b:s4+s19], $0x80, s20, s19, $0xb8;
	[tilespmem:$0x1FB00] =	vst v63  }
0xc0: {  	s20 =	simm.s32 @p0 $0x50;
	s21 =	simm.s32 @p0 $0x7B00  }
0xc1: {  	[tilespmem:s21], [sflag:$0x6] =	stream.indirect.gather @p0 [hbm4b:s4+s19], $0x80, s20, s19, $0xb8;
	[tilespmem:$0x1FB00] =	vst v63  }
0xc2: {  	s20 =	simm.s32 @p0 $0x60;
	s21 =	simm.s32 @p0 $0x8300  }
0xc3: {  	[tilespmem:s21], [sflag:$0x7] =	stream.indirect.gather @p0 [hbm4b:s4+s19], $0x80, s20, s19, $0xb8;
	[tilespmem:$0x1FB00] =	vst v63  }
0xc4: {  	s19 =	simm.s32 @!p0 $0x9  }
0xc5: {  	_ =	swait.ge @!p0 [sflag:s19], $0x800  }
0xc6: {  	s20 =	simm.s32 @!p0 $0x10;
	[sflag:s19] =	ssyncset.done @!p0 $0x0  }
0xc7: {  	s21 =	simm.s32 @!p0 $0x5300;
	[sflag:s19] =	ssyncadd.s32 @!p0 $0xFFFFF800;
	s19 =	sshra.s32 @!p0 s18, $0x2  }
0xc8: {  	[tilespmem:s21], [sflag:$0x1] =	stream.indirect.gather @!p0 [hbm4b:s4+s20], $0x80, s19, s20, $0xb8;
	[tilespmem:$0x1FB00] =	vst v63  }
0xc9: {  	s21 =	simm.s32 @!p0 $0xA  }
0xca: {  	_ =	swait.ge @!p0 [sflag:s21], $0x800  }
0xcb: {  	[sflag:s21] =	ssyncset.done @!p0 $0x0  }
0xcc: {  	s22 =	simm.s32 @!p0 $0x5B00;
	[sflag:s21] =	ssyncadd.s32 @!p0 $0xFFFFF800;
	s21 =	sadd.s32 @!p0 $0x10, s19  }
0xcd: {  	[tilespmem:s22], [sflag:$0x2] =	stream.indirect.gather @!p0 [hbm4b:s4+s20], $0x80, s21, s20, $0xb8;
	[tilespmem:$0x1FB00] =	vst v63  }
0xce: {  	s21 =	simm.s32 @!p0 $0xB  }
0xcf: {  	_ =	swait.ge @!p0 [sflag:s21], $0x800  }
0xd0: {  	[sflag:s21] =	ssyncset.done @!p0 $0x0  }
0xd1: {  	s22 =	simm.s32 @!p0 $0x6300;
	[sflag:s21] =	ssyncadd.s32 @!p0 $0xFFFFF800;
	s21 =	sadd.s32 @!p0 $0x20, s19  }
0xd2: {  	[tilespmem:s22], [sflag:$0x3] =	stream.indirect.gather @!p0 [hbm4b:s4+s20], $0x80, s21, s20, $0xb8;
	[tilespmem:$0x1FB00] =	vst v63  }
0xd3: {  	s21 =	simm.s32 @!p0 $0xC  }
0xd4: {  	_ =	swait.ge @!p0 [sflag:s21], $0x800  }
0xd5: {  	[sflag:s21] =	ssyncset.done @!p0 $0x0  }
0xd6: {  	s22 =	simm.s32 @!p0 $0x6B00;
	[sflag:s21] =	ssyncadd.s32 @!p0 $0xFFFFF800;
	s21 =	sadd.s32 @!p0 $0x30, s19  }
0xd7: {  	[tilespmem:s22], [sflag:$0x4] =	stream.indirect.gather @!p0 [hbm4b:s4+s20], $0x80, s21, s20, $0xb8;
	[tilespmem:$0x1FB00] =	vst v63  }
0xd8: {  	s21 =	simm.s32 @!p0 $0xD  }
0xd9: {  	_ =	swait.ge @!p0 [sflag:s21], $0x800  }
0xda: {  	[sflag:s21] =	ssyncset.done @!p0 $0x0  }
0xdb: {  	s22 =	simm.s32 @!p0 $0x7300;
	[sflag:s21] =	ssyncadd.s32 @!p0 $0xFFFFF800;
	s21 =	sadd.s32 @!p0 $0x40, s19  }
0xdc: {  	[tilespmem:s22], [sflag:$0x5] =	stream.indirect.gather @!p0 [hbm4b:s4+s20], $0x80, s21, s20, $0xb8;
	[tilespmem:$0x1FB00] =	vst v63  }
0xdd: {  	s21 =	simm.s32 @!p0 $0xE  }
0xde: {  	_ =	swait.ge @!p0 [sflag:s21], $0x800  }
0xdf: {  	[sflag:s21] =	ssyncset.done @!p0 $0x0  }
0xe0: {  	s22 =	simm.s32 @!p0 $0x7B00;
	[sflag:s21] =	ssyncadd.s32 @!p0 $0xFFFFF800;
	s21 =	sadd.s32 @!p0 $0x50, s19  }
0xe1: {  	[tilespmem:s22], [sflag:$0x6] =	stream.indirect.gather @!p0 [hbm4b:s4+s20], $0x80, s21, s20, $0xb8;
	[tilespmem:$0x1FB00] =	vst v63  }
0xe2: {  	s21 =	simm.s32 @!p0 $0xF  }
0xe3: {  	_ =	swait.ge @!p0 [sflag:s21], $0x800  }
0xe4: {  	[sflag:s21] =	ssyncset.done @!p0 $0x0  }
0xe5: {  	s22 =	simm.s32 @!p0 $0x8300;
	[sflag:s21] =	ssyncadd.s32 @!p0 $0xFFFFF800;
	s21 =	sadd.s32 @!p0 $0x60, s19  }
0xe6: {  	[tilespmem:s22], [sflag:$0x7] =	stream.indirect.gather @!p0 [hbm4b:s4+s20], $0x80, s21, s20, $0xb8;
	[tilespmem:$0x1FB00] =	vst v63  }
0xe7: {  	_ =	swait.ge @!p0 [sflag:s20], $0x800  }
0xe8: {  	s19 =	simm.s32 @p0 $0x0;
	[sflag:s20] =	ssyncset.done @!p0 $0x0  }
0xe9: {  	s19 =	sadd.s32 $0x70, s19;
	[sflag:s20] =	ssyncadd.s32 @!p0 $0xFFFFF800  }
0xea: {  	[tilespmem:s28], [sflag:$0x8] =	stream.indirect.gather [hbm4b:s4+s26], $0x80, s19, s26, $0xb8;
	[tilespmem:$0x1FB00] =	vst v63  }
0xeb: {  	s19 =	smov.u32 s18;
	_ =	swait.ge [sflag:s24], $0x800  }
0xec: {  	s19 =	simm.s32 @p0 $0x0;
	[sflag:s24] =	ssyncset.done $0x0  }
0xed: {  	s19 =	sshra.s32 s19, $0x2;
	[sflag:s24] =	ssyncadd.s32 $0xFFFFF800  }
0xee: {  	v2 =	vld [tilespmem:s19+$0x2780];
	_ =	sdelay $0x4  }
0xef: {  	s22 =	rddreg [dreg:$0x4];
	[tilespmem:$0x4F00] =	vst v2  }
0xf0: {  	[spmem:s2] =	stream.indirect.scatter.add.f32 [tilespmem:s23], [sflag:$0x9], $0x80, s22, s26, $0xb8;
	[tilespmem:$0x1FB00] =	vst v63  }
0xf1: {  	v2 =	vld [tilespmem:s19+$0x2780];
	_ =	sdelay $0x7  }
0xf2: {  	[tilespmem:v2+s29+$0x0] =	vst.idx.add.f32.msk $0xffff, v1  }
0xf3: {  	_ =	swait.ge [sflag:s30], $0x800  }
0xf4: {  	[sflag:s30] =	ssyncset.done $0x0  }
0xf5: {  	[sflag:s30] =	ssyncadd.s32 $0xFFFFF800  }
0xf6: {  	v2 =	vld [tilespmem:s19+$0x2790];
	_ =	sdelay $0x3  }
0xf7: {  	s21 =	rddreg [dreg:$0x5]  }
0xf8: {  	s22 =	rddreg [dreg:$0x6];
	[tilespmem:$0x4F80] =	vst v2  }
0xf9: {  	[spmem:s2] =	stream.indirect.scatter.add.f32 [tilespmem:s22], [sflag:$0xA], $0x80, s21, s26, $0xb8;
	[tilespmem:$0x1FB00] =	vst v63  }
0xfa: {  	v2 =	vld [tilespmem:s19+$0x2790];
	_ =	sdelay $0x7  }
0xfb: {  	[tilespmem:v2+s29+$0x0] =	vst.idx.add.f32.msk $0xffff, v1  }
0xfc: {  	_ =	swait.ge [sflag:s31], $0x800  }
0xfd: {  	[sflag:s31] =	ssyncset.done $0x0  }
0xfe: {  	[sflag:s31] =	ssyncadd.s32 $0xFFFFF800  }
0xff: {  	v2 =	vld [tilespmem:s19+$0x27A0];
	_ =	sdelay $0x3  }
0x100: {  	s21 =	rddreg [dreg:$0x7]  }
0x101: {  	s22 =	rddreg [dreg:$0x8];
	[tilespmem:$0x5000] =	vst v2  }
0x102: {  	[spmem:s2] =	stream.indirect.scatter.add.f32 [tilespmem:s22], [sflag:$0xB], $0x80, s21, s26, $0xb8;
	[tilespmem:$0x1FB00] =	vst v63  }
0x103: {  	v2 =	vld [tilespmem:s19+$0x27A0];
	_ =	sdelay $0x7  }
0x104: {  	[tilespmem:v2+s29+$0x0] =	vst.idx.add.f32.msk $0xffff, v1  }
0x105: {  	_ =	swait.ge [sflag:s1], $0x800  }
0x106: {  	[sflag:s1] =	ssyncset.done $0x0  }
0x107: {  	[sflag:s1] =	ssyncadd.s32 $0xFFFFF800  }
0x108: {  	v2 =	vld [tilespmem:s19+$0x27B0];
	_ =	sdelay $0x3  }
0x109: {  	s21 =	rddreg [dreg:$0x9]  }
0x10a: {  	s22 =	rddreg [dreg:$0xa];
	[tilespmem:$0x5080] =	vst v2  }
0x10b: {  	[spmem:s2] =	stream.indirect.scatter.add.f32 [tilespmem:s22], [sflag:$0xC], $0x80, s21, s26, $0xb8;
	[tilespmem:$0x1FB00] =	vst v63  }
0x10c: {  	v2 =	vld [tilespmem:s19+$0x27B0];
	_ =	sdelay $0x7  }
0x10d: {  	[tilespmem:v2+s29+$0x0] =	vst.idx.add.f32.msk $0xffff, v1  }
0x10e: {  	_ =	swait.ge [sflag:s0], $0x800  }
0x10f: {  	[sflag:s0] =	ssyncset.done $0x0  }
0x110: {  	[sflag:s0] =	ssyncadd.s32 $0xFFFFF800  }
0x111: {  	v2 =	vld [tilespmem:s19+$0x27C0];
	_ =	sdelay $0x3  }
0x112: {  	s21 =	rddreg [dreg:$0xb]  }
0x113: {  	s22 =	rddreg [dreg:$0xc];
	[tilespmem:$0x5100] =	vst v2  }
0x114: {  	[spmem:s2] =	stream.indirect.scatter.add.f32 [tilespmem:s22], [sflag:$0xD], $0x80, s21, s26, $0xb8;
	[tilespmem:$0x1FB00] =	vst v63  }
0x115: {  	v2 =	vld [tilespmem:s19+$0x27C0];
	_ =	sdelay $0x7  }
0x116: {  	[tilespmem:v2+s29+$0x0] =	vst.idx.add.f32.msk $0xffff, v1  }
0x117: {  	_ =	swait.ge [sflag:s5], $0x800  }
0x118: {  	[sflag:s5] =	ssyncset.done $0x0  }
0x119: {  	[sflag:s5] =	ssyncadd.s32 $0xFFFFF800  }
0x11a: {  	v2 =	vld [tilespmem:s19+$0x27D0];
	_ =	sdelay $0x3  }
0x11b: {  	s21 =	rddreg [dreg:$0xd]  }
0x11c: {  	s22 =	rddreg [dreg:$0xe];
	[tilespmem:$0x5180] =	vst v2  }
0x11d: {  	[spmem:s2] =	stream.indirect.scatter.add.f32 [tilespmem:s22], [sflag:$0xE], $0x80, s21, s26, $0xb8;
	[tilespmem:$0x1FB00] =	vst v63  }
0x11e: {  	v2 =	vld [tilespmem:s19+$0x27D0];
	_ =	sdelay $0x7  }
0x11f: {  	[tilespmem:v2+s29+$0x0] =	vst.idx.add.f32.msk $0xffff, v1  }
0x120: {  	_ =	swait.ge [sflag:s6], $0x800  }
0x121: {  	[sflag:s6] =	ssyncset.done $0x0  }
0x122: {  	[sflag:s6] =	ssyncadd.s32 $0xFFFFF800  }
0x123: {  	v2 =	vld [tilespmem:s19+$0x27E0];
	_ =	sdelay $0x3  }
0x124: {  	s21 =	rddreg [dreg:$0xf]  }
0x125: {  	s22 =	rddreg [dreg:$0x10];
	[tilespmem:$0x5200] =	vst v2  }
0x126: {  	[spmem:s2] =	stream.indirect.scatter.add.f32 [tilespmem:s22], [sflag:$0xF], $0x80, s21, s26, $0xb8;
	[tilespmem:$0x1FB00] =	vst v63  }
0x127: {  	v2 =	vld [tilespmem:s19+$0x27E0];
	_ =	sdelay $0x7  }
0x128: {  	[tilespmem:v2+s29+$0x0] =	vst.idx.add.f32.msk $0xffff, v1  }
0x129: {  	_ =	swait.ge [sflag:s8], $0x800  }
0x12a: {  	[sflag:s8] =	ssyncset.done $0x0  }
0x12b: {  	[sflag:s8] =	ssyncadd.s32 $0xFFFFF800  }
0x12c: {  	v2 =	vld [tilespmem:s19+$0x27F0];
	_ =	sdelay $0x4  }
0x12d: {  	s22 =	rddreg [dreg:$0x11];
	[tilespmem:$0x5280] =	vst v2  }
0x12e: {  	[spmem:s2] =	stream.indirect.scatter.add.f32 [tilespmem:s28], [sflag:$0x10], $0x80, s22, s26, $0xb8;
	[tilespmem:$0x1FB00] =	vst v63  }
0x12f: {  	v2 =	vld [tilespmem:s19+$0x27F0];
	_ =	sdelay $0x1  }
0x130: {  	s18 =	sadd.s32 $0x200, s18  }
0x131: {  	p0 =	sne.s32 s18, $0x9E00  }
.Ltmp3:
0x132: {  	_ = 	snop;
	(pc) =	sbr.rel @p0 .LBB2_8-.Ltmp3, $2  }
0x133: {  	_ =	sdelay $0x2  }
0x134: {  	[tilespmem:v2+s29+$0x0] =	vst.idx.add.f32.msk $0xffff, v1  }
0x135: {  	_ =	swait.ge [sflag:s9], $0x800  }
0x136: {  	[sflag:s9] =	ssyncset.done $0x0  }
0x137: {  	[sflag:s9] =	ssyncadd.s32 $0xFFFFF800  }
0x138: {  	_ =	swait.ge [sflag:s10], $0x800  }
0x139: {  	[sflag:s10] =	ssyncset.done $0x0  }
0x13a: {  	[sflag:s10] =	ssyncadd.s32 $0xFFFFF800  }
0x13b: {  	_ =	swait.ge [sflag:s11], $0x800  }
0x13c: {  	[sflag:s11] =	ssyncset.done $0x0  }
0x13d: {  	[sflag:s11] =	ssyncadd.s32 $0xFFFFF800  }
0x13e: {  	_ =	swait.ge [sflag:s12], $0x800  }
0x13f: {  	[sflag:s12] =	ssyncset.done $0x0  }
0x140: {  	[sflag:s12] =	ssyncadd.s32 $0xFFFFF800  }
0x141: {  	_ =	swait.ge [sflag:s13], $0x800  }
0x142: {  	[sflag:s13] =	ssyncset.done $0x0  }
0x143: {  	[sflag:s13] =	ssyncadd.s32 $0xFFFFF800  }
0x144: {  	_ =	swait.ge [sflag:s14], $0x800  }
0x145: {  	[sflag:s14] =	ssyncset.done $0x0  }
0x146: {  	[sflag:s14] =	ssyncadd.s32 $0xFFFFF800  }
0x147: {  	_ =	swait.ge [sflag:s15], $0x800  }
0x148: {  	[sflag:s15] =	ssyncset.done $0x0  }
0x149: {  	[sflag:s15] =	ssyncadd.s32 $0xFFFFF800  }
0x14a: {  	_ =	swait.ge [sflag:s26], $0x800  }
0x14b: {  	[sflag:s26] =	ssyncset.done $0x0  }
0x14c: {  	s18 =	stileid.u32;
	[sflag:s26] =	ssyncadd.s32 $0xFFFFF800  }
0x14d: {  	s18 =	sshll.u32 s18, $0x6;
	[bflag:$0x0] =	sbarrier.arrive $0xFFFF  }
0x14e: {  	s19 =	sshrl.u32 s7, $0x3;
	s18 =	sor.u32 $0x1C12, s18;
	s20 =	rddreg [dreg:$0x14]  }
0x14f: {  	[hbm:s20], [sflag:s18] =	dma.local [spmem:s19], $0x2800  }
0x150: {  	_ =	swait.ge [sflag:s16], $0x2800  }
0x151: {  	s21 =	simm.s32 $0x400;
	[sflag:s16] =	ssyncset.done $0x0  }
0x152: {  	s20 =	simm.s32 $0x80;
	s19 =	rddreg [dreg:$0x15];
	[sflag:s16] =	ssyncadd.s32 $0xFFFFD800  }
0x153: {  	[hbm4b:s19+s20] =	stream.strided.scatter [tilespmem:s29], [sflag:$0x12], $0x2800, s21, s20, $0x38;
	[tilespmem:$0x1FB00] =	vst v63  }
0x154: {  	_ =	swait.ge [sflag:s16], $0x2800  }
0x155: {  	s17 =	sadd.s32 $0x1, s17;
	s22 =	rddreg [dreg:$0x16]  }
0x156: {  	p0 =	sne.s32 s17, s22  }
.Ltmp4:
0x157: {  	_ = 	snop;
	(pc) =	sbr.rel @p0 .LBB2_1-.Ltmp4, $3  }
0x158: {  	_ =	sdelay $0x1  }
0x159: {  	[sflag:s16] =	ssyncset.done $0x0  }
0x15a: {  	[sflag:s16] =	ssyncadd.s32 $0xFFFFD800  }
0x15b: {  	_ =	sfence.sel $0x180000  }
0x15c: {  	[bflag:$0x0] =	sbarrier.arrive $0xFFFF  }
0x15d: {  	_ =	strace $0x90000047  }
0x15e: {  	s0 =	stileid.u32;
	[bflag:$0x2] =	sbarrier.arrive $0xFFFF  }
0x15f: {  	p0 =	sne.s32 s0, $0x0;
	s0 =	rddreg [dreg:$0x3]  }
0x160: {  	s0 =	sadd.s32 @!p0 $0x100000, s0  }
0x161: {  	[sflag:s0] =	ssyncadd.tile.s32 @!p0 $0x1;
	_ =	shalt  }
.Lfunc_end2:
_tile_overlayer_lowered:
.L_overlay_start_2:
0x162: {  	(tag) =	ssettag $0x2  }
0x163: {  	s0 =	rddreg [dreg:$0x0];
	s2 =	stileid.u32  }
0x164: {  	s1 =	rddreg [dreg:$0x1];
	p0 =	sne.s32 s2, $0x0  }
0x165: {  	s3 =	rddreg [dreg:$0x2];
	[bflag:$0x3] =	sbarrier.arrive $0xFFFF;
	s2 =	simm.s32 @!p0 $0x1C12  }
0x166: {  	[timem:s3], [sflag:s2] =	dma.local @!p0 [hbm:s0], s1  }
0x167: {  	s0 =	simm.s32 @!p0 $0x12  }
0x168: {  	_ =	swait.ge @!p0 [sflag:s0], s1  }
0x169: {  	s1 =	ssub.s32 @!p0 $0x0, s1;
	[sflag:s0] =	ssyncset.done @!p0 $0x0  }
0x16a: {  	[sflag:s0] =	ssyncadd.s32 @!p0 s1  }
0x16b: {  	[bflag:$0x3] =	sbarrier.arrive $0xFFFF  }
0x16c: {  	_ =	shalt  }

</sc_bundles>
